<compile_context>
chip_gen: v7x
topology: tpu7x:2x2x1
jax: 0.10.2.dev20260603
libtpu: 0.0.44.dev20260713+nightly
codegen_flags: <defaults>
</compile_context>

<pallas_src>
import functools

import jax
import jax.numpy as jnp
from jax import lax
from jax.experimental import pallas as pl
from jax.experimental.pallas import tpu as pltpu
from jax.experimental.pallas import tpu_sc as plsc

N = 1024
D = 128
DB = 16
E = 131072
H = 64

NC = 2
NS = 16
NW = NC * NS
EPW = E // NW
CB = 128
NCHUNK = EPW // CB
NCK = E // CB

_mesh = plsc.VectorSubcoreMesh(core_axis_name="c", subcore_axis_name="s")
_sc_params = pltpu.CompilerParams(needs_layout_passes=False,
                                  use_tc_tiling_on_sc=False)


def _prep_body(feats_ref, w1_ref, b1_ref, a_ref, b_ref):
    f = feats_ref[...]
    a_ref[...] = (
        jnp.dot(f, w1_ref[:D, :], preferred_element_type=jnp.float32)
        + b1_ref[...]
    )
    b_ref[...] = jnp.dot(f, w1_ref[D:2 * D, :], preferred_element_type=jnp.float32)


_prep = pl.pallas_call(
    _prep_body,
    out_shape=[
        jax.ShapeDtypeStruct((N, H), jnp.float32),
        jax.ShapeDtypeStruct((N, H), jnp.float32),
    ],
)


@functools.partial(
    pl.kernel,
    out_type=jax.ShapeDtypeStruct((E // 8, 128), jnp.float32),
    mesh=_mesh,
    compiler_params=_sc_params,
    scratch_types=[
        pltpu.VMEM((NCHUNK, 2, CB), jnp.int32),
        pltpu.VMEM((DB, CB), jnp.int32),
        pltpu.VMEM((DB, CB), jnp.int32),
        pltpu.VMEM((DB, CB, DB), jnp.float32),
        pltpu.VMEM((DB, CB, DB), jnp.float32),
        pltpu.VMEM((CB // 8, 128), jnp.float32),
        pltpu.VMEM((CB // 8, 128), jnp.float32),
        pltpu.SemaphoreType.DMA,
        pltpu.SemaphoreType.DMA,
        pltpu.SemaphoreType.DMA,
        pltpu.SemaphoreType.DMA,
    ],
)
def _edge_gather(pv_hbm, bb_hbm, bbg_hbm,
                 prs_v, idx0, idx1, rows0, rows1, pk0, pk1,
                 sg0, sg1, sw0, sw1):
    w = lax.axis_index("s") * NC + lax.axis_index("c")
    iota = lax.iota(jnp.int32, 16)
    idxb = [idx0, idx1]
    rows = [rows0, rows1]
    pks = [pk0, pk1]
    sg = [sg0, sg1]
    sw = [sw0, sw1]

    pltpu.sync_copy(pv_hbm.at[pl.ds(w * NCHUNK, NCHUNK)], prs_v)

    def _build_idx(g, par):
        @pl.loop(0, CB // 16)
        def _grp(gg):
            p0v = prs_v[g, 0, pl.ds(gg * 16, 16)]
            p1v = prs_v[g, 1, pl.ds(gg * 16, 16)]
            basev = (p0v * 1024
                     + lax.shift_right_logical(p1v, 7) * 64
                     + (lax.shift_right_logical(p1v, 4) & 7))
            for k in range(DB):
                idxb[par][k, pl.ds(gg * 16, 16)] = (
                    basev + (k >> 3) * 512 + (k & 7) * 8)

    def _issue(g, par):
        for k in range(DB):
            pltpu.async_copy(bb_hbm.at[idxb[par].at[k]], rows[par].at[k],
                             sg[par])

    _build_idx(0, 0)
    _issue(0, 0)
    _build_idx(1, 1)
    _issue(1, 1)

    @pl.loop(0, NCHUNK // 2)
    def _chunk2(g2):
        for par in range(2):
            g = 2 * g2 + par
            base8 = w * (EPW // 8) + g * (CB // 8)
            for k in range(DB):
                pltpu.make_async_copy(bb_hbm.at[idxb[par].at[k]],
                                      rows[par].at[k], sg[par]).wait()
            @pl.when(g2 > 0)
            def _():
                pltpu.make_async_copy(pks[par],
                                      bbg_hbm.at[pl.ds(0, CB // 8)],
                                      sw[par]).wait()

            @pl.loop(0, CB // 16)
            def _grp(gg):
                p1vec = prs_v[g, 1, pl.ds(gg * 16, 16)]
                for k in range(16):
                    e = gg * 16 + k
                    col = p1vec[k] & 15
                    win = plsc.load_gather(
                        rows[par],
                        [iota, jnp.broadcast_to(e, (16,)),
                         jnp.broadcast_to(col, (16,))])
                    pks[par][2 * gg + k // 8, pl.ds((k % 8) * 16, 16)] = win

            pltpu.async_copy(pks[par], bbg_hbm.at[pl.ds(base8, CB // 8)],
                             sw[par])
            @pl.when(g2 < NCHUNK // 2 - 1)
            def _():
                _build_idx(g + 2, par)
                _issue(g + 2, par)

    for par in range(2):
        pltpu.make_async_copy(pks[par], bbg_hbm.at[pl.ds(0, CB // 8)],
                              sw[par]).wait()


def _bbcopy_body(src_ref, dep_ref, dst_ref, tok_ref):
    del dep_ref
    dst_ref[...] = src_ref[...]
    tok_ref[...] = jnp.zeros((8, 128), jnp.float32)


_bbcopy = pl.pallas_call(
    _bbcopy_body,
    grid=(16,),
    in_specs=[
        pl.BlockSpec((N * N * DB // 128 // 16, 128), lambda i: (i, 0)),
        pl.BlockSpec((8, 128), lambda i: (0, 0)),
    ],
    out_specs=[
        pl.BlockSpec((N * N * DB // 128 // 16, 128), lambda i: (i, 0)),
        pl.BlockSpec((8, 128), lambda i: (0, 0)),
    ],
    out_shape=[
        jax.ShapeDtypeStruct((N * N * DB // 128, 128), jnp.float32),
        jax.ShapeDtypeStruct((8, 128), jnp.float32),
    ],
)


def _bbmat_body(bbg_ref, w1c_ref, y0_ref, y1_ref, y2_ref, y3_ref):
    w1c = w1c_ref[...]
    z = jnp.zeros((DB, H), jnp.float32)
    blk = jnp.concatenate(
        [jnp.concatenate([w1c, z], axis=1),
         jnp.concatenate([z, w1c], axis=1)], axis=0)
    bbg = bbg_ref[...]
    for s, y_ref in enumerate([y0_ref, y1_ref, y2_ref, y3_ref]):
        y_ref[...] = jnp.dot(bbg[:, 32 * s:32 * s + 32], blk,
                             preferred_element_type=jnp.float32)


_GB = 16

_bbmat = pl.pallas_call(
    _bbmat_body,
    grid=(_GB,),
    in_specs=[
        pl.BlockSpec((E // 8 // _GB, 128), lambda i: (i, 0)),
        pl.BlockSpec((DB, H), lambda i: (0, 0)),
    ],
    out_specs=[pl.BlockSpec((E // 8 // _GB, 128), lambda i: (i, 0))] * 4,
    out_shape=[jax.ShapeDtypeStruct((E // 8, 128), jnp.float32)] * 4,
)


@functools.partial(
    pl.kernel,
    out_type=[
        jax.ShapeDtypeStruct((NW * N * H // 128, 128), jnp.float32),
        jax.ShapeDtypeStruct((NW, N), jnp.float32),
    ],
    mesh=_mesh,
    compiler_params=_sc_params,
    scratch_types=[
        pltpu.VMEM((NCHUNK, 2, CB), jnp.int32),
        pltpu.VMEM((2 * CB, H), jnp.float32),
        pltpu.VMEM((2 * CB, H), jnp.float32),
        pltpu.VMEM((2 * 4, CB // 8, 128), jnp.float32),
        pltpu.VMEM((N * H // 128, 128), jnp.float32),
        pltpu.VMEM((N,), jnp.float32),
        pltpu.SemaphoreType.DMA,
        pltpu.SemaphoreType.DMA,
    ],
)
def _edge_main(a_hbm, b_hbm, y0_hbm, y1_hbm, y2_hbm, y3_hbm,
               pv_hbm, hs_hbm, cnt_hbm,
               prs_v, ga_v, gb_v, yb_v, hsum_v, cnt_v,
               sem0, sem1):
    w = lax.axis_index("s") * NC + lax.axis_index("c")
    iota = lax.iota(jnp.int32, 16)
    zeros16 = jnp.zeros((16,), jnp.float32)
    ones16 = jnp.full((16,), 1.0, jnp.float32)
    lane0 = iota == 0
    ys_hbm = [y0_hbm, y1_hbm, y2_hbm, y3_hbm]
    sems = [sem0, sem1]

    pltpu.sync_copy(pv_hbm.at[pl.ds(w * NCHUNK, NCHUNK)], prs_v)

    @pl.loop(0, N * H // 128, unroll=4)
    def _zero_h(r):
        for c in range(8):
            hsum_v[r, pl.ds(c * 16, 16)] = zeros16

    @pl.loop(0, N // 16, unroll=16)
    def _zero_c(i):
        cnt_v[pl.ds(i * 16, 16)] = zeros16

    def _issue(g, par):
        pltpu.async_copy(a_hbm.at[prs_v.at[g, 0]],
                         ga_v.at[pl.ds(par * CB, CB)], sems[par])
        pltpu.async_copy(b_hbm.at[prs_v.at[g, 1]],
                         gb_v.at[pl.ds(par * CB, CB)], sems[par])
        for s in range(4):
            pltpu.async_copy(
                ys_hbm[s].at[pl.ds(w * (EPW // 8) + g * (CB // 8), CB // 8)],
                yb_v.at[par * 4 + s], sems[par])

    def _drain(g, par):
        pltpu.make_async_copy(a_hbm.at[prs_v.at[g, 0]],
                              ga_v.at[pl.ds(par * CB, CB)], sems[par]).wait()
        pltpu.make_async_copy(b_hbm.at[prs_v.at[g, 1]],
                              gb_v.at[pl.ds(par * CB, CB)], sems[par]).wait()
        for s in range(4):
            pltpu.make_async_copy(ys_hbm[s].at[pl.ds(0, CB // 8)],
                                  yb_v.at[par * 4 + s], sems[par]).wait()

    _issue(0, 0)
    _issue(1, 1)

    @pl.loop(0, NCHUNK)
    def _chunk(g):
        par = g & 1
        eoff = par * CB
        yoff = par * 4

        @pl.when(par == 0)
        def _():
            _drain(g, 0)

        @pl.when(par == 1)
        def _():
            _drain(g, 1)

        @functools.partial(plsc.parallel_loop, 0, CB // 16)
        def _grp(gg):
            p0vec = prs_v[g, 0, pl.ds(gg * 16, 16)]
            for k in range(16):
                e = gg * 16 + k
                p0s = p0vec[k]
                plsc.addupdate_scatter(
                    cnt_v, [jnp.broadcast_to(p0s, (16,))],
                    ones16, mask=lane0)
                hrow = jnp.broadcast_to(
                    lax.shift_right_logical(p0s, 1), (16,))
                col0 = iota + (p0s & 1) * 64
                s = (k % 8) // 2
                half = k % 2
                q = 2 * gg + k // 8
                for j in range(H // 16):
                    v = (ga_v[eoff + e, pl.ds(j * 16, 16)]
                         + gb_v[eoff + e, pl.ds(j * 16, 16)]
                         + yb_v[yoff + s, q, pl.ds(half * 64 + j * 16, 16)])
                    h16 = jnp.maximum(v, 0.0)
                    plsc.addupdate_scatter(
                        hsum_v, [hrow, col0 + j * 16], h16)

        @pl.when((g < NCHUNK - 2) & (par == 0))
        def _():
            _issue(g + 2, 0)

        @pl.when((g < NCHUNK - 2) & (par == 1))
        def _():
            _issue(g + 2, 1)

    pltpu.sync_copy(hsum_v, hs_hbm.at[pl.ds(w * (N * H // 128), N * H // 128)])
    pltpu.sync_copy(cnt_v, cnt_hbm.at[w])


def _post_body(feats_ref, hs_ref, cnt_ref, w2_ref, b2_ref, tok_ref, out_ref):
    del tok_ref
    hsp = jnp.sum(hs_ref[...].reshape(NW, N * H // 128, 128), axis=0)
    even = jnp.dot(hsp[:, :H], w2_ref[...],
                   preferred_element_type=jnp.float32)
    odd = jnp.dot(hsp[:, H:], w2_ref[...],
                  preferred_element_type=jnp.float32)
    s = jnp.concatenate([even[:, None, :], odd[:, None, :]],
                        axis=1).reshape(N, D)
    cnt = jnp.sum(cnt_ref[...], axis=0)
    cntc = cnt[:, None]
    out_ref[...] = (feats_ref[...] + s + cntc * b2_ref[...]) / (1.0 + cntc)


_post = pl.pallas_call(
    _post_body,
    out_shape=jax.ShapeDtypeStruct((N, D), jnp.float32),
)


def kernel(object_feats, bboxes_embedding, pairs, W1, b1, W2, b2):
    pv = jnp.transpose(pairs.reshape(NCK, CB, 2), (0, 2, 1))
    bb5 = jnp.transpose(bboxes_embedding.reshape(N, 8, 128, 2, 8),
                        (0, 3, 1, 4, 2))
    bbv = bb5.reshape(N * DB * 64, DB)
    a_tbl, b_tbl = _prep(object_feats, W1, b1.reshape(1, H))
    bbg = _edge_gather(pv, bbv)
    bb_copy, tok = _bbcopy(bb5.reshape(N * N * DB // 128, 128), bbg[:8])
    bb_out = jnp.transpose(bb_copy.reshape(N, 2, 8, 8, 128),
                           (0, 2, 4, 1, 3)).reshape(N, N, DB)
    y0, y1, y2, y3 = _bbmat(bbg, W1[2 * D:, :])
    hs, cnt = _edge_main(a_tbl, b_tbl, y0, y1, y2, y3, pv)
    new_feats = _post(object_feats, hs, cnt, W2, b2.reshape(1, D), tok)
    return new_feats, bb_out, pairs

# --- scband reference (transcript-rebuilt; emitter-appended) ---
"""Pipeline reference for scband-position-relation-encode-unit-67731634258425 (READ-ONLY COPY).

The authoritative reference and input builder live on the scoring server;
editing this copy changes nothing except your own understanding.
"""

import jax, jax.numpy as jnp
import numpy as np

N = 1024
D = 128
DB = 16
E = 131072
H = 64
IN_DIM = 2 * D + DB  # 272 = sum(input_dim)
OUT_DIM = D          # 128 = sum(output_dim)


def setup_inputs(seed: int = 0) -> dict:
    key = jax.random.key(seed)
    k1, k2, k3, k4, k5 = jax.random.split(key, 5)
    object_feats = jax.random.normal(k1, (N, D), dtype=jnp.float32)
    bboxes_embedding = jax.random.normal(k2, (N, N, DB), dtype=jnp.float32)
    pairs = jax.random.randint(k3, (E, 2), 0, N, dtype=jnp.int32)
    # MLP params (torch Linear stored as [in, out] here; kaiming-normal init)
    W1 = jax.random.normal(k4, (IN_DIM, H), dtype=jnp.float32) * np.sqrt(2.0 / IN_DIM)
    b1 = jnp.zeros((H,), dtype=jnp.float32)
    W2 = jax.random.normal(k5, (H, OUT_DIM), dtype=jnp.float32) * np.sqrt(2.0 / H)
    b2 = jnp.zeros((OUT_DIM,), dtype=jnp.float32)
    return {"object_feats": object_feats, "bboxes_embedding": bboxes_embedding,
            "pairs": pairs, "W1": W1, "b1": b1, "W2": W2, "b2": b2}


def reference(object_feats, bboxes_embedding, pairs, W1, b1, W2, b2):
    # gather subject/object features: [E, 2, D]
    feats = jnp.take(object_feats, pairs, axis=0)
    # gather pairwise bbox embeddings: [E, DB]
    bb = bboxes_embedding[pairs[:, 0], pairs[:, 1]]
    features = jnp.concatenate([feats[:, 0], feats[:, 1], bb], axis=1)  # [E, 272]
    # conv MLP: Linear(272,64) -> ReLU -> Linear(64,128)
    h = jnp.maximum(features @ W1 + b1, 0.0)
    output = h @ W2 + b2  # [E, D]
    # per-subject aggregation: new_feats[i] = mean([object_feats[i]] + outputs with sub==i)
    sub = pairs[:, 0]
    sums = jax.ops.segment_sum(output, sub, num_segments=N)
    counts = jax.ops.segment_sum(jnp.ones((E,), dtype=object_feats.dtype), sub, num_segments=N)
    new_feats = (object_feats + sums) / (1.0 + counts)[:, None]
    return (new_feats, bboxes_embedding, pairs)

if __name__ == "__main__":
    import jax
    _d = setup_inputs()
    print(jax.jit(kernel)(*tuple(_d.values())))

</pallas_src>

<mosaic_0001>
#map = affine_map<(d0, d1) -> (0, 0, 0)>
#map1 = affine_map<(d0, d1) -> (0, 0)>
module attributes {stable_mosaic.version = 14 : i64} {
  func.func @_edge_gather(%arg0: i32, %arg1: i32, %arg2: memref<1024x2x128xi32, #tpu.memory_space<hbm>>, %arg3: memref<1048576x16xf32, #tpu.memory_space<hbm>>, %arg4: memref<16384x128xf32, #tpu.memory_space<hbm>>, %arg5: memref<32x2x128xi32, #tpu.memory_space<vmem>>, %arg6: memref<16x128xi32, #tpu.memory_space<vmem>>, %arg7: memref<16x128xi32, #tpu.memory_space<vmem>>, %arg8: memref<16x128x16xf32, #tpu.memory_space<vmem>>, %arg9: memref<16x128x16xf32, #tpu.memory_space<vmem>>, %arg10: memref<16x128xf32, #tpu.memory_space<vmem>>, %arg11: memref<16x128xf32, #tpu.memory_space<vmem>>, %arg12: memref<!tpu.dma_semaphore, #tpu.memory_space<semaphore_mem>>, %arg13: memref<!tpu.dma_semaphore, #tpu.memory_space<semaphore_mem>>, %arg14: memref<!tpu.dma_semaphore, #tpu.memory_space<semaphore_mem>>, %arg15: memref<!tpu.dma_semaphore, #tpu.memory_space<semaphore_mem>>) attributes {dimension_semantics = [#tpu.dimension_semantics<core_parallel>, #tpu.dimension_semantics<subcore_parallel>], iteration_bounds = array<i64: 2, 16>, scalar_prefetch = 0 : i64, scratch_operands = 11 : i64, tpu.core_type = #tpu.core_type<sc_vector_subcore>, window_params = [{transform_indices = #map}, {transform_indices = #map1}, {transform_indices = #map1}]} {
    %mul3A = arith.constant 2 : i32
    %mul3A_0 = arith.muli %arg1, %mul3A : i32
    %add3A = arith.addi %mul3A_0, %arg0 : i32
    %iota3A = tpu.iota {dimensions = array<i32: 0>} : vector<16xi32>
    %mul3A_1 = arith.constant 32 : i32
    %mul3A_2 = arith.muli %add3A, %mul3A_1 : i32
    "tpu.region"() ({
      %run_scoped3A = tpu.sem_alloc : memref<!tpu.dma_semaphore, #tpu.memory_space<semaphore_mem>>
      %dma_start3A_411 = arith.constant 0 : i32
      %dma_start3A_412 = arith.constant 0 : i32
      %dma_start3A_413 = tpu.memref_slice %arg2[%mul3A_2, %dma_start3A_411, %dma_start3A_412] : memref<1024x2x128xi32, #tpu.memory_space<hbm>> -> memref<32x2x128xi32, #tpu.memory_space<hbm>>
      %dma_start3A_414 = arith.constant 0 : i32
      %dma_start3A_415 = arith.constant 0 : i32
      %dma_start3A_416 = tpu.memref_slice %arg2[%mul3A_2, %dma_start3A_414, %dma_start3A_415] : memref<1024x2x128xi32, #tpu.memory_space<hbm>> -> memref<32x2x128xi32, #tpu.memory_space<hbm>>
      tpu.enqueue_dma source(%dma_start3A_416 : memref<32x2x128xi32, #tpu.memory_space<hbm>>) target(%arg5 : memref<32x2x128xi32, #tpu.memory_space<vmem>>) target_semaphore(%run_scoped3A : memref<!tpu.dma_semaphore, #tpu.memory_space<semaphore_mem>>)
      %dma_wait3A_417 = arith.constant 0 : i32
      %dma_wait3A_418 = arith.constant 0 : i32
      %dma_wait3A_419 = tpu.memref_slice %arg2[%mul3A_2, %dma_wait3A_417, %dma_wait3A_418] : memref<1024x2x128xi32, #tpu.memory_space<hbm>> -> memref<32x2x128xi32, #tpu.memory_space<hbm>>
      %dma_wait3A_420 = arith.constant 0 : i32
      %dma_wait3A_421 = arith.constant 0 : i32
      %dma_wait3A_422 = tpu.memref_slice %arg2[%mul3A_2, %dma_wait3A_420, %dma_wait3A_421] : memref<1024x2x128xi32, #tpu.memory_space<hbm>> -> memref<32x2x128xi32, #tpu.memory_space<hbm>>
      tpu.wait_dma2 semaphore(%run_scoped3A : memref<!tpu.dma_semaphore, #tpu.memory_space<semaphore_mem>>) src(%dma_wait3A_422 : memref<32x2x128xi32, #tpu.memory_space<hbm>>) dst(%arg5 : memref<32x2x128xi32, #tpu.memory_space<vmem>>)
      tpu.yield
    }) : () -> ()
    %scan3A = arith.constant 0 : i32
    %scan3A_3 = arith.constant 8 : i32
    %scan3A_4 = arith.addi %scan3A, %scan3A_3 : i32
    %scan3A_5 = arith.constant 1 : i32
    scf.for %scan3A_411 = %scan3A to %scan3A_4 step %scan3A_5  : i32 {
      %mul3A_412 = arith.constant 1 : i32
      %mul3A_413 = arith.muli %scan3A_411, %mul3A_412 : i32
      %add3A_414 = arith.constant 0 : i32
      %add3A_415 = arith.addi %add3A_414, %mul3A_413 : i32
      %mul3A_416 = arith.constant 16 : i32
      %mul3A_417 = arith.muli %add3A_415, %mul3A_416 : i32
      %get3A = arith.constant 0 : i32
      %get3A_418 = arith.constant 0 : i32
      %get3A_419 = arith.index_cast %get3A : i32 to index
      %get3A_420 = arith.index_cast %get3A_418 : i32 to index
      %get3A_421 = arith.index_cast %mul3A_417 : i32 to index
      %get3A_422 = tpu.vector_load %arg5[%get3A_419, %get3A_420, %get3A_421] {strides = array<i32>} : memref<32x2x128xi32, #tpu.memory_space<vmem>>, vector<16xi32>,
      %mul3A_423 = arith.constant 16 : i32
      %mul3A_424 = arith.muli %add3A_415, %mul3A_423 : i32
      %get3A_425 = arith.constant 0 : i32
      %get3A_426 = arith.constant 1 : i32
      %get3A_427 = arith.index_cast %get3A_425 : i32 to index
      %get3A_428 = arith.index_cast %get3A_426 : i32 to index
      %get3A_429 = arith.index_cast %mul3A_424 : i32 to index
      %get3A_430 = tpu.vector_load %arg5[%get3A_427, %get3A_428, %get3A_429] {strides = array<i32>} : memref<32x2x128xi32, #tpu.memory_space<vmem>>, vector<16xi32>,
      %mul3A_431 = arith.constant 1024 : i32
      %mul3A_432 = vector.broadcast %mul3A_431 : i32 to vector<16xi32>
      %mul3A_433 = arith.muli %get3A_422, %mul3A_432 : vector<16xi32>
      %shift_right_logical3A = arith.constant 7 : i32
      %shift_right_logical3A_434 = vector.broadcast %shift_right_logical3A : i32 to vector<16xi32>
      %shift_right_logical3A_435 = arith.shrui %get3A_430, %shift_right_logical3A_434 : vector<16xi32>
      %mul3A_436 = arith.constant 64 : i32
      %mul3A_437 = vector.broadcast %mul3A_436 : i32 to vector<16xi32>
      %mul3A_438 = arith.muli %shift_right_logical3A_435, %mul3A_437 : vector<16xi32>
      %add3A_439 = arith.addi %mul3A_433, %mul3A_438 : vector<16xi32>
      %shift_right_logical3A_440 = arith.constant 4 : i32
      %shift_right_logical3A_441 = vector.broadcast %shift_right_logical3A_440 : i32 to vector<16xi32>
      %shift_right_logical3A_442 = arith.shrui %get3A_430, %shift_right_logical3A_441 : vector<16xi32>
      %and3A = arith.constant 7 : i32
      %and3A_443 = vector.broadcast %and3A : i32 to vector<16xi32>
      %and3A_444 = arith.andi %shift_right_logical3A_442, %and3A_443 : vector<16xi32>
      %add3A_445 = arith.addi %add3A_439, %and3A_444 : vector<16xi32>
      %add3A_446 = arith.constant 0 : i32
      %add3A_447 = vector.broadcast %add3A_446 : i32 to vector<16xi32>
      %add3A_448 = arith.addi %add3A_445, %add3A_447 : vector<16xi32>
      %add3A_449 = arith.constant 0 : i32
      %add3A_450 = vector.broadcast %add3A_449 : i32 to vector<16xi32>
      %add3A_451 = arith.addi %add3A_448, %add3A_450 : vector<16xi32>
      %mul3A_452 = arith.constant 16 : i32
      %mul3A_453 = arith.muli %add3A_415, %mul3A_452 : i32
      %swap3A = arith.constant 0 : i32
      %swap3A_454 = arith.index_cast %swap3A : i32 to index
      %swap3A_455 = arith.index_cast %mul3A_453 : i32 to index
      %swap3A_456 = tpu.vector_load %arg6[%swap3A_454, %swap3A_455] {strides = array<i32>} : memref<16x128xi32, #tpu.memory_space<vmem>>, vector<16xi32>,
      tpu.vector_store %arg6[%swap3A_454, %swap3A_455], %add3A_451 {strides = array<i32>} : memref<16x128xi32, #tpu.memory_space<vmem>>, vector<16xi32>,
      %add3A_457 = arith.constant 0 : i32
      %add3A_458 = vector.broadcast %add3A_457 : i32 to vector<16xi32>
      %add3A_459 = arith.addi %add3A_445, %add3A_458 : vector<16xi32>
      %add3A_460 = arith.constant 8 : i32
      %add3A_461 = vector.broadcast %add3A_460 : i32 to vector<16xi32>
      %add3A_462 = arith.addi %add3A_459, %add3A_461 : vector<16xi32>
      %mul3A_463 = arith.constant 16 : i32
      %mul3A_464 = arith.muli %add3A_415, %mul3A_463 : i32
      %swap3A_465 = arith.constant 1 : i32
      %swap3A_466 = arith.index_cast %swap3A_465 : i32 to index
      %swap3A_467 = arith.index_cast %mul3A_464 : i32 to index
      %swap3A_468 = tpu.vector_load %arg6[%swap3A_466, %swap3A_467] {strides = array<i32>} : memref<16x128xi32, #tpu.memory_space<vmem>>, vector<16xi32>,
      tpu.vector_store %arg6[%swap3A_466, %swap3A_467], %add3A_462 {strides = array<i32>} : memref<16x128xi32, #tpu.memory_space<vmem>>, vector<16xi32>,
      %add3A_469 = arith.constant 0 : i32
      %add3A_470 = vector.broadcast %add3A_469 : i32 to vector<16xi32>
      %add3A_471 = arith.addi %add3A_445, %add3A_470 : vector<16xi32>
      %add3A_472 = arith.constant 16 : i32
      %add3A_473 = vector.broadcast %add3A_472 : i32 to vector<16xi32>
      %add3A_474 = arith.addi %add3A_471, %add3A_473 : vector<16xi32>
      %mul3A_475 = arith.constant 16 : i32
      %mul3A_476 = arith.muli %add3A_415, %mul3A_475 : i32
      %swap3A_477 = arith.constant 2 : i32
      %swap3A_478 = arith.index_cast %swap3A_477 : i32 to index
      %swap3A_479 = arith.index_cast %mul3A_476 : i32 to index
      %swap3A_480 = tpu.vector_load %arg6[%swap3A_478, %swap3A_479] {strides = array<i32>} : memref<16x128xi32, #tpu.memory_space<vmem>>, vector<16xi32>,
      tpu.vector_store %arg6[%swap3A_478, %swap3A_479], %add3A_474 {strides = array<i32>} : memref<16x128xi32, #tpu.memory_space<vmem>>, vector<16xi32>,
      %add3A_481 = arith.constant 0 : i32
      %add3A_482 = vector.broadcast %add3A_481 : i32 to vector<16xi32>
      %add3A_483 = arith.addi %add3A_445, %add3A_482 : vector<16xi32>
      %add3A_484 = arith.constant 24 : i32
      %add3A_485 = vector.broadcast %add3A_484 : i32 to vector<16xi32>
      %add3A_486 = arith.addi %add3A_483, %add3A_485 : vector<16xi32>
      %mul3A_487 = arith.constant 16 : i32
      %mul3A_488 = arith.muli %add3A_415, %mul3A_487 : i32
      %swap3A_489 = arith.constant 3 : i32
      %swap3A_490 = arith.index_cast %swap3A_489 : i32 to index
      %swap3A_491 = arith.index_cast %mul3A_488 : i32 to index
      %swap3A_492 = tpu.vector_load %arg6[%swap3A_490, %swap3A_491] {strides = array<i32>} : memref<16x128xi32, #tpu.memory_space<vmem>>, vector<16xi32>,
      tpu.vector_store %arg6[%swap3A_490, %swap3A_491], %add3A_486 {strides = array<i32>} : memref<16x128xi32, #tpu.memory_space<vmem>>, vector<16xi32>,
      %add3A_493 = arith.constant 0 : i32
      %add3A_494 = vector.broadcast %add3A_493 : i32 to vector<16xi32>
      %add3A_495 = arith.addi %add3A_445, %add3A_494 : vector<16xi32>
      %add3A_496 = arith.constant 32 : i32
      %add3A_497 = vector.broadcast %add3A_496 : i32 to vector<16xi32>
      %add3A_498 = arith.addi %add3A_495, %add3A_497 : vector<16xi32>
      %mul3A_499 = arith.constant 16 : i32
      %mul3A_500 = arith.muli %add3A_415, %mul3A_499 : i32
      %swap3A_501 = arith.constant 4 : i32
      %swap3A_502 = arith.index_cast %swap3A_501 : i32 to index
      %swap3A_503 = arith.index_cast %mul3A_500 : i32 to index
      %swap3A_504 = tpu.vector_load %arg6[%swap3A_502, %swap3A_503] {strides = array<i32>} : memref<16x128xi32, #tpu.memory_space<vmem>>, vector<16xi32>,
      tpu.vector_store %arg6[%swap3A_502, %swap3A_503], %add3A_498 {strides = array<i32>} : memref<16x128xi32, #tpu.memory_space<vmem>>, vector<16xi32>,
      %add3A_505 = arith.constant 0 : i32
      %add3A_506 = vector.broadcast %add3A_505 : i32 to vector<16xi32>
      %add3A_507 = arith.addi %add3A_445, %add3A_506 : vector<16xi32>
      %add3A_508 = arith.constant 40 : i32
      %add3A_509 = vector.broadcast %add3A_508 : i32 to vector<16xi32>
      %add3A_510 = arith.addi %add3A_507, %add3A_509 : vector<16xi32>
      %mul3A_511 = arith.constant 16 : i32
      %mul3A_512 = arith.muli %add3A_415, %mul3A_511 : i32
      %swap3A_513 = arith.constant 5 : i32
      %swap3A_514 = arith.index_cast %swap3A_513 : i32 to index
      %swap3A_515 = arith.index_cast %mul3A_512 : i32 to index
      %swap3A_516 = tpu.vector_load %arg6[%swap3A_514, %swap3A_515] {strides = array<i32>} : memref<16x128xi32, #tpu.memory_space<vmem>>, vector<16xi32>,
      tpu.vector_store %arg6[%swap3A_514, %swap3A_515], %add3A_510 {strides = array<i32>} : memref<16x128xi32, #tpu.memory_space<vmem>>, vector<16xi32>,
      %add3A_517 = arith.constant 0 : i32
      %add3A_518 = vector.broadcast %add3A_517 : i32 to vector<16xi32>
      %add3A_519 = arith.addi %add3A_445, %add3A_518 : vector<16xi32>
      %add3A_520 = arith.constant 48 : i32
      %add3A_521 = vector.broadcast %add3A_520 : i32 to vector<16xi32>
      %add3A_522 = arith.addi %add3A_519, %add3A_521 : vector<16xi32>
      %mul3A_523 = arith.constant 16 : i32
      %mul3A_524 = arith.muli %add3A_415, %mul3A_523 : i32
      %swap3A_525 = arith.constant 6 : i32
      %swap3A_526 = arith.index_cast %swap3A_525 : i32 to index
      %swap3A_527 = arith.index_cast %mul3A_524 : i32 to index
      %swap3A_528 = tpu.vector_load %arg6[%swap3A_526, %swap3A_527] {strides = array<i32>} : memref<16x128xi32, #tpu.memory_space<vmem>>, vector<16xi32>,
      tpu.vector_store %arg6[%swap3A_526, %swap3A_527], %add3A_522 {strides = array<i32>} : memref<16x128xi32, #tpu.memory_space<vmem>>, vector<16xi32>,
      %add3A_529 = arith.constant 0 : i32
      %add3A_530 = vector.broadcast %add3A_529 : i32 to vector<16xi32>
      %add3A_531 = arith.addi %add3A_445, %add3A_530 : vector<16xi32>
      %add3A_532 = arith.constant 56 : i32
      %add3A_533 = vector.broadcast %add3A_532 : i32 to vector<16xi32>
      %add3A_534 = arith.addi %add3A_531, %add3A_533 : vector<16xi32>
      %mul3A_535 = arith.constant 16 : i32
      %mul3A_536 = arith.muli %add3A_415, %mul3A_535 : i32
      %swap3A_537 = arith.constant 7 : i32
      %swap3A_538 = arith.index_cast %swap3A_537 : i32 to index
      %swap3A_539 = arith.index_cast %mul3A_536 : i32 to index
      %swap3A_540 = tpu.vector_load %arg6[%swap3A_538, %swap3A_539] {strides = array<i32>} : memref<16x128xi32, #tpu.memory_space<vmem>>, vector<16xi32>,
      tpu.vector_store %arg6[%swap3A_538, %swap3A_539], %add3A_534 {strides = array<i32>} : memref<16x128xi32, #tpu.memory_space<vmem>>, vector<16xi32>,
      %add3A_541 = arith.constant 512 : i32
      %add3A_542 = vector.broadcast %add3A_541 : i32 to vector<16xi32>
      %add3A_543 = arith.addi %add3A_445, %add3A_542 : vector<16xi32>
      %add3A_544 = arith.constant 0 : i32
      %add3A_545 = vector.broadcast %add3A_544 : i32 to vector<16xi32>
      %add3A_546 = arith.addi %add3A_543, %add3A_545 : vector<16xi32>
      %mul3A_547 = arith.constant 16 : i32
      %mul3A_548 = arith.muli %add3A_415, %mul3A_547 : i32
      %swap3A_549 = arith.constant 8 : i32
      %swap3A_550 = arith.index_cast %swap3A_549 : i32 to index
      %swap3A_551 = arith.index_cast %mul3A_548 : i32 to index
      %swap3A_552 = tpu.vector_load %arg6[%swap3A_550, %swap3A_551] {strides = array<i32>} : memref<16x128xi32, #tpu.memory_space<vmem>>, vector<16xi32>,
      tpu.vector_store %arg6[%swap3A_550, %swap3A_551], %add3A_546 {strides = array<i32>} : memref<16x128xi32, #tpu.memory_space<vmem>>, vector<16xi32>,
      %add3A_553 = arith.constant 512 : i32
      %add3A_554 = vector.broadcast %add3A_553 : i32 to vector<16xi32>
      %add3A_555 = arith.addi %add3A_445, %add3A_554 : vector<16xi32>
      %add3A_556 = arith.constant 8 : i32
      %add3A_557 = vector.broadcast %add3A_556 : i32 to vector<16xi32>
      %add3A_558 = arith.addi %add3A_555, %add3A_557 : vector<16xi32>
      %mul3A_559 = arith.constant 16 : i32
      %mul3A_560 = arith.muli %add3A_415, %mul3A_559 : i32
      %swap3A_561 = arith.constant 9 : i32
      %swap3A_562 = arith.index_cast %swap3A_561 : i32 to index
      %swap3A_563 = arith.index_cast %mul3A_560 : i32 to index
      %swap3A_564 = tpu.vector_load %arg6[%swap3A_562, %swap3A_563] {strides = array<i32>} : memref<16x128xi32, #tpu.memory_space<vmem>>, vector<16xi32>,
      tpu.vector_store %arg6[%swap3A_562, %swap3A_563], %add3A_558 {strides = array<i32>} : memref<16x128xi32, #tpu.memory_space<vmem>>, vector<16xi32>,
      %add3A_565 = arith.constant 512 : i32
      %add3A_566 = vector.broadcast %add3A_565 : i32 to vector<16xi32>
      %add3A_567 = arith.addi %add3A_445, %add3A_566 : vector<16xi32>
      %add3A_568 = arith.constant 16 : i32
      %add3A_569 = vector.broadcast %add3A_568 : i32 to vector<16xi32>
      %add3A_570 = arith.addi %add3A_567, %add3A_569 : vector<16xi32>
      %mul3A_571 = arith.constant 16 : i32
      %mul3A_572 = arith.muli %add3A_415, %mul3A_571 : i32
      %swap3A_573 = arith.constant 10 : i32
      %swap3A_574 = arith.index_cast %swap3A_573 : i32 to index
      %swap3A_575 = arith.index_cast %mul3A_572 : i32 to index
      %swap3A_576 = tpu.vector_load %arg6[%swap3A_574, %swap3A_575] {strides = array<i32>} : memref<16x128xi32, #tpu.memory_space<vmem>>, vector<16xi32>,
      tpu.vector_store %arg6[%swap3A_574, %swap3A_575], %add3A_570 {strides = array<i32>} : memref<16x128xi32, #tpu.memory_space<vmem>>, vector<16xi32>,
      %add3A_577 = arith.constant 512 : i32
      %add3A_578 = vector.broadcast %add3A_577 : i32 to vector<16xi32>
      %add3A_579 = arith.addi %add3A_445, %add3A_578 : vector<16xi32>
      %add3A_580 = arith.constant 24 : i32
      %add3A_581 = vector.broadcast %add3A_580 : i32 to vector<16xi32>
      %add3A_582 = arith.addi %add3A_579, %add3A_581 : vector<16xi32>
      %mul3A_583 = arith.constant 16 : i32
      %mul3A_584 = arith.muli %add3A_415, %mul3A_583 : i32
      %swap3A_585 = arith.constant 11 : i32
      %swap3A_586 = arith.index_cast %swap3A_585 : i32 to index
      %swap3A_587 = arith.index_cast %mul3A_584 : i32 to index
      %swap3A_588 = tpu.vector_load %arg6[%swap3A_586, %swap3A_587] {strides = array<i32>} : memref<16x128xi32, #tpu.memory_space<vmem>>, vector<16xi32>,
      tpu.vector_store %arg6[%swap3A_586, %swap3A_587], %add3A_582 {strides = array<i32>} : memref<16x128xi32, #tpu.memory_space<vmem>>, vector<16xi32>,
      %add3A_589 = arith.constant 512 : i32
      %add3A_590 = vector.broadcast %add3A_589 : i32 to vector<16xi32>
      %add3A_591 = arith.addi %add3A_445, %add3A_590 : vector<16xi32>
      %add3A_592 = arith.constant 32 : i32
      %add3A_593 = vector.broadcast %add3A_592 : i32 to vector<16xi32>
      %add3A_594 = arith.addi %add3A_591, %add3A_593 : vector<16xi32>
      %mul3A_595 = arith.constant 16 : i32
      %mul3A_596 = arith.muli %add3A_415, %mul3A_595 : i32
      %swap3A_597 = arith.constant 12 : i32
      %swap3A_598 = arith.index_cast %swap3A_597 : i32 to index
      %swap3A_599 = arith.index_cast %mul3A_596 : i32 to index
      %swap3A_600 = tpu.vector_load %arg6[%swap3A_598, %swap3A_599] {strides = array<i32>} : memref<16x128xi32, #tpu.memory_space<vmem>>, vector<16xi32>,
      tpu.vector_store %arg6[%swap3A_598, %swap3A_599], %add3A_594 {strides = array<i32>} : memref<16x128xi32, #tpu.memory_space<vmem>>, vector<16xi32>,
      %add3A_601 = arith.constant 512 : i32
      %add3A_602 = vector.broadcast %add3A_601 : i32 to vector<16xi32>
      %add3A_603 = arith.addi %add3A_445, %add3A_602 : vector<16xi32>
      %add3A_604 = arith.constant 40 : i32
      %add3A_605 = vector.broadcast %add3A_604 : i32 to vector<16xi32>
      %add3A_606 = arith.addi %add3A_603, %add3A_605 : vector<16xi32>
      %mul3A_607 = arith.constant 16 : i32
      %mul3A_608 = arith.muli %add3A_415, %mul3A_607 : i32
      %swap3A_609 = arith.constant 13 : i32
      %swap3A_610 = arith.index_cast %swap3A_609 : i32 to index
      %swap3A_611 = arith.index_cast %mul3A_608 : i32 to index
      %swap3A_612 = tpu.vector_load %arg6[%swap3A_610, %swap3A_611] {strides = array<i32>} : memref<16x128xi32, #tpu.memory_space<vmem>>, vector<16xi32>,
      tpu.vector_store %arg6[%swap3A_610, %swap3A_611], %add3A_606 {strides = array<i32>} : memref<16x128xi32, #tpu.memory_space<vmem>>, vector<16xi32>,
      %add3A_613 = arith.constant 512 : i32
      %add3A_614 = vector.broadcast %add3A_613 : i32 to vector<16xi32>
      %add3A_615 = arith.addi %add3A_445, %add3A_614 : vector<16xi32>
      %add3A_616 = arith.constant 48 : i32
      %add3A_617 = vector.broadcast %add3A_616 : i32 to vector<16xi32>
      %add3A_618 = arith.addi %add3A_615, %add3A_617 : vector<16xi32>
      %mul3A_619 = arith.constant 16 : i32
      %mul3A_620 = arith.muli %add3A_415, %mul3A_619 : i32
      %swap3A_621 = arith.constant 14 : i32
      %swap3A_622 = arith.index_cast %swap3A_621 : i32 to index
      %swap3A_623 = arith.index_cast %mul3A_620 : i32 to index
      %swap3A_624 = tpu.vector_load %arg6[%swap3A_622, %swap3A_623] {strides = array<i32>} : memref<16x128xi32, #tpu.memory_space<vmem>>, vector<16xi32>,
      tpu.vector_store %arg6[%swap3A_622, %swap3A_623], %add3A_618 {strides = array<i32>} : memref<16x128xi32, #tpu.memory_space<vmem>>, vector<16xi32>,
      %add3A_625 = arith.constant 512 : i32
      %add3A_626 = vector.broadcast %add3A_625 : i32 to vector<16xi32>
      %add3A_627 = arith.addi %add3A_445, %add3A_626 : vector<16xi32>
      %add3A_628 = arith.constant 56 : i32
      %add3A_629 = vector.broadcast %add3A_628 : i32 to vector<16xi32>
      %add3A_630 = arith.addi %add3A_627, %add3A_629 : vector<16xi32>
      %mul3A_631 = arith.constant 16 : i32
      %mul3A_632 = arith.muli %add3A_415, %mul3A_631 : i32
      %swap3A_633 = arith.constant 15 : i32
      %swap3A_634 = arith.index_cast %swap3A_633 : i32 to index
      %swap3A_635 = arith.index_cast %mul3A_632 : i32 to index
      %swap3A_636 = tpu.vector_load %arg6[%swap3A_634, %swap3A_635] {strides = array<i32>} : memref<16x128xi32, #tpu.memory_space<vmem>>, vector<16xi32>,
      tpu.vector_store %arg6[%swap3A_634, %swap3A_635], %add3A_630 {strides = array<i32>} : memref<16x128xi32, #tpu.memory_space<vmem>>, vector<16xi32>,
    }
    %scan3A_6 = arith.constant 8 : i32
    %dma_start3A = arith.constant 0 : i32
    %dma_start3A_7 = arith.constant 0 : i32
    %dma_start3A_8 = arith.constant 0 : i32
    %dma_start3A_9 = arith.constant 0 : i32
    %dma_start3A_10 = tpu.memref_slice %arg8[%dma_start3A_7, %dma_start3A_8, %dma_start3A_9] : memref<16x128x16xf32, #tpu.memory_space<vmem>> -> memref<1x128x16xf32, #tpu.memory_space<vmem>>
    %dma_start3A_11 = tpu.memref_squeeze %dma_start3A_10 : memref<1x128x16xf32, #tpu.memory_space<vmem>> -> memref<128x16xf32, #tpu.memory_space<vmem>>
    %dma_start3A_12 = arith.constant 0 : i32
    %dma_start3A_13 = tpu.memref_slice %arg6[%dma_start3A, %dma_start3A_12] : memref<16x128xi32, #tpu.memory_space<vmem>> -> memref<1x128xi32, #tpu.memory_space<vmem>>
    %dma_start3A_14 = tpu.memref_squeeze %dma_start3A_13 : memref<1x128xi32, #tpu.memory_space<vmem>> -> memref<128xi32, #tpu.memory_space<vmem>>
    %dma_start3A_15 = arith.constant 0 : i32
    %dma_start3A_16 = arith.constant 0 : i32
    %dma_start3A_17 = tpu.memref_slice %arg3[%dma_start3A_15, %dma_start3A_16] : memref<1048576x16xf32, #tpu.memory_space<hbm>> -> memref<1048576x16xf32, #tpu.memory_space<hbm>>
    tpu.enqueue_indirect_dma source(%dma_start3A_17 : memref<1048576x16xf32, #tpu.memory_space<hbm>>) target(%dma_start3A_11 : memref<128x16xf32, #tpu.memory_space<vmem>>) offsets(%dma_start3A_14 : memref<128xi32, #tpu.memory_space<vmem>>) semaphore(%arg12 : memref<!tpu.dma_semaphore, #tpu.memory_space<semaphore_mem>>)
    %dma_start3A_18 = arith.constant 1 : i32
    %dma_start3A_19 = arith.constant 1 : i32
    %dma_start3A_20 = arith.constant 0 : i32
    %dma_start3A_21 = arith.constant 0 : i32
    %dma_start3A_22 = tpu.memref_slice %arg8[%dma_start3A_19, %dma_start3A_20, %dma_start3A_21] : memref<16x128x16xf32, #tpu.memory_space<vmem>> -> memref<1x128x16xf32, #tpu.memory_space<vmem>>
    %dma_start3A_23 = tpu.memref_squeeze %dma_start3A_22 : memref<1x128x16xf32, #tpu.memory_space<vmem>> -> memref<128x16xf32, #tpu.memory_space<vmem>>
    %dma_start3A_24 = arith.constant 0 : i32
    %dma_start3A_25 = tpu.memref_slice %arg6[%dma_start3A_18, %dma_start3A_24] : memref<16x128xi32, #tpu.memory_space<vmem>> -> memref<1x128xi32, #tpu.memory_space<vmem>>
    %dma_start3A_26 = tpu.memref_squeeze %dma_start3A_25 : memref<1x128xi32, #tpu.memory_space<vmem>> -> memref<128xi32, #tpu.memory_space<vmem>>
    %dma_start3A_27 = arith.constant 0 : i32
    %dma_start3A_28 = arith.constant 0 : i32
    %dma_start3A_29 = tpu.memref_slice %arg3[%dma_start3A_27, %dma_start3A_28] : memref<1048576x16xf32, #tpu.memory_space<hbm>> -> memref<1048576x16xf32, #tpu.memory_space<hbm>>
    tpu.enqueue_indirect_dma source(%dma_start3A_29 : memref<1048576x16xf32, #tpu.memory_space<hbm>>) target(%dma_start3A_23 : memref<128x16xf32, #tpu.memory_space<vmem>>) offsets(%dma_start3A_26 : memref<128xi32, #tpu.memory_space<vmem>>) semaphore(%arg12 : memref<!tpu.dma_semaphore, #tpu.memory_space<semaphore_mem>>)
    %dma_start3A_30 = arith.constant 2 : i32
    %dma_start3A_31 = arith.constant 2 : i32
    %dma_start3A_32 = arith.constant 0 : i32
    %dma_start3A_33 = arith.constant 0 : i32
    %dma_start3A_34 = tpu.memref_slice %arg8[%dma_start3A_31, %dma_start3A_32, %dma_start3A_33] : memref<16x128x16xf32, #tpu.memory_space<vmem>> -> memref<1x128x16xf32, #tpu.memory_space<vmem>>
    %dma_start3A_35 = tpu.memref_squeeze %dma_start3A_34 : memref<1x128x16xf32, #tpu.memory_space<vmem>> -> memref<128x16xf32, #tpu.memory_space<vmem>>
    %dma_start3A_36 = arith.constant 0 : i32
    %dma_start3A_37 = tpu.memref_slice %arg6[%dma_start3A_30, %dma_start3A_36] : memref<16x128xi32, #tpu.memory_space<vmem>> -> memref<1x128xi32, #tpu.memory_space<vmem>>
    %dma_start3A_38 = tpu.memref_squeeze %dma_start3A_37 : memref<1x128xi32, #tpu.memory_space<vmem>> -> memref<128xi32, #tpu.memory_space<vmem>>
    %dma_start3A_39 = arith.constant 0 : i32
    %dma_start3A_40 = arith.constant 0 : i32
    %dma_start3A_41 = tpu.memref_slice %arg3[%dma_start3A_39, %dma_start3A_40] : memref<1048576x16xf32, #tpu.memory_space<hbm>> -> memref<1048576x16xf32, #tpu.memory_space<hbm>>
    tpu.enqueue_indirect_dma source(%dma_start3A_41 : memref<1048576x16xf32, #tpu.memory_space<hbm>>) target(%dma_start3A_35 : memref<128x16xf32, #tpu.memory_space<vmem>>) offsets(%dma_start3A_38 : memref<128xi32, #tpu.memory_space<vmem>>) semaphore(%arg12 : memref<!tpu.dma_semaphore, #tpu.memory_space<semaphore_mem>>)
    %dma_start3A_42 = arith.constant 3 : i32
    %dma_start3A_43 = arith.constant 3 : i32
    %dma_start3A_44 = arith.constant 0 : i32
    %dma_start3A_45 = arith.constant 0 : i32
    %dma_start3A_46 = tpu.memref_slice %arg8[%dma_start3A_43, %dma_start3A_44, %dma_start3A_45] : memref<16x128x16xf32, #tpu.memory_space<vmem>> -> memref<1x128x16xf32, #tpu.memory_space<vmem>>
    %dma_start3A_47 = tpu.memref_squeeze %dma_start3A_46 : memref<1x128x16xf32, #tpu.memory_space<vmem>> -> memref<128x16xf32, #tpu.memory_space<vmem>>
    %dma_start3A_48 = arith.constant 0 : i32
    %dma_start3A_49 = tpu.memref_slice %arg6[%dma_start3A_42, %dma_start3A_48] : memref<16x128xi32, #tpu.memory_space<vmem>> -> memref<1x128xi32, #tpu.memory_space<vmem>>
    %dma_start3A_50 = tpu.memref_squeeze %dma_start3A_49 : memref<1x128xi32, #tpu.memory_space<vmem>> -> memref<128xi32, #tpu.memory_space<vmem>>
    %dma_start3A_51 = arith.constant 0 : i32
    %dma_start3A_52 = arith.constant 0 : i32
    %dma_start3A_53 = tpu.memref_slice %arg3[%dma_start3A_51, %dma_start3A_52] : memref<1048576x16xf32, #tpu.memory_space<hbm>> -> memref<1048576x16xf32, #tpu.memory_space<hbm>>
    tpu.enqueue_indirect_dma source(%dma_start3A_53 : memref<1048576x16xf32, #tpu.memory_space<hbm>>) target(%dma_start3A_47 : memref<128x16xf32, #tpu.memory_space<vmem>>) offsets(%dma_start3A_50 : memref<128xi32, #tpu.memory_space<vmem>>) semaphore(%arg12 : memref<!tpu.dma_semaphore, #tpu.memory_space<semaphore_mem>>)
    %dma_start3A_54 = arith.constant 4 : i32
    %dma_start3A_55 = arith.constant 4 : i32
    %dma_start3A_56 = arith.constant 0 : i32
    %dma_start3A_57 = arith.constant 0 : i32
    %dma_start3A_58 = tpu.memref_slice %arg8[%dma_start3A_55, %dma_start3A_56, %dma_start3A_57] : memref<16x128x16xf32, #tpu.memory_space<vmem>> -> memref<1x128x16xf32, #tpu.memory_space<vmem>>
    %dma_start3A_59 = tpu.memref_squeeze %dma_start3A_58 : memref<1x128x16xf32, #tpu.memory_space<vmem>> -> memref<128x16xf32, #tpu.memory_space<vmem>>
    %dma_start3A_60 = arith.constant 0 : i32
    %dma_start3A_61 = tpu.memref_slice %arg6[%dma_start3A_54, %dma_start3A_60] : memref<16x128xi32, #tpu.memory_space<vmem>> -> memref<1x128xi32, #tpu.memory_space<vmem>>
    %dma_start3A_62 = tpu.memref_squeeze %dma_start3A_61 : memref<1x128xi32, #tpu.memory_space<vmem>> -> memref<128xi32, #tpu.memory_space<vmem>>
    %dma_start3A_63 = arith.constant 0 : i32
    %dma_start3A_64 = arith.constant 0 : i32
    %dma_start3A_65 = tpu.memref_slice %arg3[%dma_start3A_63, %dma_start3A_64] : memref<1048576x16xf32, #tpu.memory_space<hbm>> -> memref<1048576x16xf32, #tpu.memory_space<hbm>>
    tpu.enqueue_indirect_dma source(%dma_start3A_65 : memref<1048576x16xf32, #tpu.memory_space<hbm>>) target(%dma_start3A_59 : memref<128x16xf32, #tpu.memory_space<vmem>>) offsets(%dma_start3A_62 : memref<128xi32, #tpu.memory_space<vmem>>) semaphore(%arg12 : memref<!tpu.dma_semaphore, #tpu.memory_space<semaphore_mem>>)
    %dma_start3A_66 = arith.constant 5 : i32
    %dma_start3A_67 = arith.constant 5 : i32
    %dma_start3A_68 = arith.constant 0 : i32
    %dma_start3A_69 = arith.constant 0 : i32
    %dma_start3A_70 = tpu.memref_slice %arg8[%dma_start3A_67, %dma_start3A_68, %dma_start3A_69] : memref<16x128x16xf32, #tpu.memory_space<vmem>> -> memref<1x128x16xf32, #tpu.memory_space<vmem>>
    %dma_start3A_71 = tpu.memref_squeeze %dma_start3A_70 : memref<1x128x16xf32, #tpu.memory_space<vmem>> -> memref<128x16xf32, #tpu.memory_space<vmem>>
    %dma_start3A_72 = arith.constant 0 : i32
    %dma_start3A_73 = tpu.memref_slice %arg6[%dma_start3A_66, %dma_start3A_72] : memref<16x128xi32, #tpu.memory_space<vmem>> -> memref<1x128xi32, #tpu.memory_space<vmem>>
    %dma_start3A_74 = tpu.memref_squeeze %dma_start3A_73 : memref<1x128xi32, #tpu.memory_space<vmem>> -> memref<128xi32, #tpu.memory_space<vmem>>
    %dma_start3A_75 = arith.constant 0 : i32
    %dma_start3A_76 = arith.constant 0 : i32
    %dma_start3A_77 = tpu.memref_slice %arg3[%dma_start3A_75, %dma_start3A_76] : memref<1048576x16xf32, #tpu.memory_space<hbm>> -> memref<1048576x16xf32, #tpu.memory_space<hbm>>
    tpu.enqueue_indirect_dma source(%dma_start3A_77 : memref<1048576x16xf32, #tpu.memory_space<hbm>>) target(%dma_start3A_71 : memref<128x16xf32, #tpu.memory_space<vmem>>) offsets(%dma_start3A_74 : memref<128xi32, #tpu.memory_space<vmem>>) semaphore(%arg12 : memref<!tpu.dma_semaphore, #tpu.memory_space<semaphore_mem>>)
    %dma_start3A_78 = arith.constant 6 : i32
    %dma_start3A_79 = arith.constant 6 : i32
    %dma_start3A_80 = arith.constant 0 : i32
    %dma_start3A_81 = arith.constant 0 : i32
    %dma_start3A_82 = tpu.memref_slice %arg8[%dma_start3A_79, %dma_start3A_80, %dma_start3A_81] : memref<16x128x16xf32, #tpu.memory_space<vmem>> -> memref<1x128x16xf32, #tpu.memory_space<vmem>>
    %dma_start3A_83 = tpu.memref_squeeze %dma_start3A_82 : memref<1x128x16xf32, #tpu.memory_space<vmem>> -> memref<128x16xf32, #tpu.memory_space<vmem>>
    %dma_start3A_84 = arith.constant 0 : i32
    %dma_start3A_85 = tpu.memref_slice %arg6[%dma_start3A_78, %dma_start3A_84] : memref<16x128xi32, #tpu.memory_space<vmem>> -> memref<1x128xi32, #tpu.memory_space<vmem>>
    %dma_start3A_86 = tpu.memref_squeeze %dma_start3A_85 : memref<1x128xi32, #tpu.memory_space<vmem>> -> memref<128xi32, #tpu.memory_space<vmem>>
    %dma_start3A_87 = arith.constant 0 : i32
    %dma_start3A_88 = arith.constant 0 : i32
    %dma_start3A_89 = tpu.memref_slice %arg3[%dma_start3A_87, %dma_start3A_88] : memref<1048576x16xf32, #tpu.memory_space<hbm>> -> memref<1048576x16xf32, #tpu.memory_space<hbm>>
    tpu.enqueue_indirect_dma source(%dma_start3A_89 : memref<1048576x16xf32, #tpu.memory_space<hbm>>) target(%dma_start3A_83 : memref<128x16xf32, #tpu.memory_space<vmem>>) offsets(%dma_start3A_86 : memref<128xi32, #tpu.memory_space<vmem>>) semaphore(%arg12 : memref<!tpu.dma_semaphore, #tpu.memory_space<semaphore_mem>>)
    %dma_start3A_90 = arith.constant 7 : i32
    %dma_start3A_91 = arith.constant 7 : i32
    %dma_start3A_92 = arith.constant 0 : i32
    %dma_start3A_93 = arith.constant 0 : i32
    %dma_start3A_94 = tpu.memref_slice %arg8[%dma_start3A_91, %dma_start3A_92, %dma_start3A_93] : memref<16x128x16xf32, #tpu.memory_space<vmem>> -> memref<1x128x16xf32, #tpu.memory_space<vmem>>
    %dma_start3A_95 = tpu.memref_squeeze %dma_start3A_94 : memref<1x128x16xf32, #tpu.memory_space<vmem>> -> memref<128x16xf32, #tpu.memory_space<vmem>>
    %dma_start3A_96 = arith.constant 0 : i32
    %dma_start3A_97 = tpu.memref_slice %arg6[%dma_start3A_90, %dma_start3A_96] : memref<16x128xi32, #tpu.memory_space<vmem>> -> memref<1x128xi32, #tpu.memory_space<vmem>>
    %dma_start3A_98 = tpu.memref_squeeze %dma_start3A_97 : memref<1x128xi32, #tpu.memory_space<vmem>> -> memref<128xi32, #tpu.memory_space<vmem>>
    %dma_start3A_99 = arith.constant 0 : i32
    %dma_start3A_100 = arith.constant 0 : i32
    %dma_start3A_101 = tpu.memref_slice %arg3[%dma_start3A_99, %dma_start3A_100] : memref<1048576x16xf32, #tpu.memory_space<hbm>> -> memref<1048576x16xf32, #tpu.memory_space<hbm>>
    tpu.enqueue_indirect_dma source(%dma_start3A_101 : memref<1048576x16xf32, #tpu.memory_space<hbm>>) target(%dma_start3A_95 : memref<128x16xf32, #tpu.memory_space<vmem>>) offsets(%dma_start3A_98 : memref<128xi32, #tpu.memory_space<vmem>>) semaphore(%arg12 : memref<!tpu.dma_semaphore, #tpu.memory_space<semaphore_mem>>)
    %dma_start3A_102 = arith.constant 8 : i32
    %dma_start3A_103 = arith.constant 8 : i32
    %dma_start3A_104 = arith.constant 0 : i32
    %dma_start3A_105 = arith.constant 0 : i32
    %dma_start3A_106 = tpu.memref_slice %arg8[%dma_start3A_103, %dma_start3A_104, %dma_start3A_105] : memref<16x128x16xf32, #tpu.memory_space<vmem>> -> memref<1x128x16xf32, #tpu.memory_space<vmem>>
    %dma_start3A_107 = tpu.memref_squeeze %dma_start3A_106 : memref<1x128x16xf32, #tpu.memory_space<vmem>> -> memref<128x16xf32, #tpu.memory_space<vmem>>
    %dma_start3A_108 = arith.constant 0 : i32
    %dma_start3A_109 = tpu.memref_slice %arg6[%dma_start3A_102, %dma_start3A_108] : memref<16x128xi32, #tpu.memory_space<vmem>> -> memref<1x128xi32, #tpu.memory_space<vmem>>
    %dma_start3A_110 = tpu.memref_squeeze %dma_start3A_109 : memref<1x128xi32, #tpu.memory_space<vmem>> -> memref<128xi32, #tpu.memory_space<vmem>>
    %dma_start3A_111 = arith.constant 0 : i32
    %dma_start3A_112 = arith.constant 0 : i32
    %dma_start3A_113 = tpu.memref_slice %arg3[%dma_start3A_111, %dma_start3A_112] : memref<1048576x16xf32, #tpu.memory_space<hbm>> -> memref<1048576x16xf32, #tpu.memory_space<hbm>>
    tpu.enqueue_indirect_dma source(%dma_start3A_113 : memref<1048576x16xf32, #tpu.memory_space<hbm>>) target(%dma_start3A_107 : memref<128x16xf32, #tpu.memory_space<vmem>>) offsets(%dma_start3A_110 : memref<128xi32, #tpu.memory_space<vmem>>) semaphore(%arg12 : memref<!tpu.dma_semaphore, #tpu.memory_space<semaphore_mem>>)
    %dma_start3A_114 = arith.constant 9 : i32
    %dma_start3A_115 = arith.constant 9 : i32
    %dma_start3A_116 = arith.constant 0 : i32
    %dma_start3A_117 = arith.constant 0 : i32
    %dma_start3A_118 = tpu.memref_slice %arg8[%dma_start3A_115, %dma_start3A_116, %dma_start3A_117] : memref<16x128x16xf32, #tpu.memory_space<vmem>> -> memref<1x128x16xf32, #tpu.memory_space<vmem>>
    %dma_start3A_119 = tpu.memref_squeeze %dma_start3A_118 : memref<1x128x16xf32, #tpu.memory_space<vmem>> -> memref<128x16xf32, #tpu.memory_space<vmem>>
    %dma_start3A_120 = arith.constant 0 : i32
    %dma_start3A_121 = tpu.memref_slice %arg6[%dma_start3A_114, %dma_start3A_120] : memref<16x128xi32, #tpu.memory_space<vmem>> -> memref<1x128xi32, #tpu.memory_space<vmem>>
    %dma_start3A_122 = tpu.memref_squeeze %dma_start3A_121 : memref<1x128xi32, #tpu.memory_space<vmem>> -> memref<128xi32, #tpu.memory_space<vmem>>
    %dma_start3A_123 = arith.constant 0 : i32
    %dma_start3A_124 = arith.constant 0 : i32
    %dma_start3A_125 = tpu.memref_slice %arg3[%dma_start3A_123, %dma_start3A_124] : memref<1048576x16xf32, #tpu.memory_space<hbm>> -> memref<1048576x16xf32, #tpu.memory_space<hbm>>
    tpu.enqueue_indirect_dma source(%dma_start3A_125 : memref<1048576x16xf32, #tpu.memory_space<hbm>>) target(%dma_start3A_119 : memref<128x16xf32, #tpu.memory_space<vmem>>) offsets(%dma_start3A_122 : memref<128xi32, #tpu.memory_space<vmem>>) semaphore(%arg12 : memref<!tpu.dma_semaphore, #tpu.memory_space<semaphore_mem>>)
    %dma_start3A_126 = arith.constant 10 : i32
    %dma_start3A_127 = arith.constant 10 : i32
    %dma_start3A_128 = arith.constant 0 : i32
    %dma_start3A_129 = arith.constant 0 : i32
    %dma_start3A_130 = tpu.memref_slice %arg8[%dma_start3A_127, %dma_start3A_128, %dma_start3A_129] : memref<16x128x16xf32, #tpu.memory_space<vmem>> -> memref<1x128x16xf32, #tpu.memory_space<vmem>>
    %dma_start3A_131 = tpu.memref_squeeze %dma_start3A_130 : memref<1x128x16xf32, #tpu.memory_space<vmem>> -> memref<128x16xf32, #tpu.memory_space<vmem>>
    %dma_start3A_132 = arith.constant 0 : i32
    %dma_start3A_133 = tpu.memref_slice %arg6[%dma_start3A_126, %dma_start3A_132] : memref<16x128xi32, #tpu.memory_space<vmem>> -> memref<1x128xi32, #tpu.memory_space<vmem>>
    %dma_start3A_134 = tpu.memref_squeeze %dma_start3A_133 : memref<1x128xi32, #tpu.memory_space<vmem>> -> memref<128xi32, #tpu.memory_space<vmem>>
    %dma_start3A_135 = arith.constant 0 : i32
    %dma_start3A_136 = arith.constant 0 : i32
    %dma_start3A_137 = tpu.memref_slice %arg3[%dma_start3A_135, %dma_start3A_136] : memref<1048576x16xf32, #tpu.memory_space<hbm>> -> memref<1048576x16xf32, #tpu.memory_space<hbm>>
    tpu.enqueue_indirect_dma source(%dma_start3A_137 : memref<1048576x16xf32, #tpu.memory_space<hbm>>) target(%dma_start3A_131 : memref<128x16xf32, #tpu.memory_space<vmem>>) offsets(%dma_start3A_134 : memref<128xi32, #tpu.memory_space<vmem>>) semaphore(%arg12 : memref<!tpu.dma_semaphore, #tpu.memory_space<semaphore_mem>>)
    %dma_start3A_138 = arith.constant 11 : i32
    %dma_start3A_139 = arith.constant 11 : i32
    %dma_start3A_140 = arith.constant 0 : i32
    %dma_start3A_141 = arith.constant 0 : i32
    %dma_start3A_142 = tpu.memref_slice %arg8[%dma_start3A_139, %dma_start3A_140, %dma_start3A_141] : memref<16x128x16xf32, #tpu.memory_space<vmem>> -> memref<1x128x16xf32, #tpu.memory_space<vmem>>
    %dma_start3A_143 = tpu.memref_squeeze %dma_start3A_142 : memref<1x128x16xf32, #tpu.memory_space<vmem>> -> memref<128x16xf32, #tpu.memory_space<vmem>>
    %dma_start3A_144 = arith.constant 0 : i32
    %dma_start3A_145 = tpu.memref_slice %arg6[%dma_start3A_138, %dma_start3A_144] : memref<16x128xi32, #tpu.memory_space<vmem>> -> memref<1x128xi32, #tpu.memory_space<vmem>>
    %dma_start3A_146 = tpu.memref_squeeze %dma_start3A_145 : memref<1x128xi32, #tpu.memory_space<vmem>> -> memref<128xi32, #tpu.memory_space<vmem>>
    %dma_start3A_147 = arith.constant 0 : i32
    %dma_start3A_148 = arith.constant 0 : i32
    %dma_start3A_149 = tpu.memref_slice %arg3[%dma_start3A_147, %dma_start3A_148] : memref<1048576x16xf32, #tpu.memory_space<hbm>> -> memref<1048576x16xf32, #tpu.memory_space<hbm>>
    tpu.enqueue_indirect_dma source(%dma_start3A_149 : memref<1048576x16xf32, #tpu.memory_space<hbm>>) target(%dma_start3A_143 : memref<128x16xf32, #tpu.memory_space<vmem>>) offsets(%dma_start3A_146 : memref<128xi32, #tpu.memory_space<vmem>>) semaphore(%arg12 : memref<!tpu.dma_semaphore, #tpu.memory_space<semaphore_mem>>)
    %dma_start3A_150 = arith.constant 12 : i32
    %dma_start3A_151 = arith.constant 12 : i32
    %dma_start3A_152 = arith.constant 0 : i32
    %dma_start3A_153 = arith.constant 0 : i32
    %dma_start3A_154 = tpu.memref_slice %arg8[%dma_start3A_151, %dma_start3A_152, %dma_start3A_153] : memref<16x128x16xf32, #tpu.memory_space<vmem>> -> memref<1x128x16xf32, #tpu.memory_space<vmem>>
    %dma_start3A_155 = tpu.memref_squeeze %dma_start3A_154 : memref<1x128x16xf32, #tpu.memory_space<vmem>> -> memref<128x16xf32, #tpu.memory_space<vmem>>
    %dma_start3A_156 = arith.constant 0 : i32
    %dma_start3A_157 = tpu.memref_slice %arg6[%dma_start3A_150, %dma_start3A_156] : memref<16x128xi32, #tpu.memory_space<vmem>> -> memref<1x128xi32, #tpu.memory_space<vmem>>
    %dma_start3A_158 = tpu.memref_squeeze %dma_start3A_157 : memref<1x128xi32, #tpu.memory_space<vmem>> -> memref<128xi32, #tpu.memory_space<vmem>>
    %dma_start3A_159 = arith.constant 0 : i32
    %dma_start3A_160 = arith.constant 0 : i32
    %dma_start3A_161 = tpu.memref_slice %arg3[%dma_start3A_159, %dma_start3A_160] : memref<1048576x16xf32, #tpu.memory_space<hbm>> -> memref<1048576x16xf32, #tpu.memory_space<hbm>>
    tpu.enqueue_indirect_dma source(%dma_start3A_161 : memref<1048576x16xf32, #tpu.memory_space<hbm>>) target(%dma_start3A_155 : memref<128x16xf32, #tpu.memory_space<vmem>>) offsets(%dma_start3A_158 : memref<128xi32, #tpu.memory_space<vmem>>) semaphore(%arg12 : memref<!tpu.dma_semaphore, #tpu.memory_space<semaphore_mem>>)
    %dma_start3A_162 = arith.constant 13 : i32
    %dma_start3A_163 = arith.constant 13 : i32
    %dma_start3A_164 = arith.constant 0 : i32
    %dma_start3A_165 = arith.constant 0 : i32
    %dma_start3A_166 = tpu.memref_slice %arg8[%dma_start3A_163, %dma_start3A_164, %dma_start3A_165] : memref<16x128x16xf32, #tpu.memory_space<vmem>> -> memref<1x128x16xf32, #tpu.memory_space<vmem>>
    %dma_start3A_167 = tpu.memref_squeeze %dma_start3A_166 : memref<1x128x16xf32, #tpu.memory_space<vmem>> -> memref<128x16xf32, #tpu.memory_space<vmem>>
    %dma_start3A_168 = arith.constant 0 : i32
    %dma_start3A_169 = tpu.memref_slice %arg6[%dma_start3A_162, %dma_start3A_168] : memref<16x128xi32, #tpu.memory_space<vmem>> -> memref<1x128xi32, #tpu.memory_space<vmem>>
    %dma_start3A_170 = tpu.memref_squeeze %dma_start3A_169 : memref<1x128xi32, #tpu.memory_space<vmem>> -> memref<128xi32, #tpu.memory_space<vmem>>
    %dma_start3A_171 = arith.constant 0 : i32
    %dma_start3A_172 = arith.constant 0 : i32
    %dma_start3A_173 = tpu.memref_slice %arg3[%dma_start3A_171, %dma_start3A_172] : memref<1048576x16xf32, #tpu.memory_space<hbm>> -> memref<1048576x16xf32, #tpu.memory_space<hbm>>
    tpu.enqueue_indirect_dma source(%dma_start3A_173 : memref<1048576x16xf32, #tpu.memory_space<hbm>>) target(%dma_start3A_167 : memref<128x16xf32, #tpu.memory_space<vmem>>) offsets(%dma_start3A_170 : memref<128xi32, #tpu.memory_space<vmem>>) semaphore(%arg12 : memref<!tpu.dma_semaphore, #tpu.memory_space<semaphore_mem>>)
    %dma_start3A_174 = arith.constant 14 : i32
    %dma_start3A_175 = arith.constant 14 : i32
    %dma_start3A_176 = arith.constant 0 : i32
    %dma_start3A_177 = arith.constant 0 : i32
    %dma_start3A_178 = tpu.memref_slice %arg8[%dma_start3A_175, %dma_start3A_176, %dma_start3A_177] : memref<16x128x16xf32, #tpu.memory_space<vmem>> -> memref<1x128x16xf32, #tpu.memory_space<vmem>>
    %dma_start3A_179 = tpu.memref_squeeze %dma_start3A_178 : memref<1x128x16xf32, #tpu.memory_space<vmem>> -> memref<128x16xf32, #tpu.memory_space<vmem>>
    %dma_start3A_180 = arith.constant 0 : i32
    %dma_start3A_181 = tpu.memref_slice %arg6[%dma_start3A_174, %dma_start3A_180] : memref<16x128xi32, #tpu.memory_space<vmem>> -> memref<1x128xi32, #tpu.memory_space<vmem>>
    %dma_start3A_182 = tpu.memref_squeeze %dma_start3A_181 : memref<1x128xi32, #tpu.memory_space<vmem>> -> memref<128xi32, #tpu.memory_space<vmem>>
    %dma_start3A_183 = arith.constant 0 : i32
    %dma_start3A_184 = arith.constant 0 : i32
    %dma_start3A_185 = tpu.memref_slice %arg3[%dma_start3A_183, %dma_start3A_184] : memref<1048576x16xf32, #tpu.memory_space<hbm>> -> memref<1048576x16xf32, #tpu.memory_space<hbm>>
    tpu.enqueue_indirect_dma source(%dma_start3A_185 : memref<1048576x16xf32, #tpu.memory_space<hbm>>) target(%dma_start3A_179 : memref<128x16xf32, #tpu.memory_space<vmem>>) offsets(%dma_start3A_182 : memref<128xi32, #tpu.memory_space<vmem>>) semaphore(%arg12 : memref<!tpu.dma_semaphore, #tpu.memory_space<semaphore_mem>>)
    %dma_start3A_186 = arith.constant 15 : i32
    %dma_start3A_187 = arith.constant 15 : i32
    %dma_start3A_188 = arith.constant 0 : i32
    %dma_start3A_189 = arith.constant 0 : i32
    %dma_start3A_190 = tpu.memref_slice %arg8[%dma_start3A_187, %dma_start3A_188, %dma_start3A_189] : memref<16x128x16xf32, #tpu.memory_space<vmem>> -> memref<1x128x16xf32, #tpu.memory_space<vmem>>
    %dma_start3A_191 = tpu.memref_squeeze %dma_start3A_190 : memref<1x128x16xf32, #tpu.memory_space<vmem>> -> memref<128x16xf32, #tpu.memory_space<vmem>>
    %dma_start3A_192 = arith.constant 0 : i32
    %dma_start3A_193 = tpu.memref_slice %arg6[%dma_start3A_186, %dma_start3A_192] : memref<16x128xi32, #tpu.memory_space<vmem>> -> memref<1x128xi32, #tpu.memory_space<vmem>>
    %dma_start3A_194 = tpu.memref_squeeze %dma_start3A_193 : memref<1x128xi32, #tpu.memory_space<vmem>> -> memref<128xi32, #tpu.memory_space<vmem>>
    %dma_start3A_195 = arith.constant 0 : i32
    %dma_start3A_196 = arith.constant 0 : i32
    %dma_start3A_197 = tpu.memref_slice %arg3[%dma_start3A_195, %dma_start3A_196] : memref<1048576x16xf32, #tpu.memory_space<hbm>> -> memref<1048576x16xf32, #tpu.memory_space<hbm>>
    tpu.enqueue_indirect_dma source(%dma_start3A_197 : memref<1048576x16xf32, #tpu.memory_space<hbm>>) target(%dma_start3A_191 : memref<128x16xf32, #tpu.memory_space<vmem>>) offsets(%dma_start3A_194 : memref<128xi32, #tpu.memory_space<vmem>>) semaphore(%arg12 : memref<!tpu.dma_semaphore, #tpu.memory_space<semaphore_mem>>)
    %scan3A_198 = arith.constant 0 : i32
    %scan3A_199 = arith.constant 8 : i32
    %scan3A_200 = arith.addi %scan3A_198, %scan3A_199 : i32
    %scan3A_201 = arith.constant 1 : i32
    scf.for %scan3A_411 = %scan3A_198 to %scan3A_200 step %scan3A_201  : i32 {
      %mul3A_412 = arith.constant 1 : i32
      %mul3A_413 = arith.muli %scan3A_411, %mul3A_412 : i32
      %add3A_414 = arith.constant 0 : i32
      %add3A_415 = arith.addi %add3A_414, %mul3A_413 : i32
      %mul3A_416 = arith.constant 16 : i32
      %mul3A_417 = arith.muli %add3A_415, %mul3A_416 : i32
      %get3A = arith.constant 1 : i32
      %get3A_418 = arith.constant 0 : i32
      %get3A_419 = arith.index_cast %get3A : i32 to index
      %get3A_420 = arith.index_cast %get3A_418 : i32 to index
      %get3A_421 = arith.index_cast %mul3A_417 : i32 to index
      %get3A_422 = tpu.vector_load %arg5[%get3A_419, %get3A_420, %get3A_421] {strides = array<i32>} : memref<32x2x128xi32, #tpu.memory_space<vmem>>, vector<16xi32>,
      %mul3A_423 = arith.constant 16 : i32
      %mul3A_424 = arith.muli %add3A_415, %mul3A_423 : i32
      %get3A_425 = arith.constant 1 : i32
      %get3A_426 = arith.constant 1 : i32
      %get3A_427 = arith.index_cast %get3A_425 : i32 to index
      %get3A_428 = arith.index_cast %get3A_426 : i32 to index
      %get3A_429 = arith.index_cast %mul3A_424 : i32 to index
      %get3A_430 = tpu.vector_load %arg5[%get3A_427, %get3A_428, %get3A_429] {strides = array<i32>} : memref<32x2x128xi32, #tpu.memory_space<vmem>>, vector<16xi32>,
      %mul3A_431 = arith.constant 1024 : i32
      %mul3A_432 = vector.broadcast %mul3A_431 : i32 to vector<16xi32>
      %mul3A_433 = arith.muli %get3A_422, %mul3A_432 : vector<16xi32>
      %shift_right_logical3A = arith.constant 7 : i32
      %shift_right_logical3A_434 = vector.broadcast %shift_right_logical3A : i32 to vector<16xi32>
      %shift_right_logical3A_435 = arith.shrui %get3A_430, %shift_right_logical3A_434 : vector<16xi32>
      %mul3A_436 = arith.constant 64 : i32
      %mul3A_437 = vector.broadcast %mul3A_436 : i32 to vector<16xi32>
      %mul3A_438 = arith.muli %shift_right_logical3A_435, %mul3A_437 : vector<16xi32>
      %add3A_439 = arith.addi %mul3A_433, %mul3A_438 : vector<16xi32>
      %shift_right_logical3A_440 = arith.constant 4 : i32
      %shift_right_logical3A_441 = vector.broadcast %shift_right_logical3A_440 : i32 to vector<16xi32>
      %shift_right_logical3A_442 = arith.shrui %get3A_430, %shift_right_logical3A_441 : vector<16xi32>
      %and3A = arith.constant 7 : i32
      %and3A_443 = vector.broadcast %and3A : i32 to vector<16xi32>
      %and3A_444 = arith.andi %shift_right_logical3A_442, %and3A_443 : vector<16xi32>
      %add3A_445 = arith.addi %add3A_439, %and3A_444 : vector<16xi32>
      %add3A_446 = arith.constant 0 : i32
      %add3A_447 = vector.broadcast %add3A_446 : i32 to vector<16xi32>
      %add3A_448 = arith.addi %add3A_445, %add3A_447 : vector<16xi32>
      %add3A_449 = arith.constant 0 : i32
      %add3A_450 = vector.broadcast %add3A_449 : i32 to vector<16xi32>
      %add3A_451 = arith.addi %add3A_448, %add3A_450 : vector<16xi32>
      %mul3A_452 = arith.constant 16 : i32
      %mul3A_453 = arith.muli %add3A_415, %mul3A_452 : i32
      %swap3A = arith.constant 0 : i32
      %swap3A_454 = arith.index_cast %swap3A : i32 to index
      %swap3A_455 = arith.index_cast %mul3A_453 : i32 to index
      %swap3A_456 = tpu.vector_load %arg7[%swap3A_454, %swap3A_455] {strides = array<i32>} : memref<16x128xi32, #tpu.memory_space<vmem>>, vector<16xi32>,
      tpu.vector_store %arg7[%swap3A_454, %swap3A_455], %add3A_451 {strides = array<i32>} : memref<16x128xi32, #tpu.memory_space<vmem>>, vector<16xi32>,
      %add3A_457 = arith.constant 0 : i32
      %add3A_458 = vector.broadcast %add3A_457 : i32 to vector<16xi32>
      %add3A_459 = arith.addi %add3A_445, %add3A_458 : vector<16xi32>
      %add3A_460 = arith.constant 8 : i32
      %add3A_461 = vector.broadcast %add3A_460 : i32 to vector<16xi32>
      %add3A_462 = arith.addi %add3A_459, %add3A_461 : vector<16xi32>
      %mul3A_463 = arith.constant 16 : i32
      %mul3A_464 = arith.muli %add3A_415, %mul3A_463 : i32
      %swap3A_465 = arith.constant 1 : i32
      %swap3A_466 = arith.index_cast %swap3A_465 : i32 to index
      %swap3A_467 = arith.index_cast %mul3A_464 : i32 to index
      %swap3A_468 = tpu.vector_load %arg7[%swap3A_466, %swap3A_467] {strides = array<i32>} : memref<16x128xi32, #tpu.memory_space<vmem>>, vector<16xi32>,
      tpu.vector_store %arg7[%swap3A_466, %swap3A_467], %add3A_462 {strides = array<i32>} : memref<16x128xi32, #tpu.memory_space<vmem>>, vector<16xi32>,
      %add3A_469 = arith.constant 0 : i32
      %add3A_470 = vector.broadcast %add3A_469 : i32 to vector<16xi32>
      %add3A_471 = arith.addi %add3A_445, %add3A_470 : vector<16xi32>
      %add3A_472 = arith.constant 16 : i32
      %add3A_473 = vector.broadcast %add3A_472 : i32 to vector<16xi32>
      %add3A_474 = arith.addi %add3A_471, %add3A_473 : vector<16xi32>
      %mul3A_475 = arith.constant 16 : i32
      %mul3A_476 = arith.muli %add3A_415, %mul3A_475 : i32
      %swap3A_477 = arith.constant 2 : i32
      %swap3A_478 = arith.index_cast %swap3A_477 : i32 to index
      %swap3A_479 = arith.index_cast %mul3A_476 : i32 to index
      %swap3A_480 = tpu.vector_load %arg7[%swap3A_478, %swap3A_479] {strides = array<i32>} : memref<16x128xi32, #tpu.memory_space<vmem>>, vector<16xi32>,
      tpu.vector_store %arg7[%swap3A_478, %swap3A_479], %add3A_474 {strides = array<i32>} : memref<16x128xi32, #tpu.memory_space<vmem>>, vector<16xi32>,
      %add3A_481 = arith.constant 0 : i32
      %add3A_482 = vector.broadcast %add3A_481 : i32 to vector<16xi32>
      %add3A_483 = arith.addi %add3A_445, %add3A_482 : vector<16xi32>
      %add3A_484 = arith.constant 24 : i32
      %add3A_485 = vector.broadcast %add3A_484 : i32 to vector<16xi32>
      %add3A_486 = arith.addi %add3A_483, %add3A_485 : vector<16xi32>
      %mul3A_487 = arith.constant 16 : i32
      %mul3A_488 = arith.muli %add3A_415, %mul3A_487 : i32
      %swap3A_489 = arith.constant 3 : i32
      %swap3A_490 = arith.index_cast %swap3A_489 : i32 to index
      %swap3A_491 = arith.index_cast %mul3A_488 : i32 to index
      %swap3A_492 = tpu.vector_load %arg7[%swap3A_490, %swap3A_491] {strides = array<i32>} : memref<16x128xi32, #tpu.memory_space<vmem>>, vector<16xi32>,
      tpu.vector_store %arg7[%swap3A_490, %swap3A_491], %add3A_486 {strides = array<i32>} : memref<16x128xi32, #tpu.memory_space<vmem>>, vector<16xi32>,
      %add3A_493 = arith.constant 0 : i32
      %add3A_494 = vector.broadcast %add3A_493 : i32 to vector<16xi32>
      %add3A_495 = arith.addi %add3A_445, %add3A_494 : vector<16xi32>
      %add3A_496 = arith.constant 32 : i32
      %add3A_497 = vector.broadcast %add3A_496 : i32 to vector<16xi32>
      %add3A_498 = arith.addi %add3A_495, %add3A_497 : vector<16xi32>
      %mul3A_499 = arith.constant 16 : i32
      %mul3A_500 = arith.muli %add3A_415, %mul3A_499 : i32
      %swap3A_501 = arith.constant 4 : i32
      %swap3A_502 = arith.index_cast %swap3A_501 : i32 to index
      %swap3A_503 = arith.index_cast %mul3A_500 : i32 to index
      %swap3A_504 = tpu.vector_load %arg7[%swap3A_502, %swap3A_503] {strides = array<i32>} : memref<16x128xi32, #tpu.memory_space<vmem>>, vector<16xi32>,
      tpu.vector_store %arg7[%swap3A_502, %swap3A_503], %add3A_498 {strides = array<i32>} : memref<16x128xi32, #tpu.memory_space<vmem>>, vector<16xi32>,
      %add3A_505 = arith.constant 0 : i32
      %add3A_506 = vector.broadcast %add3A_505 : i32 to vector<16xi32>
      %add3A_507 = arith.addi %add3A_445, %add3A_506 : vector<16xi32>
      %add3A_508 = arith.constant 40 : i32
      %add3A_509 = vector.broadcast %add3A_508 : i32 to vector<16xi32>
      %add3A_510 = arith.addi %add3A_507, %add3A_509 : vector<16xi32>
      %mul3A_511 = arith.constant 16 : i32
      %mul3A_512 = arith.muli %add3A_415, %mul3A_511 : i32
      %swap3A_513 = arith.constant 5 : i32
      %swap3A_514 = arith.index_cast %swap3A_513 : i32 to index
      %swap3A_515 = arith.index_cast %mul3A_512 : i32 to index
      %swap3A_516 = tpu.vector_load %arg7[%swap3A_514, %swap3A_515] {strides = array<i32>} : memref<16x128xi32, #tpu.memory_space<vmem>>, vector<16xi32>,
      tpu.vector_store %arg7[%swap3A_514, %swap3A_515], %add3A_510 {strides = array<i32>} : memref<16x128xi32, #tpu.memory_space<vmem>>, vector<16xi32>,
      %add3A_517 = arith.constant 0 : i32
      %add3A_518 = vector.broadcast %add3A_517 : i32 to vector<16xi32>
      %add3A_519 = arith.addi %add3A_445, %add3A_518 : vector<16xi32>
      %add3A_520 = arith.constant 48 : i32
      %add3A_521 = vector.broadcast %add3A_520 : i32 to vector<16xi32>
      %add3A_522 = arith.addi %add3A_519, %add3A_521 : vector<16xi32>
      %mul3A_523 = arith.constant 16 : i32
      %mul3A_524 = arith.muli %add3A_415, %mul3A_523 : i32
      %swap3A_525 = arith.constant 6 : i32
      %swap3A_526 = arith.index_cast %swap3A_525 : i32 to index
      %swap3A_527 = arith.index_cast %mul3A_524 : i32 to index
      %swap3A_528 = tpu.vector_load %arg7[%swap3A_526, %swap3A_527] {strides = array<i32>} : memref<16x128xi32, #tpu.memory_space<vmem>>, vector<16xi32>,
      tpu.vector_store %arg7[%swap3A_526, %swap3A_527], %add3A_522 {strides = array<i32>} : memref<16x128xi32, #tpu.memory_space<vmem>>, vector<16xi32>,
      %add3A_529 = arith.constant 0 : i32
      %add3A_530 = vector.broadcast %add3A_529 : i32 to vector<16xi32>
      %add3A_531 = arith.addi %add3A_445, %add3A_530 : vector<16xi32>
      %add3A_532 = arith.constant 56 : i32
      %add3A_533 = vector.broadcast %add3A_532 : i32 to vector<16xi32>
      %add3A_534 = arith.addi %add3A_531, %add3A_533 : vector<16xi32>
      %mul3A_535 = arith.constant 16 : i32
      %mul3A_536 = arith.muli %add3A_415, %mul3A_535 : i32
      %swap3A_537 = arith.constant 7 : i32
      %swap3A_538 = arith.index_cast %swap3A_537 : i32 to index
      %swap3A_539 = arith.index_cast %mul3A_536 : i32 to index
      %swap3A_540 = tpu.vector_load %arg7[%swap3A_538, %swap3A_539] {strides = array<i32>} : memref<16x128xi32, #tpu.memory_space<vmem>>, vector<16xi32>,
      tpu.vector_store %arg7[%swap3A_538, %swap3A_539], %add3A_534 {strides = array<i32>} : memref<16x128xi32, #tpu.memory_space<vmem>>, vector<16xi32>,
      %add3A_541 = arith.constant 512 : i32
      %add3A_542 = vector.broadcast %add3A_541 : i32 to vector<16xi32>
      %add3A_543 = arith.addi %add3A_445, %add3A_542 : vector<16xi32>
      %add3A_544 = arith.constant 0 : i32
      %add3A_545 = vector.broadcast %add3A_544 : i32 to vector<16xi32>
      %add3A_546 = arith.addi %add3A_543, %add3A_545 : vector<16xi32>
      %mul3A_547 = arith.constant 16 : i32
      %mul3A_548 = arith.muli %add3A_415, %mul3A_547 : i32
      %swap3A_549 = arith.constant 8 : i32
      %swap3A_550 = arith.index_cast %swap3A_549 : i32 to index
      %swap3A_551 = arith.index_cast %mul3A_548 : i32 to index
      %swap3A_552 = tpu.vector_load %arg7[%swap3A_550, %swap3A_551] {strides = array<i32>} : memref<16x128xi32, #tpu.memory_space<vmem>>, vector<16xi32>,
      tpu.vector_store %arg7[%swap3A_550, %swap3A_551], %add3A_546 {strides = array<i32>} : memref<16x128xi32, #tpu.memory_space<vmem>>, vector<16xi32>,
      %add3A_553 = arith.constant 512 : i32
      %add3A_554 = vector.broadcast %add3A_553 : i32 to vector<16xi32>
      %add3A_555 = arith.addi %add3A_445, %add3A_554 : vector<16xi32>
      %add3A_556 = arith.constant 8 : i32
      %add3A_557 = vector.broadcast %add3A_556 : i32 to vector<16xi32>
      %add3A_558 = arith.addi %add3A_555, %add3A_557 : vector<16xi32>
      %mul3A_559 = arith.constant 16 : i32
      %mul3A_560 = arith.muli %add3A_415, %mul3A_559 : i32
      %swap3A_561 = arith.constant 9 : i32
      %swap3A_562 = arith.index_cast %swap3A_561 : i32 to index
      %swap3A_563 = arith.index_cast %mul3A_560 : i32 to index
      %swap3A_564 = tpu.vector_load %arg7[%swap3A_562, %swap3A_563] {strides = array<i32>} : memref<16x128xi32, #tpu.memory_space<vmem>>, vector<16xi32>,
      tpu.vector_store %arg7[%swap3A_562, %swap3A_563], %add3A_558 {strides = array<i32>} : memref<16x128xi32, #tpu.memory_space<vmem>>, vector<16xi32>,
      %add3A_565 = arith.constant 512 : i32
      %add3A_566 = vector.broadcast %add3A_565 : i32 to vector<16xi32>
      %add3A_567 = arith.addi %add3A_445, %add3A_566 : vector<16xi32>
      %add3A_568 = arith.constant 16 : i32
      %add3A_569 = vector.broadcast %add3A_568 : i32 to vector<16xi32>
      %add3A_570 = arith.addi %add3A_567, %add3A_569 : vector<16xi32>
      %mul3A_571 = arith.constant 16 : i32
      %mul3A_572 = arith.muli %add3A_415, %mul3A_571 : i32
      %swap3A_573 = arith.constant 10 : i32
      %swap3A_574 = arith.index_cast %swap3A_573 : i32 to index
      %swap3A_575 = arith.index_cast %mul3A_572 : i32 to index
      %swap3A_576 = tpu.vector_load %arg7[%swap3A_574, %swap3A_575] {strides = array<i32>} : memref<16x128xi32, #tpu.memory_space<vmem>>, vector<16xi32>,
      tpu.vector_store %arg7[%swap3A_574, %swap3A_575], %add3A_570 {strides = array<i32>} : memref<16x128xi32, #tpu.memory_space<vmem>>, vector<16xi32>,
      %add3A_577 = arith.constant 512 : i32
      %add3A_578 = vector.broadcast %add3A_577 : i32 to vector<16xi32>
      %add3A_579 = arith.addi %add3A_445, %add3A_578 : vector<16xi32>
      %add3A_580 = arith.constant 24 : i32
      %add3A_581 = vector.broadcast %add3A_580 : i32 to vector<16xi32>
      %add3A_582 = arith.addi %add3A_579, %add3A_581 : vector<16xi32>
      %mul3A_583 = arith.constant 16 : i32
      %mul3A_584 = arith.muli %add3A_415, %mul3A_583 : i32
      %swap3A_585 = arith.constant 11 : i32
      %swap3A_586 = arith.index_cast %swap3A_585 : i32 to index
      %swap3A_587 = arith.index_cast %mul3A_584 : i32 to index
      %swap3A_588 = tpu.vector_load %arg7[%swap3A_586, %swap3A_587] {strides = array<i32>} : memref<16x128xi32, #tpu.memory_space<vmem>>, vector<16xi32>,
      tpu.vector_store %arg7[%swap3A_586, %swap3A_587], %add3A_582 {strides = array<i32>} : memref<16x128xi32, #tpu.memory_space<vmem>>, vector<16xi32>,
      %add3A_589 = arith.constant 512 : i32
      %add3A_590 = vector.broadcast %add3A_589 : i32 to vector<16xi32>
      %add3A_591 = arith.addi %add3A_445, %add3A_590 : vector<16xi32>
      %add3A_592 = arith.constant 32 : i32
      %add3A_593 = vector.broadcast %add3A_592 : i32 to vector<16xi32>
      %add3A_594 = arith.addi %add3A_591, %add3A_593 : vector<16xi32>
      %mul3A_595 = arith.constant 16 : i32
      %mul3A_596 = arith.muli %add3A_415, %mul3A_595 : i32
      %swap3A_597 = arith.constant 12 : i32
      %swap3A_598 = arith.index_cast %swap3A_597 : i32 to index
      %swap3A_599 = arith.index_cast %mul3A_596 : i32 to index
      %swap3A_600 = tpu.vector_load %arg7[%swap3A_598, %swap3A_599] {strides = array<i32>} : memref<16x128xi32, #tpu.memory_space<vmem>>, vector<16xi32>,
      tpu.vector_store %arg7[%swap3A_598, %swap3A_599], %add3A_594 {strides = array<i32>} : memref<16x128xi32, #tpu.memory_space<vmem>>, vector<16xi32>,
      %add3A_601 = arith.constant 512 : i32
      %add3A_602 = vector.broadcast %add3A_601 : i32 to vector<16xi32>
      %add3A_603 = arith.addi %add3A_445, %add3A_602 : vector<16xi32>
      %add3A_604 = arith.constant 40 : i32
      %add3A_605 = vector.broadcast %add3A_604 : i32 to vector<16xi32>
      %add3A_606 = arith.addi %add3A_603, %add3A_605 : vector<16xi32>
      %mul3A_607 = arith.constant 16 : i32
      %mul3A_608 = arith.muli %add3A_415, %mul3A_607 : i32
      %swap3A_609 = arith.constant 13 : i32
      %swap3A_610 = arith.index_cast %swap3A_609 : i32 to index
      %swap3A_611 = arith.index_cast %mul3A_608 : i32 to index
      %swap3A_612 = tpu.vector_load %arg7[%swap3A_610, %swap3A_611] {strides = array<i32>} : memref<16x128xi32, #tpu.memory_space<vmem>>, vector<16xi32>,
      tpu.vector_store %arg7[%swap3A_610, %swap3A_611], %add3A_606 {strides = array<i32>} : memref<16x128xi32, #tpu.memory_space<vmem>>, vector<16xi32>,
      %add3A_613 = arith.constant 512 : i32
      %add3A_614 = vector.broadcast %add3A_613 : i32 to vector<16xi32>
      %add3A_615 = arith.addi %add3A_445, %add3A_614 : vector<16xi32>
      %add3A_616 = arith.constant 48 : i32
      %add3A_617 = vector.broadcast %add3A_616 : i32 to vector<16xi32>
      %add3A_618 = arith.addi %add3A_615, %add3A_617 : vector<16xi32>
      %mul3A_619 = arith.constant 16 : i32
      %mul3A_620 = arith.muli %add3A_415, %mul3A_619 : i32
      %swap3A_621 = arith.constant 14 : i32
      %swap3A_622 = arith.index_cast %swap3A_621 : i32 to index
      %swap3A_623 = arith.index_cast %mul3A_620 : i32 to index
      %swap3A_624 = tpu.vector_load %arg7[%swap3A_622, %swap3A_623] {strides = array<i32>} : memref<16x128xi32, #tpu.memory_space<vmem>>, vector<16xi32>,
      tpu.vector_store %arg7[%swap3A_622, %swap3A_623], %add3A_618 {strides = array<i32>} : memref<16x128xi32, #tpu.memory_space<vmem>>, vector<16xi32>,
      %add3A_625 = arith.constant 512 : i32
      %add3A_626 = vector.broadcast %add3A_625 : i32 to vector<16xi32>
      %add3A_627 = arith.addi %add3A_445, %add3A_626 : vector<16xi32>
      %add3A_628 = arith.constant 56 : i32
      %add3A_629 = vector.broadcast %add3A_628 : i32 to vector<16xi32>
      %add3A_630 = arith.addi %add3A_627, %add3A_629 : vector<16xi32>
      %mul3A_631 = arith.constant 16 : i32
      %mul3A_632 = arith.muli %add3A_415, %mul3A_631 : i32
      %swap3A_633 = arith.constant 15 : i32
      %swap3A_634 = arith.index_cast %swap3A_633 : i32 to index
      %swap3A_635 = arith.index_cast %mul3A_632 : i32 to index
      %swap3A_636 = tpu.vector_load %arg7[%swap3A_634, %swap3A_635] {strides = array<i32>} : memref<16x128xi32, #tpu.memory_space<vmem>>, vector<16xi32>,
      tpu.vector_store %arg7[%swap3A_634, %swap3A_635], %add3A_630 {strides = array<i32>} : memref<16x128xi32, #tpu.memory_space<vmem>>, vector<16xi32>,
    }
    %scan3A_202 = arith.constant 8 : i32
    %dma_start3A_203 = arith.constant 0 : i32
    %dma_start3A_204 = arith.constant 0 : i32
    %dma_start3A_205 = arith.constant 0 : i32
    %dma_start3A_206 = arith.constant 0 : i32
    %dma_start3A_207 = tpu.memref_slice %arg9[%dma_start3A_204, %dma_start3A_205, %dma_start3A_206] : memref<16x128x16xf32, #tpu.memory_space<vmem>> -> memref<1x128x16xf32, #tpu.memory_space<vmem>>
    %dma_start3A_208 = tpu.memref_squeeze %dma_start3A_207 : memref<1x128x16xf32, #tpu.memory_space<vmem>> -> memref<128x16xf32, #tpu.memory_space<vmem>>
    %dma_start3A_209 = arith.constant 0 : i32
    %dma_start3A_210 = tpu.memref_slice %arg7[%dma_start3A_203, %dma_start3A_209] : memref<16x128xi32, #tpu.memory_space<vmem>> -> memref<1x128xi32, #tpu.memory_space<vmem>>
    %dma_start3A_211 = tpu.memref_squeeze %dma_start3A_210 : memref<1x128xi32, #tpu.memory_space<vmem>> -> memref<128xi32, #tpu.memory_space<vmem>>
    %dma_start3A_212 = arith.constant 0 : i32
    %dma_start3A_213 = arith.constant 0 : i32
    %dma_start3A_214 = tpu.memref_slice %arg3[%dma_start3A_212, %dma_start3A_213] : memref<1048576x16xf32, #tpu.memory_space<hbm>> -> memref<1048576x16xf32, #tpu.memory_space<hbm>>
    tpu.enqueue_indirect_dma source(%dma_start3A_214 : memref<1048576x16xf32, #tpu.memory_space<hbm>>) target(%dma_start3A_208 : memref<128x16xf32, #tpu.memory_space<vmem>>) offsets(%dma_start3A_211 : memref<128xi32, #tpu.memory_space<vmem>>) semaphore(%arg13 : memref<!tpu.dma_semaphore, #tpu.memory_space<semaphore_mem>>)
    %dma_start3A_215 = arith.constant 1 : i32
    %dma_start3A_216 = arith.constant 1 : i32
    %dma_start3A_217 = arith.constant 0 : i32
    %dma_start3A_218 = arith.constant 0 : i32
    %dma_start3A_219 = tpu.memref_slice %arg9[%dma_start3A_216, %dma_start3A_217, %dma_start3A_218] : memref<16x128x16xf32, #tpu.memory_space<vmem>> -> memref<1x128x16xf32, #tpu.memory_space<vmem>>
    %dma_start3A_220 = tpu.memref_squeeze %dma_start3A_219 : memref<1x128x16xf32, #tpu.memory_space<vmem>> -> memref<128x16xf32, #tpu.memory_space<vmem>>
    %dma_start3A_221 = arith.constant 0 : i32
    %dma_start3A_222 = tpu.memref_slice %arg7[%dma_start3A_215, %dma_start3A_221] : memref<16x128xi32, #tpu.memory_space<vmem>> -> memref<1x128xi32, #tpu.memory_space<vmem>>
    %dma_start3A_223 = tpu.memref_squeeze %dma_start3A_222 : memref<1x128xi32, #tpu.memory_space<vmem>> -> memref<128xi32, #tpu.memory_space<vmem>>
    %dma_start3A_224 = arith.constant 0 : i32
    %dma_start3A_225 = arith.constant 0 : i32
    %dma_start3A_226 = tpu.memref_slice %arg3[%dma_start3A_224, %dma_start3A_225] : memref<1048576x16xf32, #tpu.memory_space<hbm>> -> memref<1048576x16xf32, #tpu.memory_space<hbm>>
    tpu.enqueue_indirect_dma source(%dma_start3A_226 : memref<1048576x16xf32, #tpu.memory_space<hbm>>) target(%dma_start3A_220 : memref<128x16xf32, #tpu.memory_space<vmem>>) offsets(%dma_start3A_223 : memref<128xi32, #tpu.memory_space<vmem>>) semaphore(%arg13 : memref<!tpu.dma_semaphore, #tpu.memory_space<semaphore_mem>>)
    %dma_start3A_227 = arith.constant 2 : i32
    %dma_start3A_228 = arith.constant 2 : i32
    %dma_start3A_229 = arith.constant 0 : i32
    %dma_start3A_230 = arith.constant 0 : i32
    %dma_start3A_231 = tpu.memref_slice %arg9[%dma_start3A_228, %dma_start3A_229, %dma_start3A_230] : memref<16x128x16xf32, #tpu.memory_space<vmem>> -> memref<1x128x16xf32, #tpu.memory_space<vmem>>
    %dma_start3A_232 = tpu.memref_squeeze %dma_start3A_231 : memref<1x128x16xf32, #tpu.memory_space<vmem>> -> memref<128x16xf32, #tpu.memory_space<vmem>>
    %dma_start3A_233 = arith.constant 0 : i32
    %dma_start3A_234 = tpu.memref_slice %arg7[%dma_start3A_227, %dma_start3A_233] : memref<16x128xi32, #tpu.memory_space<vmem>> -> memref<1x128xi32, #tpu.memory_space<vmem>>
    %dma_start3A_235 = tpu.memref_squeeze %dma_start3A_234 : memref<1x128xi32, #tpu.memory_space<vmem>> -> memref<128xi32, #tpu.memory_space<vmem>>
    %dma_start3A_236 = arith.constant 0 : i32
    %dma_start3A_237 = arith.constant 0 : i32
    %dma_start3A_238 = tpu.memref_slice %arg3[%dma_start3A_236, %dma_start3A_237] : memref<1048576x16xf32, #tpu.memory_space<hbm>> -> memref<1048576x16xf32, #tpu.memory_space<hbm>>
    tpu.enqueue_indirect_dma source(%dma_start3A_238 : memref<1048576x16xf32, #tpu.memory_space<hbm>>) target(%dma_start3A_232 : memref<128x16xf32, #tpu.memory_space<vmem>>) offsets(%dma_start3A_235 : memref<128xi32, #tpu.memory_space<vmem>>) semaphore(%arg13 : memref<!tpu.dma_semaphore, #tpu.memory_space<semaphore_mem>>)
    %dma_start3A_239 = arith.constant 3 : i32
    %dma_start3A_240 = arith.constant 3 : i32
    %dma_start3A_241 = arith.constant 0 : i32
    %dma_start3A_242 = arith.constant 0 : i32
    %dma_start3A_243 = tpu.memref_slice %arg9[%dma_start3A_240, %dma_start3A_241, %dma_start3A_242] : memref<16x128x16xf32, #tpu.memory_space<vmem>> -> memref<1x128x16xf32, #tpu.memory_space<vmem>>
    %dma_start3A_244 = tpu.memref_squeeze %dma_start3A_243 : memref<1x128x16xf32, #tpu.memory_space<vmem>> -> memref<128x16xf32, #tpu.memory_space<vmem>>
    %dma_start3A_245 = arith.constant 0 : i32
    %dma_start3A_246 = tpu.memref_slice %arg7[%dma_start3A_239, %dma_start3A_245] : memref<16x128xi32, #tpu.memory_space<vmem>> -> memref<1x128xi32, #tpu.memory_space<vmem>>
    %dma_start3A_247 = tpu.memref_squeeze %dma_start3A_246 : memref<1x128xi32, #tpu.memory_space<vmem>> -> memref<128xi32, #tpu.memory_space<vmem>>
    %dma_start3A_248 = arith.constant 0 : i32
    %dma_start3A_249 = arith.constant 0 : i32
    %dma_start3A_250 = tpu.memref_slice %arg3[%dma_start3A_248, %dma_start3A_249] : memref<1048576x16xf32, #tpu.memory_space<hbm>> -> memref<1048576x16xf32, #tpu.memory_space<hbm>>
    tpu.enqueue_indirect_dma source(%dma_start3A_250 : memref<1048576x16xf32, #tpu.memory_space<hbm>>) target(%dma_start3A_244 : memref<128x16xf32, #tpu.memory_space<vmem>>) offsets(%dma_start3A_247 : memref<128xi32, #tpu.memory_space<vmem>>) semaphore(%arg13 : memref<!tpu.dma_semaphore, #tpu.memory_space<semaphore_mem>>)
    %dma_start3A_251 = arith.constant 4 : i32
    %dma_start3A_252 = arith.constant 4 : i32
    %dma_start3A_253 = arith.constant 0 : i32
    %dma_start3A_254 = arith.constant 0 : i32
    %dma_start3A_255 = tpu.memref_slice %arg9[%dma_start3A_252, %dma_start3A_253, %dma_start3A_254] : memref<16x128x16xf32, #tpu.memory_space<vmem>> -> memref<1x128x16xf32, #tpu.memory_space<vmem>>
    %dma_start3A_256 = tpu.memref_squeeze %dma_start3A_255 : memref<1x128x16xf32, #tpu.memory_space<vmem>> -> memref<128x16xf32, #tpu.memory_space<vmem>>
    %dma_start3A_257 = arith.constant 0 : i32
    %dma_start3A_258 = tpu.memref_slice %arg7[%dma_start3A_251, %dma_start3A_257] : memref<16x128xi32, #tpu.memory_space<vmem>> -> memref<1x128xi32, #tpu.memory_space<vmem>>
    %dma_start3A_259 = tpu.memref_squeeze %dma_start3A_258 : memref<1x128xi32, #tpu.memory_space<vmem>> -> memref<128xi32, #tpu.memory_space<vmem>>
    %dma_start3A_260 = arith.constant 0 : i32
    %dma_start3A_261 = arith.constant 0 : i32
    %dma_start3A_262 = tpu.memref_slice %arg3[%dma_start3A_260, %dma_start3A_261] : memref<1048576x16xf32, #tpu.memory_space<hbm>> -> memref<1048576x16xf32, #tpu.memory_space<hbm>>
    tpu.enqueue_indirect_dma source(%dma_start3A_262 : memref<1048576x16xf32, #tpu.memory_space<hbm>>) target(%dma_start3A_256 : memref<128x16xf32, #tpu.memory_space<vmem>>) offsets(%dma_start3A_259 : memref<128xi32, #tpu.memory_space<vmem>>) semaphore(%arg13 : memref<!tpu.dma_semaphore, #tpu.memory_space<semaphore_mem>>)
    %dma_start3A_263 = arith.constant 5 : i32
    %dma_start3A_264 = arith.constant 5 : i32
    %dma_start3A_265 = arith.constant 0 : i32
    %dma_start3A_266 = arith.constant 0 : i32
    %dma_start3A_267 = tpu.memref_slice %arg9[%dma_start3A_264, %dma_start3A_265, %dma_start3A_266] : memref<16x128x16xf32, #tpu.memory_space<vmem>> -> memref<1x128x16xf32, #tpu.memory_space<vmem>>
    %dma_start3A_268 = tpu.memref_squeeze %dma_start3A_267 : memref<1x128x16xf32, #tpu.memory_space<vmem>> -> memref<128x16xf32, #tpu.memory_space<vmem>>
    %dma_start3A_269 = arith.constant 0 : i32
    %dma_start3A_270 = tpu.memref_slice %arg7[%dma_start3A_263, %dma_start3A_269] : memref<16x128xi32, #tpu.memory_space<vmem>> -> memref<1x128xi32, #tpu.memory_space<vmem>>
    %dma_start3A_271 = tpu.memref_squeeze %dma_start3A_270 : memref<1x128xi32, #tpu.memory_space<vmem>> -> memref<128xi32, #tpu.memory_space<vmem>>
    %dma_start3A_272 = arith.constant 0 : i32
    %dma_start3A_273 = arith.constant 0 : i32
    %dma_start3A_274 = tpu.memref_slice %arg3[%dma_start3A_272, %dma_start3A_273] : memref<1048576x16xf32, #tpu.memory_space<hbm>> -> memref<1048576x16xf32, #tpu.memory_space<hbm>>
    tpu.enqueue_indirect_dma source(%dma_start3A_274 : memref<1048576x16xf32, #tpu.memory_space<hbm>>) target(%dma_start3A_268 : memref<128x16xf32, #tpu.memory_space<vmem>>) offsets(%dma_start3A_271 : memref<128xi32, #tpu.memory_space<vmem>>) semaphore(%arg13 : memref<!tpu.dma_semaphore, #tpu.memory_space<semaphore_mem>>)
    %dma_start3A_275 = arith.constant 6 : i32
    %dma_start3A_276 = arith.constant 6 : i32
    %dma_start3A_277 = arith.constant 0 : i32
    %dma_start3A_278 = arith.constant 0 : i32
    %dma_start3A_279 = tpu.memref_slice %arg9[%dma_start3A_276, %dma_start3A_277, %dma_start3A_278] : memref<16x128x16xf32, #tpu.memory_space<vmem>> -> memref<1x128x16xf32, #tpu.memory_space<vmem>>
    %dma_start3A_280 = tpu.memref_squeeze %dma_start3A_279 : memref<1x128x16xf32, #tpu.memory_space<vmem>> -> memref<128x16xf32, #tpu.memory_space<vmem>>
    %dma_start3A_281 = arith.constant 0 : i32
    %dma_start3A_282 = tpu.memref_slice %arg7[%dma_start3A_275, %dma_start3A_281] : memref<16x128xi32, #tpu.memory_space<vmem>> -> memref<1x128xi32, #tpu.memory_space<vmem>>
    %dma_start3A_283 = tpu.memref_squeeze %dma_start3A_282 : memref<1x128xi32, #tpu.memory_space<vmem>> -> memref<128xi32, #tpu.memory_space<vmem>>
    %dma_start3A_284 = arith.constant 0 : i32
    %dma_start3A_285 = arith.constant 0 : i32
    %dma_start3A_286 = tpu.memref_slice %arg3[%dma_start3A_284, %dma_start3A_285] : memref<1048576x16xf32, #tpu.memory_space<hbm>> -> memref<1048576x16xf32, #tpu.memory_space<hbm>>
    tpu.enqueue_indirect_dma source(%dma_start3A_286 : memref<1048576x16xf32, #tpu.memory_space<hbm>>) target(%dma_start3A_280 : memref<128x16xf32, #tpu.memory_space<vmem>>) offsets(%dma_start3A_283 : memref<128xi32, #tpu.memory_space<vmem>>) semaphore(%arg13 : memref<!tpu.dma_semaphore, #tpu.memory_space<semaphore_mem>>)
    %dma_start3A_287 = arith.constant 7 : i32
    %dma_start3A_288 = arith.constant 7 : i32
    %dma_start3A_289 = arith.constant 0 : i32
    %dma_start3A_290 = arith.constant 0 : i32
    %dma_start3A_291 = tpu.memref_slice %arg9[%dma_start3A_288, %dma_start3A_289, %dma_start3A_290] : memref<16x128x16xf32, #tpu.memory_space<vmem>> -> memref<1x128x16xf32, #tpu.memory_space<vmem>>
    %dma_start3A_292 = tpu.memref_squeeze %dma_start3A_291 : memref<1x128x16xf32, #tpu.memory_space<vmem>> -> memref<128x16xf32, #tpu.memory_space<vmem>>
    %dma_start3A_293 = arith.constant 0 : i32
    %dma_start3A_294 = tpu.memref_slice %arg7[%dma_start3A_287, %dma_start3A_293] : memref<16x128xi32, #tpu.memory_space<vmem>> -> memref<1x128xi32, #tpu.memory_space<vmem>>
    %dma_start3A_295 = tpu.memref_squeeze %dma_start3A_294 : memref<1x128xi32, #tpu.memory_space<vmem>> -> memref<128xi32, #tpu.memory_space<vmem>>
    %dma_start3A_296 = arith.constant 0 : i32
    %dma_start3A_297 = arith.constant 0 : i32
    %dma_start3A_298 = tpu.memref_slice %arg3[%dma_start3A_296, %dma_start3A_297] : memref<1048576x16xf32, #tpu.memory_space<hbm>> -> memref<1048576x16xf32, #tpu.memory_space<hbm>>
    tpu.enqueue_indirect_dma source(%dma_start3A_298 : memref<1048576x16xf32, #tpu.memory_space<hbm>>) target(%dma_start3A_292 : memref<128x16xf32, #tpu.memory_space<vmem>>) offsets(%dma_start3A_295 : memref<128xi32, #tpu.memory_space<vmem>>) semaphore(%arg13 : memref<!tpu.dma_semaphore, #tpu.memory_space<semaphore_mem>>)
    %dma_start3A_299 = arith.constant 8 : i32
    %dma_start3A_300 = arith.constant 8 : i32
    %dma_start3A_301 = arith.constant 0 : i32
    %dma_start3A_302 = arith.constant 0 : i32
    %dma_start3A_303 = tpu.memref_slice %arg9[%dma_start3A_300, %dma_start3A_301, %dma_start3A_302] : memref<16x128x16xf32, #tpu.memory_space<vmem>> -> memref<1x128x16xf32, #tpu.memory_space<vmem>>
    %dma_start3A_304 = tpu.memref_squeeze %dma_start3A_303 : memref<1x128x16xf32, #tpu.memory_space<vmem>> -> memref<128x16xf32, #tpu.memory_space<vmem>>
    %dma_start3A_305 = arith.constant 0 : i32
    %dma_start3A_306 = tpu.memref_slice %arg7[%dma_start3A_299, %dma_start3A_305] : memref<16x128xi32, #tpu.memory_space<vmem>> -> memref<1x128xi32, #tpu.memory_space<vmem>>
    %dma_start3A_307 = tpu.memref_squeeze %dma_start3A_306 : memref<1x128xi32, #tpu.memory_space<vmem>> -> memref<128xi32, #tpu.memory_space<vmem>>
    %dma_start3A_308 = arith.constant 0 : i32
    %dma_start3A_309 = arith.constant 0 : i32
    %dma_start3A_310 = tpu.memref_slice %arg3[%dma_start3A_308, %dma_start3A_309] : memref<1048576x16xf32, #tpu.memory_space<hbm>> -> memref<1048576x16xf32, #tpu.memory_space<hbm>>
    tpu.enqueue_indirect_dma source(%dma_start3A_310 : memref<1048576x16xf32, #tpu.memory_space<hbm>>) target(%dma_start3A_304 : memref<128x16xf32, #tpu.memory_space<vmem>>) offsets(%dma_start3A_307 : memref<128xi32, #tpu.memory_space<vmem>>) semaphore(%arg13 : memref<!tpu.dma_semaphore, #tpu.memory_space<semaphore_mem>>)
    %dma_start3A_311 = arith.constant 9 : i32
    %dma_start3A_312 = arith.constant 9 : i32
    %dma_start3A_313 = arith.constant 0 : i32
    %dma_start3A_314 = arith.constant 0 : i32
    %dma_start3A_315 = tpu.memref_slice %arg9[%dma_start3A_312, %dma_start3A_313, %dma_start3A_314] : memref<16x128x16xf32, #tpu.memory_space<vmem>> -> memref<1x128x16xf32, #tpu.memory_space<vmem>>
    %dma_start3A_316 = tpu.memref_squeeze %dma_start3A_315 : memref<1x128x16xf32, #tpu.memory_space<vmem>> -> memref<128x16xf32, #tpu.memory_space<vmem>>
    %dma_start3A_317 = arith.constant 0 : i32
    %dma_start3A_318 = tpu.memref_slice %arg7[%dma_start3A_311, %dma_start3A_317] : memref<16x128xi32, #tpu.memory_space<vmem>> -> memref<1x128xi32, #tpu.memory_space<vmem>>
    %dma_start3A_319 = tpu.memref_squeeze %dma_start3A_318 : memref<1x128xi32, #tpu.memory_space<vmem>> -> memref<128xi32, #tpu.memory_space<vmem>>
    %dma_start3A_320 = arith.constant 0 : i32
    %dma_start3A_321 = arith.constant 0 : i32
    %dma_start3A_322 = tpu.memref_slice %arg3[%dma_start3A_320, %dma_start3A_321] : memref<1048576x16xf32, #tpu.memory_space<hbm>> -> memref<1048576x16xf32, #tpu.memory_space<hbm>>
    tpu.enqueue_indirect_dma source(%dma_start3A_322 : memref<1048576x16xf32, #tpu.memory_space<hbm>>) target(%dma_start3A_316 : memref<128x16xf32, #tpu.memory_space<vmem>>) offsets(%dma_start3A_319 : memref<128xi32, #tpu.memory_space<vmem>>) semaphore(%arg13 : memref<!tpu.dma_semaphore, #tpu.memory_space<semaphore_mem>>)
    %dma_start3A_323 = arith.constant 10 : i32
    %dma_start3A_324 = arith.constant 10 : i32
    %dma_start3A_325 = arith.constant 0 : i32
    %dma_start3A_326 = arith.constant 0 : i32
    %dma_start3A_327 = tpu.memref_slice %arg9[%dma_start3A_324, %dma_start3A_325, %dma_start3A_326] : memref<16x128x16xf32, #tpu.memory_space<vmem>> -> memref<1x128x16xf32, #tpu.memory_space<vmem>>
    %dma_start3A_328 = tpu.memref_squeeze %dma_start3A_327 : memref<1x128x16xf32, #tpu.memory_space<vmem>> -> memref<128x16xf32, #tpu.memory_space<vmem>>
    %dma_start3A_329 = arith.constant 0 : i32
    %dma_start3A_330 = tpu.memref_slice %arg7[%dma_start3A_323, %dma_start3A_329] : memref<16x128xi32, #tpu.memory_space<vmem>> -> memref<1x128xi32, #tpu.memory_space<vmem>>
    %dma_start3A_331 = tpu.memref_squeeze %dma_start3A_330 : memref<1x128xi32, #tpu.memory_space<vmem>> -> memref<128xi32, #tpu.memory_space<vmem>>
    %dma_start3A_332 = arith.constant 0 : i32
    %dma_start3A_333 = arith.constant 0 : i32
    %dma_start3A_334 = tpu.memref_slice %arg3[%dma_start3A_332, %dma_start3A_333] : memref<1048576x16xf32, #tpu.memory_space<hbm>> -> memref<1048576x16xf32, #tpu.memory_space<hbm>>
    tpu.enqueue_indirect_dma source(%dma_start3A_334 : memref<1048576x16xf32, #tpu.memory_space<hbm>>) target(%dma_start3A_328 : memref<128x16xf32, #tpu.memory_space<vmem>>) offsets(%dma_start3A_331 : memref<128xi32, #tpu.memory_space<vmem>>) semaphore(%arg13 : memref<!tpu.dma_semaphore, #tpu.memory_space<semaphore_mem>>)
    %dma_start3A_335 = arith.constant 11 : i32
    %dma_start3A_336 = arith.constant 11 : i32
    %dma_start3A_337 = arith.constant 0 : i32
    %dma_start3A_338 = arith.constant 0 : i32
    %dma_start3A_339 = tpu.memref_slice %arg9[%dma_start3A_336, %dma_start3A_337, %dma_start3A_338] : memref<16x128x16xf32, #tpu.memory_space<vmem>> -> memref<1x128x16xf32, #tpu.memory_space<vmem>>
    %dma_start3A_340 = tpu.memref_squeeze %dma_start3A_339 : memref<1x128x16xf32, #tpu.memory_space<vmem>> -> memref<128x16xf32, #tpu.memory_space<vmem>>
    %dma_start3A_341 = arith.constant 0 : i32
    %dma_start3A_342 = tpu.memref_slice %arg7[%dma_start3A_335, %dma_start3A_341] : memref<16x128xi32, #tpu.memory_space<vmem>> -> memref<1x128xi32, #tpu.memory_space<vmem>>
    %dma_start3A_343 = tpu.memref_squeeze %dma_start3A_342 : memref<1x128xi32, #tpu.memory_space<vmem>> -> memref<128xi32, #tpu.memory_space<vmem>>
    %dma_start3A_344 = arith.constant 0 : i32
    %dma_start3A_345 = arith.constant 0 : i32
    %dma_start3A_346 = tpu.memref_slice %arg3[%dma_start3A_344, %dma_start3A_345] : memref<1048576x16xf32, #tpu.memory_space<hbm>> -> memref<1048576x16xf32, #tpu.memory_space<hbm>>
    tpu.enqueue_indirect_dma source(%dma_start3A_346 : memref<1048576x16xf32, #tpu.memory_space<hbm>>) target(%dma_start3A_340 : memref<128x16xf32, #tpu.memory_space<vmem>>) offsets(%dma_start3A_343 : memref<128xi32, #tpu.memory_space<vmem>>) semaphore(%arg13 : memref<!tpu.dma_semaphore, #tpu.memory_space<semaphore_mem>>)
    %dma_start3A_347 = arith.constant 12 : i32
    %dma_start3A_348 = arith.constant 12 : i32
    %dma_start3A_349 = arith.constant 0 : i32
    %dma_start3A_350 = arith.constant 0 : i32
    %dma_start3A_351 = tpu.memref_slice %arg9[%dma_start3A_348, %dma_start3A_349, %dma_start3A_350] : memref<16x128x16xf32, #tpu.memory_space<vmem>> -> memref<1x128x16xf32, #tpu.memory_space<vmem>>
    %dma_start3A_352 = tpu.memref_squeeze %dma_start3A_351 : memref<1x128x16xf32, #tpu.memory_space<vmem>> -> memref<128x16xf32, #tpu.memory_space<vmem>>
    %dma_start3A_353 = arith.constant 0 : i32
    %dma_start3A_354 = tpu.memref_slice %arg7[%dma_start3A_347, %dma_start3A_353] : memref<16x128xi32, #tpu.memory_space<vmem>> -> memref<1x128xi32, #tpu.memory_space<vmem>>
    %dma_start3A_355 = tpu.memref_squeeze %dma_start3A_354 : memref<1x128xi32, #tpu.memory_space<vmem>> -> memref<128xi32, #tpu.memory_space<vmem>>
    %dma_start3A_356 = arith.constant 0 : i32
    %dma_start3A_357 = arith.constant 0 : i32
    %dma_start3A_358 = tpu.memref_slice %arg3[%dma_start3A_356, %dma_start3A_357] : memref<1048576x16xf32, #tpu.memory_space<hbm>> -> memref<1048576x16xf32, #tpu.memory_space<hbm>>
    tpu.enqueue_indirect_dma source(%dma_start3A_358 : memref<1048576x16xf32, #tpu.memory_space<hbm>>) target(%dma_start3A_352 : memref<128x16xf32, #tpu.memory_space<vmem>>) offsets(%dma_start3A_355 : memref<128xi32, #tpu.memory_space<vmem>>) semaphore(%arg13 : memref<!tpu.dma_semaphore, #tpu.memory_space<semaphore_mem>>)
    %dma_start3A_359 = arith.constant 13 : i32
    %dma_start3A_360 = arith.constant 13 : i32
    %dma_start3A_361 = arith.constant 0 : i32
    %dma_start3A_362 = arith.constant 0 : i32
    %dma_start3A_363 = tpu.memref_slice %arg9[%dma_start3A_360, %dma_start3A_361, %dma_start3A_362] : memref<16x128x16xf32, #tpu.memory_space<vmem>> -> memref<1x128x16xf32, #tpu.memory_space<vmem>>
    %dma_start3A_364 = tpu.memref_squeeze %dma_start3A_363 : memref<1x128x16xf32, #tpu.memory_space<vmem>> -> memref<128x16xf32, #tpu.memory_space<vmem>>
    %dma_start3A_365 = arith.constant 0 : i32
    %dma_start3A_366 = tpu.memref_slice %arg7[%dma_start3A_359, %dma_start3A_365] : memref<16x128xi32, #tpu.memory_space<vmem>> -> memref<1x128xi32, #tpu.memory_space<vmem>>
    %dma_start3A_367 = tpu.memref_squeeze %dma_start3A_366 : memref<1x128xi32, #tpu.memory_space<vmem>> -> memref<128xi32, #tpu.memory_space<vmem>>
    %dma_start3A_368 = arith.constant 0 : i32
    %dma_start3A_369 = arith.constant 0 : i32
    %dma_start3A_370 = tpu.memref_slice %arg3[%dma_start3A_368, %dma_start3A_369] : memref<1048576x16xf32, #tpu.memory_space<hbm>> -> memref<1048576x16xf32, #tpu.memory_space<hbm>>
    tpu.enqueue_indirect_dma source(%dma_start3A_370 : memref<1048576x16xf32, #tpu.memory_space<hbm>>) target(%dma_start3A_364 : memref<128x16xf32, #tpu.memory_space<vmem>>) offsets(%dma_start3A_367 : memref<128xi32, #tpu.memory_space<vmem>>) semaphore(%arg13 : memref<!tpu.dma_semaphore, #tpu.memory_space<semaphore_mem>>)
    %dma_start3A_371 = arith.constant 14 : i32
    %dma_start3A_372 = arith.constant 14 : i32
    %dma_start3A_373 = arith.constant 0 : i32
    %dma_start3A_374 = arith.constant 0 : i32
    %dma_start3A_375 = tpu.memref_slice %arg9[%dma_start3A_372, %dma_start3A_373, %dma_start3A_374] : memref<16x128x16xf32, #tpu.memory_space<vmem>> -> memref<1x128x16xf32, #tpu.memory_space<vmem>>
    %dma_start3A_376 = tpu.memref_squeeze %dma_start3A_375 : memref<1x128x16xf32, #tpu.memory_space<vmem>> -> memref<128x16xf32, #tpu.memory_space<vmem>>
    %dma_start3A_377 = arith.constant 0 : i32
    %dma_start3A_378 = tpu.memref_slice %arg7[%dma_start3A_371, %dma_start3A_377] : memref<16x128xi32, #tpu.memory_space<vmem>> -> memref<1x128xi32, #tpu.memory_space<vmem>>
    %dma_start3A_379 = tpu.memref_squeeze %dma_start3A_378 : memref<1x128xi32, #tpu.memory_space<vmem>> -> memref<128xi32, #tpu.memory_space<vmem>>
    %dma_start3A_380 = arith.constant 0 : i32
    %dma_start3A_381 = arith.constant 0 : i32
    %dma_start3A_382 = tpu.memref_slice %arg3[%dma_start3A_380, %dma_start3A_381] : memref<1048576x16xf32, #tpu.memory_space<hbm>> -> memref<1048576x16xf32, #tpu.memory_space<hbm>>
    tpu.enqueue_indirect_dma source(%dma_start3A_382 : memref<1048576x16xf32, #tpu.memory_space<hbm>>) target(%dma_start3A_376 : memref<128x16xf32, #tpu.memory_space<vmem>>) offsets(%dma_start3A_379 : memref<128xi32, #tpu.memory_space<vmem>>) semaphore(%arg13 : memref<!tpu.dma_semaphore, #tpu.memory_space<semaphore_mem>>)
    %dma_start3A_383 = arith.constant 15 : i32
    %dma_start3A_384 = arith.constant 15 : i32
    %dma_start3A_385 = arith.constant 0 : i32
    %dma_start3A_386 = arith.constant 0 : i32
    %dma_start3A_387 = tpu.memref_slice %arg9[%dma_start3A_384, %dma_start3A_385, %dma_start3A_386] : memref<16x128x16xf32, #tpu.memory_space<vmem>> -> memref<1x128x16xf32, #tpu.memory_space<vmem>>
    %dma_start3A_388 = tpu.memref_squeeze %dma_start3A_387 : memref<1x128x16xf32, #tpu.memory_space<vmem>> -> memref<128x16xf32, #tpu.memory_space<vmem>>
    %dma_start3A_389 = arith.constant 0 : i32
    %dma_start3A_390 = tpu.memref_slice %arg7[%dma_start3A_383, %dma_start3A_389] : memref<16x128xi32, #tpu.memory_space<vmem>> -> memref<1x128xi32, #tpu.memory_space<vmem>>
    %dma_start3A_391 = tpu.memref_squeeze %dma_start3A_390 : memref<1x128xi32, #tpu.memory_space<vmem>> -> memref<128xi32, #tpu.memory_space<vmem>>
    %dma_start3A_392 = arith.constant 0 : i32
    %dma_start3A_393 = arith.constant 0 : i32
    %dma_start3A_394 = tpu.memref_slice %arg3[%dma_start3A_392, %dma_start3A_393] : memref<1048576x16xf32, #tpu.memory_space<hbm>> -> memref<1048576x16xf32, #tpu.memory_space<hbm>>
    tpu.enqueue_indirect_dma source(%dma_start3A_394 : memref<1048576x16xf32, #tpu.memory_space<hbm>>) target(%dma_start3A_388 : memref<128x16xf32, #tpu.memory_space<vmem>>) offsets(%dma_start3A_391 : memref<128xi32, #tpu.memory_space<vmem>>) semaphore(%arg13 : memref<!tpu.dma_semaphore, #tpu.memory_space<semaphore_mem>>)
    %scan3A_395 = arith.constant 0 : i32
    %scan3A_396 = arith.constant 16 : i32
    %scan3A_397 = arith.addi %scan3A_395, %scan3A_396 : i32
    %scan3A_398 = arith.constant 1 : i32
    scf.for %scan3A_411 = %scan3A_395 to %scan3A_397 step %scan3A_398  : i32 {
      %mul3A_412 = arith.constant 1 : i32
      %mul3A_413 = arith.muli %scan3A_411, %mul3A_412 : i32
      %add3A_414 = arith.constant 0 : i32
      %add3A_415 = arith.addi %add3A_414, %mul3A_413 : i32
      %mul3A_416 = arith.constant 2 : i32
      %mul3A_417 = arith.muli %mul3A_416, %add3A_415 : i32
      %add3A_418 = arith.constant 0 : i32
      %add3A_419 = arith.addi %mul3A_417, %add3A_418 : i32
      %mul3A_420 = arith.constant 512 : i32
      %mul3A_421 = arith.muli %add3A, %mul3A_420 : i32
      %mul3A_422 = arith.constant 16 : i32
      %mul3A_423 = arith.muli %add3A_419, %mul3A_422 : i32
      %add3A_424 = arith.addi %mul3A_421, %mul3A_423 : i32
      %dma_wait3A_425 = arith.constant 0 : i32
      %dma_wait3A_426 = arith.constant 0 : i32
      %dma_wait3A_427 = arith.constant 0 : i32
      %dma_wait3A_428 = arith.constant 0 : i32
      %dma_wait3A_429 = tpu.memref_slice %arg8[%dma_wait3A_426, %dma_wait3A_427, %dma_wait3A_428] : memref<16x128x16xf32, #tpu.memory_space<vmem>> -> memref<1x128x16xf32, #tpu.memory_space<vmem>>
      %dma_wait3A_430 = tpu.memref_squeeze %dma_wait3A_429 : memref<1x128x16xf32, #tpu.memory_space<vmem>> -> memref<128x16xf32, #tpu.memory_space<vmem>>
      %dma_wait3A_431 = arith.constant 0 : i32
      %dma_wait3A_432 = tpu.memref_slice %arg6[%dma_wait3A_425, %dma_wait3A_431] : memref<16x128xi32, #tpu.memory_space<vmem>> -> memref<1x128xi32, #tpu.memory_space<vmem>>
      %dma_wait3A_433 = tpu.memref_squeeze %dma_wait3A_432 : memref<1x128xi32, #tpu.memory_space<vmem>> -> memref<128xi32, #tpu.memory_space<vmem>>
      %dma_wait3A_434 = arith.constant 0 : i32
      %dma_wait3A_435 = arith.constant 0 : i32
      %dma_wait3A_436 = tpu.memref_slice %arg3[%dma_wait3A_434, %dma_wait3A_435] : memref<1048576x16xf32, #tpu.memory_space<hbm>> -> memref<1048576x16xf32, #tpu.memory_space<hbm>>
      tpu.wait_indirect_dma semaphore(%arg12 : memref<!tpu.dma_semaphore, #tpu.memory_space<semaphore_mem>>) src(%dma_wait3A_436 : memref<1048576x16xf32, #tpu.memory_space<hbm>>) dst(%dma_wait3A_430 : memref<128x16xf32, #tpu.memory_space<vmem>>)
      %dma_wait3A_437 = arith.constant 1 : i32
      %dma_wait3A_438 = arith.constant 1 : i32
      %dma_wait3A_439 = arith.constant 0 : i32
      %dma_wait3A_440 = arith.constant 0 : i32
      %dma_wait3A_441 = tpu.memref_slice %arg8[%dma_wait3A_438, %dma_wait3A_439, %dma_wait3A_440] : memref<16x128x16xf32, #tpu.memory_space<vmem>> -> memref<1x128x16xf32, #tpu.memory_space<vmem>>
      %dma_wait3A_442 = tpu.memref_squeeze %dma_wait3A_441 : memref<1x128x16xf32, #tpu.memory_space<vmem>> -> memref<128x16xf32, #tpu.memory_space<vmem>>
      %dma_wait3A_443 = arith.constant 0 : i32
      %dma_wait3A_444 = tpu.memref_slice %arg6[%dma_wait3A_437, %dma_wait3A_443] : memref<16x128xi32, #tpu.memory_space<vmem>> -> memref<1x128xi32, #tpu.memory_space<vmem>>
      %dma_wait3A_445 = tpu.memref_squeeze %dma_wait3A_444 : memref<1x128xi32, #tpu.memory_space<vmem>> -> memref<128xi32, #tpu.memory_space<vmem>>
      %dma_wait3A_446 = arith.constant 0 : i32
      %dma_wait3A_447 = arith.constant 0 : i32
      %dma_wait3A_448 = tpu.memref_slice %arg3[%dma_wait3A_446, %dma_wait3A_447] : memref<1048576x16xf32, #tpu.memory_space<hbm>> -> memref<1048576x16xf32, #tpu.memory_space<hbm>>
      tpu.wait_indirect_dma semaphore(%arg12 : memref<!tpu.dma_semaphore, #tpu.memory_space<semaphore_mem>>) src(%dma_wait3A_448 : memref<1048576x16xf32, #tpu.memory_space<hbm>>) dst(%dma_wait3A_442 : memref<128x16xf32, #tpu.memory_space<vmem>>)
      %dma_wait3A_449 = arith.constant 2 : i32
      %dma_wait3A_450 = arith.constant 2 : i32
      %dma_wait3A_451 = arith.constant 0 : i32
      %dma_wait3A_452 = arith.constant 0 : i32
      %dma_wait3A_453 = tpu.memref_slice %arg8[%dma_wait3A_450, %dma_wait3A_451, %dma_wait3A_452] : memref<16x128x16xf32, #tpu.memory_space<vmem>> -> memref<1x128x16xf32, #tpu.memory_space<vmem>>
      %dma_wait3A_454 = tpu.memref_squeeze %dma_wait3A_453 : memref<1x128x16xf32, #tpu.memory_space<vmem>> -> memref<128x16xf32, #tpu.memory_space<vmem>>
      %dma_wait3A_455 = arith.constant 0 : i32
      %dma_wait3A_456 = tpu.memref_slice %arg6[%dma_wait3A_449, %dma_wait3A_455] : memref<16x128xi32, #tpu.memory_space<vmem>> -> memref<1x128xi32, #tpu.memory_space<vmem>>
      %dma_wait3A_457 = tpu.memref_squeeze %dma_wait3A_456 : memref<1x128xi32, #tpu.memory_space<vmem>> -> memref<128xi32, #tpu.memory_space<vmem>>
      %dma_wait3A_458 = arith.constant 0 : i32
      %dma_wait3A_459 = arith.constant 0 : i32
      %dma_wait3A_460 = tpu.memref_slice %arg3[%dma_wait3A_458, %dma_wait3A_459] : memref<1048576x16xf32, #tpu.memory_space<hbm>> -> memref<1048576x16xf32, #tpu.memory_space<hbm>>
      tpu.wait_indirect_dma semaphore(%arg12 : memref<!tpu.dma_semaphore, #tpu.memory_space<semaphore_mem>>) src(%dma_wait3A_460 : memref<1048576x16xf32, #tpu.memory_space<hbm>>) dst(%dma_wait3A_454 : memref<128x16xf32, #tpu.memory_space<vmem>>)
      %dma_wait3A_461 = arith.constant 3 : i32
      %dma_wait3A_462 = arith.constant 3 : i32
      %dma_wait3A_463 = arith.constant 0 : i32
      %dma_wait3A_464 = arith.constant 0 : i32
      %dma_wait3A_465 = tpu.memref_slice %arg8[%dma_wait3A_462, %dma_wait3A_463, %dma_wait3A_464] : memref<16x128x16xf32, #tpu.memory_space<vmem>> -> memref<1x128x16xf32, #tpu.memory_space<vmem>>
      %dma_wait3A_466 = tpu.memref_squeeze %dma_wait3A_465 : memref<1x128x16xf32, #tpu.memory_space<vmem>> -> memref<128x16xf32, #tpu.memory_space<vmem>>
      %dma_wait3A_467 = arith.constant 0 : i32
      %dma_wait3A_468 = tpu.memref_slice %arg6[%dma_wait3A_461, %dma_wait3A_467] : memref<16x128xi32, #tpu.memory_space<vmem>> -> memref<1x128xi32, #tpu.memory_space<vmem>>
      %dma_wait3A_469 = tpu.memref_squeeze %dma_wait3A_468 : memref<1x128xi32, #tpu.memory_space<vmem>> -> memref<128xi32, #tpu.memory_space<vmem>>
      %dma_wait3A_470 = arith.constant 0 : i32
      %dma_wait3A_471 = arith.constant 0 : i32
      %dma_wait3A_472 = tpu.memref_slice %arg3[%dma_wait3A_470, %dma_wait3A_471] : memref<1048576x16xf32, #tpu.memory_space<hbm>> -> memref<1048576x16xf32, #tpu.memory_space<hbm>>
      tpu.wait_indirect_dma semaphore(%arg12 : memref<!tpu.dma_semaphore, #tpu.memory_space<semaphore_mem>>) src(%dma_wait3A_472 : memref<1048576x16xf32, #tpu.memory_space<hbm>>) dst(%dma_wait3A_466 : memref<128x16xf32, #tpu.memory_space<vmem>>)
      %dma_wait3A_473 = arith.constant 4 : i32
      %dma_wait3A_474 = arith.constant 4 : i32
      %dma_wait3A_475 = arith.constant 0 : i32
      %dma_wait3A_476 = arith.constant 0 : i32
      %dma_wait3A_477 = tpu.memref_slice %arg8[%dma_wait3A_474, %dma_wait3A_475, %dma_wait3A_476] : memref<16x128x16xf32, #tpu.memory_space<vmem>> -> memref<1x128x16xf32, #tpu.memory_space<vmem>>
      %dma_wait3A_478 = tpu.memref_squeeze %dma_wait3A_477 : memref<1x128x16xf32, #tpu.memory_space<vmem>> -> memref<128x16xf32, #tpu.memory_space<vmem>>
      %dma_wait3A_479 = arith.constant 0 : i32
      %dma_wait3A_480 = tpu.memref_slice %arg6[%dma_wait3A_473, %dma_wait3A_479] : memref<16x128xi32, #tpu.memory_space<vmem>> -> memref<1x128xi32, #tpu.memory_space<vmem>>
      %dma_wait3A_481 = tpu.memref_squeeze %dma_wait3A_480 : memref<1x128xi32, #tpu.memory_space<vmem>> -> memref<128xi32, #tpu.memory_space<vmem>>
      %dma_wait3A_482 = arith.constant 0 : i32
      %dma_wait3A_483 = arith.constant 0 : i32
      %dma_wait3A_484 = tpu.memref_slice %arg3[%dma_wait3A_482, %dma_wait3A_483] : memref<1048576x16xf32, #tpu.memory_space<hbm>> -> memref<1048576x16xf32, #tpu.memory_space<hbm>>
      tpu.wait_indirect_dma semaphore(%arg12 : memref<!tpu.dma_semaphore, #tpu.memory_space<semaphore_mem>>) src(%dma_wait3A_484 : memref<1048576x16xf32, #tpu.memory_space<hbm>>) dst(%dma_wait3A_478 : memref<128x16xf32, #tpu.memory_space<vmem>>)
      %dma_wait3A_485 = arith.constant 5 : i32
      %dma_wait3A_486 = arith.constant 5 : i32
      %dma_wait3A_487 = arith.constant 0 : i32
      %dma_wait3A_488 = arith.constant 0 : i32
      %dma_wait3A_489 = tpu.memref_slice %arg8[%dma_wait3A_486, %dma_wait3A_487, %dma_wait3A_488] : memref<16x128x16xf32, #tpu.memory_space<vmem>> -> memref<1x128x16xf32, #tpu.memory_space<vmem>>
      %dma_wait3A_490 = tpu.memref_squeeze %dma_wait3A_489 : memref<1x128x16xf32, #tpu.memory_space<vmem>> -> memref<128x16xf32, #tpu.memory_space<vmem>>
      %dma_wait3A_491 = arith.constant 0 : i32
      %dma_wait3A_492 = tpu.memref_slice %arg6[%dma_wait3A_485, %dma_wait3A_491] : memref<16x128xi32, #tpu.memory_space<vmem>> -> memref<1x128xi32, #tpu.memory_space<vmem>>
      %dma_wait3A_493 = tpu.memref_squeeze %dma_wait3A_492 : memref<1x128xi32, #tpu.memory_space<vmem>> -> memref<128xi32, #tpu.memory_space<vmem>>
      %dma_wait3A_494 = arith.constant 0 : i32
      %dma_wait3A_495 = arith.constant 0 : i32
      %dma_wait3A_496 = tpu.memref_slice %arg3[%dma_wait3A_494, %dma_wait3A_495] : memref<1048576x16xf32, #tpu.memory_space<hbm>> -> memref<1048576x16xf32, #tpu.memory_space<hbm>>
      tpu.wait_indirect_dma semaphore(%arg12 : memref<!tpu.dma_semaphore, #tpu.memory_space<semaphore_mem>>) src(%dma_wait3A_496 : memref<1048576x16xf32, #tpu.memory_space<hbm>>) dst(%dma_wait3A_490 : memref<128x16xf32, #tpu.memory_space<vmem>>)
      %dma_wait3A_497 = arith.constant 6 : i32
      %dma_wait3A_498 = arith.constant 6 : i32
      %dma_wait3A_499 = arith.constant 0 : i32
      %dma_wait3A_500 = arith.constant 0 : i32
      %dma_wait3A_501 = tpu.memref_slice %arg8[%dma_wait3A_498, %dma_wait3A_499, %dma_wait3A_500] : memref<16x128x16xf32, #tpu.memory_space<vmem>> -> memref<1x128x16xf32, #tpu.memory_space<vmem>>
      %dma_wait3A_502 = tpu.memref_squeeze %dma_wait3A_501 : memref<1x128x16xf32, #tpu.memory_space<vmem>> -> memref<128x16xf32, #tpu.memory_space<vmem>>
      %dma_wait3A_503 = arith.constant 0 : i32
      %dma_wait3A_504 = tpu.memref_slice %arg6[%dma_wait3A_497, %dma_wait3A_503] : memref<16x128xi32, #tpu.memory_space<vmem>> -> memref<1x128xi32, #tpu.memory_space<vmem>>
      %dma_wait3A_505 = tpu.memref_squeeze %dma_wait3A_504 : memref<1x128xi32, #tpu.memory_space<vmem>> -> memref<128xi32, #tpu.memory_space<vmem>>
      %dma_wait3A_506 = arith.constant 0 : i32
      %dma_wait3A_507 = arith.constant 0 : i32
      %dma_wait3A_508 = tpu.memref_slice %arg3[%dma_wait3A_506, %dma_wait3A_507] : memref<1048576x16xf32, #tpu.memory_space<hbm>> -> memref<1048576x16xf32, #tpu.memory_space<hbm>>
      tpu.wait_indirect_dma semaphore(%arg12 : memref<!tpu.dma_semaphore, #tpu.memory_space<semaphore_mem>>) src(%dma_wait3A_508 : memref<1048576x16xf32, #tpu.memory_space<hbm>>) dst(%dma_wait3A_502 : memref<128x16xf32, #tpu.memory_space<vmem>>)
      %dma_wait3A_509 = arith.constant 7 : i32
      %dma_wait3A_510 = arith.constant 7 : i32
      %dma_wait3A_511 = arith.constant 0 : i32
      %dma_wait3A_512 = arith.constant 0 : i32
      %dma_wait3A_513 = tpu.memref_slice %arg8[%dma_wait3A_510, %dma_wait3A_511, %dma_wait3A_512] : memref<16x128x16xf32, #tpu.memory_space<vmem>> -> memref<1x128x16xf32, #tpu.memory_space<vmem>>
      %dma_wait3A_514 = tpu.memref_squeeze %dma_wait3A_513 : memref<1x128x16xf32, #tpu.memory_space<vmem>> -> memref<128x16xf32, #tpu.memory_space<vmem>>
      %dma_wait3A_515 = arith.constant 0 : i32
      %dma_wait3A_516 = tpu.memref_slice %arg6[%dma_wait3A_509, %dma_wait3A_515] : memref<16x128xi32, #tpu.memory_space<vmem>> -> memref<1x128xi32, #tpu.memory_space<vmem>>
      %dma_wait3A_517 = tpu.memref_squeeze %dma_wait3A_516 : memref<1x128xi32, #tpu.memory_space<vmem>> -> memref<128xi32, #tpu.memory_space<vmem>>
      %dma_wait3A_518 = arith.constant 0 : i32
      %dma_wait3A_519 = arith.constant 0 : i32
      %dma_wait3A_520 = tpu.memref_slice %arg3[%dma_wait3A_518, %dma_wait3A_519] : memref<1048576x16xf32, #tpu.memory_space<hbm>> -> memref<1048576x16xf32, #tpu.memory_space<hbm>>
      tpu.wait_indirect_dma semaphore(%arg12 : memref<!tpu.dma_semaphore, #tpu.memory_space<semaphore_mem>>) src(%dma_wait3A_520 : memref<1048576x16xf32, #tpu.memory_space<hbm>>) dst(%dma_wait3A_514 : memref<128x16xf32, #tpu.memory_space<vmem>>)
      %dma_wait3A_521 = arith.constant 8 : i32
      %dma_wait3A_522 = arith.constant 8 : i32
      %dma_wait3A_523 = arith.constant 0 : i32
      %dma_wait3A_524 = arith.constant 0 : i32
      %dma_wait3A_525 = tpu.memref_slice %arg8[%dma_wait3A_522, %dma_wait3A_523, %dma_wait3A_524] : memref<16x128x16xf32, #tpu.memory_space<vmem>> -> memref<1x128x16xf32, #tpu.memory_space<vmem>>
      %dma_wait3A_526 = tpu.memref_squeeze %dma_wait3A_525 : memref<1x128x16xf32, #tpu.memory_space<vmem>> -> memref<128x16xf32, #tpu.memory_space<vmem>>
      %dma_wait3A_527 = arith.constant 0 : i32
      %dma_wait3A_528 = tpu.memref_slice %arg6[%dma_wait3A_521, %dma_wait3A_527] : memref<16x128xi32, #tpu.memory_space<vmem>> -> memref<1x128xi32, #tpu.memory_space<vmem>>
      %dma_wait3A_529 = tpu.memref_squeeze %dma_wait3A_528 : memref<1x128xi32, #tpu.memory_space<vmem>> -> memref<128xi32, #tpu.memory_space<vmem>>
      %dma_wait3A_530 = arith.constant 0 : i32
      %dma_wait3A_531 = arith.constant 0 : i32
      %dma_wait3A_532 = tpu.memref_slice %arg3[%dma_wait3A_530, %dma_wait3A_531] : memref<1048576x16xf32, #tpu.memory_space<hbm>> -> memref<1048576x16xf32, #tpu.memory_space<hbm>>
      tpu.wait_indirect_dma semaphore(%arg12 : memref<!tpu.dma_semaphore, #tpu.memory_space<semaphore_mem>>) src(%dma_wait3A_532 : memref<1048576x16xf32, #tpu.memory_space<hbm>>) dst(%dma_wait3A_526 : memref<128x16xf32, #tpu.memory_space<vmem>>)
      %dma_wait3A_533 = arith.constant 9 : i32
      %dma_wait3A_534 = arith.constant 9 : i32
      %dma_wait3A_535 = arith.constant 0 : i32
      %dma_wait3A_536 = arith.constant 0 : i32
      %dma_wait3A_537 = tpu.memref_slice %arg8[%dma_wait3A_534, %dma_wait3A_535, %dma_wait3A_536] : memref<16x128x16xf32, #tpu.memory_space<vmem>> -> memref<1x128x16xf32, #tpu.memory_space<vmem>>
      %dma_wait3A_538 = tpu.memref_squeeze %dma_wait3A_537 : memref<1x128x16xf32, #tpu.memory_space<vmem>> -> memref<128x16xf32, #tpu.memory_space<vmem>>
      %dma_wait3A_539 = arith.constant 0 : i32
      %dma_wait3A_540 = tpu.memref_slice %arg6[%dma_wait3A_533, %dma_wait3A_539] : memref<16x128xi32, #tpu.memory_space<vmem>> -> memref<1x128xi32, #tpu.memory_space<vmem>>
      %dma_wait3A_541 = tpu.memref_squeeze %dma_wait3A_540 : memref<1x128xi32, #tpu.memory_space<vmem>> -> memref<128xi32, #tpu.memory_space<vmem>>
      %dma_wait3A_542 = arith.constant 0 : i32
      %dma_wait3A_543 = arith.constant 0 : i32
      %dma_wait3A_544 = tpu.memref_slice %arg3[%dma_wait3A_542, %dma_wait3A_543] : memref<1048576x16xf32, #tpu.memory_space<hbm>> -> memref<1048576x16xf32, #tpu.memory_space<hbm>>
      tpu.wait_indirect_dma semaphore(%arg12 : memref<!tpu.dma_semaphore, #tpu.memory_space<semaphore_mem>>) src(%dma_wait3A_544 : memref<1048576x16xf32, #tpu.memory_space<hbm>>) dst(%dma_wait3A_538 : memref<128x16xf32, #tpu.memory_space<vmem>>)
      %dma_wait3A_545 = arith.constant 10 : i32
      %dma_wait3A_546 = arith.constant 10 : i32
      %dma_wait3A_547 = arith.constant 0 : i32
      %dma_wait3A_548 = arith.constant 0 : i32
      %dma_wait3A_549 = tpu.memref_slice %arg8[%dma_wait3A_546, %dma_wait3A_547, %dma_wait3A_548] : memref<16x128x16xf32, #tpu.memory_space<vmem>> -> memref<1x128x16xf32, #tpu.memory_space<vmem>>
      %dma_wait3A_550 = tpu.memref_squeeze %dma_wait3A_549 : memref<1x128x16xf32, #tpu.memory_space<vmem>> -> memref<128x16xf32, #tpu.memory_space<vmem>>
      %dma_wait3A_551 = arith.constant 0 : i32
      %dma_wait3A_552 = tpu.memref_slice %arg6[%dma_wait3A_545, %dma_wait3A_551] : memref<16x128xi32, #tpu.memory_space<vmem>> -> memref<1x128xi32, #tpu.memory_space<vmem>>
      %dma_wait3A_553 = tpu.memref_squeeze %dma_wait3A_552 : memref<1x128xi32, #tpu.memory_space<vmem>> -> memref<128xi32, #tpu.memory_space<vmem>>
      %dma_wait3A_554 = arith.constant 0 : i32
      %dma_wait3A_555 = arith.constant 0 : i32
      %dma_wait3A_556 = tpu.memref_slice %arg3[%dma_wait3A_554, %dma_wait3A_555] : memref<1048576x16xf32, #tpu.memory_space<hbm>> -> memref<1048576x16xf32, #tpu.memory_space<hbm>>
      tpu.wait_indirect_dma semaphore(%arg12 : memref<!tpu.dma_semaphore, #tpu.memory_space<semaphore_mem>>) src(%dma_wait3A_556 : memref<1048576x16xf32, #tpu.memory_space<hbm>>) dst(%dma_wait3A_550 : memref<128x16xf32, #tpu.memory_space<vmem>>)
      %dma_wait3A_557 = arith.constant 11 : i32
      %dma_wait3A_558 = arith.constant 11 : i32
      %dma_wait3A_559 = arith.constant 0 : i32
      %dma_wait3A_560 = arith.constant 0 : i32
      %dma_wait3A_561 = tpu.memref_slice %arg8[%dma_wait3A_558, %dma_wait3A_559, %dma_wait3A_560] : memref<16x128x16xf32, #tpu.memory_space<vmem>> -> memref<1x128x16xf32, #tpu.memory_space<vmem>>
      %dma_wait3A_562 = tpu.memref_squeeze %dma_wait3A_561 : memref<1x128x16xf32, #tpu.memory_space<vmem>> -> memref<128x16xf32, #tpu.memory_space<vmem>>
      %dma_wait3A_563 = arith.constant 0 : i32
      %dma_wait3A_564 = tpu.memref_slice %arg6[%dma_wait3A_557, %dma_wait3A_563] : memref<16x128xi32, #tpu.memory_space<vmem>> -> memref<1x128xi32, #tpu.memory_space<vmem>>
      %dma_wait3A_565 = tpu.memref_squeeze %dma_wait3A_564 : memref<1x128xi32, #tpu.memory_space<vmem>> -> memref<128xi32, #tpu.memory_space<vmem>>
      %dma_wait3A_566 = arith.constant 0 : i32
      %dma_wait3A_567 = arith.constant 0 : i32
      %dma_wait3A_568 = tpu.memref_slice %arg3[%dma_wait3A_566, %dma_wait3A_567] : memref<1048576x16xf32, #tpu.memory_space<hbm>> -> memref<1048576x16xf32, #tpu.memory_space<hbm>>
      tpu.wait_indirect_dma semaphore(%arg12 : memref<!tpu.dma_semaphore, #tpu.memory_space<semaphore_mem>>) src(%dma_wait3A_568 : memref<1048576x16xf32, #tpu.memory_space<hbm>>) dst(%dma_wait3A_562 : memref<128x16xf32, #tpu.memory_space<vmem>>)
      %dma_wait3A_569 = arith.constant 12 : i32
      %dma_wait3A_570 = arith.constant 12 : i32
      %dma_wait3A_571 = arith.constant 0 : i32
      %dma_wait3A_572 = arith.constant 0 : i32
      %dma_wait3A_573 = tpu.memref_slice %arg8[%dma_wait3A_570, %dma_wait3A_571, %dma_wait3A_572] : memref<16x128x16xf32, #tpu.memory_space<vmem>> -> memref<1x128x16xf32, #tpu.memory_space<vmem>>
      %dma_wait3A_574 = tpu.memref_squeeze %dma_wait3A_573 : memref<1x128x16xf32, #tpu.memory_space<vmem>> -> memref<128x16xf32, #tpu.memory_space<vmem>>
      %dma_wait3A_575 = arith.constant 0 : i32
      %dma_wait3A_576 = tpu.memref_slice %arg6[%dma_wait3A_569, %dma_wait3A_575] : memref<16x128xi32, #tpu.memory_space<vmem>> -> memref<1x128xi32, #tpu.memory_space<vmem>>
      %dma_wait3A_577 = tpu.memref_squeeze %dma_wait3A_576 : memref<1x128xi32, #tpu.memory_space<vmem>> -> memref<128xi32, #tpu.memory_space<vmem>>
      %dma_wait3A_578 = arith.constant 0 : i32
      %dma_wait3A_579 = arith.constant 0 : i32
      %dma_wait3A_580 = tpu.memref_slice %arg3[%dma_wait3A_578, %dma_wait3A_579] : memref<1048576x16xf32, #tpu.memory_space<hbm>> -> memref<1048576x16xf32, #tpu.memory_space<hbm>>
      tpu.wait_indirect_dma semaphore(%arg12 : memref<!tpu.dma_semaphore, #tpu.memory_space<semaphore_mem>>) src(%dma_wait3A_580 : memref<1048576x16xf32, #tpu.memory_space<hbm>>) dst(%dma_wait3A_574 : memref<128x16xf32, #tpu.memory_space<vmem>>)
      %dma_wait3A_581 = arith.constant 13 : i32
      %dma_wait3A_582 = arith.constant 13 : i32
      %dma_wait3A_583 = arith.constant 0 : i32
      %dma_wait3A_584 = arith.constant 0 : i32
      %dma_wait3A_585 = tpu.memref_slice %arg8[%dma_wait3A_582, %dma_wait3A_583, %dma_wait3A_584] : memref<16x128x16xf32, #tpu.memory_space<vmem>> -> memref<1x128x16xf32, #tpu.memory_space<vmem>>
      %dma_wait3A_586 = tpu.memref_squeeze %dma_wait3A_585 : memref<1x128x16xf32, #tpu.memory_space<vmem>> -> memref<128x16xf32, #tpu.memory_space<vmem>>
      %dma_wait3A_587 = arith.constant 0 : i32
      %dma_wait3A_588 = tpu.memref_slice %arg6[%dma_wait3A_581, %dma_wait3A_587] : memref<16x128xi32, #tpu.memory_space<vmem>> -> memref<1x128xi32, #tpu.memory_space<vmem>>
      %dma_wait3A_589 = tpu.memref_squeeze %dma_wait3A_588 : memref<1x128xi32, #tpu.memory_space<vmem>> -> memref<128xi32, #tpu.memory_space<vmem>>
      %dma_wait3A_590 = arith.constant 0 : i32
      %dma_wait3A_591 = arith.constant 0 : i32
      %dma_wait3A_592 = tpu.memref_slice %arg3[%dma_wait3A_590, %dma_wait3A_591] : memref<1048576x16xf32, #tpu.memory_space<hbm>> -> memref<1048576x16xf32, #tpu.memory_space<hbm>>
      tpu.wait_indirect_dma semaphore(%arg12 : memref<!tpu.dma_semaphore, #tpu.memory_space<semaphore_mem>>) src(%dma_wait3A_592 : memref<1048576x16xf32, #tpu.memory_space<hbm>>) dst(%dma_wait3A_586 : memref<128x16xf32, #tpu.memory_space<vmem>>)
      %dma_wait3A_593 = arith.constant 14 : i32
      %dma_wait3A_594 = arith.constant 14 : i32
      %dma_wait3A_595 = arith.constant 0 : i32
      %dma_wait3A_596 = arith.constant 0 : i32
      %dma_wait3A_597 = tpu.memref_slice %arg8[%dma_wait3A_594, %dma_wait3A_595, %dma_wait3A_596] : memref<16x128x16xf32, #tpu.memory_space<vmem>> -> memref<1x128x16xf32, #tpu.memory_space<vmem>>
      %dma_wait3A_598 = tpu.memref_squeeze %dma_wait3A_597 : memref<1x128x16xf32, #tpu.memory_space<vmem>> -> memref<128x16xf32, #tpu.memory_space<vmem>>
      %dma_wait3A_599 = arith.constant 0 : i32
      %dma_wait3A_600 = tpu.memref_slice %arg6[%dma_wait3A_593, %dma_wait3A_599] : memref<16x128xi32, #tpu.memory_space<vmem>> -> memref<1x128xi32, #tpu.memory_space<vmem>>
      %dma_wait3A_601 = tpu.memref_squeeze %dma_wait3A_600 : memref<1x128xi32, #tpu.memory_space<vmem>> -> memref<128xi32, #tpu.memory_space<vmem>>
      %dma_wait3A_602 = arith.constant 0 : i32
      %dma_wait3A_603 = arith.constant 0 : i32
      %dma_wait3A_604 = tpu.memref_slice %arg3[%dma_wait3A_602, %dma_wait3A_603] : memref<1048576x16xf32, #tpu.memory_space<hbm>> -> memref<1048576x16xf32, #tpu.memory_space<hbm>>
      tpu.wait_indirect_dma semaphore(%arg12 : memref<!tpu.dma_semaphore, #tpu.memory_space<semaphore_mem>>) src(%dma_wait3A_604 : memref<1048576x16xf32, #tpu.memory_space<hbm>>) dst(%dma_wait3A_598 : memref<128x16xf32, #tpu.memory_space<vmem>>)
      %dma_wait3A_605 = arith.constant 15 : i32
      %dma_wait3A_606 = arith.constant 15 : i32
      %dma_wait3A_607 = arith.constant 0 : i32
      %dma_wait3A_608 = arith.constant 0 : i32
      %dma_wait3A_609 = tpu.memref_slice %arg8[%dma_wait3A_606, %dma_wait3A_607, %dma_wait3A_608] : memref<16x128x16xf32, #tpu.memory_space<vmem>> -> memref<1x128x16xf32, #tpu.memory_space<vmem>>
      %dma_wait3A_610 = tpu.memref_squeeze %dma_wait3A_609 : memref<1x128x16xf32, #tpu.memory_space<vmem>> -> memref<128x16xf32, #tpu.memory_space<vmem>>
      %dma_wait3A_611 = arith.constant 0 : i32
      %dma_wait3A_612 = tpu.memref_slice %arg6[%dma_wait3A_605, %dma_wait3A_611] : memref<16x128xi32, #tpu.memory_space<vmem>> -> memref<1x128xi32, #tpu.memory_space<vmem>>
      %dma_wait3A_613 = tpu.memref_squeeze %dma_wait3A_612 : memref<1x128xi32, #tpu.memory_space<vmem>> -> memref<128xi32, #tpu.memory_space<vmem>>
      %dma_wait3A_614 = arith.constant 0 : i32
      %dma_wait3A_615 = arith.constant 0 : i32
      %dma_wait3A_616 = tpu.memref_slice %arg3[%dma_wait3A_614, %dma_wait3A_615] : memref<1048576x16xf32, #tpu.memory_space<hbm>> -> memref<1048576x16xf32, #tpu.memory_space<hbm>>
      tpu.wait_indirect_dma semaphore(%arg12 : memref<!tpu.dma_semaphore, #tpu.memory_space<semaphore_mem>>) src(%dma_wait3A_616 : memref<1048576x16xf32, #tpu.memory_space<hbm>>) dst(%dma_wait3A_610 : memref<128x16xf32, #tpu.memory_space<vmem>>)
      %gt3A = arith.constant 0 : i32
      %gt3A_617 = arith.cmpi sgt, %add3A_415, %gt3A : i32
      %convert_element_type3A = arith.extui %gt3A_617 : i1 to i32
      %cond3A = arith.constant 0 : i32
      %cond3A_618 = arith.cmpi ne, %convert_element_type3A, %cond3A : i32
      scf.if %cond3A_618 {
        %dma_wait3A_852 = arith.constant 0 : i32
        %dma_wait3A_853 = arith.constant 0 : i32
        %dma_wait3A_854 = tpu.memref_slice %arg4[%dma_wait3A_852, %dma_wait3A_853] : memref<16384x128xf32, #tpu.memory_space<hbm>> -> memref<16x128xf32, #tpu.memory_space<hbm>>
        %dma_wait3A_855 = arith.constant 0 : i32
        %dma_wait3A_856 = arith.constant 0 : i32
        %dma_wait3A_857 = tpu.memref_slice %arg4[%dma_wait3A_855, %dma_wait3A_856] : memref<16384x128xf32, #tpu.memory_space<hbm>> -> memref<16x128xf32, #tpu.memory_space<hbm>>
        tpu.wait_dma2 semaphore(%arg14 : memref<!tpu.dma_semaphore, #tpu.memory_space<semaphore_mem>>) src(%arg10 : memref<16x128xf32, #tpu.memory_space<vmem>>) dst(%dma_wait3A_857 : memref<16x128xf32, #tpu.memory_space<hbm>>)
      } else {
      }
      %scan3A_619 = arith.constant 0 : i32
      %scan3A_620 = arith.constant 8 : i32
      %scan3A_621 = arith.addi %scan3A_619, %scan3A_620 : i32
      %scan3A_622 = arith.constant 1 : i32
      scf.for %scan3A_852 = %scan3A_619 to %scan3A_621 step %scan3A_622  : i32 {
        %mul3A_853 = arith.constant 1 : i32
        %mul3A_854 = arith.muli %scan3A_852, %mul3A_853 : i32
        %add3A_855 = arith.constant 0 : i32
        %add3A_856 = arith.addi %add3A_855, %mul3A_854 : i32
        %mul3A_857 = arith.constant 16 : i32
        %mul3A_858 = arith.muli %add3A_856, %mul3A_857 : i32
        %get3A = arith.constant 1 : i32
        %get3A_859 = arith.index_cast %add3A_419 : i32 to index
        %get3A_860 = arith.index_cast %get3A : i32 to index
        %get3A_861 = arith.index_cast %mul3A_858 : i32 to index
        %get3A_862 = tpu.vector_load %arg5[%get3A_859, %get3A_860, %get3A_861] {strides = array<i32>} : memref<32x2x128xi32, #tpu.memory_space<vmem>>, vector<16xi32>,
        %mul3A_863 = arith.constant 16 : i32
        %mul3A_864 = arith.muli %add3A_856, %mul3A_863 : i32
        %add3A_865 = arith.constant 0 : i32
        %add3A_866 = arith.addi %mul3A_864, %add3A_865 : i32
        %slice3A = vector.extract_strided_slice %get3A_862 {offsets = [0], sizes = [1], strides = [1]} : vector<16xi32> to vector<1xi32>
        %squeeze3A = vector.extract %slice3A[0] : i32 from vector<1xi32>
        %and3A = arith.constant 15 : i32
        %and3A_867 = arith.andi %squeeze3A, %and3A : i32
        %broadcast_in_dim3A = vector.broadcast %add3A_866 : i32 to vector<16xi32>
        %broadcast_in_dim3A_868 = vector.broadcast %and3A_867 : i32 to vector<16xi32>
        %gather3A = tpu.vector_load_idx %arg8[%iota3A, %broadcast_in_dim3A, %broadcast_in_dim3A_868] : memref<16x128x16xf32, #tpu.memory_space<vmem>>[vector<16xi32>, vector<16xi32>, vector<16xi32>], vector<16xf32>,
        %mul3A_869 = arith.constant 2 : i32
        %mul3A_870 = arith.muli %mul3A_869, %add3A_856 : i32
        %add3A_871 = arith.constant 0 : i32
        %add3A_872 = arith.addi %mul3A_870, %add3A_871 : i32
        %swap3A = arith.index_cast %add3A_872 : i32 to index
        %swap3A_873 = arith.constant 0 : index
        %swap3A_874 = tpu.vector_load %arg10[%swap3A, %swap3A_873] {strides = array<i32>} : memref<16x128xf32, #tpu.memory_space<vmem>>, vector<16xf32>,
        tpu.vector_store %arg10[%swap3A, %swap3A_873], %gather3A {strides = array<i32>} : memref<16x128xf32, #tpu.memory_space<vmem>>, vector<16xf32>,
        %mul3A_875 = arith.constant 16 : i32
        %mul3A_876 = arith.muli %add3A_856, %mul3A_875 : i32
        %add3A_877 = arith.constant 1 : i32
        %add3A_878 = arith.addi %mul3A_876, %add3A_877 : i32
        %slice3A_879 = vector.extract_strided_slice %get3A_862 {offsets = [1], sizes = [1], strides = [1]} : vector<16xi32> to vector<1xi32>
        %squeeze3A_880 = vector.extract %slice3A_879[0] : i32 from vector<1xi32>
        %and3A_881 = arith.constant 15 : i32
        %and3A_882 = arith.andi %squeeze3A_880, %and3A_881 : i32
        %broadcast_in_dim3A_883 = vector.broadcast %add3A_878 : i32 to vector<16xi32>
        %broadcast_in_dim3A_884 = vector.broadcast %and3A_882 : i32 to vector<16xi32>
        %gather3A_885 = tpu.vector_load_idx %arg8[%iota3A, %broadcast_in_dim3A_883, %broadcast_in_dim3A_884] : memref<16x128x16xf32, #tpu.memory_space<vmem>>[vector<16xi32>, vector<16xi32>, vector<16xi32>], vector<16xf32>,
        %mul3A_886 = arith.constant 2 : i32
        %mul3A_887 = arith.muli %mul3A_886, %add3A_856 : i32
        %add3A_888 = arith.constant 0 : i32
        %add3A_889 = arith.addi %mul3A_887, %add3A_888 : i32
        %swap3A_890 = arith.index_cast %add3A_889 : i32 to index
        %swap3A_891 = arith.constant 16 : index
        %swap3A_892 = tpu.vector_load %arg10[%swap3A_890, %swap3A_891] {strides = array<i32>} : memref<16x128xf32, #tpu.memory_space<vmem>>, vector<16xf32>,
        tpu.vector_store %arg10[%swap3A_890, %swap3A_891], %gather3A_885 {strides = array<i32>} : memref<16x128xf32, #tpu.memory_space<vmem>>, vector<16xf32>,
        %mul3A_893 = arith.constant 16 : i32
        %mul3A_894 = arith.muli %add3A_856, %mul3A_893 : i32
        %add3A_895 = arith.constant 2 : i32
        %add3A_896 = arith.addi %mul3A_894, %add3A_895 : i32
        %slice3A_897 = vector.extract_strided_slice %get3A_862 {offsets = [2], sizes = [1], strides = [1]} : vector<16xi32> to vector<1xi32>
        %squeeze3A_898 = vector.extract %slice3A_897[0] : i32 from vector<1xi32>
        %and3A_899 = arith.constant 15 : i32
        %and3A_900 = arith.andi %squeeze3A_898, %and3A_899 : i32
        %broadcast_in_dim3A_901 = vector.broadcast %add3A_896 : i32 to vector<16xi32>
        %broadcast_in_dim3A_902 = vector.broadcast %and3A_900 : i32 to vector<16xi32>
        %gather3A_903 = tpu.vector_load_idx %arg8[%iota3A, %broadcast_in_dim3A_901, %broadcast_in_dim3A_902] : memref<16x128x16xf32, #tpu.memory_space<vmem>>[vector<16xi32>, vector<16xi32>, vector<16xi32>], vector<16xf32>,
        %mul3A_904 = arith.constant 2 : i32
        %mul3A_905 = arith.muli %mul3A_904, %add3A_856 : i32
        %add3A_906 = arith.constant 0 : i32
        %add3A_907 = arith.addi %mul3A_905, %add3A_906 : i32
        %swap3A_908 = arith.index_cast %add3A_907 : i32 to index
        %swap3A_909 = arith.constant 32 : index
        %swap3A_910 = tpu.vector_load %arg10[%swap3A_908, %swap3A_909] {strides = array<i32>} : memref<16x128xf32, #tpu.memory_space<vmem>>, vector<16xf32>,
        tpu.vector_store %arg10[%swap3A_908, %swap3A_909], %gather3A_903 {strides = array<i32>} : memref<16x128xf32, #tpu.memory_space<vmem>>, vector<16xf32>,
        %mul3A_911 = arith.constant 16 : i32
        %mul3A_912 = arith.muli %add3A_856, %mul3A_911 : i32
        %add3A_913 = arith.constant 3 : i32
        %add3A_914 = arith.addi %mul3A_912, %add3A_913 : i32
        %slice3A_915 = vector.extract_strided_slice %get3A_862 {offsets = [3], sizes = [1], strides = [1]} : vector<16xi32> to vector<1xi32>
        %squeeze3A_916 = vector.extract %slice3A_915[0] : i32 from vector<1xi32>
        %and3A_917 = arith.constant 15 : i32
        %and3A_918 = arith.andi %squeeze3A_916, %and3A_917 : i32
        %broadcast_in_dim3A_919 = vector.broadcast %add3A_914 : i32 to vector<16xi32>
        %broadcast_in_dim3A_920 = vector.broadcast %and3A_918 : i32 to vector<16xi32>
        %gather3A_921 = tpu.vector_load_idx %arg8[%iota3A, %broadcast_in_dim3A_919, %broadcast_in_dim3A_920] : memref<16x128x16xf32, #tpu.memory_space<vmem>>[vector<16xi32>, vector<16xi32>, vector<16xi32>], vector<16xf32>,
        %mul3A_922 = arith.constant 2 : i32
        %mul3A_923 = arith.muli %mul3A_922, %add3A_856 : i32
        %add3A_924 = arith.constant 0 : i32
        %add3A_925 = arith.addi %mul3A_923, %add3A_924 : i32
        %swap3A_926 = arith.index_cast %add3A_925 : i32 to index
        %swap3A_927 = arith.constant 48 : index
        %swap3A_928 = tpu.vector_load %arg10[%swap3A_926, %swap3A_927] {strides = array<i32>} : memref<16x128xf32, #tpu.memory_space<vmem>>, vector<16xf32>,
        tpu.vector_store %arg10[%swap3A_926, %swap3A_927], %gather3A_921 {strides = array<i32>} : memref<16x128xf32, #tpu.memory_space<vmem>>, vector<16xf32>,
        %mul3A_929 = arith.constant 16 : i32
        %mul3A_930 = arith.muli %add3A_856, %mul3A_929 : i32
        %add3A_931 = arith.constant 4 : i32
        %add3A_932 = arith.addi %mul3A_930, %add3A_931 : i32
        %slice3A_933 = vector.extract_strided_slice %get3A_862 {offsets = [4], sizes = [1], strides = [1]} : vector<16xi32> to vector<1xi32>
        %squeeze3A_934 = vector.extract %slice3A_933[0] : i32 from vector<1xi32>
        %and3A_935 = arith.constant 15 : i32
        %and3A_936 = arith.andi %squeeze3A_934, %and3A_935 : i32
        %broadcast_in_dim3A_937 = vector.broadcast %add3A_932 : i32 to vector<16xi32>
        %broadcast_in_dim3A_938 = vector.broadcast %and3A_936 : i32 to vector<16xi32>
        %gather3A_939 = tpu.vector_load_idx %arg8[%iota3A, %broadcast_in_dim3A_937, %broadcast_in_dim3A_938] : memref<16x128x16xf32, #tpu.memory_space<vmem>>[vector<16xi32>, vector<16xi32>, vector<16xi32>], vector<16xf32>,
        %mul3A_940 = arith.constant 2 : i32
        %mul3A_941 = arith.muli %mul3A_940, %add3A_856 : i32
        %add3A_942 = arith.constant 0 : i32
        %add3A_943 = arith.addi %mul3A_941, %add3A_942 : i32
        %swap3A_944 = arith.index_cast %add3A_943 : i32 to index
        %swap3A_945 = arith.constant 64 : index
        %swap3A_946 = tpu.vector_load %arg10[%swap3A_944, %swap3A_945] {strides = array<i32>} : memref<16x128xf32, #tpu.memory_space<vmem>>, vector<16xf32>,
        tpu.vector_store %arg10[%swap3A_944, %swap3A_945], %gather3A_939 {strides = array<i32>} : memref<16x128xf32, #tpu.memory_space<vmem>>, vector<16xf32>,
        %mul3A_947 = arith.constant 16 : i32
        %mul3A_948 = arith.muli %add3A_856, %mul3A_947 : i32
        %add3A_949 = arith.constant 5 : i32
        %add3A_950 = arith.addi %mul3A_948, %add3A_949 : i32
        %slice3A_951 = vector.extract_strided_slice %get3A_862 {offsets = [5], sizes = [1], strides = [1]} : vector<16xi32> to vector<1xi32>
        %squeeze3A_952 = vector.extract %slice3A_951[0] : i32 from vector<1xi32>
        %and3A_953 = arith.constant 15 : i32
        %and3A_954 = arith.andi %squeeze3A_952, %and3A_953 : i32
        %broadcast_in_dim3A_955 = vector.broadcast %add3A_950 : i32 to vector<16xi32>
        %broadcast_in_dim3A_956 = vector.broadcast %and3A_954 : i32 to vector<16xi32>
        %gather3A_957 = tpu.vector_load_idx %arg8[%iota3A, %broadcast_in_dim3A_955, %broadcast_in_dim3A_956] : memref<16x128x16xf32, #tpu.memory_space<vmem>>[vector<16xi32>, vector<16xi32>, vector<16xi32>], vector<16xf32>,
        %mul3A_958 = arith.constant 2 : i32
        %mul3A_959 = arith.muli %mul3A_958, %add3A_856 : i32
        %add3A_960 = arith.constant 0 : i32
        %add3A_961 = arith.addi %mul3A_959, %add3A_960 : i32
        %swap3A_962 = arith.index_cast %add3A_961 : i32 to index
        %swap3A_963 = arith.constant 80 : index
        %swap3A_964 = tpu.vector_load %arg10[%swap3A_962, %swap3A_963] {strides = array<i32>} : memref<16x128xf32, #tpu.memory_space<vmem>>, vector<16xf32>,
        tpu.vector_store %arg10[%swap3A_962, %swap3A_963], %gather3A_957 {strides = array<i32>} : memref<16x128xf32, #tpu.memory_space<vmem>>, vector<16xf32>,
        %mul3A_965 = arith.constant 16 : i32
        %mul3A_966 = arith.muli %add3A_856, %mul3A_965 : i32
        %add3A_967 = arith.constant 6 : i32
        %add3A_968 = arith.addi %mul3A_966, %add3A_967 : i32
        %slice3A_969 = vector.extract_strided_slice %get3A_862 {offsets = [6], sizes = [1], strides = [1]} : vector<16xi32> to vector<1xi32>
        %squeeze3A_970 = vector.extract %slice3A_969[0] : i32 from vector<1xi32>
        %and3A_971 = arith.constant 15 : i32
        %and3A_972 = arith.andi %squeeze3A_970, %and3A_971 : i32
        %broadcast_in_dim3A_973 = vector.broadcast %add3A_968 : i32 to vector<16xi32>
        %broadcast_in_dim3A_974 = vector.broadcast %and3A_972 : i32 to vector<16xi32>
        %gather3A_975 = tpu.vector_load_idx %arg8[%iota3A, %broadcast_in_dim3A_973, %broadcast_in_dim3A_974] : memref<16x128x16xf32, #tpu.memory_space<vmem>>[vector<16xi32>, vector<16xi32>, vector<16xi32>], vector<16xf32>,
        %mul3A_976 = arith.constant 2 : i32
        %mul3A_977 = arith.muli %mul3A_976, %add3A_856 : i32
        %add3A_978 = arith.constant 0 : i32
        %add3A_979 = arith.addi %mul3A_977, %add3A_978 : i32
        %swap3A_980 = arith.index_cast %add3A_979 : i32 to index
        %swap3A_981 = arith.constant 96 : index
        %swap3A_982 = tpu.vector_load %arg10[%swap3A_980, %swap3A_981] {strides = array<i32>} : memref<16x128xf32, #tpu.memory_space<vmem>>, vector<16xf32>,
        tpu.vector_store %arg10[%swap3A_980, %swap3A_981], %gather3A_975 {strides = array<i32>} : memref<16x128xf32, #tpu.memory_space<vmem>>, vector<16xf32>,
        %mul3A_983 = arith.constant 16 : i32
        %mul3A_984 = arith.muli %add3A_856, %mul3A_983 : i32
        %add3A_985 = arith.constant 7 : i32
        %add3A_986 = arith.addi %mul3A_984, %add3A_985 : i32
        %slice3A_987 = vector.extract_strided_slice %get3A_862 {offsets = [7], sizes = [1], strides = [1]} : vector<16xi32> to vector<1xi32>
        %squeeze3A_988 = vector.extract %slice3A_987[0] : i32 from vector<1xi32>
        %and3A_989 = arith.constant 15 : i32
        %and3A_990 = arith.andi %squeeze3A_988, %and3A_989 : i32
        %broadcast_in_dim3A_991 = vector.broadcast %add3A_986 : i32 to vector<16xi32>
        %broadcast_in_dim3A_992 = vector.broadcast %and3A_990 : i32 to vector<16xi32>
        %gather3A_993 = tpu.vector_load_idx %arg8[%iota3A, %broadcast_in_dim3A_991, %broadcast_in_dim3A_992] : memref<16x128x16xf32, #tpu.memory_space<vmem>>[vector<16xi32>, vector<16xi32>, vector<16xi32>], vector<16xf32>,
        %mul3A_994 = arith.constant 2 : i32
        %mul3A_995 = arith.muli %mul3A_994, %add3A_856 : i32
        %add3A_996 = arith.constant 0 : i32
        %add3A_997 = arith.addi %mul3A_995, %add3A_996 : i32
        %swap3A_998 = arith.index_cast %add3A_997 : i32 to index
        %swap3A_999 = arith.constant 112 : index
        %swap3A_1000 = tpu.vector_load %arg10[%swap3A_998, %swap3A_999] {strides = array<i32>} : memref<16x128xf32, #tpu.memory_space<vmem>>, vector<16xf32>,
        tpu.vector_store %arg10[%swap3A_998, %swap3A_999], %gather3A_993 {strides = array<i32>} : memref<16x128xf32, #tpu.memory_space<vmem>>, vector<16xf32>,
        %mul3A_1001 = arith.constant 16 : i32
        %mul3A_1002 = arith.muli %add3A_856, %mul3A_1001 : i32
        %add3A_1003 = arith.constant 8 : i32
        %add3A_1004 = arith.addi %mul3A_1002, %add3A_1003 : i32
        %slice3A_1005 = vector.extract_strided_slice %get3A_862 {offsets = [8], sizes = [1], strides = [1]} : vector<16xi32> to vector<1xi32>
        %squeeze3A_1006 = vector.extract %slice3A_1005[0] : i32 from vector<1xi32>
        %and3A_1007 = arith.constant 15 : i32
        %and3A_1008 = arith.andi %squeeze3A_1006, %and3A_1007 : i32
        %broadcast_in_dim3A_1009 = vector.broadcast %add3A_1004 : i32 to vector<16xi32>
        %broadcast_in_dim3A_1010 = vector.broadcast %and3A_1008 : i32 to vector<16xi32>
        %gather3A_1011 = tpu.vector_load_idx %arg8[%iota3A, %broadcast_in_dim3A_1009, %broadcast_in_dim3A_1010] : memref<16x128x16xf32, #tpu.memory_space<vmem>>[vector<16xi32>, vector<16xi32>, vector<16xi32>], vector<16xf32>,
        %mul3A_1012 = arith.constant 2 : i32
        %mul3A_1013 = arith.muli %mul3A_1012, %add3A_856 : i32
        %add3A_1014 = arith.constant 1 : i32
        %add3A_1015 = arith.addi %mul3A_1013, %add3A_1014 : i32
        %swap3A_1016 = arith.index_cast %add3A_1015 : i32 to index
        %swap3A_1017 = arith.constant 0 : index
        %swap3A_1018 = tpu.vector_load %arg10[%swap3A_1016, %swap3A_1017] {strides = array<i32>} : memref<16x128xf32, #tpu.memory_space<vmem>>, vector<16xf32>,
        tpu.vector_store %arg10[%swap3A_1016, %swap3A_1017], %gather3A_1011 {strides = array<i32>} : memref<16x128xf32, #tpu.memory_space<vmem>>, vector<16xf32>,
        %mul3A_1019 = arith.constant 16 : i32
        %mul3A_1020 = arith.muli %add3A_856, %mul3A_1019 : i32
        %add3A_1021 = arith.constant 9 : i32
        %add3A_1022 = arith.addi %mul3A_1020, %add3A_1021 : i32
        %slice3A_1023 = vector.extract_strided_slice %get3A_862 {offsets = [9], sizes = [1], strides = [1]} : vector<16xi32> to vector<1xi32>
        %squeeze3A_1024 = vector.extract %slice3A_1023[0] : i32 from vector<1xi32>
        %and3A_1025 = arith.constant 15 : i32
        %and3A_1026 = arith.andi %squeeze3A_1024, %and3A_1025 : i32
        %broadcast_in_dim3A_1027 = vector.broadcast %add3A_1022 : i32 to vector<16xi32>
        %broadcast_in_dim3A_1028 = vector.broadcast %and3A_1026 : i32 to vector<16xi32>
        %gather3A_1029 = tpu.vector_load_idx %arg8[%iota3A, %broadcast_in_dim3A_1027, %broadcast_in_dim3A_1028] : memref<16x128x16xf32, #tpu.memory_space<vmem>>[vector<16xi32>, vector<16xi32>, vector<16xi32>], vector<16xf32>,
        %mul3A_1030 = arith.constant 2 : i32
        %mul3A_1031 = arith.muli %mul3A_1030, %add3A_856 : i32
        %add3A_1032 = arith.constant 1 : i32
        %add3A_1033 = arith.addi %mul3A_1031, %add3A_1032 : i32
        %swap3A_1034 = arith.index_cast %add3A_1033 : i32 to index
        %swap3A_1035 = arith.constant 16 : index
        %swap3A_1036 = tpu.vector_load %arg10[%swap3A_1034, %swap3A_1035] {strides = array<i32>} : memref<16x128xf32, #tpu.memory_space<vmem>>, vector<16xf32>,
        tpu.vector_store %arg10[%swap3A_1034, %swap3A_1035], %gather3A_1029 {strides = array<i32>} : memref<16x128xf32, #tpu.memory_space<vmem>>, vector<16xf32>,
        %mul3A_1037 = arith.constant 16 : i32
        %mul3A_1038 = arith.muli %add3A_856, %mul3A_1037 : i32
        %add3A_1039 = arith.constant 10 : i32
        %add3A_1040 = arith.addi %mul3A_1038, %add3A_1039 : i32
        %slice3A_1041 = vector.extract_strided_slice %get3A_862 {offsets = [10], sizes = [1], strides = [1]} : vector<16xi32> to vector<1xi32>
        %squeeze3A_1042 = vector.extract %slice3A_1041[0] : i32 from vector<1xi32>
        %and3A_1043 = arith.constant 15 : i32
        %and3A_1044 = arith.andi %squeeze3A_1042, %and3A_1043 : i32
        %broadcast_in_dim3A_1045 = vector.broadcast %add3A_1040 : i32 to vector<16xi32>
        %broadcast_in_dim3A_1046 = vector.broadcast %and3A_1044 : i32 to vector<16xi32>
        %gather3A_1047 = tpu.vector_load_idx %arg8[%iota3A, %broadcast_in_dim3A_1045, %broadcast_in_dim3A_1046] : memref<16x128x16xf32, #tpu.memory_space<vmem>>[vector<16xi32>, vector<16xi32>, vector<16xi32>], vector<16xf32>,
        %mul3A_1048 = arith.constant 2 : i32
        %mul3A_1049 = arith.muli %mul3A_1048, %add3A_856 : i32
        %add3A_1050 = arith.constant 1 : i32
        %add3A_1051 = arith.addi %mul3A_1049, %add3A_1050 : i32
        %swap3A_1052 = arith.index_cast %add3A_1051 : i32 to index
        %swap3A_1053 = arith.constant 32 : index
        %swap3A_1054 = tpu.vector_load %arg10[%swap3A_1052, %swap3A_1053] {strides = array<i32>} : memref<16x128xf32, #tpu.memory_space<vmem>>, vector<16xf32>,
        tpu.vector_store %arg10[%swap3A_1052, %swap3A_1053], %gather3A_1047 {strides = array<i32>} : memref<16x128xf32, #tpu.memory_space<vmem>>, vector<16xf32>,
        %mul3A_1055 = arith.constant 16 : i32
        %mul3A_1056 = arith.muli %add3A_856, %mul3A_1055 : i32
        %add3A_1057 = arith.constant 11 : i32
        %add3A_1058 = arith.addi %mul3A_1056, %add3A_1057 : i32
        %slice3A_1059 = vector.extract_strided_slice %get3A_862 {offsets = [11], sizes = [1], strides = [1]} : vector<16xi32> to vector<1xi32>
        %squeeze3A_1060 = vector.extract %slice3A_1059[0] : i32 from vector<1xi32>
        %and3A_1061 = arith.constant 15 : i32
        %and3A_1062 = arith.andi %squeeze3A_1060, %and3A_1061 : i32
        %broadcast_in_dim3A_1063 = vector.broadcast %add3A_1058 : i32 to vector<16xi32>
        %broadcast_in_dim3A_1064 = vector.broadcast %and3A_1062 : i32 to vector<16xi32>
        %gather3A_1065 = tpu.vector_load_idx %arg8[%iota3A, %broadcast_in_dim3A_1063, %broadcast_in_dim3A_1064] : memref<16x128x16xf32, #tpu.memory_space<vmem>>[vector<16xi32>, vector<16xi32>, vector<16xi32>], vector<16xf32>,
        %mul3A_1066 = arith.constant 2 : i32
        %mul3A_1067 = arith.muli %mul3A_1066, %add3A_856 : i32
        %add3A_1068 = arith.constant 1 : i32
        %add3A_1069 = arith.addi %mul3A_1067, %add3A_1068 : i32
        %swap3A_1070 = arith.index_cast %add3A_1069 : i32 to index
        %swap3A_1071 = arith.constant 48 : index
        %swap3A_1072 = tpu.vector_load %arg10[%swap3A_1070, %swap3A_1071] {strides = array<i32>} : memref<16x128xf32, #tpu.memory_space<vmem>>, vector<16xf32>,
        tpu.vector_store %arg10[%swap3A_1070, %swap3A_1071], %gather3A_1065 {strides = array<i32>} : memref<16x128xf32, #tpu.memory_space<vmem>>, vector<16xf32>,
        %mul3A_1073 = arith.constant 16 : i32
        %mul3A_1074 = arith.muli %add3A_856, %mul3A_1073 : i32
        %add3A_1075 = arith.constant 12 : i32
        %add3A_1076 = arith.addi %mul3A_1074, %add3A_1075 : i32
        %slice3A_1077 = vector.extract_strided_slice %get3A_862 {offsets = [12], sizes = [1], strides = [1]} : vector<16xi32> to vector<1xi32>
        %squeeze3A_1078 = vector.extract %slice3A_1077[0] : i32 from vector<1xi32>
        %and3A_1079 = arith.constant 15 : i32
        %and3A_1080 = arith.andi %squeeze3A_1078, %and3A_1079 : i32
        %broadcast_in_dim3A_1081 = vector.broadcast %add3A_1076 : i32 to vector<16xi32>
        %broadcast_in_dim3A_1082 = vector.broadcast %and3A_1080 : i32 to vector<16xi32>
        %gather3A_1083 = tpu.vector_load_idx %arg8[%iota3A, %broadcast_in_dim3A_1081, %broadcast_in_dim3A_1082] : memref<16x128x16xf32, #tpu.memory_space<vmem>>[vector<16xi32>, vector<16xi32>, vector<16xi32>], vector<16xf32>,
        %mul3A_1084 = arith.constant 2 : i32
        %mul3A_1085 = arith.muli %mul3A_1084, %add3A_856 : i32
        %add3A_1086 = arith.constant 1 : i32
        %add3A_1087 = arith.addi %mul3A_1085, %add3A_1086 : i32
        %swap3A_1088 = arith.index_cast %add3A_1087 : i32 to index
        %swap3A_1089 = arith.constant 64 : index
        %swap3A_1090 = tpu.vector_load %arg10[%swap3A_1088, %swap3A_1089] {strides = array<i32>} : memref<16x128xf32, #tpu.memory_space<vmem>>, vector<16xf32>,
        tpu.vector_store %arg10[%swap3A_1088, %swap3A_1089], %gather3A_1083 {strides = array<i32>} : memref<16x128xf32, #tpu.memory_space<vmem>>, vector<16xf32>,
        %mul3A_1091 = arith.constant 16 : i32
        %mul3A_1092 = arith.muli %add3A_856, %mul3A_1091 : i32
        %add3A_1093 = arith.constant 13 : i32
        %add3A_1094 = arith.addi %mul3A_1092, %add3A_1093 : i32
        %slice3A_1095 = vector.extract_strided_slice %get3A_862 {offsets = [13], sizes = [1], strides = [1]} : vector<16xi32> to vector<1xi32>
        %squeeze3A_1096 = vector.extract %slice3A_1095[0] : i32 from vector<1xi32>
        %and3A_1097 = arith.constant 15 : i32
        %and3A_1098 = arith.andi %squeeze3A_1096, %and3A_1097 : i32
        %broadcast_in_dim3A_1099 = vector.broadcast %add3A_1094 : i32 to vector<16xi32>
        %broadcast_in_dim3A_1100 = vector.broadcast %and3A_1098 : i32 to vector<16xi32>
        %gather3A_1101 = tpu.vector_load_idx %arg8[%iota3A, %broadcast_in_dim3A_1099, %broadcast_in_dim3A_1100] : memref<16x128x16xf32, #tpu.memory_space<vmem>>[vector<16xi32>, vector<16xi32>, vector<16xi32>], vector<16xf32>,
        %mul3A_1102 = arith.constant 2 : i32
        %mul3A_1103 = arith.muli %mul3A_1102, %add3A_856 : i32
        %add3A_1104 = arith.constant 1 : i32
        %add3A_1105 = arith.addi %mul3A_1103, %add3A_1104 : i32
        %swap3A_1106 = arith.index_cast %add3A_1105 : i32 to index
        %swap3A_1107 = arith.constant 80 : index
        %swap3A_1108 = tpu.vector_load %arg10[%swap3A_1106, %swap3A_1107] {strides = array<i32>} : memref<16x128xf32, #tpu.memory_space<vmem>>, vector<16xf32>,
        tpu.vector_store %arg10[%swap3A_1106, %swap3A_1107], %gather3A_1101 {strides = array<i32>} : memref<16x128xf32, #tpu.memory_space<vmem>>, vector<16xf32>,
        %mul3A_1109 = arith.constant 16 : i32
        %mul3A_1110 = arith.muli %add3A_856, %mul3A_1109 : i32
        %add3A_1111 = arith.constant 14 : i32
        %add3A_1112 = arith.addi %mul3A_1110, %add3A_1111 : i32
        %slice3A_1113 = vector.extract_strided_slice %get3A_862 {offsets = [14], sizes = [1], strides = [1]} : vector<16xi32> to vector<1xi32>
        %squeeze3A_1114 = vector.extract %slice3A_1113[0] : i32 from vector<1xi32>
        %and3A_1115 = arith.constant 15 : i32
        %and3A_1116 = arith.andi %squeeze3A_1114, %and3A_1115 : i32
        %broadcast_in_dim3A_1117 = vector.broadcast %add3A_1112 : i32 to vector<16xi32>
        %broadcast_in_dim3A_1118 = vector.broadcast %and3A_1116 : i32 to vector<16xi32>
        %gather3A_1119 = tpu.vector_load_idx %arg8[%iota3A, %broadcast_in_dim3A_1117, %broadcast_in_dim3A_1118] : memref<16x128x16xf32, #tpu.memory_space<vmem>>[vector<16xi32>, vector<16xi32>, vector<16xi32>], vector<16xf32>,
        %mul3A_1120 = arith.constant 2 : i32
        %mul3A_1121 = arith.muli %mul3A_1120, %add3A_856 : i32
        %add3A_1122 = arith.constant 1 : i32
        %add3A_1123 = arith.addi %mul3A_1121, %add3A_1122 : i32
        %swap3A_1124 = arith.index_cast %add3A_1123 : i32 to index
        %swap3A_1125 = arith.constant 96 : index
        %swap3A_1126 = tpu.vector_load %arg10[%swap3A_1124, %swap3A_1125] {strides = array<i32>} : memref<16x128xf32, #tpu.memory_space<vmem>>, vector<16xf32>,
        tpu.vector_store %arg10[%swap3A_1124, %swap3A_1125], %gather3A_1119 {strides = array<i32>} : memref<16x128xf32, #tpu.memory_space<vmem>>, vector<16xf32>,
        %mul3A_1127 = arith.constant 16 : i32
        %mul3A_1128 = arith.muli %add3A_856, %mul3A_1127 : i32
        %add3A_1129 = arith.constant 15 : i32
        %add3A_1130 = arith.addi %mul3A_1128, %add3A_1129 : i32
        %slice3A_1131 = vector.extract_strided_slice %get3A_862 {offsets = [15], sizes = [1], strides = [1]} : vector<16xi32> to vector<1xi32>
        %squeeze3A_1132 = vector.extract %slice3A_1131[0] : i32 from vector<1xi32>
        %and3A_1133 = arith.constant 15 : i32
        %and3A_1134 = arith.andi %squeeze3A_1132, %and3A_1133 : i32
        %broadcast_in_dim3A_1135 = vector.broadcast %add3A_1130 : i32 to vector<16xi32>
        %broadcast_in_dim3A_1136 = vector.broadcast %and3A_1134 : i32 to vector<16xi32>
        %gather3A_1137 = tpu.vector_load_idx %arg8[%iota3A, %broadcast_in_dim3A_1135, %broadcast_in_dim3A_1136] : memref<16x128x16xf32, #tpu.memory_space<vmem>>[vector<16xi32>, vector<16xi32>, vector<16xi32>], vector<16xf32>,
        %mul3A_1138 = arith.constant 2 : i32
        %mul3A_1139 = arith.muli %mul3A_1138, %add3A_856 : i32
        %add3A_1140 = arith.constant 1 : i32
        %add3A_1141 = arith.addi %mul3A_1139, %add3A_1140 : i32
        %swap3A_1142 = arith.index_cast %add3A_1141 : i32 to index
        %swap3A_1143 = arith.constant 112 : index
        %swap3A_1144 = tpu.vector_load %arg10[%swap3A_1142, %swap3A_1143] {strides = array<i32>} : memref<16x128xf32, #tpu.memory_space<vmem>>, vector<16xf32>,
        tpu.vector_store %arg10[%swap3A_1142, %swap3A_1143], %gather3A_1137 {strides = array<i32>} : memref<16x128xf32, #tpu.memory_space<vmem>>, vector<16xf32>,
      }
      %scan3A_623 = arith.constant 8 : i32
      %dma_start3A_624 = arith.constant 0 : i32
      %dma_start3A_625 = tpu.memref_slice %arg4[%add3A_424, %dma_start3A_624] : memref<16384x128xf32, #tpu.memory_space<hbm>> -> memref<16x128xf32, #tpu.memory_space<hbm>>
      %dma_start3A_626 = arith.constant 0 : i32
      %dma_start3A_627 = tpu.memref_slice %arg4[%add3A_424, %dma_start3A_626] : memref<16384x128xf32, #tpu.memory_space<hbm>> -> memref<16x128xf32, #tpu.memory_space<hbm>>
      tpu.enqueue_dma source(%arg10 : memref<16x128xf32, #tpu.memory_space<vmem>>) target(%dma_start3A_627 : memref<16x128xf32, #tpu.memory_space<hbm>>) target_semaphore(%arg14 : memref<!tpu.dma_semaphore, #tpu.memory_space<semaphore_mem>>)
      %lt3A = arith.constant 15 : i32
      %lt3A_628 = arith.cmpi slt, %add3A_415, %lt3A : i32
      %convert_element_type3A_629 = arith.extui %lt3A_628 : i1 to i32
      %cond3A_630 = arith.constant 0 : i32
      %cond3A_631 = arith.cmpi ne, %convert_element_type3A_629, %cond3A_630 : i32
      scf.if %cond3A_631 {
        %add3A_852 = arith.constant 2 : i32
        %add3A_853 = arith.addi %add3A_419, %add3A_852 : i32
        %scan3A_854 = arith.constant 0 : i32
        %scan3A_855 = arith.constant 8 : i32
        %scan3A_856 = arith.addi %scan3A_854, %scan3A_855 : i32
        %scan3A_857 = arith.constant 1 : i32
        scf.for %scan3A_1053 = %scan3A_854 to %scan3A_856 step %scan3A_857  : i32 {
          %mul3A_1054 = arith.constant 1 : i32
          %mul3A_1055 = arith.muli %scan3A_1053, %mul3A_1054 : i32
          %add3A_1056 = arith.constant 0 : i32
          %add3A_1057 = arith.addi %add3A_1056, %mul3A_1055 : i32
          %mul3A_1058 = arith.constant 16 : i32
          %mul3A_1059 = arith.muli %add3A_1057, %mul3A_1058 : i32
          %get3A = arith.constant 0 : i32
          %get3A_1060 = arith.index_cast %add3A_853 : i32 to index
          %get3A_1061 = arith.index_cast %get3A : i32 to index
          %get3A_1062 = arith.index_cast %mul3A_1059 : i32 to index
          %get3A_1063 = tpu.vector_load %arg5[%get3A_1060, %get3A_1061, %get3A_1062] {strides = array<i32>} : memref<32x2x128xi32, #tpu.memory_space<vmem>>, vector<16xi32>,
          %mul3A_1064 = arith.constant 16 : i32
          %mul3A_1065 = arith.muli %add3A_1057, %mul3A_1064 : i32
          %get3A_1066 = arith.constant 1 : i32
          %get3A_1067 = arith.index_cast %add3A_853 : i32 to index
          %get3A_1068 = arith.index_cast %get3A_1066 : i32 to index
          %get3A_1069 = arith.index_cast %mul3A_1065 : i32 to index
          %get3A_1070 = tpu.vector_load %arg5[%get3A_1067, %get3A_1068, %get3A_1069] {strides = array<i32>} : memref<32x2x128xi32, #tpu.memory_space<vmem>>, vector<16xi32>,
          %mul3A_1071 = arith.constant 1024 : i32
          %mul3A_1072 = vector.broadcast %mul3A_1071 : i32 to vector<16xi32>
          %mul3A_1073 = arith.muli %get3A_1063, %mul3A_1072 : vector<16xi32>
          %shift_right_logical3A = arith.constant 7 : i32
          %shift_right_logical3A_1074 = vector.broadcast %shift_right_logical3A : i32 to vector<16xi32>
          %shift_right_logical3A_1075 = arith.shrui %get3A_1070, %shift_right_logical3A_1074 : vector<16xi32>
          %mul3A_1076 = arith.constant 64 : i32
          %mul3A_1077 = vector.broadcast %mul3A_1076 : i32 to vector<16xi32>
          %mul3A_1078 = arith.muli %shift_right_logical3A_1075, %mul3A_1077 : vector<16xi32>
          %add3A_1079 = arith.addi %mul3A_1073, %mul3A_1078 : vector<16xi32>
          %shift_right_logical3A_1080 = arith.constant 4 : i32
          %shift_right_logical3A_1081 = vector.broadcast %shift_right_logical3A_1080 : i32 to vector<16xi32>
          %shift_right_logical3A_1082 = arith.shrui %get3A_1070, %shift_right_logical3A_1081 : vector<16xi32>
          %and3A = arith.constant 7 : i32
          %and3A_1083 = vector.broadcast %and3A : i32 to vector<16xi32>
          %and3A_1084 = arith.andi %shift_right_logical3A_1082, %and3A_1083 : vector<16xi32>
          %add3A_1085 = arith.addi %add3A_1079, %and3A_1084 : vector<16xi32>
          %add3A_1086 = arith.constant 0 : i32
          %add3A_1087 = vector.broadcast %add3A_1086 : i32 to vector<16xi32>
          %add3A_1088 = arith.addi %add3A_1085, %add3A_1087 : vector<16xi32>
          %add3A_1089 = arith.constant 0 : i32
          %add3A_1090 = vector.broadcast %add3A_1089 : i32 to vector<16xi32>
          %add3A_1091 = arith.addi %add3A_1088, %add3A_1090 : vector<16xi32>
          %mul3A_1092 = arith.constant 16 : i32
          %mul3A_1093 = arith.muli %add3A_1057, %mul3A_1092 : i32
          %swap3A = arith.constant 0 : i32
          %swap3A_1094 = arith.index_cast %swap3A : i32 to index
          %swap3A_1095 = arith.index_cast %mul3A_1093 : i32 to index
          %swap3A_1096 = tpu.vector_load %arg6[%swap3A_1094, %swap3A_1095] {strides = array<i32>} : memref<16x128xi32, #tpu.memory_space<vmem>>, vector<16xi32>,
          tpu.vector_store %arg6[%swap3A_1094, %swap3A_1095], %add3A_1091 {strides = array<i32>} : memref<16x128xi32, #tpu.memory_space<vmem>>, vector<16xi32>,
          %add3A_1097 = arith.constant 0 : i32
          %add3A_1098 = vector.broadcast %add3A_1097 : i32 to vector<16xi32>
          %add3A_1099 = arith.addi %add3A_1085, %add3A_1098 : vector<16xi32>
          %add3A_1100 = arith.constant 8 : i32
          %add3A_1101 = vector.broadcast %add3A_1100 : i32 to vector<16xi32>
          %add3A_1102 = arith.addi %add3A_1099, %add3A_1101 : vector<16xi32>
          %mul3A_1103 = arith.constant 16 : i32
          %mul3A_1104 = arith.muli %add3A_1057, %mul3A_1103 : i32
          %swap3A_1105 = arith.constant 1 : i32
          %swap3A_1106 = arith.index_cast %swap3A_1105 : i32 to index
          %swap3A_1107 = arith.index_cast %mul3A_1104 : i32 to index
          %swap3A_1108 = tpu.vector_load %arg6[%swap3A_1106, %swap3A_1107] {strides = array<i32>} : memref<16x128xi32, #tpu.memory_space<vmem>>, vector<16xi32>,
          tpu.vector_store %arg6[%swap3A_1106, %swap3A_1107], %add3A_1102 {strides = array<i32>} : memref<16x128xi32, #tpu.memory_space<vmem>>, vector<16xi32>,
          %add3A_1109 = arith.constant 0 : i32
          %add3A_1110 = vector.broadcast %add3A_1109 : i32 to vector<16xi32>
          %add3A_1111 = arith.addi %add3A_1085, %add3A_1110 : vector<16xi32>
          %add3A_1112 = arith.constant 16 : i32
          %add3A_1113 = vector.broadcast %add3A_1112 : i32 to vector<16xi32>
          %add3A_1114 = arith.addi %add3A_1111, %add3A_1113 : vector<16xi32>
          %mul3A_1115 = arith.constant 16 : i32
          %mul3A_1116 = arith.muli %add3A_1057, %mul3A_1115 : i32
          %swap3A_1117 = arith.constant 2 : i32
          %swap3A_1118 = arith.index_cast %swap3A_1117 : i32 to index
          %swap3A_1119 = arith.index_cast %mul3A_1116 : i32 to index
          %swap3A_1120 = tpu.vector_load %arg6[%swap3A_1118, %swap3A_1119] {strides = array<i32>} : memref<16x128xi32, #tpu.memory_space<vmem>>, vector<16xi32>,
          tpu.vector_store %arg6[%swap3A_1118, %swap3A_1119], %add3A_1114 {strides = array<i32>} : memref<16x128xi32, #tpu.memory_space<vmem>>, vector<16xi32>,
          %add3A_1121 = arith.constant 0 : i32
          %add3A_1122 = vector.broadcast %add3A_1121 : i32 to vector<16xi32>
          %add3A_1123 = arith.addi %add3A_1085, %add3A_1122 : vector<16xi32>
          %add3A_1124 = arith.constant 24 : i32
          %add3A_1125 = vector.broadcast %add3A_1124 : i32 to vector<16xi32>
          %add3A_1126 = arith.addi %add3A_1123, %add3A_1125 : vector<16xi32>
          %mul3A_1127 = arith.constant 16 : i32
          %mul3A_1128 = arith.muli %add3A_1057, %mul3A_1127 : i32
          %swap3A_1129 = arith.constant 3 : i32
          %swap3A_1130 = arith.index_cast %swap3A_1129 : i32 to index
          %swap3A_1131 = arith.index_cast %mul3A_1128 : i32 to index
          %swap3A_1132 = tpu.vector_load %arg6[%swap3A_1130, %swap3A_1131] {strides = array<i32>} : memref<16x128xi32, #tpu.memory_space<vmem>>, vector<16xi32>,
          tpu.vector_store %arg6[%swap3A_1130, %swap3A_1131], %add3A_1126 {strides = array<i32>} : memref<16x128xi32, #tpu.memory_space<vmem>>, vector<16xi32>,
          %add3A_1133 = arith.constant 0 : i32
          %add3A_1134 = vector.broadcast %add3A_1133 : i32 to vector<16xi32>
          %add3A_1135 = arith.addi %add3A_1085, %add3A_1134 : vector<16xi32>
          %add3A_1136 = arith.constant 32 : i32
          %add3A_1137 = vector.broadcast %add3A_1136 : i32 to vector<16xi32>
          %add3A_1138 = arith.addi %add3A_1135, %add3A_1137 : vector<16xi32>
          %mul3A_1139 = arith.constant 16 : i32
          %mul3A_1140 = arith.muli %add3A_1057, %mul3A_1139 : i32
          %swap3A_1141 = arith.constant 4 : i32
          %swap3A_1142 = arith.index_cast %swap3A_1141 : i32 to index
          %swap3A_1143 = arith.index_cast %mul3A_1140 : i32 to index
          %swap3A_1144 = tpu.vector_load %arg6[%swap3A_1142, %swap3A_1143] {strides = array<i32>} : memref<16x128xi32, #tpu.memory_space<vmem>>, vector<16xi32>,
          tpu.vector_store %arg6[%swap3A_1142, %swap3A_1143], %add3A_1138 {strides = array<i32>} : memref<16x128xi32, #tpu.memory_space<vmem>>, vector<16xi32>,
          %add3A_1145 = arith.constant 0 : i32
          %add3A_1146 = vector.broadcast %add3A_1145 : i32 to vector<16xi32>
          %add3A_1147 = arith.addi %add3A_1085, %add3A_1146 : vector<16xi32>
          %add3A_1148 = arith.constant 40 : i32
          %add3A_1149 = vector.broadcast %add3A_1148 : i32 to vector<16xi32>
          %add3A_1150 = arith.addi %add3A_1147, %add3A_1149 : vector<16xi32>
          %mul3A_1151 = arith.constant 16 : i32
          %mul3A_1152 = arith.muli %add3A_1057, %mul3A_1151 : i32
          %swap3A_1153 = arith.constant 5 : i32
          %swap3A_1154 = arith.index_cast %swap3A_1153 : i32 to index
          %swap3A_1155 = arith.index_cast %mul3A_1152 : i32 to index
          %swap3A_1156 = tpu.vector_load %arg6[%swap3A_1154, %swap3A_1155] {strides = array<i32>} : memref<16x128xi32, #tpu.memory_space<vmem>>, vector<16xi32>,
          tpu.vector_store %arg6[%swap3A_1154, %swap3A_1155], %add3A_1150 {strides = array<i32>} : memref<16x128xi32, #tpu.memory_space<vmem>>, vector<16xi32>,
          %add3A_1157 = arith.constant 0 : i32
          %add3A_1158 = vector.broadcast %add3A_1157 : i32 to vector<16xi32>
          %add3A_1159 = arith.addi %add3A_1085, %add3A_1158 : vector<16xi32>
          %add3A_1160 = arith.constant 48 : i32
          %add3A_1161 = vector.broadcast %add3A_1160 : i32 to vector<16xi32>
          %add3A_1162 = arith.addi %add3A_1159, %add3A_1161 : vector<16xi32>
          %mul3A_1163 = arith.constant 16 : i32
          %mul3A_1164 = arith.muli %add3A_1057, %mul3A_1163 : i32
          %swap3A_1165 = arith.constant 6 : i32
          %swap3A_1166 = arith.index_cast %swap3A_1165 : i32 to index
          %swap3A_1167 = arith.index_cast %mul3A_1164 : i32 to index
          %swap3A_1168 = tpu.vector_load %arg6[%swap3A_1166, %swap3A_1167] {strides = array<i32>} : memref<16x128xi32, #tpu.memory_space<vmem>>, vector<16xi32>,
          tpu.vector_store %arg6[%swap3A_1166, %swap3A_1167], %add3A_1162 {strides = array<i32>} : memref<16x128xi32, #tpu.memory_space<vmem>>, vector<16xi32>,
          %add3A_1169 = arith.constant 0 : i32
          %add3A_1170 = vector.broadcast %add3A_1169 : i32 to vector<16xi32>
          %add3A_1171 = arith.addi %add3A_1085, %add3A_1170 : vector<16xi32>
          %add3A_1172 = arith.constant 56 : i32
          %add3A_1173 = vector.broadcast %add3A_1172 : i32 to vector<16xi32>
          %add3A_1174 = arith.addi %add3A_1171, %add3A_1173 : vector<16xi32>
          %mul3A_1175 = arith.constant 16 : i32
          %mul3A_1176 = arith.muli %add3A_1057, %mul3A_1175 : i32
          %swap3A_1177 = arith.constant 7 : i32
          %swap3A_1178 = arith.index_cast %swap3A_1177 : i32 to index
          %swap3A_1179 = arith.index_cast %mul3A_1176 : i32 to index
          %swap3A_1180 = tpu.vector_load %arg6[%swap3A_1178, %swap3A_1179] {strides = array<i32>} : memref<16x128xi32, #tpu.memory_space<vmem>>, vector<16xi32>,
          tpu.vector_store %arg6[%swap3A_1178, %swap3A_1179], %add3A_1174 {strides = array<i32>} : memref<16x128xi32, #tpu.memory_space<vmem>>, vector<16xi32>,
          %add3A_1181 = arith.constant 512 : i32
          %add3A_1182 = vector.broadcast %add3A_1181 : i32 to vector<16xi32>
          %add3A_1183 = arith.addi %add3A_1085, %add3A_1182 : vector<16xi32>
          %add3A_1184 = arith.constant 0 : i32
          %add3A_1185 = vector.broadcast %add3A_1184 : i32 to vector<16xi32>
          %add3A_1186 = arith.addi %add3A_1183, %add3A_1185 : vector<16xi32>
          %mul3A_1187 = arith.constant 16 : i32
          %mul3A_1188 = arith.muli %add3A_1057, %mul3A_1187 : i32
          %swap3A_1189 = arith.constant 8 : i32
          %swap3A_1190 = arith.index_cast %swap3A_1189 : i32 to index
          %swap3A_1191 = arith.index_cast %mul3A_1188 : i32 to index
          %swap3A_1192 = tpu.vector_load %arg6[%swap3A_1190, %swap3A_1191] {strides = array<i32>} : memref<16x128xi32, #tpu.memory_space<vmem>>, vector<16xi32>,
          tpu.vector_store %arg6[%swap3A_1190, %swap3A_1191], %add3A_1186 {strides = array<i32>} : memref<16x128xi32, #tpu.memory_space<vmem>>, vector<16xi32>,
          %add3A_1193 = arith.constant 512 : i32
          %add3A_1194 = vector.broadcast %add3A_1193 : i32 to vector<16xi32>
          %add3A_1195 = arith.addi %add3A_1085, %add3A_1194 : vector<16xi32>
          %add3A_1196 = arith.constant 8 : i32
          %add3A_1197 = vector.broadcast %add3A_1196 : i32 to vector<16xi32>
          %add3A_1198 = arith.addi %add3A_1195, %add3A_1197 : vector<16xi32>
          %mul3A_1199 = arith.constant 16 : i32
          %mul3A_1200 = arith.muli %add3A_1057, %mul3A_1199 : i32
          %swap3A_1201 = arith.constant 9 : i32
          %swap3A_1202 = arith.index_cast %swap3A_1201 : i32 to index
          %swap3A_1203 = arith.index_cast %mul3A_1200 : i32 to index
          %swap3A_1204 = tpu.vector_load %arg6[%swap3A_1202, %swap3A_1203] {strides = array<i32>} : memref<16x128xi32, #tpu.memory_space<vmem>>, vector<16xi32>,
          tpu.vector_store %arg6[%swap3A_1202, %swap3A_1203], %add3A_1198 {strides = array<i32>} : memref<16x128xi32, #tpu.memory_space<vmem>>, vector<16xi32>,
          %add3A_1205 = arith.constant 512 : i32
          %add3A_1206 = vector.broadcast %add3A_1205 : i32 to vector<16xi32>
          %add3A_1207 = arith.addi %add3A_1085, %add3A_1206 : vector<16xi32>
          %add3A_1208 = arith.constant 16 : i32
          %add3A_1209 = vector.broadcast %add3A_1208 : i32 to vector<16xi32>
          %add3A_1210 = arith.addi %add3A_1207, %add3A_1209 : vector<16xi32>
          %mul3A_1211 = arith.constant 16 : i32
          %mul3A_1212 = arith.muli %add3A_1057, %mul3A_1211 : i32
          %swap3A_1213 = arith.constant 10 : i32
          %swap3A_1214 = arith.index_cast %swap3A_1213 : i32 to index
          %swap3A_1215 = arith.index_cast %mul3A_1212 : i32 to index
          %swap3A_1216 = tpu.vector_load %arg6[%swap3A_1214, %swap3A_1215] {strides = array<i32>} : memref<16x128xi32, #tpu.memory_space<vmem>>, vector<16xi32>,
          tpu.vector_store %arg6[%swap3A_1214, %swap3A_1215], %add3A_1210 {strides = array<i32>} : memref<16x128xi32, #tpu.memory_space<vmem>>, vector<16xi32>,
          %add3A_1217 = arith.constant 512 : i32
          %add3A_1218 = vector.broadcast %add3A_1217 : i32 to vector<16xi32>
          %add3A_1219 = arith.addi %add3A_1085, %add3A_1218 : vector<16xi32>
          %add3A_1220 = arith.constant 24 : i32
          %add3A_1221 = vector.broadcast %add3A_1220 : i32 to vector<16xi32>
          %add3A_1222 = arith.addi %add3A_1219, %add3A_1221 : vector<16xi32>
          %mul3A_1223 = arith.constant 16 : i32
          %mul3A_1224 = arith.muli %add3A_1057, %mul3A_1223 : i32
          %swap3A_1225 = arith.constant 11 : i32
          %swap3A_1226 = arith.index_cast %swap3A_1225 : i32 to index
          %swap3A_1227 = arith.index_cast %mul3A_1224 : i32 to index
          %swap3A_1228 = tpu.vector_load %arg6[%swap3A_1226, %swap3A_1227] {strides = array<i32>} : memref<16x128xi32, #tpu.memory_space<vmem>>, vector<16xi32>,
          tpu.vector_store %arg6[%swap3A_1226, %swap3A_1227], %add3A_1222 {strides = array<i32>} : memref<16x128xi32, #tpu.memory_space<vmem>>, vector<16xi32>,
          %add3A_1229 = arith.constant 512 : i32
          %add3A_1230 = vector.broadcast %add3A_1229 : i32 to vector<16xi32>
          %add3A_1231 = arith.addi %add3A_1085, %add3A_1230 : vector<16xi32>
          %add3A_1232 = arith.constant 32 : i32
          %add3A_1233 = vector.broadcast %add3A_1232 : i32 to vector<16xi32>
          %add3A_1234 = arith.addi %add3A_1231, %add3A_1233 : vector<16xi32>
          %mul3A_1235 = arith.constant 16 : i32
          %mul3A_1236 = arith.muli %add3A_1057, %mul3A_1235 : i32
          %swap3A_1237 = arith.constant 12 : i32
          %swap3A_1238 = arith.index_cast %swap3A_1237 : i32 to index
          %swap3A_1239 = arith.index_cast %mul3A_1236 : i32 to index
          %swap3A_1240 = tpu.vector_load %arg6[%swap3A_1238, %swap3A_1239] {strides = array<i32>} : memref<16x128xi32, #tpu.memory_space<vmem>>, vector<16xi32>,
          tpu.vector_store %arg6[%swap3A_1238, %swap3A_1239], %add3A_1234 {strides = array<i32>} : memref<16x128xi32, #tpu.memory_space<vmem>>, vector<16xi32>,
          %add3A_1241 = arith.constant 512 : i32
          %add3A_1242 = vector.broadcast %add3A_1241 : i32 to vector<16xi32>
          %add3A_1243 = arith.addi %add3A_1085, %add3A_1242 : vector<16xi32>
          %add3A_1244 = arith.constant 40 : i32
          %add3A_1245 = vector.broadcast %add3A_1244 : i32 to vector<16xi32>
          %add3A_1246 = arith.addi %add3A_1243, %add3A_1245 : vector<16xi32>
          %mul3A_1247 = arith.constant 16 : i32
          %mul3A_1248 = arith.muli %add3A_1057, %mul3A_1247 : i32
          %swap3A_1249 = arith.constant 13 : i32
          %swap3A_1250 = arith.index_cast %swap3A_1249 : i32 to index
          %swap3A_1251 = arith.index_cast %mul3A_1248 : i32 to index
          %swap3A_1252 = tpu.vector_load %arg6[%swap3A_1250, %swap3A_1251] {strides = array<i32>} : memref<16x128xi32, #tpu.memory_space<vmem>>, vector<16xi32>,
          tpu.vector_store %arg6[%swap3A_1250, %swap3A_1251], %add3A_1246 {strides = array<i32>} : memref<16x128xi32, #tpu.memory_space<vmem>>, vector<16xi32>,
          %add3A_1253 = arith.constant 512 : i32
          %add3A_1254 = vector.broadcast %add3A_1253 : i32 to vector<16xi32>
          %add3A_1255 = arith.addi %add3A_1085, %add3A_1254 : vector<16xi32>
          %add3A_1256 = arith.constant 48 : i32
          %add3A_1257 = vector.broadcast %add3A_1256 : i32 to vector<16xi32>
          %add3A_1258 = arith.addi %add3A_1255, %add3A_1257 : vector<16xi32>
          %mul3A_1259 = arith.constant 16 : i32
          %mul3A_1260 = arith.muli %add3A_1057, %mul3A_1259 : i32
          %swap3A_1261 = arith.constant 14 : i32
          %swap3A_1262 = arith.index_cast %swap3A_1261 : i32 to index
          %swap3A_1263 = arith.index_cast %mul3A_1260 : i32 to index
          %swap3A_1264 = tpu.vector_load %arg6[%swap3A_1262, %swap3A_1263] {strides = array<i32>} : memref<16x128xi32, #tpu.memory_space<vmem>>, vector<16xi32>,
          tpu.vector_store %arg6[%swap3A_1262, %swap3A_1263], %add3A_1258 {strides = array<i32>} : memref<16x128xi32, #tpu.memory_space<vmem>>, vector<16xi32>,
          %add3A_1265 = arith.constant 512 : i32
          %add3A_1266 = vector.broadcast %add3A_1265 : i32 to vector<16xi32>
          %add3A_1267 = arith.addi %add3A_1085, %add3A_1266 : vector<16xi32>
          %add3A_1268 = arith.constant 56 : i32
          %add3A_1269 = vector.broadcast %add3A_1268 : i32 to vector<16xi32>
          %add3A_1270 = arith.addi %add3A_1267, %add3A_1269 : vector<16xi32>
          %mul3A_1271 = arith.constant 16 : i32
          %mul3A_1272 = arith.muli %add3A_1057, %mul3A_1271 : i32
          %swap3A_1273 = arith.constant 15 : i32
          %swap3A_1274 = arith.index_cast %swap3A_1273 : i32 to index
          %swap3A_1275 = arith.index_cast %mul3A_1272 : i32 to index
          %swap3A_1276 = tpu.vector_load %arg6[%swap3A_1274, %swap3A_1275] {strides = array<i32>} : memref<16x128xi32, #tpu.memory_space<vmem>>, vector<16xi32>,
          tpu.vector_store %arg6[%swap3A_1274, %swap3A_1275], %add3A_1270 {strides = array<i32>} : memref<16x128xi32, #tpu.memory_space<vmem>>, vector<16xi32>,
        }
        %scan3A_858 = arith.constant 8 : i32
        %add3A_859 = arith.constant 2 : i32
        %add3A_860 = arith.addi %add3A_419, %add3A_859 : i32
        %dma_start3A_861 = arith.constant 0 : i32
        %dma_start3A_862 = arith.constant 0 : i32
        %dma_start3A_863 = arith.constant 0 : i32
        %dma_start3A_864 = arith.constant 0 : i32
        %dma_start3A_865 = tpu.memref_slice %arg8[%dma_start3A_862, %dma_start3A_863, %dma_start3A_864] : memref<16x128x16xf32, #tpu.memory_space<vmem>> -> memref<1x128x16xf32, #tpu.memory_space<vmem>>
        %dma_start3A_866 = tpu.memref_squeeze %dma_start3A_865 : memref<1x128x16xf32, #tpu.memory_space<vmem>> -> memref<128x16xf32, #tpu.memory_space<vmem>>
        %dma_start3A_867 = arith.constant 0 : i32
        %dma_start3A_868 = tpu.memref_slice %arg6[%dma_start3A_861, %dma_start3A_867] : memref<16x128xi32, #tpu.memory_space<vmem>> -> memref<1x128xi32, #tpu.memory_space<vmem>>
        %dma_start3A_869 = tpu.memref_squeeze %dma_start3A_868 : memref<1x128xi32, #tpu.memory_space<vmem>> -> memref<128xi32, #tpu.memory_space<vmem>>
        %dma_start3A_870 = arith.constant 0 : i32
        %dma_start3A_871 = arith.constant 0 : i32
        %dma_start3A_872 = tpu.memref_slice %arg3[%dma_start3A_870, %dma_start3A_871] : memref<1048576x16xf32, #tpu.memory_space<hbm>> -> memref<1048576x16xf32, #tpu.memory_space<hbm>>
        tpu.enqueue_indirect_dma source(%dma_start3A_872 : memref<1048576x16xf32, #tpu.memory_space<hbm>>) target(%dma_start3A_866 : memref<128x16xf32, #tpu.memory_space<vmem>>) offsets(%dma_start3A_869 : memref<128xi32, #tpu.memory_space<vmem>>) semaphore(%arg12 : memref<!tpu.dma_semaphore, #tpu.memory_space<semaphore_mem>>)
        %dma_start3A_873 = arith.constant 1 : i32
        %dma_start3A_874 = arith.constant 1 : i32
        %dma_start3A_875 = arith.constant 0 : i32
        %dma_start3A_876 = arith.constant 0 : i32
        %dma_start3A_877 = tpu.memref_slice %arg8[%dma_start3A_874, %dma_start3A_875, %dma_start3A_876] : memref<16x128x16xf32, #tpu.memory_space<vmem>> -> memref<1x128x16xf32, #tpu.memory_space<vmem>>
        %dma_start3A_878 = tpu.memref_squeeze %dma_start3A_877 : memref<1x128x16xf32, #tpu.memory_space<vmem>> -> memref<128x16xf32, #tpu.memory_space<vmem>>
        %dma_start3A_879 = arith.constant 0 : i32
        %dma_start3A_880 = tpu.memref_slice %arg6[%dma_start3A_873, %dma_start3A_879] : memref<16x128xi32, #tpu.memory_space<vmem>> -> memref<1x128xi32, #tpu.memory_space<vmem>>
        %dma_start3A_881 = tpu.memref_squeeze %dma_start3A_880 : memref<1x128xi32, #tpu.memory_space<vmem>> -> memref<128xi32, #tpu.memory_space<vmem>>
        %dma_start3A_882 = arith.constant 0 : i32
        %dma_start3A_883 = arith.constant 0 : i32
        %dma_start3A_884 = tpu.memref_slice %arg3[%dma_start3A_882, %dma_start3A_883] : memref<1048576x16xf32, #tpu.memory_space<hbm>> -> memref<1048576x16xf32, #tpu.memory_space<hbm>>
        tpu.enqueue_indirect_dma source(%dma_start3A_884 : memref<1048576x16xf32, #tpu.memory_space<hbm>>) target(%dma_start3A_878 : memref<128x16xf32, #tpu.memory_space<vmem>>) offsets(%dma_start3A_881 : memref<128xi32, #tpu.memory_space<vmem>>) semaphore(%arg12 : memref<!tpu.dma_semaphore, #tpu.memory_space<semaphore_mem>>)
        %dma_start3A_885 = arith.constant 2 : i32
        %dma_start3A_886 = arith.constant 2 : i32
        %dma_start3A_887 = arith.constant 0 : i32
        %dma_start3A_888 = arith.constant 0 : i32
        %dma_start3A_889 = tpu.memref_slice %arg8[%dma_start3A_886, %dma_start3A_887, %dma_start3A_888] : memref<16x128x16xf32, #tpu.memory_space<vmem>> -> memref<1x128x16xf32, #tpu.memory_space<vmem>>
        %dma_start3A_890 = tpu.memref_squeeze %dma_start3A_889 : memref<1x128x16xf32, #tpu.memory_space<vmem>> -> memref<128x16xf32, #tpu.memory_space<vmem>>
        %dma_start3A_891 = arith.constant 0 : i32
        %dma_start3A_892 = tpu.memref_slice %arg6[%dma_start3A_885, %dma_start3A_891] : memref<16x128xi32, #tpu.memory_space<vmem>> -> memref<1x128xi32, #tpu.memory_space<vmem>>
        %dma_start3A_893 = tpu.memref_squeeze %dma_start3A_892 : memref<1x128xi32, #tpu.memory_space<vmem>> -> memref<128xi32, #tpu.memory_space<vmem>>
        %dma_start3A_894 = arith.constant 0 : i32
        %dma_start3A_895 = arith.constant 0 : i32
        %dma_start3A_896 = tpu.memref_slice %arg3[%dma_start3A_894, %dma_start3A_895] : memref<1048576x16xf32, #tpu.memory_space<hbm>> -> memref<1048576x16xf32, #tpu.memory_space<hbm>>
        tpu.enqueue_indirect_dma source(%dma_start3A_896 : memref<1048576x16xf32, #tpu.memory_space<hbm>>) target(%dma_start3A_890 : memref<128x16xf32, #tpu.memory_space<vmem>>) offsets(%dma_start3A_893 : memref<128xi32, #tpu.memory_space<vmem>>) semaphore(%arg12 : memref<!tpu.dma_semaphore, #tpu.memory_space<semaphore_mem>>)
        %dma_start3A_897 = arith.constant 3 : i32
        %dma_start3A_898 = arith.constant 3 : i32
        %dma_start3A_899 = arith.constant 0 : i32
        %dma_start3A_900 = arith.constant 0 : i32
        %dma_start3A_901 = tpu.memref_slice %arg8[%dma_start3A_898, %dma_start3A_899, %dma_start3A_900] : memref<16x128x16xf32, #tpu.memory_space<vmem>> -> memref<1x128x16xf32, #tpu.memory_space<vmem>>
        %dma_start3A_902 = tpu.memref_squeeze %dma_start3A_901 : memref<1x128x16xf32, #tpu.memory_space<vmem>> -> memref<128x16xf32, #tpu.memory_space<vmem>>
        %dma_start3A_903 = arith.constant 0 : i32
        %dma_start3A_904 = tpu.memref_slice %arg6[%dma_start3A_897, %dma_start3A_903] : memref<16x128xi32, #tpu.memory_space<vmem>> -> memref<1x128xi32, #tpu.memory_space<vmem>>
        %dma_start3A_905 = tpu.memref_squeeze %dma_start3A_904 : memref<1x128xi32, #tpu.memory_space<vmem>> -> memref<128xi32, #tpu.memory_space<vmem>>
        %dma_start3A_906 = arith.constant 0 : i32
        %dma_start3A_907 = arith.constant 0 : i32
        %dma_start3A_908 = tpu.memref_slice %arg3[%dma_start3A_906, %dma_start3A_907] : memref<1048576x16xf32, #tpu.memory_space<hbm>> -> memref<1048576x16xf32, #tpu.memory_space<hbm>>
        tpu.enqueue_indirect_dma source(%dma_start3A_908 : memref<1048576x16xf32, #tpu.memory_space<hbm>>) target(%dma_start3A_902 : memref<128x16xf32, #tpu.memory_space<vmem>>) offsets(%dma_start3A_905 : memref<128xi32, #tpu.memory_space<vmem>>) semaphore(%arg12 : memref<!tpu.dma_semaphore, #tpu.memory_space<semaphore_mem>>)
        %dma_start3A_909 = arith.constant 4 : i32
        %dma_start3A_910 = arith.constant 4 : i32
        %dma_start3A_911 = arith.constant 0 : i32
        %dma_start3A_912 = arith.constant 0 : i32
        %dma_start3A_913 = tpu.memref_slice %arg8[%dma_start3A_910, %dma_start3A_911, %dma_start3A_912] : memref<16x128x16xf32, #tpu.memory_space<vmem>> -> memref<1x128x16xf32, #tpu.memory_space<vmem>>
        %dma_start3A_914 = tpu.memref_squeeze %dma_start3A_913 : memref<1x128x16xf32, #tpu.memory_space<vmem>> -> memref<128x16xf32, #tpu.memory_space<vmem>>
        %dma_start3A_915 = arith.constant 0 : i32
        %dma_start3A_916 = tpu.memref_slice %arg6[%dma_start3A_909, %dma_start3A_915] : memref<16x128xi32, #tpu.memory_space<vmem>> -> memref<1x128xi32, #tpu.memory_space<vmem>>
        %dma_start3A_917 = tpu.memref_squeeze %dma_start3A_916 : memref<1x128xi32, #tpu.memory_space<vmem>> -> memref<128xi32, #tpu.memory_space<vmem>>
        %dma_start3A_918 = arith.constant 0 : i32
        %dma_start3A_919 = arith.constant 0 : i32
        %dma_start3A_920 = tpu.memref_slice %arg3[%dma_start3A_918, %dma_start3A_919] : memref<1048576x16xf32, #tpu.memory_space<hbm>> -> memref<1048576x16xf32, #tpu.memory_space<hbm>>
        tpu.enqueue_indirect_dma source(%dma_start3A_920 : memref<1048576x16xf32, #tpu.memory_space<hbm>>) target(%dma_start3A_914 : memref<128x16xf32, #tpu.memory_space<vmem>>) offsets(%dma_start3A_917 : memref<128xi32, #tpu.memory_space<vmem>>) semaphore(%arg12 : memref<!tpu.dma_semaphore, #tpu.memory_space<semaphore_mem>>)
        %dma_start3A_921 = arith.constant 5 : i32
        %dma_start3A_922 = arith.constant 5 : i32
        %dma_start3A_923 = arith.constant 0 : i32
        %dma_start3A_924 = arith.constant 0 : i32
        %dma_start3A_925 = tpu.memref_slice %arg8[%dma_start3A_922, %dma_start3A_923, %dma_start3A_924] : memref<16x128x16xf32, #tpu.memory_space<vmem>> -> memref<1x128x16xf32, #tpu.memory_space<vmem>>
        %dma_start3A_926 = tpu.memref_squeeze %dma_start3A_925 : memref<1x128x16xf32, #tpu.memory_space<vmem>> -> memref<128x16xf32, #tpu.memory_space<vmem>>
        %dma_start3A_927 = arith.constant 0 : i32
        %dma_start3A_928 = tpu.memref_slice %arg6[%dma_start3A_921, %dma_start3A_927] : memref<16x128xi32, #tpu.memory_space<vmem>> -> memref<1x128xi32, #tpu.memory_space<vmem>>
        %dma_start3A_929 = tpu.memref_squeeze %dma_start3A_928 : memref<1x128xi32, #tpu.memory_space<vmem>> -> memref<128xi32, #tpu.memory_space<vmem>>
        %dma_start3A_930 = arith.constant 0 : i32
        %dma_start3A_931 = arith.constant 0 : i32
        %dma_start3A_932 = tpu.memref_slice %arg3[%dma_start3A_930, %dma_start3A_931] : memref<1048576x16xf32, #tpu.memory_space<hbm>> -> memref<1048576x16xf32, #tpu.memory_space<hbm>>
        tpu.enqueue_indirect_dma source(%dma_start3A_932 : memref<1048576x16xf32, #tpu.memory_space<hbm>>) target(%dma_start3A_926 : memref<128x16xf32, #tpu.memory_space<vmem>>) offsets(%dma_start3A_929 : memref<128xi32, #tpu.memory_space<vmem>>) semaphore(%arg12 : memref<!tpu.dma_semaphore, #tpu.memory_space<semaphore_mem>>)
        %dma_start3A_933 = arith.constant 6 : i32
        %dma_start3A_934 = arith.constant 6 : i32
        %dma_start3A_935 = arith.constant 0 : i32
        %dma_start3A_936 = arith.constant 0 : i32
        %dma_start3A_937 = tpu.memref_slice %arg8[%dma_start3A_934, %dma_start3A_935, %dma_start3A_936] : memref<16x128x16xf32, #tpu.memory_space<vmem>> -> memref<1x128x16xf32, #tpu.memory_space<vmem>>
        %dma_start3A_938 = tpu.memref_squeeze %dma_start3A_937 : memref<1x128x16xf32, #tpu.memory_space<vmem>> -> memref<128x16xf32, #tpu.memory_space<vmem>>
        %dma_start3A_939 = arith.constant 0 : i32
        %dma_start3A_940 = tpu.memref_slice %arg6[%dma_start3A_933, %dma_start3A_939] : memref<16x128xi32, #tpu.memory_space<vmem>> -> memref<1x128xi32, #tpu.memory_space<vmem>>
        %dma_start3A_941 = tpu.memref_squeeze %dma_start3A_940 : memref<1x128xi32, #tpu.memory_space<vmem>> -> memref<128xi32, #tpu.memory_space<vmem>>
        %dma_start3A_942 = arith.constant 0 : i32
        %dma_start3A_943 = arith.constant 0 : i32
        %dma_start3A_944 = tpu.memref_slice %arg3[%dma_start3A_942, %dma_start3A_943] : memref<1048576x16xf32, #tpu.memory_space<hbm>> -> memref<1048576x16xf32, #tpu.memory_space<hbm>>
        tpu.enqueue_indirect_dma source(%dma_start3A_944 : memref<1048576x16xf32, #tpu.memory_space<hbm>>) target(%dma_start3A_938 : memref<128x16xf32, #tpu.memory_space<vmem>>) offsets(%dma_start3A_941 : memref<128xi32, #tpu.memory_space<vmem>>) semaphore(%arg12 : memref<!tpu.dma_semaphore, #tpu.memory_space<semaphore_mem>>)
        %dma_start3A_945 = arith.constant 7 : i32
        %dma_start3A_946 = arith.constant 7 : i32
        %dma_start3A_947 = arith.constant 0 : i32
        %dma_start3A_948 = arith.constant 0 : i32
        %dma_start3A_949 = tpu.memref_slice %arg8[%dma_start3A_946, %dma_start3A_947, %dma_start3A_948] : memref<16x128x16xf32, #tpu.memory_space<vmem>> -> memref<1x128x16xf32, #tpu.memory_space<vmem>>
        %dma_start3A_950 = tpu.memref_squeeze %dma_start3A_949 : memref<1x128x16xf32, #tpu.memory_space<vmem>> -> memref<128x16xf32, #tpu.memory_space<vmem>>
        %dma_start3A_951 = arith.constant 0 : i32
        %dma_start3A_952 = tpu.memref_slice %arg6[%dma_start3A_945, %dma_start3A_951] : memref<16x128xi32, #tpu.memory_space<vmem>> -> memref<1x128xi32, #tpu.memory_space<vmem>>
        %dma_start3A_953 = tpu.memref_squeeze %dma_start3A_952 : memref<1x128xi32, #tpu.memory_space<vmem>> -> memref<128xi32, #tpu.memory_space<vmem>>
        %dma_start3A_954 = arith.constant 0 : i32
        %dma_start3A_955 = arith.constant 0 : i32
        %dma_start3A_956 = tpu.memref_slice %arg3[%dma_start3A_954, %dma_start3A_955] : memref<1048576x16xf32, #tpu.memory_space<hbm>> -> memref<1048576x16xf32, #tpu.memory_space<hbm>>
        tpu.enqueue_indirect_dma source(%dma_start3A_956 : memref<1048576x16xf32, #tpu.memory_space<hbm>>) target(%dma_start3A_950 : memref<128x16xf32, #tpu.memory_space<vmem>>) offsets(%dma_start3A_953 : memref<128xi32, #tpu.memory_space<vmem>>) semaphore(%arg12 : memref<!tpu.dma_semaphore, #tpu.memory_space<semaphore_mem>>)
        %dma_start3A_957 = arith.constant 8 : i32
        %dma_start3A_958 = arith.constant 8 : i32
        %dma_start3A_959 = arith.constant 0 : i32
        %dma_start3A_960 = arith.constant 0 : i32
        %dma_start3A_961 = tpu.memref_slice %arg8[%dma_start3A_958, %dma_start3A_959, %dma_start3A_960] : memref<16x128x16xf32, #tpu.memory_space<vmem>> -> memref<1x128x16xf32, #tpu.memory_space<vmem>>
        %dma_start3A_962 = tpu.memref_squeeze %dma_start3A_961 : memref<1x128x16xf32, #tpu.memory_space<vmem>> -> memref<128x16xf32, #tpu.memory_space<vmem>>
        %dma_start3A_963 = arith.constant 0 : i32
        %dma_start3A_964 = tpu.memref_slice %arg6[%dma_start3A_957, %dma_start3A_963] : memref<16x128xi32, #tpu.memory_space<vmem>> -> memref<1x128xi32, #tpu.memory_space<vmem>>
        %dma_start3A_965 = tpu.memref_squeeze %dma_start3A_964 : memref<1x128xi32, #tpu.memory_space<vmem>> -> memref<128xi32, #tpu.memory_space<vmem>>
        %dma_start3A_966 = arith.constant 0 : i32
        %dma_start3A_967 = arith.constant 0 : i32
        %dma_start3A_968 = tpu.memref_slice %arg3[%dma_start3A_966, %dma_start3A_967] : memref<1048576x16xf32, #tpu.memory_space<hbm>> -> memref<1048576x16xf32, #tpu.memory_space<hbm>>
        tpu.enqueue_indirect_dma source(%dma_start3A_968 : memref<1048576x16xf32, #tpu.memory_space<hbm>>) target(%dma_start3A_962 : memref<128x16xf32, #tpu.memory_space<vmem>>) offsets(%dma_start3A_965 : memref<128xi32, #tpu.memory_space<vmem>>) semaphore(%arg12 : memref<!tpu.dma_semaphore, #tpu.memory_space<semaphore_mem>>)
        %dma_start3A_969 = arith.constant 9 : i32
        %dma_start3A_970 = arith.constant 9 : i32
        %dma_start3A_971 = arith.constant 0 : i32
        %dma_start3A_972 = arith.constant 0 : i32
        %dma_start3A_973 = tpu.memref_slice %arg8[%dma_start3A_970, %dma_start3A_971, %dma_start3A_972] : memref<16x128x16xf32, #tpu.memory_space<vmem>> -> memref<1x128x16xf32, #tpu.memory_space<vmem>>
        %dma_start3A_974 = tpu.memref_squeeze %dma_start3A_973 : memref<1x128x16xf32, #tpu.memory_space<vmem>> -> memref<128x16xf32, #tpu.memory_space<vmem>>
        %dma_start3A_975 = arith.constant 0 : i32
        %dma_start3A_976 = tpu.memref_slice %arg6[%dma_start3A_969, %dma_start3A_975] : memref<16x128xi32, #tpu.memory_space<vmem>> -> memref<1x128xi32, #tpu.memory_space<vmem>>
        %dma_start3A_977 = tpu.memref_squeeze %dma_start3A_976 : memref<1x128xi32, #tpu.memory_space<vmem>> -> memref<128xi32, #tpu.memory_space<vmem>>
        %dma_start3A_978 = arith.constant 0 : i32
        %dma_start3A_979 = arith.constant 0 : i32
        %dma_start3A_980 = tpu.memref_slice %arg3[%dma_start3A_978, %dma_start3A_979] : memref<1048576x16xf32, #tpu.memory_space<hbm>> -> memref<1048576x16xf32, #tpu.memory_space<hbm>>
        tpu.enqueue_indirect_dma source(%dma_start3A_980 : memref<1048576x16xf32, #tpu.memory_space<hbm>>) target(%dma_start3A_974 : memref<128x16xf32, #tpu.memory_space<vmem>>) offsets(%dma_start3A_977 : memref<128xi32, #tpu.memory_space<vmem>>) semaphore(%arg12 : memref<!tpu.dma_semaphore, #tpu.memory_space<semaphore_mem>>)
        %dma_start3A_981 = arith.constant 10 : i32
        %dma_start3A_982 = arith.constant 10 : i32
        %dma_start3A_983 = arith.constant 0 : i32
        %dma_start3A_984 = arith.constant 0 : i32
        %dma_start3A_985 = tpu.memref_slice %arg8[%dma_start3A_982, %dma_start3A_983, %dma_start3A_984] : memref<16x128x16xf32, #tpu.memory_space<vmem>> -> memref<1x128x16xf32, #tpu.memory_space<vmem>>
        %dma_start3A_986 = tpu.memref_squeeze %dma_start3A_985 : memref<1x128x16xf32, #tpu.memory_space<vmem>> -> memref<128x16xf32, #tpu.memory_space<vmem>>
        %dma_start3A_987 = arith.constant 0 : i32
        %dma_start3A_988 = tpu.memref_slice %arg6[%dma_start3A_981, %dma_start3A_987] : memref<16x128xi32, #tpu.memory_space<vmem>> -> memref<1x128xi32, #tpu.memory_space<vmem>>
        %dma_start3A_989 = tpu.memref_squeeze %dma_start3A_988 : memref<1x128xi32, #tpu.memory_space<vmem>> -> memref<128xi32, #tpu.memory_space<vmem>>
        %dma_start3A_990 = arith.constant 0 : i32
        %dma_start3A_991 = arith.constant 0 : i32
        %dma_start3A_992 = tpu.memref_slice %arg3[%dma_start3A_990, %dma_start3A_991] : memref<1048576x16xf32, #tpu.memory_space<hbm>> -> memref<1048576x16xf32, #tpu.memory_space<hbm>>
        tpu.enqueue_indirect_dma source(%dma_start3A_992 : memref<1048576x16xf32, #tpu.memory_space<hbm>>) target(%dma_start3A_986 : memref<128x16xf32, #tpu.memory_space<vmem>>) offsets(%dma_start3A_989 : memref<128xi32, #tpu.memory_space<vmem>>) semaphore(%arg12 : memref<!tpu.dma_semaphore, #tpu.memory_space<semaphore_mem>>)
        %dma_start3A_993 = arith.constant 11 : i32
        %dma_start3A_994 = arith.constant 11 : i32
        %dma_start3A_995 = arith.constant 0 : i32
        %dma_start3A_996 = arith.constant 0 : i32
        %dma_start3A_997 = tpu.memref_slice %arg8[%dma_start3A_994, %dma_start3A_995, %dma_start3A_996] : memref<16x128x16xf32, #tpu.memory_space<vmem>> -> memref<1x128x16xf32, #tpu.memory_space<vmem>>
        %dma_start3A_998 = tpu.memref_squeeze %dma_start3A_997 : memref<1x128x16xf32, #tpu.memory_space<vmem>> -> memref<128x16xf32, #tpu.memory_space<vmem>>
        %dma_start3A_999 = arith.constant 0 : i32
        %dma_start3A_1000 = tpu.memref_slice %arg6[%dma_start3A_993, %dma_start3A_999] : memref<16x128xi32, #tpu.memory_space<vmem>> -> memref<1x128xi32, #tpu.memory_space<vmem>>
        %dma_start3A_1001 = tpu.memref_squeeze %dma_start3A_1000 : memref<1x128xi32, #tpu.memory_space<vmem>> -> memref<128xi32, #tpu.memory_space<vmem>>
        %dma_start3A_1002 = arith.constant 0 : i32
        %dma_start3A_1003 = arith.constant 0 : i32
        %dma_start3A_1004 = tpu.memref_slice %arg3[%dma_start3A_1002, %dma_start3A_1003] : memref<1048576x16xf32, #tpu.memory_space<hbm>> -> memref<1048576x16xf32, #tpu.memory_space<hbm>>
        tpu.enqueue_indirect_dma source(%dma_start3A_1004 : memref<1048576x16xf32, #tpu.memory_space<hbm>>) target(%dma_start3A_998 : memref<128x16xf32, #tpu.memory_space<vmem>>) offsets(%dma_start3A_1001 : memref<128xi32, #tpu.memory_space<vmem>>) semaphore(%arg12 : memref<!tpu.dma_semaphore, #tpu.memory_space<semaphore_mem>>)
        %dma_start3A_1005 = arith.constant 12 : i32
        %dma_start3A_1006 = arith.constant 12 : i32
        %dma_start3A_1007 = arith.constant 0 : i32
        %dma_start3A_1008 = arith.constant 0 : i32
        %dma_start3A_1009 = tpu.memref_slice %arg8[%dma_start3A_1006, %dma_start3A_1007, %dma_start3A_1008] : memref<16x128x16xf32, #tpu.memory_space<vmem>> -> memref<1x128x16xf32, #tpu.memory_space<vmem>>
        %dma_start3A_1010 = tpu.memref_squeeze %dma_start3A_1009 : memref<1x128x16xf32, #tpu.memory_space<vmem>> -> memref<128x16xf32, #tpu.memory_space<vmem>>
        %dma_start3A_1011 = arith.constant 0 : i32
        %dma_start3A_1012 = tpu.memref_slice %arg6[%dma_start3A_1005, %dma_start3A_1011] : memref<16x128xi32, #tpu.memory_space<vmem>> -> memref<1x128xi32, #tpu.memory_space<vmem>>
        %dma_start3A_1013 = tpu.memref_squeeze %dma_start3A_1012 : memref<1x128xi32, #tpu.memory_space<vmem>> -> memref<128xi32, #tpu.memory_space<vmem>>
        %dma_start3A_1014 = arith.constant 0 : i32
        %dma_start3A_1015 = arith.constant 0 : i32
        %dma_start3A_1016 = tpu.memref_slice %arg3[%dma_start3A_1014, %dma_start3A_1015] : memref<1048576x16xf32, #tpu.memory_space<hbm>> -> memref<1048576x16xf32, #tpu.memory_space<hbm>>
        tpu.enqueue_indirect_dma source(%dma_start3A_1016 : memref<1048576x16xf32, #tpu.memory_space<hbm>>) target(%dma_start3A_1010 : memref<128x16xf32, #tpu.memory_space<vmem>>) offsets(%dma_start3A_1013 : memref<128xi32, #tpu.memory_space<vmem>>) semaphore(%arg12 : memref<!tpu.dma_semaphore, #tpu.memory_space<semaphore_mem>>)
        %dma_start3A_1017 = arith.constant 13 : i32
        %dma_start3A_1018 = arith.constant 13 : i32
        %dma_start3A_1019 = arith.constant 0 : i32
        %dma_start3A_1020 = arith.constant 0 : i32
        %dma_start3A_1021 = tpu.memref_slice %arg8[%dma_start3A_1018, %dma_start3A_1019, %dma_start3A_1020] : memref<16x128x16xf32, #tpu.memory_space<vmem>> -> memref<1x128x16xf32, #tpu.memory_space<vmem>>
        %dma_start3A_1022 = tpu.memref_squeeze %dma_start3A_1021 : memref<1x128x16xf32, #tpu.memory_space<vmem>> -> memref<128x16xf32, #tpu.memory_space<vmem>>
        %dma_start3A_1023 = arith.constant 0 : i32
        %dma_start3A_1024 = tpu.memref_slice %arg6[%dma_start3A_1017, %dma_start3A_1023] : memref<16x128xi32, #tpu.memory_space<vmem>> -> memref<1x128xi32, #tpu.memory_space<vmem>>
        %dma_start3A_1025 = tpu.memref_squeeze %dma_start3A_1024 : memref<1x128xi32, #tpu.memory_space<vmem>> -> memref<128xi32, #tpu.memory_space<vmem>>
        %dma_start3A_1026 = arith.constant 0 : i32
        %dma_start3A_1027 = arith.constant 0 : i32
        %dma_start3A_1028 = tpu.memref_slice %arg3[%dma_start3A_1026, %dma_start3A_1027] : memref<1048576x16xf32, #tpu.memory_space<hbm>> -> memref<1048576x16xf32, #tpu.memory_space<hbm>>
        tpu.enqueue_indirect_dma source(%dma_start3A_1028 : memref<1048576x16xf32, #tpu.memory_space<hbm>>) target(%dma_start3A_1022 : memref<128x16xf32, #tpu.memory_space<vmem>>) offsets(%dma_start3A_1025 : memref<128xi32, #tpu.memory_space<vmem>>) semaphore(%arg12 : memref<!tpu.dma_semaphore, #tpu.memory_space<semaphore_mem>>)
        %dma_start3A_1029 = arith.constant 14 : i32
        %dma_start3A_1030 = arith.constant 14 : i32
        %dma_start3A_1031 = arith.constant 0 : i32
        %dma_start3A_1032 = arith.constant 0 : i32
        %dma_start3A_1033 = tpu.memref_slice %arg8[%dma_start3A_1030, %dma_start3A_1031, %dma_start3A_1032] : memref<16x128x16xf32, #tpu.memory_space<vmem>> -> memref<1x128x16xf32, #tpu.memory_space<vmem>>
        %dma_start3A_1034 = tpu.memref_squeeze %dma_start3A_1033 : memref<1x128x16xf32, #tpu.memory_space<vmem>> -> memref<128x16xf32, #tpu.memory_space<vmem>>
        %dma_start3A_1035 = arith.constant 0 : i32
        %dma_start3A_1036 = tpu.memref_slice %arg6[%dma_start3A_1029, %dma_start3A_1035] : memref<16x128xi32, #tpu.memory_space<vmem>> -> memref<1x128xi32, #tpu.memory_space<vmem>>
        %dma_start3A_1037 = tpu.memref_squeeze %dma_start3A_1036 : memref<1x128xi32, #tpu.memory_space<vmem>> -> memref<128xi32, #tpu.memory_space<vmem>>
        %dma_start3A_1038 = arith.constant 0 : i32
        %dma_start3A_1039 = arith.constant 0 : i32
        %dma_start3A_1040 = tpu.memref_slice %arg3[%dma_start3A_1038, %dma_start3A_1039] : memref<1048576x16xf32, #tpu.memory_space<hbm>> -> memref<1048576x16xf32, #tpu.memory_space<hbm>>
        tpu.enqueue_indirect_dma source(%dma_start3A_1040 : memref<1048576x16xf32, #tpu.memory_space<hbm>>) target(%dma_start3A_1034 : memref<128x16xf32, #tpu.memory_space<vmem>>) offsets(%dma_start3A_1037 : memref<128xi32, #tpu.memory_space<vmem>>) semaphore(%arg12 : memref<!tpu.dma_semaphore, #tpu.memory_space<semaphore_mem>>)
        %dma_start3A_1041 = arith.constant 15 : i32
        %dma_start3A_1042 = arith.constant 15 : i32
        %dma_start3A_1043 = arith.constant 0 : i32
        %dma_start3A_1044 = arith.constant 0 : i32
        %dma_start3A_1045 = tpu.memref_slice %arg8[%dma_start3A_1042, %dma_start3A_1043, %dma_start3A_1044] : memref<16x128x16xf32, #tpu.memory_space<vmem>> -> memref<1x128x16xf32, #tpu.memory_space<vmem>>
        %dma_start3A_1046 = tpu.memref_squeeze %dma_start3A_1045 : memref<1x128x16xf32, #tpu.memory_space<vmem>> -> memref<128x16xf32, #tpu.memory_space<vmem>>
        %dma_start3A_1047 = arith.constant 0 : i32
        %dma_start3A_1048 = tpu.memref_slice %arg6[%dma_start3A_1041, %dma_start3A_1047] : memref<16x128xi32, #tpu.memory_space<vmem>> -> memref<1x128xi32, #tpu.memory_space<vmem>>
        %dma_start3A_1049 = tpu.memref_squeeze %dma_start3A_1048 : memref<1x128xi32, #tpu.memory_space<vmem>> -> memref<128xi32, #tpu.memory_space<vmem>>
        %dma_start3A_1050 = arith.constant 0 : i32
        %dma_start3A_1051 = arith.constant 0 : i32
        %dma_start3A_1052 = tpu.memref_slice %arg3[%dma_start3A_1050, %dma_start3A_1051] : memref<1048576x16xf32, #tpu.memory_space<hbm>> -> memref<1048576x16xf32, #tpu.memory_space<hbm>>
        tpu.enqueue_indirect_dma source(%dma_start3A_1052 : memref<1048576x16xf32, #tpu.memory_space<hbm>>) target(%dma_start3A_1046 : memref<128x16xf32, #tpu.memory_space<vmem>>) offsets(%dma_start3A_1049 : memref<128xi32, #tpu.memory_space<vmem>>) semaphore(%arg12 : memref<!tpu.dma_semaphore, #tpu.memory_space<semaphore_mem>>)
      } else {
      }
      %mul3A_632 = arith.constant 2 : i32
      %mul3A_633 = arith.muli %mul3A_632, %add3A_415 : i32
      %add3A_634 = arith.constant 1 : i32
      %add3A_635 = arith.addi %mul3A_633, %add3A_634 : i32
      %mul3A_636 = arith.constant 512 : i32
      %mul3A_637 = arith.muli %add3A, %mul3A_636 : i32
      %mul3A_638 = arith.constant 16 : i32
      %mul3A_639 = arith.muli %add3A_635, %mul3A_638 : i32
      %add3A_640 = arith.addi %mul3A_637, %mul3A_639 : i32
      %dma_wait3A_641 = arith.constant 0 : i32
      %dma_wait3A_642 = arith.constant 0 : i32
      %dma_wait3A_643 = arith.constant 0 : i32
      %dma_wait3A_644 = arith.constant 0 : i32
      %dma_wait3A_645 = tpu.memref_slice %arg9[%dma_wait3A_642, %dma_wait3A_643, %dma_wait3A_644] : memref<16x128x16xf32, #tpu.memory_space<vmem>> -> memref<1x128x16xf32, #tpu.memory_space<vmem>>
      %dma_wait3A_646 = tpu.memref_squeeze %dma_wait3A_645 : memref<1x128x16xf32, #tpu.memory_space<vmem>> -> memref<128x16xf32, #tpu.memory_space<vmem>>
      %dma_wait3A_647 = arith.constant 0 : i32
      %dma_wait3A_648 = tpu.memref_slice %arg7[%dma_wait3A_641, %dma_wait3A_647] : memref<16x128xi32, #tpu.memory_space<vmem>> -> memref<1x128xi32, #tpu.memory_space<vmem>>
      %dma_wait3A_649 = tpu.memref_squeeze %dma_wait3A_648 : memref<1x128xi32, #tpu.memory_space<vmem>> -> memref<128xi32, #tpu.memory_space<vmem>>
      %dma_wait3A_650 = arith.constant 0 : i32
      %dma_wait3A_651 = arith.constant 0 : i32
      %dma_wait3A_652 = tpu.memref_slice %arg3[%dma_wait3A_650, %dma_wait3A_651] : memref<1048576x16xf32, #tpu.memory_space<hbm>> -> memref<1048576x16xf32, #tpu.memory_space<hbm>>
      tpu.wait_indirect_dma semaphore(%arg13 : memref<!tpu.dma_semaphore, #tpu.memory_space<semaphore_mem>>) src(%dma_wait3A_652 : memref<1048576x16xf32, #tpu.memory_space<hbm>>) dst(%dma_wait3A_646 : memref<128x16xf32, #tpu.memory_space<vmem>>)
      %dma_wait3A_653 = arith.constant 1 : i32
      %dma_wait3A_654 = arith.constant 1 : i32
      %dma_wait3A_655 = arith.constant 0 : i32
      %dma_wait3A_656 = arith.constant 0 : i32
      %dma_wait3A_657 = tpu.memref_slice %arg9[%dma_wait3A_654, %dma_wait3A_655, %dma_wait3A_656] : memref<16x128x16xf32, #tpu.memory_space<vmem>> -> memref<1x128x16xf32, #tpu.memory_space<vmem>>
      %dma_wait3A_658 = tpu.memref_squeeze %dma_wait3A_657 : memref<1x128x16xf32, #tpu.memory_space<vmem>> -> memref<128x16xf32, #tpu.memory_space<vmem>>
      %dma_wait3A_659 = arith.constant 0 : i32
      %dma_wait3A_660 = tpu.memref_slice %arg7[%dma_wait3A_653, %dma_wait3A_659] : memref<16x128xi32, #tpu.memory_space<vmem>> -> memref<1x128xi32, #tpu.memory_space<vmem>>
      %dma_wait3A_661 = tpu.memref_squeeze %dma_wait3A_660 : memref<1x128xi32, #tpu.memory_space<vmem>> -> memref<128xi32, #tpu.memory_space<vmem>>
      %dma_wait3A_662 = arith.constant 0 : i32
      %dma_wait3A_663 = arith.constant 0 : i32
      %dma_wait3A_664 = tpu.memref_slice %arg3[%dma_wait3A_662, %dma_wait3A_663] : memref<1048576x16xf32, #tpu.memory_space<hbm>> -> memref<1048576x16xf32, #tpu.memory_space<hbm>>
      tpu.wait_indirect_dma semaphore(%arg13 : memref<!tpu.dma_semaphore, #tpu.memory_space<semaphore_mem>>) src(%dma_wait3A_664 : memref<1048576x16xf32, #tpu.memory_space<hbm>>) dst(%dma_wait3A_658 : memref<128x16xf32, #tpu.memory_space<vmem>>)
      %dma_wait3A_665 = arith.constant 2 : i32
      %dma_wait3A_666 = arith.constant 2 : i32
      %dma_wait3A_667 = arith.constant 0 : i32
      %dma_wait3A_668 = arith.constant 0 : i32
      %dma_wait3A_669 = tpu.memref_slice %arg9[%dma_wait3A_666, %dma_wait3A_667, %dma_wait3A_668] : memref<16x128x16xf32, #tpu.memory_space<vmem>> -> memref<1x128x16xf32, #tpu.memory_space<vmem>>
      %dma_wait3A_670 = tpu.memref_squeeze %dma_wait3A_669 : memref<1x128x16xf32, #tpu.memory_space<vmem>> -> memref<128x16xf32, #tpu.memory_space<vmem>>
      %dma_wait3A_671 = arith.constant 0 : i32
      %dma_wait3A_672 = tpu.memref_slice %arg7[%dma_wait3A_665, %dma_wait3A_671] : memref<16x128xi32, #tpu.memory_space<vmem>> -> memref<1x128xi32, #tpu.memory_space<vmem>>
      %dma_wait3A_673 = tpu.memref_squeeze %dma_wait3A_672 : memref<1x128xi32, #tpu.memory_space<vmem>> -> memref<128xi32, #tpu.memory_space<vmem>>
      %dma_wait3A_674 = arith.constant 0 : i32
      %dma_wait3A_675 = arith.constant 0 : i32
      %dma_wait3A_676 = tpu.memref_slice %arg3[%dma_wait3A_674, %dma_wait3A_675] : memref<1048576x16xf32, #tpu.memory_space<hbm>> -> memref<1048576x16xf32, #tpu.memory_space<hbm>>
      tpu.wait_indirect_dma semaphore(%arg13 : memref<!tpu.dma_semaphore, #tpu.memory_space<semaphore_mem>>) src(%dma_wait3A_676 : memref<1048576x16xf32, #tpu.memory_space<hbm>>) dst(%dma_wait3A_670 : memref<128x16xf32, #tpu.memory_space<vmem>>)
      %dma_wait3A_677 = arith.constant 3 : i32
      %dma_wait3A_678 = arith.constant 3 : i32
      %dma_wait3A_679 = arith.constant 0 : i32
      %dma_wait3A_680 = arith.constant 0 : i32
      %dma_wait3A_681 = tpu.memref_slice %arg9[%dma_wait3A_678, %dma_wait3A_679, %dma_wait3A_680] : memref<16x128x16xf32, #tpu.memory_space<vmem>> -> memref<1x128x16xf32, #tpu.memory_space<vmem>>
      %dma_wait3A_682 = tpu.memref_squeeze %dma_wait3A_681 : memref<1x128x16xf32, #tpu.memory_space<vmem>> -> memref<128x16xf32, #tpu.memory_space<vmem>>
      %dma_wait3A_683 = arith.constant 0 : i32
      %dma_wait3A_684 = tpu.memref_slice %arg7[%dma_wait3A_677, %dma_wait3A_683] : memref<16x128xi32, #tpu.memory_space<vmem>> -> memref<1x128xi32, #tpu.memory_space<vmem>>
      %dma_wait3A_685 = tpu.memref_squeeze %dma_wait3A_684 : memref<1x128xi32, #tpu.memory_space<vmem>> -> memref<128xi32, #tpu.memory_space<vmem>>
      %dma_wait3A_686 = arith.constant 0 : i32
      %dma_wait3A_687 = arith.constant 0 : i32
      %dma_wait3A_688 = tpu.memref_slice %arg3[%dma_wait3A_686, %dma_wait3A_687] : memref<1048576x16xf32, #tpu.memory_space<hbm>> -> memref<1048576x16xf32, #tpu.memory_space<hbm>>
      tpu.wait_indirect_dma semaphore(%arg13 : memref<!tpu.dma_semaphore, #tpu.memory_space<semaphore_mem>>) src(%dma_wait3A_688 : memref<1048576x16xf32, #tpu.memory_space<hbm>>) dst(%dma_wait3A_682 : memref<128x16xf32, #tpu.memory_space<vmem>>)
      %dma_wait3A_689 = arith.constant 4 : i32
      %dma_wait3A_690 = arith.constant 4 : i32
      %dma_wait3A_691 = arith.constant 0 : i32
      %dma_wait3A_692 = arith.constant 0 : i32
      %dma_wait3A_693 = tpu.memref_slice %arg9[%dma_wait3A_690, %dma_wait3A_691, %dma_wait3A_692] : memref<16x128x16xf32, #tpu.memory_space<vmem>> -> memref<1x128x16xf32, #tpu.memory_space<vmem>>
      %dma_wait3A_694 = tpu.memref_squeeze %dma_wait3A_693 : memref<1x128x16xf32, #tpu.memory_space<vmem>> -> memref<128x16xf32, #tpu.memory_space<vmem>>
      %dma_wait3A_695 = arith.constant 0 : i32
      %dma_wait3A_696 = tpu.memref_slice %arg7[%dma_wait3A_689, %dma_wait3A_695] : memref<16x128xi32, #tpu.memory_space<vmem>> -> memref<1x128xi32, #tpu.memory_space<vmem>>
      %dma_wait3A_697 = tpu.memref_squeeze %dma_wait3A_696 : memref<1x128xi32, #tpu.memory_space<vmem>> -> memref<128xi32, #tpu.memory_space<vmem>>
      %dma_wait3A_698 = arith.constant 0 : i32
      %dma_wait3A_699 = arith.constant 0 : i32
      %dma_wait3A_700 = tpu.memref_slice %arg3[%dma_wait3A_698, %dma_wait3A_699] : memref<1048576x16xf32, #tpu.memory_space<hbm>> -> memref<1048576x16xf32, #tpu.memory_space<hbm>>
      tpu.wait_indirect_dma semaphore(%arg13 : memref<!tpu.dma_semaphore, #tpu.memory_space<semaphore_mem>>) src(%dma_wait3A_700 : memref<1048576x16xf32, #tpu.memory_space<hbm>>) dst(%dma_wait3A_694 : memref<128x16xf32, #tpu.memory_space<vmem>>)
      %dma_wait3A_701 = arith.constant 5 : i32
      %dma_wait3A_702 = arith.constant 5 : i32
      %dma_wait3A_703 = arith.constant 0 : i32
      %dma_wait3A_704 = arith.constant 0 : i32
      %dma_wait3A_705 = tpu.memref_slice %arg9[%dma_wait3A_702, %dma_wait3A_703, %dma_wait3A_704] : memref<16x128x16xf32, #tpu.memory_space<vmem>> -> memref<1x128x16xf32, #tpu.memory_space<vmem>>
      %dma_wait3A_706 = tpu.memref_squeeze %dma_wait3A_705 : memref<1x128x16xf32, #tpu.memory_space<vmem>> -> memref<128x16xf32, #tpu.memory_space<vmem>>
      %dma_wait3A_707 = arith.constant 0 : i32
      %dma_wait3A_708 = tpu.memref_slice %arg7[%dma_wait3A_701, %dma_wait3A_707] : memref<16x128xi32, #tpu.memory_space<vmem>> -> memref<1x128xi32, #tpu.memory_space<vmem>>
      %dma_wait3A_709 = tpu.memref_squeeze %dma_wait3A_708 : memref<1x128xi32, #tpu.memory_space<vmem>> -> memref<128xi32, #tpu.memory_space<vmem>>
      %dma_wait3A_710 = arith.constant 0 : i32
      %dma_wait3A_711 = arith.constant 0 : i32
      %dma_wait3A_712 = tpu.memref_slice %arg3[%dma_wait3A_710, %dma_wait3A_711] : memref<1048576x16xf32, #tpu.memory_space<hbm>> -> memref<1048576x16xf32, #tpu.memory_space<hbm>>
      tpu.wait_indirect_dma semaphore(%arg13 : memref<!tpu.dma_semaphore, #tpu.memory_space<semaphore_mem>>) src(%dma_wait3A_712 : memref<1048576x16xf32, #tpu.memory_space<hbm>>) dst(%dma_wait3A_706 : memref<128x16xf32, #tpu.memory_space<vmem>>)
      %dma_wait3A_713 = arith.constant 6 : i32
      %dma_wait3A_714 = arith.constant 6 : i32
      %dma_wait3A_715 = arith.constant 0 : i32
      %dma_wait3A_716 = arith.constant 0 : i32
      %dma_wait3A_717 = tpu.memref_slice %arg9[%dma_wait3A_714, %dma_wait3A_715, %dma_wait3A_716] : memref<16x128x16xf32, #tpu.memory_space<vmem>> -> memref<1x128x16xf32, #tpu.memory_space<vmem>>
      %dma_wait3A_718 = tpu.memref_squeeze %dma_wait3A_717 : memref<1x128x16xf32, #tpu.memory_space<vmem>> -> memref<128x16xf32, #tpu.memory_space<vmem>>
      %dma_wait3A_719 = arith.constant 0 : i32
      %dma_wait3A_720 = tpu.memref_slice %arg7[%dma_wait3A_713, %dma_wait3A_719] : memref<16x128xi32, #tpu.memory_space<vmem>> -> memref<1x128xi32, #tpu.memory_space<vmem>>
      %dma_wait3A_721 = tpu.memref_squeeze %dma_wait3A_720 : memref<1x128xi32, #tpu.memory_space<vmem>> -> memref<128xi32, #tpu.memory_space<vmem>>
      %dma_wait3A_722 = arith.constant 0 : i32
      %dma_wait3A_723 = arith.constant 0 : i32
      %dma_wait3A_724 = tpu.memref_slice %arg3[%dma_wait3A_722, %dma_wait3A_723] : memref<1048576x16xf32, #tpu.memory_space<hbm>> -> memref<1048576x16xf32, #tpu.memory_space<hbm>>
      tpu.wait_indirect_dma semaphore(%arg13 : memref<!tpu.dma_semaphore, #tpu.memory_space<semaphore_mem>>) src(%dma_wait3A_724 : memref<1048576x16xf32, #tpu.memory_space<hbm>>) dst(%dma_wait3A_718 : memref<128x16xf32, #tpu.memory_space<vmem>>)
      %dma_wait3A_725 = arith.constant 7 : i32
      %dma_wait3A_726 = arith.constant 7 : i32
      %dma_wait3A_727 = arith.constant 0 : i32
      %dma_wait3A_728 = arith.constant 0 : i32
      %dma_wait3A_729 = tpu.memref_slice %arg9[%dma_wait3A_726, %dma_wait3A_727, %dma_wait3A_728] : memref<16x128x16xf32, #tpu.memory_space<vmem>> -> memref<1x128x16xf32, #tpu.memory_space<vmem>>
      %dma_wait3A_730 = tpu.memref_squeeze %dma_wait3A_729 : memref<1x128x16xf32, #tpu.memory_space<vmem>> -> memref<128x16xf32, #tpu.memory_space<vmem>>
      %dma_wait3A_731 = arith.constant 0 : i32
      %dma_wait3A_732 = tpu.memref_slice %arg7[%dma_wait3A_725, %dma_wait3A_731] : memref<16x128xi32, #tpu.memory_space<vmem>> -> memref<1x128xi32, #tpu.memory_space<vmem>>
      %dma_wait3A_733 = tpu.memref_squeeze %dma_wait3A_732 : memref<1x128xi32, #tpu.memory_space<vmem>> -> memref<128xi32, #tpu.memory_space<vmem>>
      %dma_wait3A_734 = arith.constant 0 : i32
      %dma_wait3A_735 = arith.constant 0 : i32
      %dma_wait3A_736 = tpu.memref_slice %arg3[%dma_wait3A_734, %dma_wait3A_735] : memref<1048576x16xf32, #tpu.memory_space<hbm>> -> memref<1048576x16xf32, #tpu.memory_space<hbm>>
      tpu.wait_indirect_dma semaphore(%arg13 : memref<!tpu.dma_semaphore, #tpu.memory_space<semaphore_mem>>) src(%dma_wait3A_736 : memref<1048576x16xf32, #tpu.memory_space<hbm>>) dst(%dma_wait3A_730 : memref<128x16xf32, #tpu.memory_space<vmem>>)
      %dma_wait3A_737 = arith.constant 8 : i32
      %dma_wait3A_738 = arith.constant 8 : i32
      %dma_wait3A_739 = arith.constant 0 : i32
      %dma_wait3A_740 = arith.constant 0 : i32
      %dma_wait3A_741 = tpu.memref_slice %arg9[%dma_wait3A_738, %dma_wait3A_739, %dma_wait3A_740] : memref<16x128x16xf32, #tpu.memory_space<vmem>> -> memref<1x128x16xf32, #tpu.memory_space<vmem>>
      %dma_wait3A_742 = tpu.memref_squeeze %dma_wait3A_741 : memref<1x128x16xf32, #tpu.memory_space<vmem>> -> memref<128x16xf32, #tpu.memory_space<vmem>>
      %dma_wait3A_743 = arith.constant 0 : i32
      %dma_wait3A_744 = tpu.memref_slice %arg7[%dma_wait3A_737, %dma_wait3A_743] : memref<16x128xi32, #tpu.memory_space<vmem>> -> memref<1x128xi32, #tpu.memory_space<vmem>>
      %dma_wait3A_745 = tpu.memref_squeeze %dma_wait3A_744 : memref<1x128xi32, #tpu.memory_space<vmem>> -> memref<128xi32, #tpu.memory_space<vmem>>
      %dma_wait3A_746 = arith.constant 0 : i32
      %dma_wait3A_747 = arith.constant 0 : i32
      %dma_wait3A_748 = tpu.memref_slice %arg3[%dma_wait3A_746, %dma_wait3A_747] : memref<1048576x16xf32, #tpu.memory_space<hbm>> -> memref<1048576x16xf32, #tpu.memory_space<hbm>>
      tpu.wait_indirect_dma semaphore(%arg13 : memref<!tpu.dma_semaphore, #tpu.memory_space<semaphore_mem>>) src(%dma_wait3A_748 : memref<1048576x16xf32, #tpu.memory_space<hbm>>) dst(%dma_wait3A_742 : memref<128x16xf32, #tpu.memory_space<vmem>>)
      %dma_wait3A_749 = arith.constant 9 : i32
      %dma_wait3A_750 = arith.constant 9 : i32
      %dma_wait3A_751 = arith.constant 0 : i32
      %dma_wait3A_752 = arith.constant 0 : i32
      %dma_wait3A_753 = tpu.memref_slice %arg9[%dma_wait3A_750, %dma_wait3A_751, %dma_wait3A_752] : memref<16x128x16xf32, #tpu.memory_space<vmem>> -> memref<1x128x16xf32, #tpu.memory_space<vmem>>
      %dma_wait3A_754 = tpu.memref_squeeze %dma_wait3A_753 : memref<1x128x16xf32, #tpu.memory_space<vmem>> -> memref<128x16xf32, #tpu.memory_space<vmem>>
      %dma_wait3A_755 = arith.constant 0 : i32
      %dma_wait3A_756 = tpu.memref_slice %arg7[%dma_wait3A_749, %dma_wait3A_755] : memref<16x128xi32, #tpu.memory_space<vmem>> -> memref<1x128xi32, #tpu.memory_space<vmem>>
      %dma_wait3A_757 = tpu.memref_squeeze %dma_wait3A_756 : memref<1x128xi32, #tpu.memory_space<vmem>> -> memref<128xi32, #tpu.memory_space<vmem>>
      %dma_wait3A_758 = arith.constant 0 : i32
      %dma_wait3A_759 = arith.constant 0 : i32
      %dma_wait3A_760 = tpu.memref_slice %arg3[%dma_wait3A_758, %dma_wait3A_759] : memref<1048576x16xf32, #tpu.memory_space<hbm>> -> memref<1048576x16xf32, #tpu.memory_space<hbm>>
      tpu.wait_indirect_dma semaphore(%arg13 : memref<!tpu.dma_semaphore, #tpu.memory_space<semaphore_mem>>) src(%dma_wait3A_760 : memref<1048576x16xf32, #tpu.memory_space<hbm>>) dst(%dma_wait3A_754 : memref<128x16xf32, #tpu.memory_space<vmem>>)
      %dma_wait3A_761 = arith.constant 10 : i32
      %dma_wait3A_762 = arith.constant 10 : i32
      %dma_wait3A_763 = arith.constant 0 : i32
      %dma_wait3A_764 = arith.constant 0 : i32
      %dma_wait3A_765 = tpu.memref_slice %arg9[%dma_wait3A_762, %dma_wait3A_763, %dma_wait3A_764] : memref<16x128x16xf32, #tpu.memory_space<vmem>> -> memref<1x128x16xf32, #tpu.memory_space<vmem>>
      %dma_wait3A_766 = tpu.memref_squeeze %dma_wait3A_765 : memref<1x128x16xf32, #tpu.memory_space<vmem>> -> memref<128x16xf32, #tpu.memory_space<vmem>>
      %dma_wait3A_767 = arith.constant 0 : i32
      %dma_wait3A_768 = tpu.memref_slice %arg7[%dma_wait3A_761, %dma_wait3A_767] : memref<16x128xi32, #tpu.memory_space<vmem>> -> memref<1x128xi32, #tpu.memory_space<vmem>>
      %dma_wait3A_769 = tpu.memref_squeeze %dma_wait3A_768 : memref<1x128xi32, #tpu.memory_space<vmem>> -> memref<128xi32, #tpu.memory_space<vmem>>
      %dma_wait3A_770 = arith.constant 0 : i32
      %dma_wait3A_771 = arith.constant 0 : i32
      %dma_wait3A_772 = tpu.memref_slice %arg3[%dma_wait3A_770, %dma_wait3A_771] : memref<1048576x16xf32, #tpu.memory_space<hbm>> -> memref<1048576x16xf32, #tpu.memory_space<hbm>>
      tpu.wait_indirect_dma semaphore(%arg13 : memref<!tpu.dma_semaphore, #tpu.memory_space<semaphore_mem>>) src(%dma_wait3A_772 : memref<1048576x16xf32, #tpu.memory_space<hbm>>) dst(%dma_wait3A_766 : memref<128x16xf32, #tpu.memory_space<vmem>>)
      %dma_wait3A_773 = arith.constant 11 : i32
      %dma_wait3A_774 = arith.constant 11 : i32
      %dma_wait3A_775 = arith.constant 0 : i32
      %dma_wait3A_776 = arith.constant 0 : i32
      %dma_wait3A_777 = tpu.memref_slice %arg9[%dma_wait3A_774, %dma_wait3A_775, %dma_wait3A_776] : memref<16x128x16xf32, #tpu.memory_space<vmem>> -> memref<1x128x16xf32, #tpu.memory_space<vmem>>
      %dma_wait3A_778 = tpu.memref_squeeze %dma_wait3A_777 : memref<1x128x16xf32, #tpu.memory_space<vmem>> -> memref<128x16xf32, #tpu.memory_space<vmem>>
      %dma_wait3A_779 = arith.constant 0 : i32
      %dma_wait3A_780 = tpu.memref_slice %arg7[%dma_wait3A_773, %dma_wait3A_779] : memref<16x128xi32, #tpu.memory_space<vmem>> -> memref<1x128xi32, #tpu.memory_space<vmem>>
      %dma_wait3A_781 = tpu.memref_squeeze %dma_wait3A_780 : memref<1x128xi32, #tpu.memory_space<vmem>> -> memref<128xi32, #tpu.memory_space<vmem>>
      %dma_wait3A_782 = arith.constant 0 : i32
      %dma_wait3A_783 = arith.constant 0 : i32
      %dma_wait3A_784 = tpu.memref_slice %arg3[%dma_wait3A_782, %dma_wait3A_783] : memref<1048576x16xf32, #tpu.memory_space<hbm>> -> memref<1048576x16xf32, #tpu.memory_space<hbm>>
      tpu.wait_indirect_dma semaphore(%arg13 : memref<!tpu.dma_semaphore, #tpu.memory_space<semaphore_mem>>) src(%dma_wait3A_784 : memref<1048576x16xf32, #tpu.memory_space<hbm>>) dst(%dma_wait3A_778 : memref<128x16xf32, #tpu.memory_space<vmem>>)
      %dma_wait3A_785 = arith.constant 12 : i32
      %dma_wait3A_786 = arith.constant 12 : i32
      %dma_wait3A_787 = arith.constant 0 : i32
      %dma_wait3A_788 = arith.constant 0 : i32
      %dma_wait3A_789 = tpu.memref_slice %arg9[%dma_wait3A_786, %dma_wait3A_787, %dma_wait3A_788] : memref<16x128x16xf32, #tpu.memory_space<vmem>> -> memref<1x128x16xf32, #tpu.memory_space<vmem>>
      %dma_wait3A_790 = tpu.memref_squeeze %dma_wait3A_789 : memref<1x128x16xf32, #tpu.memory_space<vmem>> -> memref<128x16xf32, #tpu.memory_space<vmem>>
      %dma_wait3A_791 = arith.constant 0 : i32
      %dma_wait3A_792 = tpu.memref_slice %arg7[%dma_wait3A_785, %dma_wait3A_791] : memref<16x128xi32, #tpu.memory_space<vmem>> -> memref<1x128xi32, #tpu.memory_space<vmem>>
      %dma_wait3A_793 = tpu.memref_squeeze %dma_wait3A_792 : memref<1x128xi32, #tpu.memory_space<vmem>> -> memref<128xi32, #tpu.memory_space<vmem>>
      %dma_wait3A_794 = arith.constant 0 : i32
      %dma_wait3A_795 = arith.constant 0 : i32
      %dma_wait3A_796 = tpu.memref_slice %arg3[%dma_wait3A_794, %dma_wait3A_795] : memref<1048576x16xf32, #tpu.memory_space<hbm>> -> memref<1048576x16xf32, #tpu.memory_space<hbm>>
      tpu.wait_indirect_dma semaphore(%arg13 : memref<!tpu.dma_semaphore, #tpu.memory_space<semaphore_mem>>) src(%dma_wait3A_796 : memref<1048576x16xf32, #tpu.memory_space<hbm>>) dst(%dma_wait3A_790 : memref<128x16xf32, #tpu.memory_space<vmem>>)
      %dma_wait3A_797 = arith.constant 13 : i32
      %dma_wait3A_798 = arith.constant 13 : i32
      %dma_wait3A_799 = arith.constant 0 : i32
      %dma_wait3A_800 = arith.constant 0 : i32
      %dma_wait3A_801 = tpu.memref_slice %arg9[%dma_wait3A_798, %dma_wait3A_799, %dma_wait3A_800] : memref<16x128x16xf32, #tpu.memory_space<vmem>> -> memref<1x128x16xf32, #tpu.memory_space<vmem>>
      %dma_wait3A_802 = tpu.memref_squeeze %dma_wait3A_801 : memref<1x128x16xf32, #tpu.memory_space<vmem>> -> memref<128x16xf32, #tpu.memory_space<vmem>>
      %dma_wait3A_803 = arith.constant 0 : i32
      %dma_wait3A_804 = tpu.memref_slice %arg7[%dma_wait3A_797, %dma_wait3A_803] : memref<16x128xi32, #tpu.memory_space<vmem>> -> memref<1x128xi32, #tpu.memory_space<vmem>>
      %dma_wait3A_805 = tpu.memref_squeeze %dma_wait3A_804 : memref<1x128xi32, #tpu.memory_space<vmem>> -> memref<128xi32, #tpu.memory_space<vmem>>
      %dma_wait3A_806 = arith.constant 0 : i32
      %dma_wait3A_807 = arith.constant 0 : i32
      %dma_wait3A_808 = tpu.memref_slice %arg3[%dma_wait3A_806, %dma_wait3A_807] : memref<1048576x16xf32, #tpu.memory_space<hbm>> -> memref<1048576x16xf32, #tpu.memory_space<hbm>>
      tpu.wait_indirect_dma semaphore(%arg13 : memref<!tpu.dma_semaphore, #tpu.memory_space<semaphore_mem>>) src(%dma_wait3A_808 : memref<1048576x16xf32, #tpu.memory_space<hbm>>) dst(%dma_wait3A_802 : memref<128x16xf32, #tpu.memory_space<vmem>>)
      %dma_wait3A_809 = arith.constant 14 : i32
      %dma_wait3A_810 = arith.constant 14 : i32
      %dma_wait3A_811 = arith.constant 0 : i32
      %dma_wait3A_812 = arith.constant 0 : i32
      %dma_wait3A_813 = tpu.memref_slice %arg9[%dma_wait3A_810, %dma_wait3A_811, %dma_wait3A_812] : memref<16x128x16xf32, #tpu.memory_space<vmem>> -> memref<1x128x16xf32, #tpu.memory_space<vmem>>
      %dma_wait3A_814 = tpu.memref_squeeze %dma_wait3A_813 : memref<1x128x16xf32, #tpu.memory_space<vmem>> -> memref<128x16xf32, #tpu.memory_space<vmem>>
      %dma_wait3A_815 = arith.constant 0 : i32
      %dma_wait3A_816 = tpu.memref_slice %arg7[%dma_wait3A_809, %dma_wait3A_815] : memref<16x128xi32, #tpu.memory_space<vmem>> -> memref<1x128xi32, #tpu.memory_space<vmem>>
      %dma_wait3A_817 = tpu.memref_squeeze %dma_wait3A_816 : memref<1x128xi32, #tpu.memory_space<vmem>> -> memref<128xi32, #tpu.memory_space<vmem>>
      %dma_wait3A_818 = arith.constant 0 : i32
      %dma_wait3A_819 = arith.constant 0 : i32
      %dma_wait3A_820 = tpu.memref_slice %arg3[%dma_wait3A_818, %dma_wait3A_819] : memref<1048576x16xf32, #tpu.memory_space<hbm>> -> memref<1048576x16xf32, #tpu.memory_space<hbm>>
      tpu.wait_indirect_dma semaphore(%arg13 : memref<!tpu.dma_semaphore, #tpu.memory_space<semaphore_mem>>) src(%dma_wait3A_820 : memref<1048576x16xf32, #tpu.memory_space<hbm>>) dst(%dma_wait3A_814 : memref<128x16xf32, #tpu.memory_space<vmem>>)
      %dma_wait3A_821 = arith.constant 15 : i32
      %dma_wait3A_822 = arith.constant 15 : i32
      %dma_wait3A_823 = arith.constant 0 : i32
      %dma_wait3A_824 = arith.constant 0 : i32
      %dma_wait3A_825 = tpu.memref_slice %arg9[%dma_wait3A_822, %dma_wait3A_823, %dma_wait3A_824] : memref<16x128x16xf32, #tpu.memory_space<vmem>> -> memref<1x128x16xf32, #tpu.memory_space<vmem>>
      %dma_wait3A_826 = tpu.memref_squeeze %dma_wait3A_825 : memref<1x128x16xf32, #tpu.memory_space<vmem>> -> memref<128x16xf32, #tpu.memory_space<vmem>>
      %dma_wait3A_827 = arith.constant 0 : i32
      %dma_wait3A_828 = tpu.memref_slice %arg7[%dma_wait3A_821, %dma_wait3A_827] : memref<16x128xi32, #tpu.memory_space<vmem>> -> memref<1x128xi32, #tpu.memory_space<vmem>>
      %dma_wait3A_829 = tpu.memref_squeeze %dma_wait3A_828 : memref<1x128xi32, #tpu.memory_space<vmem>> -> memref<128xi32, #tpu.memory_space<vmem>>
      %dma_wait3A_830 = arith.constant 0 : i32
      %dma_wait3A_831 = arith.constant 0 : i32
      %dma_wait3A_832 = tpu.memref_slice %arg3[%dma_wait3A_830, %dma_wait3A_831] : memref<1048576x16xf32, #tpu.memory_space<hbm>> -> memref<1048576x16xf32, #tpu.memory_space<hbm>>
      tpu.wait_indirect_dma semaphore(%arg13 : memref<!tpu.dma_semaphore, #tpu.memory_space<semaphore_mem>>) src(%dma_wait3A_832 : memref<1048576x16xf32, #tpu.memory_space<hbm>>) dst(%dma_wait3A_826 : memref<128x16xf32, #tpu.memory_space<vmem>>)
      %gt3A_833 = arith.constant 0 : i32
      %gt3A_834 = arith.cmpi sgt, %add3A_415, %gt3A_833 : i32
      %convert_element_type3A_835 = arith.extui %gt3A_834 : i1 to i32
      %cond3A_836 = arith.constant 0 : i32
      %cond3A_837 = arith.cmpi ne, %convert_element_type3A_835, %cond3A_836 : i32
      scf.if %cond3A_837 {
        %dma_wait3A_852 = arith.constant 0 : i32
        %dma_wait3A_853 = arith.constant 0 : i32
        %dma_wait3A_854 = tpu.memref_slice %arg4[%dma_wait3A_852, %dma_wait3A_853] : memref<16384x128xf32, #tpu.memory_space<hbm>> -> memref<16x128xf32, #tpu.memory_space<hbm>>
        %dma_wait3A_855 = arith.constant 0 : i32
        %dma_wait3A_856 = arith.constant 0 : i32
        %dma_wait3A_857 = tpu.memref_slice %arg4[%dma_wait3A_855, %dma_wait3A_856] : memref<16384x128xf32, #tpu.memory_space<hbm>> -> memref<16x128xf32, #tpu.memory_space<hbm>>
        tpu.wait_dma2 semaphore(%arg15 : memref<!tpu.dma_semaphore, #tpu.memory_space<semaphore_mem>>) src(%arg11 : memref<16x128xf32, #tpu.memory_space<vmem>>) dst(%dma_wait3A_857 : memref<16x128xf32, #tpu.memory_space<hbm>>)
      } else {
      }
      %scan3A_838 = arith.constant 0 : i32
      %scan3A_839 = arith.constant 8 : i32
      %scan3A_840 = arith.addi %scan3A_838, %scan3A_839 : i32
      %scan3A_841 = arith.constant 1 : i32
      scf.for %scan3A_852 = %scan3A_838 to %scan3A_840 step %scan3A_841  : i32 {
        %mul3A_853 = arith.constant 1 : i32
        %mul3A_854 = arith.muli %scan3A_852, %mul3A_853 : i32
        %add3A_855 = arith.constant 0 : i32
        %add3A_856 = arith.addi %add3A_855, %mul3A_854 : i32
        %mul3A_857 = arith.constant 16 : i32
        %mul3A_858 = arith.muli %add3A_856, %mul3A_857 : i32
        %get3A = arith.constant 1 : i32
        %get3A_859 = arith.index_cast %add3A_635 : i32 to index
        %get3A_860 = arith.index_cast %get3A : i32 to index
        %get3A_861 = arith.index_cast %mul3A_858 : i32 to index
        %get3A_862 = tpu.vector_load %arg5[%get3A_859, %get3A_860, %get3A_861] {strides = array<i32>} : memref<32x2x128xi32, #tpu.memory_space<vmem>>, vector<16xi32>,
        %mul3A_863 = arith.constant 16 : i32
        %mul3A_864 = arith.muli %add3A_856, %mul3A_863 : i32
        %add3A_865 = arith.constant 0 : i32
        %add3A_866 = arith.addi %mul3A_864, %add3A_865 : i32
        %slice3A = vector.extract_strided_slice %get3A_862 {offsets = [0], sizes = [1], strides = [1]} : vector<16xi32> to vector<1xi32>
        %squeeze3A = vector.extract %slice3A[0] : i32 from vector<1xi32>
        %and3A = arith.constant 15 : i32
        %and3A_867 = arith.andi %squeeze3A, %and3A : i32
        %broadcast_in_dim3A = vector.broadcast %add3A_866 : i32 to vector<16xi32>
        %broadcast_in_dim3A_868 = vector.broadcast %and3A_867 : i32 to vector<16xi32>
        %gather3A = tpu.vector_load_idx %arg9[%iota3A, %broadcast_in_dim3A, %broadcast_in_dim3A_868] : memref<16x128x16xf32, #tpu.memory_space<vmem>>[vector<16xi32>, vector<16xi32>, vector<16xi32>], vector<16xf32>,
        %mul3A_869 = arith.constant 2 : i32
        %mul3A_870 = arith.muli %mul3A_869, %add3A_856 : i32
        %add3A_871 = arith.constant 0 : i32
        %add3A_872 = arith.addi %mul3A_870, %add3A_871 : i32
        %swap3A = arith.index_cast %add3A_872 : i32 to index
        %swap3A_873 = arith.constant 0 : index
        %swap3A_874 = tpu.vector_load %arg11[%swap3A, %swap3A_873] {strides = array<i32>} : memref<16x128xf32, #tpu.memory_space<vmem>>, vector<16xf32>,
        tpu.vector_store %arg11[%swap3A, %swap3A_873], %gather3A {strides = array<i32>} : memref<16x128xf32, #tpu.memory_space<vmem>>, vector<16xf32>,
        %mul3A_875 = arith.constant 16 : i32
        %mul3A_876 = arith.muli %add3A_856, %mul3A_875 : i32
        %add3A_877 = arith.constant 1 : i32
        %add3A_878 = arith.addi %mul3A_876, %add3A_877 : i32
        %slice3A_879 = vector.extract_strided_slice %get3A_862 {offsets = [1], sizes = [1], strides = [1]} : vector<16xi32> to vector<1xi32>
        %squeeze3A_880 = vector.extract %slice3A_879[0] : i32 from vector<1xi32>
        %and3A_881 = arith.constant 15 : i32
        %and3A_882 = arith.andi %squeeze3A_880, %and3A_881 : i32
        %broadcast_in_dim3A_883 = vector.broadcast %add3A_878 : i32 to vector<16xi32>
        %broadcast_in_dim3A_884 = vector.broadcast %and3A_882 : i32 to vector<16xi32>
        %gather3A_885 = tpu.vector_load_idx %arg9[%iota3A, %broadcast_in_dim3A_883, %broadcast_in_dim3A_884] : memref<16x128x16xf32, #tpu.memory_space<vmem>>[vector<16xi32>, vector<16xi32>, vector<16xi32>], vector<16xf32>,
        %mul3A_886 = arith.constant 2 : i32
        %mul3A_887 = arith.muli %mul3A_886, %add3A_856 : i32
        %add3A_888 = arith.constant 0 : i32
        %add3A_889 = arith.addi %mul3A_887, %add3A_888 : i32
        %swap3A_890 = arith.index_cast %add3A_889 : i32 to index
        %swap3A_891 = arith.constant 16 : index
        %swap3A_892 = tpu.vector_load %arg11[%swap3A_890, %swap3A_891] {strides = array<i32>} : memref<16x128xf32, #tpu.memory_space<vmem>>, vector<16xf32>,
        tpu.vector_store %arg11[%swap3A_890, %swap3A_891], %gather3A_885 {strides = array<i32>} : memref<16x128xf32, #tpu.memory_space<vmem>>, vector<16xf32>,
        %mul3A_893 = arith.constant 16 : i32
        %mul3A_894 = arith.muli %add3A_856, %mul3A_893 : i32
        %add3A_895 = arith.constant 2 : i32
        %add3A_896 = arith.addi %mul3A_894, %add3A_895 : i32
        %slice3A_897 = vector.extract_strided_slice %get3A_862 {offsets = [2], sizes = [1], strides = [1]} : vector<16xi32> to vector<1xi32>
        %squeeze3A_898 = vector.extract %slice3A_897[0] : i32 from vector<1xi32>
        %and3A_899 = arith.constant 15 : i32
        %and3A_900 = arith.andi %squeeze3A_898, %and3A_899 : i32
        %broadcast_in_dim3A_901 = vector.broadcast %add3A_896 : i32 to vector<16xi32>
        %broadcast_in_dim3A_902 = vector.broadcast %and3A_900 : i32 to vector<16xi32>
        %gather3A_903 = tpu.vector_load_idx %arg9[%iota3A, %broadcast_in_dim3A_901, %broadcast_in_dim3A_902] : memref<16x128x16xf32, #tpu.memory_space<vmem>>[vector<16xi32>, vector<16xi32>, vector<16xi32>], vector<16xf32>,
        %mul3A_904 = arith.constant 2 : i32
        %mul3A_905 = arith.muli %mul3A_904, %add3A_856 : i32
        %add3A_906 = arith.constant 0 : i32
        %add3A_907 = arith.addi %mul3A_905, %add3A_906 : i32
        %swap3A_908 = arith.index_cast %add3A_907 : i32 to index
        %swap3A_909 = arith.constant 32 : index
        %swap3A_910 = tpu.vector_load %arg11[%swap3A_908, %swap3A_909] {strides = array<i32>} : memref<16x128xf32, #tpu.memory_space<vmem>>, vector<16xf32>,
        tpu.vector_store %arg11[%swap3A_908, %swap3A_909], %gather3A_903 {strides = array<i32>} : memref<16x128xf32, #tpu.memory_space<vmem>>, vector<16xf32>,
        %mul3A_911 = arith.constant 16 : i32
        %mul3A_912 = arith.muli %add3A_856, %mul3A_911 : i32
        %add3A_913 = arith.constant 3 : i32
        %add3A_914 = arith.addi %mul3A_912, %add3A_913 : i32
        %slice3A_915 = vector.extract_strided_slice %get3A_862 {offsets = [3], sizes = [1], strides = [1]} : vector<16xi32> to vector<1xi32>
        %squeeze3A_916 = vector.extract %slice3A_915[0] : i32 from vector<1xi32>
        %and3A_917 = arith.constant 15 : i32
        %and3A_918 = arith.andi %squeeze3A_916, %and3A_917 : i32
        %broadcast_in_dim3A_919 = vector.broadcast %add3A_914 : i32 to vector<16xi32>
        %broadcast_in_dim3A_920 = vector.broadcast %and3A_918 : i32 to vector<16xi32>
        %gather3A_921 = tpu.vector_load_idx %arg9[%iota3A, %broadcast_in_dim3A_919, %broadcast_in_dim3A_920] : memref<16x128x16xf32, #tpu.memory_space<vmem>>[vector<16xi32>, vector<16xi32>, vector<16xi32>], vector<16xf32>,
        %mul3A_922 = arith.constant 2 : i32
        %mul3A_923 = arith.muli %mul3A_922, %add3A_856 : i32
        %add3A_924 = arith.constant 0 : i32
        %add3A_925 = arith.addi %mul3A_923, %add3A_924 : i32
        %swap3A_926 = arith.index_cast %add3A_925 : i32 to index
        %swap3A_927 = arith.constant 48 : index
        %swap3A_928 = tpu.vector_load %arg11[%swap3A_926, %swap3A_927] {strides = array<i32>} : memref<16x128xf32, #tpu.memory_space<vmem>>, vector<16xf32>,
        tpu.vector_store %arg11[%swap3A_926, %swap3A_927], %gather3A_921 {strides = array<i32>} : memref<16x128xf32, #tpu.memory_space<vmem>>, vector<16xf32>,
        %mul3A_929 = arith.constant 16 : i32
        %mul3A_930 = arith.muli %add3A_856, %mul3A_929 : i32
        %add3A_931 = arith.constant 4 : i32
        %add3A_932 = arith.addi %mul3A_930, %add3A_931 : i32
        %slice3A_933 = vector.extract_strided_slice %get3A_862 {offsets = [4], sizes = [1], strides = [1]} : vector<16xi32> to vector<1xi32>
        %squeeze3A_934 = vector.extract %slice3A_933[0] : i32 from vector<1xi32>
        %and3A_935 = arith.constant 15 : i32
        %and3A_936 = arith.andi %squeeze3A_934, %and3A_935 : i32
        %broadcast_in_dim3A_937 = vector.broadcast %add3A_932 : i32 to vector<16xi32>
        %broadcast_in_dim3A_938 = vector.broadcast %and3A_936 : i32 to vector<16xi32>
        %gather3A_939 = tpu.vector_load_idx %arg9[%iota3A, %broadcast_in_dim3A_937, %broadcast_in_dim3A_938] : memref<16x128x16xf32, #tpu.memory_space<vmem>>[vector<16xi32>, vector<16xi32>, vector<16xi32>], vector<16xf32>,
        %mul3A_940 = arith.constant 2 : i32
        %mul3A_941 = arith.muli %mul3A_940, %add3A_856 : i32
        %add3A_942 = arith.constant 0 : i32
        %add3A_943 = arith.addi %mul3A_941, %add3A_942 : i32
        %swap3A_944 = arith.index_cast %add3A_943 : i32 to index
        %swap3A_945 = arith.constant 64 : index
        %swap3A_946 = tpu.vector_load %arg11[%swap3A_944, %swap3A_945] {strides = array<i32>} : memref<16x128xf32, #tpu.memory_space<vmem>>, vector<16xf32>,
        tpu.vector_store %arg11[%swap3A_944, %swap3A_945], %gather3A_939 {strides = array<i32>} : memref<16x128xf32, #tpu.memory_space<vmem>>, vector<16xf32>,
        %mul3A_947 = arith.constant 16 : i32
        %mul3A_948 = arith.muli %add3A_856, %mul3A_947 : i32
        %add3A_949 = arith.constant 5 : i32
        %add3A_950 = arith.addi %mul3A_948, %add3A_949 : i32
        %slice3A_951 = vector.extract_strided_slice %get3A_862 {offsets = [5], sizes = [1], strides = [1]} : vector<16xi32> to vector<1xi32>
        %squeeze3A_952 = vector.extract %slice3A_951[0] : i32 from vector<1xi32>
        %and3A_953 = arith.constant 15 : i32
        %and3A_954 = arith.andi %squeeze3A_952, %and3A_953 : i32
        %broadcast_in_dim3A_955 = vector.broadcast %add3A_950 : i32 to vector<16xi32>
        %broadcast_in_dim3A_956 = vector.broadcast %and3A_954 : i32 to vector<16xi32>
        %gather3A_957 = tpu.vector_load_idx %arg9[%iota3A, %broadcast_in_dim3A_955, %broadcast_in_dim3A_956] : memref<16x128x16xf32, #tpu.memory_space<vmem>>[vector<16xi32>, vector<16xi32>, vector<16xi32>], vector<16xf32>,
        %mul3A_958 = arith.constant 2 : i32
        %mul3A_959 = arith.muli %mul3A_958, %add3A_856 : i32
        %add3A_960 = arith.constant 0 : i32
        %add3A_961 = arith.addi %mul3A_959, %add3A_960 : i32
        %swap3A_962 = arith.index_cast %add3A_961 : i32 to index
        %swap3A_963 = arith.constant 80 : index
        %swap3A_964 = tpu.vector_load %arg11[%swap3A_962, %swap3A_963] {strides = array<i32>} : memref<16x128xf32, #tpu.memory_space<vmem>>, vector<16xf32>,
        tpu.vector_store %arg11[%swap3A_962, %swap3A_963], %gather3A_957 {strides = array<i32>} : memref<16x128xf32, #tpu.memory_space<vmem>>, vector<16xf32>,
        %mul3A_965 = arith.constant 16 : i32
        %mul3A_966 = arith.muli %add3A_856, %mul3A_965 : i32
        %add3A_967 = arith.constant 6 : i32
        %add3A_968 = arith.addi %mul3A_966, %add3A_967 : i32
        %slice3A_969 = vector.extract_strided_slice %get3A_862 {offsets = [6], sizes = [1], strides = [1]} : vector<16xi32> to vector<1xi32>
        %squeeze3A_970 = vector.extract %slice3A_969[0] : i32 from vector<1xi32>
        %and3A_971 = arith.constant 15 : i32
        %and3A_972 = arith.andi %squeeze3A_970, %and3A_971 : i32
        %broadcast_in_dim3A_973 = vector.broadcast %add3A_968 : i32 to vector<16xi32>
        %broadcast_in_dim3A_974 = vector.broadcast %and3A_972 : i32 to vector<16xi32>
        %gather3A_975 = tpu.vector_load_idx %arg9[%iota3A, %broadcast_in_dim3A_973, %broadcast_in_dim3A_974] : memref<16x128x16xf32, #tpu.memory_space<vmem>>[vector<16xi32>, vector<16xi32>, vector<16xi32>], vector<16xf32>,
        %mul3A_976 = arith.constant 2 : i32
        %mul3A_977 = arith.muli %mul3A_976, %add3A_856 : i32
        %add3A_978 = arith.constant 0 : i32
        %add3A_979 = arith.addi %mul3A_977, %add3A_978 : i32
        %swap3A_980 = arith.index_cast %add3A_979 : i32 to index
        %swap3A_981 = arith.constant 96 : index
        %swap3A_982 = tpu.vector_load %arg11[%swap3A_980, %swap3A_981] {strides = array<i32>} : memref<16x128xf32, #tpu.memory_space<vmem>>, vector<16xf32>,
        tpu.vector_store %arg11[%swap3A_980, %swap3A_981], %gather3A_975 {strides = array<i32>} : memref<16x128xf32, #tpu.memory_space<vmem>>, vector<16xf32>,
        %mul3A_983 = arith.constant 16 : i32
        %mul3A_984 = arith.muli %add3A_856, %mul3A_983 : i32
        %add3A_985 = arith.constant 7 : i32
        %add3A_986 = arith.addi %mul3A_984, %add3A_985 : i32
        %slice3A_987 = vector.extract_strided_slice %get3A_862 {offsets = [7], sizes = [1], strides = [1]} : vector<16xi32> to vector<1xi32>
        %squeeze3A_988 = vector.extract %slice3A_987[0] : i32 from vector<1xi32>
        %and3A_989 = arith.constant 15 : i32
        %and3A_990 = arith.andi %squeeze3A_988, %and3A_989 : i32
        %broadcast_in_dim3A_991 = vector.broadcast %add3A_986 : i32 to vector<16xi32>
        %broadcast_in_dim3A_992 = vector.broadcast %and3A_990 : i32 to vector<16xi32>
        %gather3A_993 = tpu.vector_load_idx %arg9[%iota3A, %broadcast_in_dim3A_991, %broadcast_in_dim3A_992] : memref<16x128x16xf32, #tpu.memory_space<vmem>>[vector<16xi32>, vector<16xi32>, vector<16xi32>], vector<16xf32>,
        %mul3A_994 = arith.constant 2 : i32
        %mul3A_995 = arith.muli %mul3A_994, %add3A_856 : i32
        %add3A_996 = arith.constant 0 : i32
        %add3A_997 = arith.addi %mul3A_995, %add3A_996 : i32
        %swap3A_998 = arith.index_cast %add3A_997 : i32 to index
        %swap3A_999 = arith.constant 112 : index
        %swap3A_1000 = tpu.vector_load %arg11[%swap3A_998, %swap3A_999] {strides = array<i32>} : memref<16x128xf32, #tpu.memory_space<vmem>>, vector<16xf32>,
        tpu.vector_store %arg11[%swap3A_998, %swap3A_999], %gather3A_993 {strides = array<i32>} : memref<16x128xf32, #tpu.memory_space<vmem>>, vector<16xf32>,
        %mul3A_1001 = arith.constant 16 : i32
        %mul3A_1002 = arith.muli %add3A_856, %mul3A_1001 : i32
        %add3A_1003 = arith.constant 8 : i32
        %add3A_1004 = arith.addi %mul3A_1002, %add3A_1003 : i32
        %slice3A_1005 = vector.extract_strided_slice %get3A_862 {offsets = [8], sizes = [1], strides = [1]} : vector<16xi32> to vector<1xi32>
        %squeeze3A_1006 = vector.extract %slice3A_1005[0] : i32 from vector<1xi32>
        %and3A_1007 = arith.constant 15 : i32
        %and3A_1008 = arith.andi %squeeze3A_1006, %and3A_1007 : i32
        %broadcast_in_dim3A_1009 = vector.broadcast %add3A_1004 : i32 to vector<16xi32>
        %broadcast_in_dim3A_1010 = vector.broadcast %and3A_1008 : i32 to vector<16xi32>
        %gather3A_1011 = tpu.vector_load_idx %arg9[%iota3A, %broadcast_in_dim3A_1009, %broadcast_in_dim3A_1010] : memref<16x128x16xf32, #tpu.memory_space<vmem>>[vector<16xi32>, vector<16xi32>, vector<16xi32>], vector<16xf32>,
        %mul3A_1012 = arith.constant 2 : i32
        %mul3A_1013 = arith.muli %mul3A_1012, %add3A_856 : i32
        %add3A_1014 = arith.constant 1 : i32
        %add3A_1015 = arith.addi %mul3A_1013, %add3A_1014 : i32
        %swap3A_1016 = arith.index_cast %add3A_1015 : i32 to index
        %swap3A_1017 = arith.constant 0 : index
        %swap3A_1018 = tpu.vector_load %arg11[%swap3A_1016, %swap3A_1017] {strides = array<i32>} : memref<16x128xf32, #tpu.memory_space<vmem>>, vector<16xf32>,
        tpu.vector_store %arg11[%swap3A_1016, %swap3A_1017], %gather3A_1011 {strides = array<i32>} : memref<16x128xf32, #tpu.memory_space<vmem>>, vector<16xf32>,
        %mul3A_1019 = arith.constant 16 : i32
        %mul3A_1020 = arith.muli %add3A_856, %mul3A_1019 : i32
        %add3A_1021 = arith.constant 9 : i32
        %add3A_1022 = arith.addi %mul3A_1020, %add3A_1021 : i32
        %slice3A_1023 = vector.extract_strided_slice %get3A_862 {offsets = [9], sizes = [1], strides = [1]} : vector<16xi32> to vector<1xi32>
        %squeeze3A_1024 = vector.extract %slice3A_1023[0] : i32 from vector<1xi32>
        %and3A_1025 = arith.constant 15 : i32
        %and3A_1026 = arith.andi %squeeze3A_1024, %and3A_1025 : i32
        %broadcast_in_dim3A_1027 = vector.broadcast %add3A_1022 : i32 to vector<16xi32>
        %broadcast_in_dim3A_1028 = vector.broadcast %and3A_1026 : i32 to vector<16xi32>
        %gather3A_1029 = tpu.vector_load_idx %arg9[%iota3A, %broadcast_in_dim3A_1027, %broadcast_in_dim3A_1028] : memref<16x128x16xf32, #tpu.memory_space<vmem>>[vector<16xi32>, vector<16xi32>, vector<16xi32>], vector<16xf32>,
        %mul3A_1030 = arith.constant 2 : i32
        %mul3A_1031 = arith.muli %mul3A_1030, %add3A_856 : i32
        %add3A_1032 = arith.constant 1 : i32
        %add3A_1033 = arith.addi %mul3A_1031, %add3A_1032 : i32
        %swap3A_1034 = arith.index_cast %add3A_1033 : i32 to index
        %swap3A_1035 = arith.constant 16 : index
        %swap3A_1036 = tpu.vector_load %arg11[%swap3A_1034, %swap3A_1035] {strides = array<i32>} : memref<16x128xf32, #tpu.memory_space<vmem>>, vector<16xf32>,
        tpu.vector_store %arg11[%swap3A_1034, %swap3A_1035], %gather3A_1029 {strides = array<i32>} : memref<16x128xf32, #tpu.memory_space<vmem>>, vector<16xf32>,
        %mul3A_1037 = arith.constant 16 : i32
        %mul3A_1038 = arith.muli %add3A_856, %mul3A_1037 : i32
        %add3A_1039 = arith.constant 10 : i32
        %add3A_1040 = arith.addi %mul3A_1038, %add3A_1039 : i32
        %slice3A_1041 = vector.extract_strided_slice %get3A_862 {offsets = [10], sizes = [1], strides = [1]} : vector<16xi32> to vector<1xi32>
        %squeeze3A_1042 = vector.extract %slice3A_1041[0] : i32 from vector<1xi32>
        %and3A_1043 = arith.constant 15 : i32
        %and3A_1044 = arith.andi %squeeze3A_1042, %and3A_1043 : i32
        %broadcast_in_dim3A_1045 = vector.broadcast %add3A_1040 : i32 to vector<16xi32>
        %broadcast_in_dim3A_1046 = vector.broadcast %and3A_1044 : i32 to vector<16xi32>
        %gather3A_1047 = tpu.vector_load_idx %arg9[%iota3A, %broadcast_in_dim3A_1045, %broadcast_in_dim3A_1046] : memref<16x128x16xf32, #tpu.memory_space<vmem>>[vector<16xi32>, vector<16xi32>, vector<16xi32>], vector<16xf32>,
        %mul3A_1048 = arith.constant 2 : i32
        %mul3A_1049 = arith.muli %mul3A_1048, %add3A_856 : i32
        %add3A_1050 = arith.constant 1 : i32
        %add3A_1051 = arith.addi %mul3A_1049, %add3A_1050 : i32
        %swap3A_1052 = arith.index_cast %add3A_1051 : i32 to index
        %swap3A_1053 = arith.constant 32 : index
        %swap3A_1054 = tpu.vector_load %arg11[%swap3A_1052, %swap3A_1053] {strides = array<i32>} : memref<16x128xf32, #tpu.memory_space<vmem>>, vector<16xf32>,
        tpu.vector_store %arg11[%swap3A_1052, %swap3A_1053], %gather3A_1047 {strides = array<i32>} : memref<16x128xf32, #tpu.memory_space<vmem>>, vector<16xf32>,
        %mul3A_1055 = arith.constant 16 : i32
        %mul3A_1056 = arith.muli %add3A_856, %mul3A_1055 : i32
        %add3A_1057 = arith.constant 11 : i32
        %add3A_1058 = arith.addi %mul3A_1056, %add3A_1057 : i32
        %slice3A_1059 = vector.extract_strided_slice %get3A_862 {offsets = [11], sizes = [1], strides = [1]} : vector<16xi32> to vector<1xi32>
        %squeeze3A_1060 = vector.extract %slice3A_1059[0] : i32 from vector<1xi32>
        %and3A_1061 = arith.constant 15 : i32
        %and3A_1062 = arith.andi %squeeze3A_1060, %and3A_1061 : i32
        %broadcast_in_dim3A_1063 = vector.broadcast %add3A_1058 : i32 to vector<16xi32>
        %broadcast_in_dim3A_1064 = vector.broadcast %and3A_1062 : i32 to vector<16xi32>
        %gather3A_1065 = tpu.vector_load_idx %arg9[%iota3A, %broadcast_in_dim3A_1063, %broadcast_in_dim3A_1064] : memref<16x128x16xf32, #tpu.memory_space<vmem>>[vector<16xi32>, vector<16xi32>, vector<16xi32>], vector<16xf32>,
        %mul3A_1066 = arith.constant 2 : i32
        %mul3A_1067 = arith.muli %mul3A_1066, %add3A_856 : i32
        %add3A_1068 = arith.constant 1 : i32
        %add3A_1069 = arith.addi %mul3A_1067, %add3A_1068 : i32
        %swap3A_1070 = arith.index_cast %add3A_1069 : i32 to index
        %swap3A_1071 = arith.constant 48 : index
        %swap3A_1072 = tpu.vector_load %arg11[%swap3A_1070, %swap3A_1071] {strides = array<i32>} : memref<16x128xf32, #tpu.memory_space<vmem>>, vector<16xf32>,
        tpu.vector_store %arg11[%swap3A_1070, %swap3A_1071], %gather3A_1065 {strides = array<i32>} : memref<16x128xf32, #tpu.memory_space<vmem>>, vector<16xf32>,
        %mul3A_1073 = arith.constant 16 : i32
        %mul3A_1074 = arith.muli %add3A_856, %mul3A_1073 : i32
        %add3A_1075 = arith.constant 12 : i32
        %add3A_1076 = arith.addi %mul3A_1074, %add3A_1075 : i32
        %slice3A_1077 = vector.extract_strided_slice %get3A_862 {offsets = [12], sizes = [1], strides = [1]} : vector<16xi32> to vector<1xi32>
        %squeeze3A_1078 = vector.extract %slice3A_1077[0] : i32 from vector<1xi32>
        %and3A_1079 = arith.constant 15 : i32
        %and3A_1080 = arith.andi %squeeze3A_1078, %and3A_1079 : i32
        %broadcast_in_dim3A_1081 = vector.broadcast %add3A_1076 : i32 to vector<16xi32>
        %broadcast_in_dim3A_1082 = vector.broadcast %and3A_1080 : i32 to vector<16xi32>
        %gather3A_1083 = tpu.vector_load_idx %arg9[%iota3A, %broadcast_in_dim3A_1081, %broadcast_in_dim3A_1082] : memref<16x128x16xf32, #tpu.memory_space<vmem>>[vector<16xi32>, vector<16xi32>, vector<16xi32>], vector<16xf32>,
        %mul3A_1084 = arith.constant 2 : i32
        %mul3A_1085 = arith.muli %mul3A_1084, %add3A_856 : i32
        %add3A_1086 = arith.constant 1 : i32
        %add3A_1087 = arith.addi %mul3A_1085, %add3A_1086 : i32
        %swap3A_1088 = arith.index_cast %add3A_1087 : i32 to index
        %swap3A_1089 = arith.constant 64 : index
        %swap3A_1090 = tpu.vector_load %arg11[%swap3A_1088, %swap3A_1089] {strides = array<i32>} : memref<16x128xf32, #tpu.memory_space<vmem>>, vector<16xf32>,
        tpu.vector_store %arg11[%swap3A_1088, %swap3A_1089], %gather3A_1083 {strides = array<i32>} : memref<16x128xf32, #tpu.memory_space<vmem>>, vector<16xf32>,
        %mul3A_1091 = arith.constant 16 : i32
        %mul3A_1092 = arith.muli %add3A_856, %mul3A_1091 : i32
        %add3A_1093 = arith.constant 13 : i32
        %add3A_1094 = arith.addi %mul3A_1092, %add3A_1093 : i32
        %slice3A_1095 = vector.extract_strided_slice %get3A_862 {offsets = [13], sizes = [1], strides = [1]} : vector<16xi32> to vector<1xi32>
        %squeeze3A_1096 = vector.extract %slice3A_1095[0] : i32 from vector<1xi32>
        %and3A_1097 = arith.constant 15 : i32
        %and3A_1098 = arith.andi %squeeze3A_1096, %and3A_1097 : i32
        %broadcast_in_dim3A_1099 = vector.broadcast %add3A_1094 : i32 to vector<16xi32>
        %broadcast_in_dim3A_1100 = vector.broadcast %and3A_1098 : i32 to vector<16xi32>
        %gather3A_1101 = tpu.vector_load_idx %arg9[%iota3A, %broadcast_in_dim3A_1099, %broadcast_in_dim3A_1100] : memref<16x128x16xf32, #tpu.memory_space<vmem>>[vector<16xi32>, vector<16xi32>, vector<16xi32>], vector<16xf32>,
        %mul3A_1102 = arith.constant 2 : i32
        %mul3A_1103 = arith.muli %mul3A_1102, %add3A_856 : i32
        %add3A_1104 = arith.constant 1 : i32
        %add3A_1105 = arith.addi %mul3A_1103, %add3A_1104 : i32
        %swap3A_1106 = arith.index_cast %add3A_1105 : i32 to index
        %swap3A_1107 = arith.constant 80 : index
        %swap3A_1108 = tpu.vector_load %arg11[%swap3A_1106, %swap3A_1107] {strides = array<i32>} : memref<16x128xf32, #tpu.memory_space<vmem>>, vector<16xf32>,
        tpu.vector_store %arg11[%swap3A_1106, %swap3A_1107], %gather3A_1101 {strides = array<i32>} : memref<16x128xf32, #tpu.memory_space<vmem>>, vector<16xf32>,
        %mul3A_1109 = arith.constant 16 : i32
        %mul3A_1110 = arith.muli %add3A_856, %mul3A_1109 : i32
        %add3A_1111 = arith.constant 14 : i32
        %add3A_1112 = arith.addi %mul3A_1110, %add3A_1111 : i32
        %slice3A_1113 = vector.extract_strided_slice %get3A_862 {offsets = [14], sizes = [1], strides = [1]} : vector<16xi32> to vector<1xi32>
        %squeeze3A_1114 = vector.extract %slice3A_1113[0] : i32 from vector<1xi32>
        %and3A_1115 = arith.constant 15 : i32
        %and3A_1116 = arith.andi %squeeze3A_1114, %and3A_1115 : i32
        %broadcast_in_dim3A_1117 = vector.broadcast %add3A_1112 : i32 to vector<16xi32>
        %broadcast_in_dim3A_1118 = vector.broadcast %and3A_1116 : i32 to vector<16xi32>
        %gather3A_1119 = tpu.vector_load_idx %arg9[%iota3A, %broadcast_in_dim3A_1117, %broadcast_in_dim3A_1118] : memref<16x128x16xf32, #tpu.memory_space<vmem>>[vector<16xi32>, vector<16xi32>, vector<16xi32>], vector<16xf32>,
        %mul3A_1120 = arith.constant 2 : i32
        %mul3A_1121 = arith.muli %mul3A_1120, %add3A_856 : i32
        %add3A_1122 = arith.constant 1 : i32
        %add3A_1123 = arith.addi %mul3A_1121, %add3A_1122 : i32
        %swap3A_1124 = arith.index_cast %add3A_1123 : i32 to index
        %swap3A_1125 = arith.constant 96 : index
        %swap3A_1126 = tpu.vector_load %arg11[%swap3A_1124, %swap3A_1125] {strides = array<i32>} : memref<16x128xf32, #tpu.memory_space<vmem>>, vector<16xf32>,
        tpu.vector_store %arg11[%swap3A_1124, %swap3A_1125], %gather3A_1119 {strides = array<i32>} : memref<16x128xf32, #tpu.memory_space<vmem>>, vector<16xf32>,
        %mul3A_1127 = arith.constant 16 : i32
        %mul3A_1128 = arith.muli %add3A_856, %mul3A_1127 : i32
        %add3A_1129 = arith.constant 15 : i32
        %add3A_1130 = arith.addi %mul3A_1128, %add3A_1129 : i32
        %slice3A_1131 = vector.extract_strided_slice %get3A_862 {offsets = [15], sizes = [1], strides = [1]} : vector<16xi32> to vector<1xi32>
        %squeeze3A_1132 = vector.extract %slice3A_1131[0] : i32 from vector<1xi32>
        %and3A_1133 = arith.constant 15 : i32
        %and3A_1134 = arith.andi %squeeze3A_1132, %and3A_1133 : i32
        %broadcast_in_dim3A_1135 = vector.broadcast %add3A_1130 : i32 to vector<16xi32>
        %broadcast_in_dim3A_1136 = vector.broadcast %and3A_1134 : i32 to vector<16xi32>
        %gather3A_1137 = tpu.vector_load_idx %arg9[%iota3A, %broadcast_in_dim3A_1135, %broadcast_in_dim3A_1136] : memref<16x128x16xf32, #tpu.memory_space<vmem>>[vector<16xi32>, vector<16xi32>, vector<16xi32>], vector<16xf32>,
        %mul3A_1138 = arith.constant 2 : i32
        %mul3A_1139 = arith.muli %mul3A_1138, %add3A_856 : i32
        %add3A_1140 = arith.constant 1 : i32
        %add3A_1141 = arith.addi %mul3A_1139, %add3A_1140 : i32
        %swap3A_1142 = arith.index_cast %add3A_1141 : i32 to index
        %swap3A_1143 = arith.constant 112 : index
        %swap3A_1144 = tpu.vector_load %arg11[%swap3A_1142, %swap3A_1143] {strides = array<i32>} : memref<16x128xf32, #tpu.memory_space<vmem>>, vector<16xf32>,
        tpu.vector_store %arg11[%swap3A_1142, %swap3A_1143], %gather3A_1137 {strides = array<i32>} : memref<16x128xf32, #tpu.memory_space<vmem>>, vector<16xf32>,
      }
      %scan3A_842 = arith.constant 8 : i32
      %dma_start3A_843 = arith.constant 0 : i32
      %dma_start3A_844 = tpu.memref_slice %arg4[%add3A_640, %dma_start3A_843] : memref<16384x128xf32, #tpu.memory_space<hbm>> -> memref<16x128xf32, #tpu.memory_space<hbm>>
      %dma_start3A_845 = arith.constant 0 : i32
      %dma_start3A_846 = tpu.memref_slice %arg4[%add3A_640, %dma_start3A_845] : memref<16384x128xf32, #tpu.memory_space<hbm>> -> memref<16x128xf32, #tpu.memory_space<hbm>>
      tpu.enqueue_dma source(%arg11 : memref<16x128xf32, #tpu.memory_space<vmem>>) target(%dma_start3A_846 : memref<16x128xf32, #tpu.memory_space<hbm>>) target_semaphore(%arg15 : memref<!tpu.dma_semaphore, #tpu.memory_space<semaphore_mem>>)
      %lt3A_847 = arith.constant 15 : i32
      %lt3A_848 = arith.cmpi slt, %add3A_415, %lt3A_847 : i32
      %convert_element_type3A_849 = arith.extui %lt3A_848 : i1 to i32
      %cond3A_850 = arith.constant 0 : i32
      %cond3A_851 = arith.cmpi ne, %convert_element_type3A_849, %cond3A_850 : i32
      scf.if %cond3A_851 {
        %add3A_852 = arith.constant 2 : i32
        %add3A_853 = arith.addi %add3A_635, %add3A_852 : i32
        %scan3A_854 = arith.constant 0 : i32
        %scan3A_855 = arith.constant 8 : i32
        %scan3A_856 = arith.addi %scan3A_854, %scan3A_855 : i32
        %scan3A_857 = arith.constant 1 : i32
        scf.for %scan3A_1053 = %scan3A_854 to %scan3A_856 step %scan3A_857  : i32 {
          %mul3A_1054 = arith.constant 1 : i32
          %mul3A_1055 = arith.muli %scan3A_1053, %mul3A_1054 : i32
          %add3A_1056 = arith.constant 0 : i32
          %add3A_1057 = arith.addi %add3A_1056, %mul3A_1055 : i32
          %mul3A_1058 = arith.constant 16 : i32
          %mul3A_1059 = arith.muli %add3A_1057, %mul3A_1058 : i32
          %get3A = arith.constant 0 : i32
          %get3A_1060 = arith.index_cast %add3A_853 : i32 to index
          %get3A_1061 = arith.index_cast %get3A : i32 to index
          %get3A_1062 = arith.index_cast %mul3A_1059 : i32 to index
          %get3A_1063 = tpu.vector_load %arg5[%get3A_1060, %get3A_1061, %get3A_1062] {strides = array<i32>} : memref<32x2x128xi32, #tpu.memory_space<vmem>>, vector<16xi32>,
          %mul3A_1064 = arith.constant 16 : i32
          %mul3A_1065 = arith.muli %add3A_1057, %mul3A_1064 : i32
          %get3A_1066 = arith.constant 1 : i32
          %get3A_1067 = arith.index_cast %add3A_853 : i32 to index
          %get3A_1068 = arith.index_cast %get3A_1066 : i32 to index
          %get3A_1069 = arith.index_cast %mul3A_1065 : i32 to index
          %get3A_1070 = tpu.vector_load %arg5[%get3A_1067, %get3A_1068, %get3A_1069] {strides = array<i32>} : memref<32x2x128xi32, #tpu.memory_space<vmem>>, vector<16xi32>,
          %mul3A_1071 = arith.constant 1024 : i32
          %mul3A_1072 = vector.broadcast %mul3A_1071 : i32 to vector<16xi32>
          %mul3A_1073 = arith.muli %get3A_1063, %mul3A_1072 : vector<16xi32>
          %shift_right_logical3A = arith.constant 7 : i32
          %shift_right_logical3A_1074 = vector.broadcast %shift_right_logical3A : i32 to vector<16xi32>
          %shift_right_logical3A_1075 = arith.shrui %get3A_1070, %shift_right_logical3A_1074 : vector<16xi32>
          %mul3A_1076 = arith.constant 64 : i32
          %mul3A_1077 = vector.broadcast %mul3A_1076 : i32 to vector<16xi32>
          %mul3A_1078 = arith.muli %shift_right_logical3A_1075, %mul3A_1077 : vector<16xi32>
          %add3A_1079 = arith.addi %mul3A_1073, %mul3A_1078 : vector<16xi32>
          %shift_right_logical3A_1080 = arith.constant 4 : i32
          %shift_right_logical3A_1081 = vector.broadcast %shift_right_logical3A_1080 : i32 to vector<16xi32>
          %shift_right_logical3A_1082 = arith.shrui %get3A_1070, %shift_right_logical3A_1081 : vector<16xi32>
          %and3A = arith.constant 7 : i32
          %and3A_1083 = vector.broadcast %and3A : i32 to vector<16xi32>
          %and3A_1084 = arith.andi %shift_right_logical3A_1082, %and3A_1083 : vector<16xi32>
          %add3A_1085 = arith.addi %add3A_1079, %and3A_1084 : vector<16xi32>
          %add3A_1086 = arith.constant 0 : i32
          %add3A_1087 = vector.broadcast %add3A_1086 : i32 to vector<16xi32>
          %add3A_1088 = arith.addi %add3A_1085, %add3A_1087 : vector<16xi32>
          %add3A_1089 = arith.constant 0 : i32
          %add3A_1090 = vector.broadcast %add3A_1089 : i32 to vector<16xi32>
          %add3A_1091 = arith.addi %add3A_1088, %add3A_1090 : vector<16xi32>
          %mul3A_1092 = arith.constant 16 : i32
          %mul3A_1093 = arith.muli %add3A_1057, %mul3A_1092 : i32
          %swap3A = arith.constant 0 : i32
          %swap3A_1094 = arith.index_cast %swap3A : i32 to index
          %swap3A_1095 = arith.index_cast %mul3A_1093 : i32 to index
          %swap3A_1096 = tpu.vector_load %arg7[%swap3A_1094, %swap3A_1095] {strides = array<i32>} : memref<16x128xi32, #tpu.memory_space<vmem>>, vector<16xi32>,
          tpu.vector_store %arg7[%swap3A_1094, %swap3A_1095], %add3A_1091 {strides = array<i32>} : memref<16x128xi32, #tpu.memory_space<vmem>>, vector<16xi32>,
          %add3A_1097 = arith.constant 0 : i32
          %add3A_1098 = vector.broadcast %add3A_1097 : i32 to vector<16xi32>
          %add3A_1099 = arith.addi %add3A_1085, %add3A_1098 : vector<16xi32>
          %add3A_1100 = arith.constant 8 : i32
          %add3A_1101 = vector.broadcast %add3A_1100 : i32 to vector<16xi32>
          %add3A_1102 = arith.addi %add3A_1099, %add3A_1101 : vector<16xi32>
          %mul3A_1103 = arith.constant 16 : i32
          %mul3A_1104 = arith.muli %add3A_1057, %mul3A_1103 : i32
          %swap3A_1105 = arith.constant 1 : i32
          %swap3A_1106 = arith.index_cast %swap3A_1105 : i32 to index
          %swap3A_1107 = arith.index_cast %mul3A_1104 : i32 to index
          %swap3A_1108 = tpu.vector_load %arg7[%swap3A_1106, %swap3A_1107] {strides = array<i32>} : memref<16x128xi32, #tpu.memory_space<vmem>>, vector<16xi32>,
          tpu.vector_store %arg7[%swap3A_1106, %swap3A_1107], %add3A_1102 {strides = array<i32>} : memref<16x128xi32, #tpu.memory_space<vmem>>, vector<16xi32>,
          %add3A_1109 = arith.constant 0 : i32
          %add3A_1110 = vector.broadcast %add3A_1109 : i32 to vector<16xi32>
          %add3A_1111 = arith.addi %add3A_1085, %add3A_1110 : vector<16xi32>
          %add3A_1112 = arith.constant 16 : i32
          %add3A_1113 = vector.broadcast %add3A_1112 : i32 to vector<16xi32>
          %add3A_1114 = arith.addi %add3A_1111, %add3A_1113 : vector<16xi32>
          %mul3A_1115 = arith.constant 16 : i32
          %mul3A_1116 = arith.muli %add3A_1057, %mul3A_1115 : i32
          %swap3A_1117 = arith.constant 2 : i32
          %swap3A_1118 = arith.index_cast %swap3A_1117 : i32 to index
          %swap3A_1119 = arith.index_cast %mul3A_1116 : i32 to index
          %swap3A_1120 = tpu.vector_load %arg7[%swap3A_1118, %swap3A_1119] {strides = array<i32>} : memref<16x128xi32, #tpu.memory_space<vmem>>, vector<16xi32>,
          tpu.vector_store %arg7[%swap3A_1118, %swap3A_1119], %add3A_1114 {strides = array<i32>} : memref<16x128xi32, #tpu.memory_space<vmem>>, vector<16xi32>,
          %add3A_1121 = arith.constant 0 : i32
          %add3A_1122 = vector.broadcast %add3A_1121 : i32 to vector<16xi32>
          %add3A_1123 = arith.addi %add3A_1085, %add3A_1122 : vector<16xi32>
          %add3A_1124 = arith.constant 24 : i32
          %add3A_1125 = vector.broadcast %add3A_1124 : i32 to vector<16xi32>
          %add3A_1126 = arith.addi %add3A_1123, %add3A_1125 : vector<16xi32>
          %mul3A_1127 = arith.constant 16 : i32
          %mul3A_1128 = arith.muli %add3A_1057, %mul3A_1127 : i32
          %swap3A_1129 = arith.constant 3 : i32
          %swap3A_1130 = arith.index_cast %swap3A_1129 : i32 to index
          %swap3A_1131 = arith.index_cast %mul3A_1128 : i32 to index
          %swap3A_1132 = tpu.vector_load %arg7[%swap3A_1130, %swap3A_1131] {strides = array<i32>} : memref<16x128xi32, #tpu.memory_space<vmem>>, vector<16xi32>,
          tpu.vector_store %arg7[%swap3A_1130, %swap3A_1131], %add3A_1126 {strides = array<i32>} : memref<16x128xi32, #tpu.memory_space<vmem>>, vector<16xi32>,
          %add3A_1133 = arith.constant 0 : i32
          %add3A_1134 = vector.broadcast %add3A_1133 : i32 to vector<16xi32>
          %add3A_1135 = arith.addi %add3A_1085, %add3A_1134 : vector<16xi32>
          %add3A_1136 = arith.constant 32 : i32
          %add3A_1137 = vector.broadcast %add3A_1136 : i32 to vector<16xi32>
          %add3A_1138 = arith.addi %add3A_1135, %add3A_1137 : vector<16xi32>
          %mul3A_1139 = arith.constant 16 : i32
          %mul3A_1140 = arith.muli %add3A_1057, %mul3A_1139 : i32
          %swap3A_1141 = arith.constant 4 : i32
          %swap3A_1142 = arith.index_cast %swap3A_1141 : i32 to index
          %swap3A_1143 = arith.index_cast %mul3A_1140 : i32 to index
          %swap3A_1144 = tpu.vector_load %arg7[%swap3A_1142, %swap3A_1143] {strides = array<i32>} : memref<16x128xi32, #tpu.memory_space<vmem>>, vector<16xi32>,
          tpu.vector_store %arg7[%swap3A_1142, %swap3A_1143], %add3A_1138 {strides = array<i32>} : memref<16x128xi32, #tpu.memory_space<vmem>>, vector<16xi32>,
          %add3A_1145 = arith.constant 0 : i32
          %add3A_1146 = vector.broadcast %add3A_1145 : i32 to vector<16xi32>
          %add3A_1147 = arith.addi %add3A_1085, %add3A_1146 : vector<16xi32>
          %add3A_1148 = arith.constant 40 : i32
          %add3A_1149 = vector.broadcast %add3A_1148 : i32 to vector<16xi32>
          %add3A_1150 = arith.addi %add3A_1147, %add3A_1149 : vector<16xi32>
          %mul3A_1151 = arith.constant 16 : i32
          %mul3A_1152 = arith.muli %add3A_1057, %mul3A_1151 : i32
          %swap3A_1153 = arith.constant 5 : i32
          %swap3A_1154 = arith.index_cast %swap3A_1153 : i32 to index
          %swap3A_1155 = arith.index_cast %mul3A_1152 : i32 to index
          %swap3A_1156 = tpu.vector_load %arg7[%swap3A_1154, %swap3A_1155] {strides = array<i32>} : memref<16x128xi32, #tpu.memory_space<vmem>>, vector<16xi32>,
          tpu.vector_store %arg7[%swap3A_1154, %swap3A_1155], %add3A_1150 {strides = array<i32>} : memref<16x128xi32, #tpu.memory_space<vmem>>, vector<16xi32>,
          %add3A_1157 = arith.constant 0 : i32
          %add3A_1158 = vector.broadcast %add3A_1157 : i32 to vector<16xi32>
          %add3A_1159 = arith.addi %add3A_1085, %add3A_1158 : vector<16xi32>
          %add3A_1160 = arith.constant 48 : i32
          %add3A_1161 = vector.broadcast %add3A_1160 : i32 to vector<16xi32>
          %add3A_1162 = arith.addi %add3A_1159, %add3A_1161 : vector<16xi32>
          %mul3A_1163 = arith.constant 16 : i32
          %mul3A_1164 = arith.muli %add3A_1057, %mul3A_1163 : i32
          %swap3A_1165 = arith.constant 6 : i32
          %swap3A_1166 = arith.index_cast %swap3A_1165 : i32 to index
          %swap3A_1167 = arith.index_cast %mul3A_1164 : i32 to index
          %swap3A_1168 = tpu.vector_load %arg7[%swap3A_1166, %swap3A_1167] {strides = array<i32>} : memref<16x128xi32, #tpu.memory_space<vmem>>, vector<16xi32>,
          tpu.vector_store %arg7[%swap3A_1166, %swap3A_1167], %add3A_1162 {strides = array<i32>} : memref<16x128xi32, #tpu.memory_space<vmem>>, vector<16xi32>,
          %add3A_1169 = arith.constant 0 : i32
          %add3A_1170 = vector.broadcast %add3A_1169 : i32 to vector<16xi32>
          %add3A_1171 = arith.addi %add3A_1085, %add3A_1170 : vector<16xi32>
          %add3A_1172 = arith.constant 56 : i32
          %add3A_1173 = vector.broadcast %add3A_1172 : i32 to vector<16xi32>
          %add3A_1174 = arith.addi %add3A_1171, %add3A_1173 : vector<16xi32>
          %mul3A_1175 = arith.constant 16 : i32
          %mul3A_1176 = arith.muli %add3A_1057, %mul3A_1175 : i32
          %swap3A_1177 = arith.constant 7 : i32
          %swap3A_1178 = arith.index_cast %swap3A_1177 : i32 to index
          %swap3A_1179 = arith.index_cast %mul3A_1176 : i32 to index
          %swap3A_1180 = tpu.vector_load %arg7[%swap3A_1178, %swap3A_1179] {strides = array<i32>} : memref<16x128xi32, #tpu.memory_space<vmem>>, vector<16xi32>,
          tpu.vector_store %arg7[%swap3A_1178, %swap3A_1179], %add3A_1174 {strides = array<i32>} : memref<16x128xi32, #tpu.memory_space<vmem>>, vector<16xi32>,
          %add3A_1181 = arith.constant 512 : i32
          %add3A_1182 = vector.broadcast %add3A_1181 : i32 to vector<16xi32>
          %add3A_1183 = arith.addi %add3A_1085, %add3A_1182 : vector<16xi32>
          %add3A_1184 = arith.constant 0 : i32
          %add3A_1185 = vector.broadcast %add3A_1184 : i32 to vector<16xi32>
          %add3A_1186 = arith.addi %add3A_1183, %add3A_1185 : vector<16xi32>
          %mul3A_1187 = arith.constant 16 : i32
          %mul3A_1188 = arith.muli %add3A_1057, %mul3A_1187 : i32
          %swap3A_1189 = arith.constant 8 : i32
          %swap3A_1190 = arith.index_cast %swap3A_1189 : i32 to index
          %swap3A_1191 = arith.index_cast %mul3A_1188 : i32 to index
          %swap3A_1192 = tpu.vector_load %arg7[%swap3A_1190, %swap3A_1191] {strides = array<i32>} : memref<16x128xi32, #tpu.memory_space<vmem>>, vector<16xi32>,
          tpu.vector_store %arg7[%swap3A_1190, %swap3A_1191], %add3A_1186 {strides = array<i32>} : memref<16x128xi32, #tpu.memory_space<vmem>>, vector<16xi32>,
          %add3A_1193 = arith.constant 512 : i32
          %add3A_1194 = vector.broadcast %add3A_1193 : i32 to vector<16xi32>
          %add3A_1195 = arith.addi %add3A_1085, %add3A_1194 : vector<16xi32>
          %add3A_1196 = arith.constant 8 : i32
          %add3A_1197 = vector.broadcast %add3A_1196 : i32 to vector<16xi32>
          %add3A_1198 = arith.addi %add3A_1195, %add3A_1197 : vector<16xi32>
          %mul3A_1199 = arith.constant 16 : i32
          %mul3A_1200 = arith.muli %add3A_1057, %mul3A_1199 : i32
          %swap3A_1201 = arith.constant 9 : i32
          %swap3A_1202 = arith.index_cast %swap3A_1201 : i32 to index
          %swap3A_1203 = arith.index_cast %mul3A_1200 : i32 to index
          %swap3A_1204 = tpu.vector_load %arg7[%swap3A_1202, %swap3A_1203] {strides = array<i32>} : memref<16x128xi32, #tpu.memory_space<vmem>>, vector<16xi32>,
          tpu.vector_store %arg7[%swap3A_1202, %swap3A_1203], %add3A_1198 {strides = array<i32>} : memref<16x128xi32, #tpu.memory_space<vmem>>, vector<16xi32>,
          %add3A_1205 = arith.constant 512 : i32
          %add3A_1206 = vector.broadcast %add3A_1205 : i32 to vector<16xi32>
          %add3A_1207 = arith.addi %add3A_1085, %add3A_1206 : vector<16xi32>
          %add3A_1208 = arith.constant 16 : i32
          %add3A_1209 = vector.broadcast %add3A_1208 : i32 to vector<16xi32>
          %add3A_1210 = arith.addi %add3A_1207, %add3A_1209 : vector<16xi32>
          %mul3A_1211 = arith.constant 16 : i32
          %mul3A_1212 = arith.muli %add3A_1057, %mul3A_1211 : i32
          %swap3A_1213 = arith.constant 10 : i32
          %swap3A_1214 = arith.index_cast %swap3A_1213 : i32 to index
          %swap3A_1215 = arith.index_cast %mul3A_1212 : i32 to index
          %swap3A_1216 = tpu.vector_load %arg7[%swap3A_1214, %swap3A_1215] {strides = array<i32>} : memref<16x128xi32, #tpu.memory_space<vmem>>, vector<16xi32>,
          tpu.vector_store %arg7[%swap3A_1214, %swap3A_1215], %add3A_1210 {strides = array<i32>} : memref<16x128xi32, #tpu.memory_space<vmem>>, vector<16xi32>,
          %add3A_1217 = arith.constant 512 : i32
          %add3A_1218 = vector.broadcast %add3A_1217 : i32 to vector<16xi32>
          %add3A_1219 = arith.addi %add3A_1085, %add3A_1218 : vector<16xi32>
          %add3A_1220 = arith.constant 24 : i32
          %add3A_1221 = vector.broadcast %add3A_1220 : i32 to vector<16xi32>
          %add3A_1222 = arith.addi %add3A_1219, %add3A_1221 : vector<16xi32>
          %mul3A_1223 = arith.constant 16 : i32
          %mul3A_1224 = arith.muli %add3A_1057, %mul3A_1223 : i32
          %swap3A_1225 = arith.constant 11 : i32
          %swap3A_1226 = arith.index_cast %swap3A_1225 : i32 to index
          %swap3A_1227 = arith.index_cast %mul3A_1224 : i32 to index
          %swap3A_1228 = tpu.vector_load %arg7[%swap3A_1226, %swap3A_1227] {strides = array<i32>} : memref<16x128xi32, #tpu.memory_space<vmem>>, vector<16xi32>,
          tpu.vector_store %arg7[%swap3A_1226, %swap3A_1227], %add3A_1222 {strides = array<i32>} : memref<16x128xi32, #tpu.memory_space<vmem>>, vector<16xi32>,
          %add3A_1229 = arith.constant 512 : i32
          %add3A_1230 = vector.broadcast %add3A_1229 : i32 to vector<16xi32>
          %add3A_1231 = arith.addi %add3A_1085, %add3A_1230 : vector<16xi32>
          %add3A_1232 = arith.constant 32 : i32
          %add3A_1233 = vector.broadcast %add3A_1232 : i32 to vector<16xi32>
          %add3A_1234 = arith.addi %add3A_1231, %add3A_1233 : vector<16xi32>
          %mul3A_1235 = arith.constant 16 : i32
          %mul3A_1236 = arith.muli %add3A_1057, %mul3A_1235 : i32
          %swap3A_1237 = arith.constant 12 : i32
          %swap3A_1238 = arith.index_cast %swap3A_1237 : i32 to index
          %swap3A_1239 = arith.index_cast %mul3A_1236 : i32 to index
          %swap3A_1240 = tpu.vector_load %arg7[%swap3A_1238, %swap3A_1239] {strides = array<i32>} : memref<16x128xi32, #tpu.memory_space<vmem>>, vector<16xi32>,
          tpu.vector_store %arg7[%swap3A_1238, %swap3A_1239], %add3A_1234 {strides = array<i32>} : memref<16x128xi32, #tpu.memory_space<vmem>>, vector<16xi32>,
          %add3A_1241 = arith.constant 512 : i32
          %add3A_1242 = vector.broadcast %add3A_1241 : i32 to vector<16xi32>
          %add3A_1243 = arith.addi %add3A_1085, %add3A_1242 : vector<16xi32>
          %add3A_1244 = arith.constant 40 : i32
          %add3A_1245 = vector.broadcast %add3A_1244 : i32 to vector<16xi32>
          %add3A_1246 = arith.addi %add3A_1243, %add3A_1245 : vector<16xi32>
          %mul3A_1247 = arith.constant 16 : i32
          %mul3A_1248 = arith.muli %add3A_1057, %mul3A_1247 : i32
          %swap3A_1249 = arith.constant 13 : i32
          %swap3A_1250 = arith.index_cast %swap3A_1249 : i32 to index
          %swap3A_1251 = arith.index_cast %mul3A_1248 : i32 to index
          %swap3A_1252 = tpu.vector_load %arg7[%swap3A_1250, %swap3A_1251] {strides = array<i32>} : memref<16x128xi32, #tpu.memory_space<vmem>>, vector<16xi32>,
          tpu.vector_store %arg7[%swap3A_1250, %swap3A_1251], %add3A_1246 {strides = array<i32>} : memref<16x128xi32, #tpu.memory_space<vmem>>, vector<16xi32>,
          %add3A_1253 = arith.constant 512 : i32
          %add3A_1254 = vector.broadcast %add3A_1253 : i32 to vector<16xi32>
          %add3A_1255 = arith.addi %add3A_1085, %add3A_1254 : vector<16xi32>
          %add3A_1256 = arith.constant 48 : i32
          %add3A_1257 = vector.broadcast %add3A_1256 : i32 to vector<16xi32>
          %add3A_1258 = arith.addi %add3A_1255, %add3A_1257 : vector<16xi32>
          %mul3A_1259 = arith.constant 16 : i32
          %mul3A_1260 = arith.muli %add3A_1057, %mul3A_1259 : i32
          %swap3A_1261 = arith.constant 14 : i32
          %swap3A_1262 = arith.index_cast %swap3A_1261 : i32 to index
          %swap3A_1263 = arith.index_cast %mul3A_1260 : i32 to index
          %swap3A_1264 = tpu.vector_load %arg7[%swap3A_1262, %swap3A_1263] {strides = array<i32>} : memref<16x128xi32, #tpu.memory_space<vmem>>, vector<16xi32>,
          tpu.vector_store %arg7[%swap3A_1262, %swap3A_1263], %add3A_1258 {strides = array<i32>} : memref<16x128xi32, #tpu.memory_space<vmem>>, vector<16xi32>,
          %add3A_1265 = arith.constant 512 : i32
          %add3A_1266 = vector.broadcast %add3A_1265 : i32 to vector<16xi32>
          %add3A_1267 = arith.addi %add3A_1085, %add3A_1266 : vector<16xi32>
          %add3A_1268 = arith.constant 56 : i32
          %add3A_1269 = vector.broadcast %add3A_1268 : i32 to vector<16xi32>
          %add3A_1270 = arith.addi %add3A_1267, %add3A_1269 : vector<16xi32>
          %mul3A_1271 = arith.constant 16 : i32
          %mul3A_1272 = arith.muli %add3A_1057, %mul3A_1271 : i32
          %swap3A_1273 = arith.constant 15 : i32
          %swap3A_1274 = arith.index_cast %swap3A_1273 : i32 to index
          %swap3A_1275 = arith.index_cast %mul3A_1272 : i32 to index
          %swap3A_1276 = tpu.vector_load %arg7[%swap3A_1274, %swap3A_1275] {strides = array<i32>} : memref<16x128xi32, #tpu.memory_space<vmem>>, vector<16xi32>,
          tpu.vector_store %arg7[%swap3A_1274, %swap3A_1275], %add3A_1270 {strides = array<i32>} : memref<16x128xi32, #tpu.memory_space<vmem>>, vector<16xi32>,
        }
        %scan3A_858 = arith.constant 8 : i32
        %add3A_859 = arith.constant 2 : i32
        %add3A_860 = arith.addi %add3A_635, %add3A_859 : i32
        %dma_start3A_861 = arith.constant 0 : i32
        %dma_start3A_862 = arith.constant 0 : i32
        %dma_start3A_863 = arith.constant 0 : i32
        %dma_start3A_864 = arith.constant 0 : i32
        %dma_start3A_865 = tpu.memref_slice %arg9[%dma_start3A_862, %dma_start3A_863, %dma_start3A_864] : memref<16x128x16xf32, #tpu.memory_space<vmem>> -> memref<1x128x16xf32, #tpu.memory_space<vmem>>
        %dma_start3A_866 = tpu.memref_squeeze %dma_start3A_865 : memref<1x128x16xf32, #tpu.memory_space<vmem>> -> memref<128x16xf32, #tpu.memory_space<vmem>>
        %dma_start3A_867 = arith.constant 0 : i32
        %dma_start3A_868 = tpu.memref_slice %arg7[%dma_start3A_861, %dma_start3A_867] : memref<16x128xi32, #tpu.memory_space<vmem>> -> memref<1x128xi32, #tpu.memory_space<vmem>>
        %dma_start3A_869 = tpu.memref_squeeze %dma_start3A_868 : memref<1x128xi32, #tpu.memory_space<vmem>> -> memref<128xi32, #tpu.memory_space<vmem>>
        %dma_start3A_870 = arith.constant 0 : i32
        %dma_start3A_871 = arith.constant 0 : i32
        %dma_start3A_872 = tpu.memref_slice %arg3[%dma_start3A_870, %dma_start3A_871] : memref<1048576x16xf32, #tpu.memory_space<hbm>> -> memref<1048576x16xf32, #tpu.memory_space<hbm>>
        tpu.enqueue_indirect_dma source(%dma_start3A_872 : memref<1048576x16xf32, #tpu.memory_space<hbm>>) target(%dma_start3A_866 : memref<128x16xf32, #tpu.memory_space<vmem>>) offsets(%dma_start3A_869 : memref<128xi32, #tpu.memory_space<vmem>>) semaphore(%arg13 : memref<!tpu.dma_semaphore, #tpu.memory_space<semaphore_mem>>)
        %dma_start3A_873 = arith.constant 1 : i32
        %dma_start3A_874 = arith.constant 1 : i32
        %dma_start3A_875 = arith.constant 0 : i32
        %dma_start3A_876 = arith.constant 0 : i32
        %dma_start3A_877 = tpu.memref_slice %arg9[%dma_start3A_874, %dma_start3A_875, %dma_start3A_876] : memref<16x128x16xf32, #tpu.memory_space<vmem>> -> memref<1x128x16xf32, #tpu.memory_space<vmem>>
        %dma_start3A_878 = tpu.memref_squeeze %dma_start3A_877 : memref<1x128x16xf32, #tpu.memory_space<vmem>> -> memref<128x16xf32, #tpu.memory_space<vmem>>
        %dma_start3A_879 = arith.constant 0 : i32
        %dma_start3A_880 = tpu.memref_slice %arg7[%dma_start3A_873, %dma_start3A_879] : memref<16x128xi32, #tpu.memory_space<vmem>> -> memref<1x128xi32, #tpu.memory_space<vmem>>
        %dma_start3A_881 = tpu.memref_squeeze %dma_start3A_880 : memref<1x128xi32, #tpu.memory_space<vmem>> -> memref<128xi32, #tpu.memory_space<vmem>>
        %dma_start3A_882 = arith.constant 0 : i32
        %dma_start3A_883 = arith.constant 0 : i32
        %dma_start3A_884 = tpu.memref_slice %arg3[%dma_start3A_882, %dma_start3A_883] : memref<1048576x16xf32, #tpu.memory_space<hbm>> -> memref<1048576x16xf32, #tpu.memory_space<hbm>>
        tpu.enqueue_indirect_dma source(%dma_start3A_884 : memref<1048576x16xf32, #tpu.memory_space<hbm>>) target(%dma_start3A_878 : memref<128x16xf32, #tpu.memory_space<vmem>>) offsets(%dma_start3A_881 : memref<128xi32, #tpu.memory_space<vmem>>) semaphore(%arg13 : memref<!tpu.dma_semaphore, #tpu.memory_space<semaphore_mem>>)
        %dma_start3A_885 = arith.constant 2 : i32
        %dma_start3A_886 = arith.constant 2 : i32
        %dma_start3A_887 = arith.constant 0 : i32
        %dma_start3A_888 = arith.constant 0 : i32
        %dma_start3A_889 = tpu.memref_slice %arg9[%dma_start3A_886, %dma_start3A_887, %dma_start3A_888] : memref<16x128x16xf32, #tpu.memory_space<vmem>> -> memref<1x128x16xf32, #tpu.memory_space<vmem>>
        %dma_start3A_890 = tpu.memref_squeeze %dma_start3A_889 : memref<1x128x16xf32, #tpu.memory_space<vmem>> -> memref<128x16xf32, #tpu.memory_space<vmem>>
        %dma_start3A_891 = arith.constant 0 : i32
        %dma_start3A_892 = tpu.memref_slice %arg7[%dma_start3A_885, %dma_start3A_891] : memref<16x128xi32, #tpu.memory_space<vmem>> -> memref<1x128xi32, #tpu.memory_space<vmem>>
        %dma_start3A_893 = tpu.memref_squeeze %dma_start3A_892 : memref<1x128xi32, #tpu.memory_space<vmem>> -> memref<128xi32, #tpu.memory_space<vmem>>
        %dma_start3A_894 = arith.constant 0 : i32
        %dma_start3A_895 = arith.constant 0 : i32
        %dma_start3A_896 = tpu.memref_slice %arg3[%dma_start3A_894, %dma_start3A_895] : memref<1048576x16xf32, #tpu.memory_space<hbm>> -> memref<1048576x16xf32, #tpu.memory_space<hbm>>
        tpu.enqueue_indirect_dma source(%dma_start3A_896 : memref<1048576x16xf32, #tpu.memory_space<hbm>>) target(%dma_start3A_890 : memref<128x16xf32, #tpu.memory_space<vmem>>) offsets(%dma_start3A_893 : memref<128xi32, #tpu.memory_space<vmem>>) semaphore(%arg13 : memref<!tpu.dma_semaphore, #tpu.memory_space<semaphore_mem>>)
        %dma_start3A_897 = arith.constant 3 : i32
        %dma_start3A_898 = arith.constant 3 : i32
        %dma_start3A_899 = arith.constant 0 : i32
        %dma_start3A_900 = arith.constant 0 : i32
        %dma_start3A_901 = tpu.memref_slice %arg9[%dma_start3A_898, %dma_start3A_899, %dma_start3A_900] : memref<16x128x16xf32, #tpu.memory_space<vmem>> -> memref<1x128x16xf32, #tpu.memory_space<vmem>>
        %dma_start3A_902 = tpu.memref_squeeze %dma_start3A_901 : memref<1x128x16xf32, #tpu.memory_space<vmem>> -> memref<128x16xf32, #tpu.memory_space<vmem>>
        %dma_start3A_903 = arith.constant 0 : i32
        %dma_start3A_904 = tpu.memref_slice %arg7[%dma_start3A_897, %dma_start3A_903] : memref<16x128xi32, #tpu.memory_space<vmem>> -> memref<1x128xi32, #tpu.memory_space<vmem>>
        %dma_start3A_905 = tpu.memref_squeeze %dma_start3A_904 : memref<1x128xi32, #tpu.memory_space<vmem>> -> memref<128xi32, #tpu.memory_space<vmem>>
        %dma_start3A_906 = arith.constant 0 : i32
        %dma_start3A_907 = arith.constant 0 : i32
        %dma_start3A_908 = tpu.memref_slice %arg3[%dma_start3A_906, %dma_start3A_907] : memref<1048576x16xf32, #tpu.memory_space<hbm>> -> memref<1048576x16xf32, #tpu.memory_space<hbm>>
        tpu.enqueue_indirect_dma source(%dma_start3A_908 : memref<1048576x16xf32, #tpu.memory_space<hbm>>) target(%dma_start3A_902 : memref<128x16xf32, #tpu.memory_space<vmem>>) offsets(%dma_start3A_905 : memref<128xi32, #tpu.memory_space<vmem>>) semaphore(%arg13 : memref<!tpu.dma_semaphore, #tpu.memory_space<semaphore_mem>>)
        %dma_start3A_909 = arith.constant 4 : i32
        %dma_start3A_910 = arith.constant 4 : i32
        %dma_start3A_911 = arith.constant 0 : i32
        %dma_start3A_912 = arith.constant 0 : i32
        %dma_start3A_913 = tpu.memref_slice %arg9[%dma_start3A_910, %dma_start3A_911, %dma_start3A_912] : memref<16x128x16xf32, #tpu.memory_space<vmem>> -> memref<1x128x16xf32, #tpu.memory_space<vmem>>
        %dma_start3A_914 = tpu.memref_squeeze %dma_start3A_913 : memref<1x128x16xf32, #tpu.memory_space<vmem>> -> memref<128x16xf32, #tpu.memory_space<vmem>>
        %dma_start3A_915 = arith.constant 0 : i32
        %dma_start3A_916 = tpu.memref_slice %arg7[%dma_start3A_909, %dma_start3A_915] : memref<16x128xi32, #tpu.memory_space<vmem>> -> memref<1x128xi32, #tpu.memory_space<vmem>>
        %dma_start3A_917 = tpu.memref_squeeze %dma_start3A_916 : memref<1x128xi32, #tpu.memory_space<vmem>> -> memref<128xi32, #tpu.memory_space<vmem>>
        %dma_start3A_918 = arith.constant 0 : i32
        %dma_start3A_919 = arith.constant 0 : i32
        %dma_start3A_920 = tpu.memref_slice %arg3[%dma_start3A_918, %dma_start3A_919] : memref<1048576x16xf32, #tpu.memory_space<hbm>> -> memref<1048576x16xf32, #tpu.memory_space<hbm>>
        tpu.enqueue_indirect_dma source(%dma_start3A_920 : memref<1048576x16xf32, #tpu.memory_space<hbm>>) target(%dma_start3A_914 : memref<128x16xf32, #tpu.memory_space<vmem>>) offsets(%dma_start3A_917 : memref<128xi32, #tpu.memory_space<vmem>>) semaphore(%arg13 : memref<!tpu.dma_semaphore, #tpu.memory_space<semaphore_mem>>)
        %dma_start3A_921 = arith.constant 5 : i32
        %dma_start3A_922 = arith.constant 5 : i32
        %dma_start3A_923 = arith.constant 0 : i32
        %dma_start3A_924 = arith.constant 0 : i32
        %dma_start3A_925 = tpu.memref_slice %arg9[%dma_start3A_922, %dma_start3A_923, %dma_start3A_924] : memref<16x128x16xf32, #tpu.memory_space<vmem>> -> memref<1x128x16xf32, #tpu.memory_space<vmem>>
        %dma_start3A_926 = tpu.memref_squeeze %dma_start3A_925 : memref<1x128x16xf32, #tpu.memory_space<vmem>> -> memref<128x16xf32, #tpu.memory_space<vmem>>
        %dma_start3A_927 = arith.constant 0 : i32
        %dma_start3A_928 = tpu.memref_slice %arg7[%dma_start3A_921, %dma_start3A_927] : memref<16x128xi32, #tpu.memory_space<vmem>> -> memref<1x128xi32, #tpu.memory_space<vmem>>
        %dma_start3A_929 = tpu.memref_squeeze %dma_start3A_928 : memref<1x128xi32, #tpu.memory_space<vmem>> -> memref<128xi32, #tpu.memory_space<vmem>>
        %dma_start3A_930 = arith.constant 0 : i32
        %dma_start3A_931 = arith.constant 0 : i32
        %dma_start3A_932 = tpu.memref_slice %arg3[%dma_start3A_930, %dma_start3A_931] : memref<1048576x16xf32, #tpu.memory_space<hbm>> -> memref<1048576x16xf32, #tpu.memory_space<hbm>>
        tpu.enqueue_indirect_dma source(%dma_start3A_932 : memref<1048576x16xf32, #tpu.memory_space<hbm>>) target(%dma_start3A_926 : memref<128x16xf32, #tpu.memory_space<vmem>>) offsets(%dma_start3A_929 : memref<128xi32, #tpu.memory_space<vmem>>) semaphore(%arg13 : memref<!tpu.dma_semaphore, #tpu.memory_space<semaphore_mem>>)
        %dma_start3A_933 = arith.constant 6 : i32
        %dma_start3A_934 = arith.constant 6 : i32
        %dma_start3A_935 = arith.constant 0 : i32
        %dma_start3A_936 = arith.constant 0 : i32
        %dma_start3A_937 = tpu.memref_slice %arg9[%dma_start3A_934, %dma_start3A_935, %dma_start3A_936] : memref<16x128x16xf32, #tpu.memory_space<vmem>> -> memref<1x128x16xf32, #tpu.memory_space<vmem>>
        %dma_start3A_938 = tpu.memref_squeeze %dma_start3A_937 : memref<1x128x16xf32, #tpu.memory_space<vmem>> -> memref<128x16xf32, #tpu.memory_space<vmem>>
        %dma_start3A_939 = arith.constant 0 : i32
        %dma_start3A_940 = tpu.memref_slice %arg7[%dma_start3A_933, %dma_start3A_939] : memref<16x128xi32, #tpu.memory_space<vmem>> -> memref<1x128xi32, #tpu.memory_space<vmem>>
        %dma_start3A_941 = tpu.memref_squeeze %dma_start3A_940 : memref<1x128xi32, #tpu.memory_space<vmem>> -> memref<128xi32, #tpu.memory_space<vmem>>
        %dma_start3A_942 = arith.constant 0 : i32
        %dma_start3A_943 = arith.constant 0 : i32
        %dma_start3A_944 = tpu.memref_slice %arg3[%dma_start3A_942, %dma_start3A_943] : memref<1048576x16xf32, #tpu.memory_space<hbm>> -> memref<1048576x16xf32, #tpu.memory_space<hbm>>
        tpu.enqueue_indirect_dma source(%dma_start3A_944 : memref<1048576x16xf32, #tpu.memory_space<hbm>>) target(%dma_start3A_938 : memref<128x16xf32, #tpu.memory_space<vmem>>) offsets(%dma_start3A_941 : memref<128xi32, #tpu.memory_space<vmem>>) semaphore(%arg13 : memref<!tpu.dma_semaphore, #tpu.memory_space<semaphore_mem>>)
        %dma_start3A_945 = arith.constant 7 : i32
        %dma_start3A_946 = arith.constant 7 : i32
        %dma_start3A_947 = arith.constant 0 : i32
        %dma_start3A_948 = arith.constant 0 : i32
        %dma_start3A_949 = tpu.memref_slice %arg9[%dma_start3A_946, %dma_start3A_947, %dma_start3A_948] : memref<16x128x16xf32, #tpu.memory_space<vmem>> -> memref<1x128x16xf32, #tpu.memory_space<vmem>>
        %dma_start3A_950 = tpu.memref_squeeze %dma_start3A_949 : memref<1x128x16xf32, #tpu.memory_space<vmem>> -> memref<128x16xf32, #tpu.memory_space<vmem>>
        %dma_start3A_951 = arith.constant 0 : i32
        %dma_start3A_952 = tpu.memref_slice %arg7[%dma_start3A_945, %dma_start3A_951] : memref<16x128xi32, #tpu.memory_space<vmem>> -> memref<1x128xi32, #tpu.memory_space<vmem>>
        %dma_start3A_953 = tpu.memref_squeeze %dma_start3A_952 : memref<1x128xi32, #tpu.memory_space<vmem>> -> memref<128xi32, #tpu.memory_space<vmem>>
        %dma_start3A_954 = arith.constant 0 : i32
        %dma_start3A_955 = arith.constant 0 : i32
        %dma_start3A_956 = tpu.memref_slice %arg3[%dma_start3A_954, %dma_start3A_955] : memref<1048576x16xf32, #tpu.memory_space<hbm>> -> memref<1048576x16xf32, #tpu.memory_space<hbm>>
        tpu.enqueue_indirect_dma source(%dma_start3A_956 : memref<1048576x16xf32, #tpu.memory_space<hbm>>) target(%dma_start3A_950 : memref<128x16xf32, #tpu.memory_space<vmem>>) offsets(%dma_start3A_953 : memref<128xi32, #tpu.memory_space<vmem>>) semaphore(%arg13 : memref<!tpu.dma_semaphore, #tpu.memory_space<semaphore_mem>>)
        %dma_start3A_957 = arith.constant 8 : i32
        %dma_start3A_958 = arith.constant 8 : i32
        %dma_start3A_959 = arith.constant 0 : i32
        %dma_start3A_960 = arith.constant 0 : i32
        %dma_start3A_961 = tpu.memref_slice %arg9[%dma_start3A_958, %dma_start3A_959, %dma_start3A_960] : memref<16x128x16xf32, #tpu.memory_space<vmem>> -> memref<1x128x16xf32, #tpu.memory_space<vmem>>
        %dma_start3A_962 = tpu.memref_squeeze %dma_start3A_961 : memref<1x128x16xf32, #tpu.memory_space<vmem>> -> memref<128x16xf32, #tpu.memory_space<vmem>>
        %dma_start3A_963 = arith.constant 0 : i32
        %dma_start3A_964 = tpu.memref_slice %arg7[%dma_start3A_957, %dma_start3A_963] : memref<16x128xi32, #tpu.memory_space<vmem>> -> memref<1x128xi32, #tpu.memory_space<vmem>>
        %dma_start3A_965 = tpu.memref_squeeze %dma_start3A_964 : memref<1x128xi32, #tpu.memory_space<vmem>> -> memref<128xi32, #tpu.memory_space<vmem>>
        %dma_start3A_966 = arith.constant 0 : i32
        %dma_start3A_967 = arith.constant 0 : i32
        %dma_start3A_968 = tpu.memref_slice %arg3[%dma_start3A_966, %dma_start3A_967] : memref<1048576x16xf32, #tpu.memory_space<hbm>> -> memref<1048576x16xf32, #tpu.memory_space<hbm>>
        tpu.enqueue_indirect_dma source(%dma_start3A_968 : memref<1048576x16xf32, #tpu.memory_space<hbm>>) target(%dma_start3A_962 : memref<128x16xf32, #tpu.memory_space<vmem>>) offsets(%dma_start3A_965 : memref<128xi32, #tpu.memory_space<vmem>>) semaphore(%arg13 : memref<!tpu.dma_semaphore, #tpu.memory_space<semaphore_mem>>)
        %dma_start3A_969 = arith.constant 9 : i32
        %dma_start3A_970 = arith.constant 9 : i32
        %dma_start3A_971 = arith.constant 0 : i32
        %dma_start3A_972 = arith.constant 0 : i32
        %dma_start3A_973 = tpu.memref_slice %arg9[%dma_start3A_970, %dma_start3A_971, %dma_start3A_972] : memref<16x128x16xf32, #tpu.memory_space<vmem>> -> memref<1x128x16xf32, #tpu.memory_space<vmem>>
        %dma_start3A_974 = tpu.memref_squeeze %dma_start3A_973 : memref<1x128x16xf32, #tpu.memory_space<vmem>> -> memref<128x16xf32, #tpu.memory_space<vmem>>
        %dma_start3A_975 = arith.constant 0 : i32
        %dma_start3A_976 = tpu.memref_slice %arg7[%dma_start3A_969, %dma_start3A_975] : memref<16x128xi32, #tpu.memory_space<vmem>> -> memref<1x128xi32, #tpu.memory_space<vmem>>
        %dma_start3A_977 = tpu.memref_squeeze %dma_start3A_976 : memref<1x128xi32, #tpu.memory_space<vmem>> -> memref<128xi32, #tpu.memory_space<vmem>>
        %dma_start3A_978 = arith.constant 0 : i32
        %dma_start3A_979 = arith.constant 0 : i32
        %dma_start3A_980 = tpu.memref_slice %arg3[%dma_start3A_978, %dma_start3A_979] : memref<1048576x16xf32, #tpu.memory_space<hbm>> -> memref<1048576x16xf32, #tpu.memory_space<hbm>>
        tpu.enqueue_indirect_dma source(%dma_start3A_980 : memref<1048576x16xf32, #tpu.memory_space<hbm>>) target(%dma_start3A_974 : memref<128x16xf32, #tpu.memory_space<vmem>>) offsets(%dma_start3A_977 : memref<128xi32, #tpu.memory_space<vmem>>) semaphore(%arg13 : memref<!tpu.dma_semaphore, #tpu.memory_space<semaphore_mem>>)
        %dma_start3A_981 = arith.constant 10 : i32
        %dma_start3A_982 = arith.constant 10 : i32
        %dma_start3A_983 = arith.constant 0 : i32
        %dma_start3A_984 = arith.constant 0 : i32
        %dma_start3A_985 = tpu.memref_slice %arg9[%dma_start3A_982, %dma_start3A_983, %dma_start3A_984] : memref<16x128x16xf32, #tpu.memory_space<vmem>> -> memref<1x128x16xf32, #tpu.memory_space<vmem>>
        %dma_start3A_986 = tpu.memref_squeeze %dma_start3A_985 : memref<1x128x16xf32, #tpu.memory_space<vmem>> -> memref<128x16xf32, #tpu.memory_space<vmem>>
        %dma_start3A_987 = arith.constant 0 : i32
        %dma_start3A_988 = tpu.memref_slice %arg7[%dma_start3A_981, %dma_start3A_987] : memref<16x128xi32, #tpu.memory_space<vmem>> -> memref<1x128xi32, #tpu.memory_space<vmem>>
        %dma_start3A_989 = tpu.memref_squeeze %dma_start3A_988 : memref<1x128xi32, #tpu.memory_space<vmem>> -> memref<128xi32, #tpu.memory_space<vmem>>
        %dma_start3A_990 = arith.constant 0 : i32
        %dma_start3A_991 = arith.constant 0 : i32
        %dma_start3A_992 = tpu.memref_slice %arg3[%dma_start3A_990, %dma_start3A_991] : memref<1048576x16xf32, #tpu.memory_space<hbm>> -> memref<1048576x16xf32, #tpu.memory_space<hbm>>
        tpu.enqueue_indirect_dma source(%dma_start3A_992 : memref<1048576x16xf32, #tpu.memory_space<hbm>>) target(%dma_start3A_986 : memref<128x16xf32, #tpu.memory_space<vmem>>) offsets(%dma_start3A_989 : memref<128xi32, #tpu.memory_space<vmem>>) semaphore(%arg13 : memref<!tpu.dma_semaphore, #tpu.memory_space<semaphore_mem>>)
        %dma_start3A_993 = arith.constant 11 : i32
        %dma_start3A_994 = arith.constant 11 : i32
        %dma_start3A_995 = arith.constant 0 : i32
        %dma_start3A_996 = arith.constant 0 : i32
        %dma_start3A_997 = tpu.memref_slice %arg9[%dma_start3A_994, %dma_start3A_995, %dma_start3A_996] : memref<16x128x16xf32, #tpu.memory_space<vmem>> -> memref<1x128x16xf32, #tpu.memory_space<vmem>>
        %dma_start3A_998 = tpu.memref_squeeze %dma_start3A_997 : memref<1x128x16xf32, #tpu.memory_space<vmem>> -> memref<128x16xf32, #tpu.memory_space<vmem>>
        %dma_start3A_999 = arith.constant 0 : i32
        %dma_start3A_1000 = tpu.memref_slice %arg7[%dma_start3A_993, %dma_start3A_999] : memref<16x128xi32, #tpu.memory_space<vmem>> -> memref<1x128xi32, #tpu.memory_space<vmem>>
        %dma_start3A_1001 = tpu.memref_squeeze %dma_start3A_1000 : memref<1x128xi32, #tpu.memory_space<vmem>> -> memref<128xi32, #tpu.memory_space<vmem>>
        %dma_start3A_1002 = arith.constant 0 : i32
        %dma_start3A_1003 = arith.constant 0 : i32
        %dma_start3A_1004 = tpu.memref_slice %arg3[%dma_start3A_1002, %dma_start3A_1003] : memref<1048576x16xf32, #tpu.memory_space<hbm>> -> memref<1048576x16xf32, #tpu.memory_space<hbm>>
        tpu.enqueue_indirect_dma source(%dma_start3A_1004 : memref<1048576x16xf32, #tpu.memory_space<hbm>>) target(%dma_start3A_998 : memref<128x16xf32, #tpu.memory_space<vmem>>) offsets(%dma_start3A_1001 : memref<128xi32, #tpu.memory_space<vmem>>) semaphore(%arg13 : memref<!tpu.dma_semaphore, #tpu.memory_space<semaphore_mem>>)
        %dma_start3A_1005 = arith.constant 12 : i32
        %dma_start3A_1006 = arith.constant 12 : i32
        %dma_start3A_1007 = arith.constant 0 : i32
        %dma_start3A_1008 = arith.constant 0 : i32
        %dma_start3A_1009 = tpu.memref_slice %arg9[%dma_start3A_1006, %dma_start3A_1007, %dma_start3A_1008] : memref<16x128x16xf32, #tpu.memory_space<vmem>> -> memref<1x128x16xf32, #tpu.memory_space<vmem>>
        %dma_start3A_1010 = tpu.memref_squeeze %dma_start3A_1009 : memref<1x128x16xf32, #tpu.memory_space<vmem>> -> memref<128x16xf32, #tpu.memory_space<vmem>>
        %dma_start3A_1011 = arith.constant 0 : i32
        %dma_start3A_1012 = tpu.memref_slice %arg7[%dma_start3A_1005, %dma_start3A_1011] : memref<16x128xi32, #tpu.memory_space<vmem>> -> memref<1x128xi32, #tpu.memory_space<vmem>>
        %dma_start3A_1013 = tpu.memref_squeeze %dma_start3A_1012 : memref<1x128xi32, #tpu.memory_space<vmem>> -> memref<128xi32, #tpu.memory_space<vmem>>
        %dma_start3A_1014 = arith.constant 0 : i32
        %dma_start3A_1015 = arith.constant 0 : i32
        %dma_start3A_1016 = tpu.memref_slice %arg3[%dma_start3A_1014, %dma_start3A_1015] : memref<1048576x16xf32, #tpu.memory_space<hbm>> -> memref<1048576x16xf32, #tpu.memory_space<hbm>>
        tpu.enqueue_indirect_dma source(%dma_start3A_1016 : memref<1048576x16xf32, #tpu.memory_space<hbm>>) target(%dma_start3A_1010 : memref<128x16xf32, #tpu.memory_space<vmem>>) offsets(%dma_start3A_1013 : memref<128xi32, #tpu.memory_space<vmem>>) semaphore(%arg13 : memref<!tpu.dma_semaphore, #tpu.memory_space<semaphore_mem>>)
        %dma_start3A_1017 = arith.constant 13 : i32
        %dma_start3A_1018 = arith.constant 13 : i32
        %dma_start3A_1019 = arith.constant 0 : i32
        %dma_start3A_1020 = arith.constant 0 : i32
        %dma_start3A_1021 = tpu.memref_slice %arg9[%dma_start3A_1018, %dma_start3A_1019, %dma_start3A_1020] : memref<16x128x16xf32, #tpu.memory_space<vmem>> -> memref<1x128x16xf32, #tpu.memory_space<vmem>>
        %dma_start3A_1022 = tpu.memref_squeeze %dma_start3A_1021 : memref<1x128x16xf32, #tpu.memory_space<vmem>> -> memref<128x16xf32, #tpu.memory_space<vmem>>
        %dma_start3A_1023 = arith.constant 0 : i32
        %dma_start3A_1024 = tpu.memref_slice %arg7[%dma_start3A_1017, %dma_start3A_1023] : memref<16x128xi32, #tpu.memory_space<vmem>> -> memref<1x128xi32, #tpu.memory_space<vmem>>
        %dma_start3A_1025 = tpu.memref_squeeze %dma_start3A_1024 : memref<1x128xi32, #tpu.memory_space<vmem>> -> memref<128xi32, #tpu.memory_space<vmem>>
        %dma_start3A_1026 = arith.constant 0 : i32
        %dma_start3A_1027 = arith.constant 0 : i32
        %dma_start3A_1028 = tpu.memref_slice %arg3[%dma_start3A_1026, %dma_start3A_1027] : memref<1048576x16xf32, #tpu.memory_space<hbm>> -> memref<1048576x16xf32, #tpu.memory_space<hbm>>
        tpu.enqueue_indirect_dma source(%dma_start3A_1028 : memref<1048576x16xf32, #tpu.memory_space<hbm>>) target(%dma_start3A_1022 : memref<128x16xf32, #tpu.memory_space<vmem>>) offsets(%dma_start3A_1025 : memref<128xi32, #tpu.memory_space<vmem>>) semaphore(%arg13 : memref<!tpu.dma_semaphore, #tpu.memory_space<semaphore_mem>>)
        %dma_start3A_1029 = arith.constant 14 : i32
        %dma_start3A_1030 = arith.constant 14 : i32
        %dma_start3A_1031 = arith.constant 0 : i32
        %dma_start3A_1032 = arith.constant 0 : i32
        %dma_start3A_1033 = tpu.memref_slice %arg9[%dma_start3A_1030, %dma_start3A_1031, %dma_start3A_1032] : memref<16x128x16xf32, #tpu.memory_space<vmem>> -> memref<1x128x16xf32, #tpu.memory_space<vmem>>
        %dma_start3A_1034 = tpu.memref_squeeze %dma_start3A_1033 : memref<1x128x16xf32, #tpu.memory_space<vmem>> -> memref<128x16xf32, #tpu.memory_space<vmem>>
        %dma_start3A_1035 = arith.constant 0 : i32
        %dma_start3A_1036 = tpu.memref_slice %arg7[%dma_start3A_1029, %dma_start3A_1035] : memref<16x128xi32, #tpu.memory_space<vmem>> -> memref<1x128xi32, #tpu.memory_space<vmem>>
        %dma_start3A_1037 = tpu.memref_squeeze %dma_start3A_1036 : memref<1x128xi32, #tpu.memory_space<vmem>> -> memref<128xi32, #tpu.memory_space<vmem>>
        %dma_start3A_1038 = arith.constant 0 : i32
        %dma_start3A_1039 = arith.constant 0 : i32
        %dma_start3A_1040 = tpu.memref_slice %arg3[%dma_start3A_1038, %dma_start3A_1039] : memref<1048576x16xf32, #tpu.memory_space<hbm>> -> memref<1048576x16xf32, #tpu.memory_space<hbm>>
        tpu.enqueue_indirect_dma source(%dma_start3A_1040 : memref<1048576x16xf32, #tpu.memory_space<hbm>>) target(%dma_start3A_1034 : memref<128x16xf32, #tpu.memory_space<vmem>>) offsets(%dma_start3A_1037 : memref<128xi32, #tpu.memory_space<vmem>>) semaphore(%arg13 : memref<!tpu.dma_semaphore, #tpu.memory_space<semaphore_mem>>)
        %dma_start3A_1041 = arith.constant 15 : i32
        %dma_start3A_1042 = arith.constant 15 : i32
        %dma_start3A_1043 = arith.constant 0 : i32
        %dma_start3A_1044 = arith.constant 0 : i32
        %dma_start3A_1045 = tpu.memref_slice %arg9[%dma_start3A_1042, %dma_start3A_1043, %dma_start3A_1044] : memref<16x128x16xf32, #tpu.memory_space<vmem>> -> memref<1x128x16xf32, #tpu.memory_space<vmem>>
        %dma_start3A_1046 = tpu.memref_squeeze %dma_start3A_1045 : memref<1x128x16xf32, #tpu.memory_space<vmem>> -> memref<128x16xf32, #tpu.memory_space<vmem>>
        %dma_start3A_1047 = arith.constant 0 : i32
        %dma_start3A_1048 = tpu.memref_slice %arg7[%dma_start3A_1041, %dma_start3A_1047] : memref<16x128xi32, #tpu.memory_space<vmem>> -> memref<1x128xi32, #tpu.memory_space<vmem>>
        %dma_start3A_1049 = tpu.memref_squeeze %dma_start3A_1048 : memref<1x128xi32, #tpu.memory_space<vmem>> -> memref<128xi32, #tpu.memory_space<vmem>>
        %dma_start3A_1050 = arith.constant 0 : i32
        %dma_start3A_1051 = arith.constant 0 : i32
        %dma_start3A_1052 = tpu.memref_slice %arg3[%dma_start3A_1050, %dma_start3A_1051] : memref<1048576x16xf32, #tpu.memory_space<hbm>> -> memref<1048576x16xf32, #tpu.memory_space<hbm>>
        tpu.enqueue_indirect_dma source(%dma_start3A_1052 : memref<1048576x16xf32, #tpu.memory_space<hbm>>) target(%dma_start3A_1046 : memref<128x16xf32, #tpu.memory_space<vmem>>) offsets(%dma_start3A_1049 : memref<128xi32, #tpu.memory_space<vmem>>) semaphore(%arg13 : memref<!tpu.dma_semaphore, #tpu.memory_space<semaphore_mem>>)
      } else {
      }
    }
    %scan3A_399 = arith.constant 16 : i32
    %dma_wait3A = arith.constant 0 : i32
    %dma_wait3A_400 = arith.constant 0 : i32
    %dma_wait3A_401 = tpu.memref_slice %arg4[%dma_wait3A, %dma_wait3A_400] : memref<16384x128xf32, #tpu.memory_space<hbm>> -> memref<16x128xf32, #tpu.memory_space<hbm>>
    %dma_wait3A_402 = arith.constant 0 : i32
    %dma_wait3A_403 = arith.constant 0 : i32
    %dma_wait3A_404 = tpu.memref_slice %arg4[%dma_wait3A_402, %dma_wait3A_403] : memref<16384x128xf32, #tpu.memory_space<hbm>> -> memref<16x128xf32, #tpu.memory_space<hbm>>
    tpu.wait_dma2 semaphore(%arg14 : memref<!tpu.dma_semaphore, #tpu.memory_space<semaphore_mem>>) src(%arg10 : memref<16x128xf32, #tpu.memory_space<vmem>>) dst(%dma_wait3A_404 : memref<16x128xf32, #tpu.memory_space<hbm>>)
    %dma_wait3A_405 = arith.constant 0 : i32
    %dma_wait3A_406 = arith.constant 0 : i32
    %dma_wait3A_407 = tpu.memref_slice %arg4[%dma_wait3A_405, %dma_wait3A_406] : memref<16384x128xf32, #tpu.memory_space<hbm>> -> memref<16x128xf32, #tpu.memory_space<hbm>>
    %dma_wait3A_408 = arith.constant 0 : i32
    %dma_wait3A_409 = arith.constant 0 : i32
    %dma_wait3A_410 = tpu.memref_slice %arg4[%dma_wait3A_408, %dma_wait3A_409] : memref<16384x128xf32, #tpu.memory_space<hbm>> -> memref<16x128xf32, #tpu.memory_space<hbm>>
    tpu.wait_dma2 semaphore(%arg15 : memref<!tpu.dma_semaphore, #tpu.memory_space<semaphore_mem>>) src(%arg11 : memref<16x128xf32, #tpu.memory_space<vmem>>) dst(%dma_wait3A_410 : memref<16x128xf32, #tpu.memory_space<hbm>>)
    return
  }
}

#map = affine_map<(d0, d1) -> (0, 0)>
#map1 = affine_map<(d0, d1) -> (0, 0, 0)>
module attributes {stable_mosaic.version = 14 : i64} {
  func.func @_edge_main(%arg0: i32, %arg1: i32, %arg2: memref<1024x64xf32, #tpu.memory_space<hbm>>, %arg3: memref<1024x64xf32, #tpu.memory_space<hbm>>, %arg4: memref<16384x128xf32, #tpu.memory_space<hbm>>, %arg5: memref<16384x128xf32, #tpu.memory_space<hbm>>, %arg6: memref<16384x128xf32, #tpu.memory_space<hbm>>, %arg7: memref<16384x128xf32, #tpu.memory_space<hbm>>, %arg8: memref<1024x2x128xi32, #tpu.memory_space<hbm>>, %arg9: memref<16384x128xf32, #tpu.memory_space<hbm>>, %arg10: memref<32x1024xf32, #tpu.memory_space<hbm>>, %arg11: memref<32x2x128xi32, #tpu.memory_space<vmem>>, %arg12: memref<256x64xf32, #tpu.memory_space<vmem>>, %arg13: memref<256x64xf32, #tpu.memory_space<vmem>>, %arg14: memref<8x16x128xf32, #tpu.memory_space<vmem>>, %arg15: memref<512x128xf32, #tpu.memory_space<vmem>>, %arg16: memref<1024xf32, #tpu.memory_space<vmem>>, %arg17: memref<!tpu.dma_semaphore, #tpu.memory_space<semaphore_mem>>, %arg18: memref<!tpu.dma_semaphore, #tpu.memory_space<semaphore_mem>>) attributes {dimension_semantics = [#tpu.dimension_semantics<core_parallel>, #tpu.dimension_semantics<subcore_parallel>], iteration_bounds = array<i64: 2, 16>, scalar_prefetch = 0 : i64, scratch_operands = 8 : i64, tpu.core_type = #tpu.core_type<sc_vector_subcore>, window_params = [{transform_indices = #map}, {transform_indices = #map}, {transform_indices = #map}, {transform_indices = #map}, {transform_indices = #map}, {transform_indices = #map}, {transform_indices = #map1}, {transform_indices = #map}, {transform_indices = #map}]} {
    %mul3A = arith.constant 2 : i32
    %mul3A_0 = arith.muli %arg1, %mul3A : i32
    %add3A = arith.addi %mul3A_0, %arg0 : i32
    %iota3A = tpu.iota {dimensions = array<i32: 0>} : vector<16xi32>
    %broadcast_in_dim3A = arith.constant 0.000000e+00 : f32
    %broadcast_in_dim3A_1 = vector.broadcast %broadcast_in_dim3A : f32 to vector<16xf32>
    %broadcast_in_dim3A_2 = arith.constant 1.000000e+00 : f32
    %broadcast_in_dim3A_3 = vector.broadcast %broadcast_in_dim3A_2 : f32 to vector<16xf32>
    %eq3A = arith.constant 0 : i32
    %eq3A_4 = vector.broadcast %eq3A : i32 to vector<16xi32>
    %eq3A_5 = arith.cmpi eq, %iota3A, %eq3A_4 : vector<16xi32>
    %mul3A_6 = arith.constant 32 : i32
    %mul3A_7 = arith.muli %add3A, %mul3A_6 : i32
    "tpu.region"() ({
      %run_scoped3A = tpu.sem_alloc : memref<!tpu.dma_semaphore, #tpu.memory_space<semaphore_mem>>
      %dma_start3A_203 = arith.constant 0 : i32
      %dma_start3A_204 = arith.constant 0 : i32
      %dma_start3A_205 = tpu.memref_slice %arg8[%mul3A_7, %dma_start3A_203, %dma_start3A_204] : memref<1024x2x128xi32, #tpu.memory_space<hbm>> -> memref<32x2x128xi32, #tpu.memory_space<hbm>>
      %dma_start3A_206 = arith.constant 0 : i32
      %dma_start3A_207 = arith.constant 0 : i32
      %dma_start3A_208 = tpu.memref_slice %arg8[%mul3A_7, %dma_start3A_206, %dma_start3A_207] : memref<1024x2x128xi32, #tpu.memory_space<hbm>> -> memref<32x2x128xi32, #tpu.memory_space<hbm>>
      tpu.enqueue_dma source(%dma_start3A_208 : memref<32x2x128xi32, #tpu.memory_space<hbm>>) target(%arg11 : memref<32x2x128xi32, #tpu.memory_space<vmem>>) target_semaphore(%run_scoped3A : memref<!tpu.dma_semaphore, #tpu.memory_space<semaphore_mem>>)
      %dma_wait3A = arith.constant 0 : i32
      %dma_wait3A_209 = arith.constant 0 : i32
      %dma_wait3A_210 = tpu.memref_slice %arg8[%mul3A_7, %dma_wait3A, %dma_wait3A_209] : memref<1024x2x128xi32, #tpu.memory_space<hbm>> -> memref<32x2x128xi32, #tpu.memory_space<hbm>>
      %dma_wait3A_211 = arith.constant 0 : i32
      %dma_wait3A_212 = arith.constant 0 : i32
      %dma_wait3A_213 = tpu.memref_slice %arg8[%mul3A_7, %dma_wait3A_211, %dma_wait3A_212] : memref<1024x2x128xi32, #tpu.memory_space<hbm>> -> memref<32x2x128xi32, #tpu.memory_space<hbm>>
      tpu.wait_dma2 semaphore(%run_scoped3A : memref<!tpu.dma_semaphore, #tpu.memory_space<semaphore_mem>>) src(%dma_wait3A_213 : memref<32x2x128xi32, #tpu.memory_space<hbm>>) dst(%arg11 : memref<32x2x128xi32, #tpu.memory_space<vmem>>)
      tpu.yield
    }) : () -> ()
    %scan3A = arith.constant 0 : i32
    %scan3A_8 = arith.constant 512 : i32
    %scan3A_9 = arith.addi %scan3A, %scan3A_8 : i32
    %scan3A_10 = arith.constant 4 : i32
    scf.for %scan3A_203 = %scan3A to %scan3A_9 step %scan3A_10  : i32 {
      %mul3A_204 = arith.constant 1 : i32
      %mul3A_205 = arith.muli %scan3A_203, %mul3A_204 : i32
      %add3A_206 = arith.constant 0 : i32
      %add3A_207 = arith.addi %add3A_206, %mul3A_205 : i32
      %swap3A = arith.index_cast %add3A_207 : i32 to index
      %swap3A_208 = arith.constant 0 : index
      %swap3A_209 = tpu.vector_load %arg15[%swap3A, %swap3A_208] {strides = array<i32>} : memref<512x128xf32, #tpu.memory_space<vmem>>, vector<16xf32>,
      tpu.vector_store %arg15[%swap3A, %swap3A_208], %broadcast_in_dim3A_1 {strides = array<i32>} : memref<512x128xf32, #tpu.memory_space<vmem>>, vector<16xf32>,
      %swap3A_210 = arith.index_cast %add3A_207 : i32 to index
      %swap3A_211 = arith.constant 16 : index
      %swap3A_212 = tpu.vector_load %arg15[%swap3A_210, %swap3A_211] {strides = array<i32>} : memref<512x128xf32, #tpu.memory_space<vmem>>, vector<16xf32>,
      tpu.vector_store %arg15[%swap3A_210, %swap3A_211], %broadcast_in_dim3A_1 {strides = array<i32>} : memref<512x128xf32, #tpu.memory_space<vmem>>, vector<16xf32>,
      %swap3A_213 = arith.index_cast %add3A_207 : i32 to index
      %swap3A_214 = arith.constant 32 : index
      %swap3A_215 = tpu.vector_load %arg15[%swap3A_213, %swap3A_214] {strides = array<i32>} : memref<512x128xf32, #tpu.memory_space<vmem>>, vector<16xf32>,
      tpu.vector_store %arg15[%swap3A_213, %swap3A_214], %broadcast_in_dim3A_1 {strides = array<i32>} : memref<512x128xf32, #tpu.memory_space<vmem>>, vector<16xf32>,
      %swap3A_216 = arith.index_cast %add3A_207 : i32 to index
      %swap3A_217 = arith.constant 48 : index
      %swap3A_218 = tpu.vector_load %arg15[%swap3A_216, %swap3A_217] {strides = array<i32>} : memref<512x128xf32, #tpu.memory_space<vmem>>, vector<16xf32>,
      tpu.vector_store %arg15[%swap3A_216, %swap3A_217], %broadcast_in_dim3A_1 {strides = array<i32>} : memref<512x128xf32, #tpu.memory_space<vmem>>, vector<16xf32>,
      %swap3A_219 = arith.index_cast %add3A_207 : i32 to index
      %swap3A_220 = arith.constant 64 : index
      %swap3A_221 = tpu.vector_load %arg15[%swap3A_219, %swap3A_220] {strides = array<i32>} : memref<512x128xf32, #tpu.memory_space<vmem>>, vector<16xf32>,
      tpu.vector_store %arg15[%swap3A_219, %swap3A_220], %broadcast_in_dim3A_1 {strides = array<i32>} : memref<512x128xf32, #tpu.memory_space<vmem>>, vector<16xf32>,
      %swap3A_222 = arith.index_cast %add3A_207 : i32 to index
      %swap3A_223 = arith.constant 80 : index
      %swap3A_224 = tpu.vector_load %arg15[%swap3A_222, %swap3A_223] {strides = array<i32>} : memref<512x128xf32, #tpu.memory_space<vmem>>, vector<16xf32>,
      tpu.vector_store %arg15[%swap3A_222, %swap3A_223], %broadcast_in_dim3A_1 {strides = array<i32>} : memref<512x128xf32, #tpu.memory_space<vmem>>, vector<16xf32>,
      %swap3A_225 = arith.index_cast %add3A_207 : i32 to index
      %swap3A_226 = arith.constant 96 : index
      %swap3A_227 = tpu.vector_load %arg15[%swap3A_225, %swap3A_226] {strides = array<i32>} : memref<512x128xf32, #tpu.memory_space<vmem>>, vector<16xf32>,
      tpu.vector_store %arg15[%swap3A_225, %swap3A_226], %broadcast_in_dim3A_1 {strides = array<i32>} : memref<512x128xf32, #tpu.memory_space<vmem>>, vector<16xf32>,
      %swap3A_228 = arith.index_cast %add3A_207 : i32 to index
      %swap3A_229 = arith.constant 112 : index
      %swap3A_230 = tpu.vector_load %arg15[%swap3A_228, %swap3A_229] {strides = array<i32>} : memref<512x128xf32, #tpu.memory_space<vmem>>, vector<16xf32>,
      tpu.vector_store %arg15[%swap3A_228, %swap3A_229], %broadcast_in_dim3A_1 {strides = array<i32>} : memref<512x128xf32, #tpu.memory_space<vmem>>, vector<16xf32>,
      %scan3A_231 = arith.constant 1 : i32
      %scan3A_232 = arith.addi %scan3A_203, %scan3A_231 : i32
      %mul3A_233 = arith.constant 1 : i32
      %mul3A_234 = arith.muli %scan3A_232, %mul3A_233 : i32
      %add3A_235 = arith.constant 0 : i32
      %add3A_236 = arith.addi %add3A_235, %mul3A_234 : i32
      %swap3A_237 = arith.index_cast %add3A_236 : i32 to index
      %swap3A_238 = arith.constant 0 : index
      %swap3A_239 = tpu.vector_load %arg15[%swap3A_237, %swap3A_238] {strides = array<i32>} : memref<512x128xf32, #tpu.memory_space<vmem>>, vector<16xf32>,
      tpu.vector_store %arg15[%swap3A_237, %swap3A_238], %broadcast_in_dim3A_1 {strides = array<i32>} : memref<512x128xf32, #tpu.memory_space<vmem>>, vector<16xf32>,
      %swap3A_240 = arith.index_cast %add3A_236 : i32 to index
      %swap3A_241 = arith.constant 16 : index
      %swap3A_242 = tpu.vector_load %arg15[%swap3A_240, %swap3A_241] {strides = array<i32>} : memref<512x128xf32, #tpu.memory_space<vmem>>, vector<16xf32>,
      tpu.vector_store %arg15[%swap3A_240, %swap3A_241], %broadcast_in_dim3A_1 {strides = array<i32>} : memref<512x128xf32, #tpu.memory_space<vmem>>, vector<16xf32>,
      %swap3A_243 = arith.index_cast %add3A_236 : i32 to index
      %swap3A_244 = arith.constant 32 : index
      %swap3A_245 = tpu.vector_load %arg15[%swap3A_243, %swap3A_244] {strides = array<i32>} : memref<512x128xf32, #tpu.memory_space<vmem>>, vector<16xf32>,
      tpu.vector_store %arg15[%swap3A_243, %swap3A_244], %broadcast_in_dim3A_1 {strides = array<i32>} : memref<512x128xf32, #tpu.memory_space<vmem>>, vector<16xf32>,
      %swap3A_246 = arith.index_cast %add3A_236 : i32 to index
      %swap3A_247 = arith.constant 48 : index
      %swap3A_248 = tpu.vector_load %arg15[%swap3A_246, %swap3A_247] {strides = array<i32>} : memref<512x128xf32, #tpu.memory_space<vmem>>, vector<16xf32>,
      tpu.vector_store %arg15[%swap3A_246, %swap3A_247], %broadcast_in_dim3A_1 {strides = array<i32>} : memref<512x128xf32, #tpu.memory_space<vmem>>, vector<16xf32>,
      %swap3A_249 = arith.index_cast %add3A_236 : i32 to index
      %swap3A_250 = arith.constant 64 : index
      %swap3A_251 = tpu.vector_load %arg15[%swap3A_249, %swap3A_250] {strides = array<i32>} : memref<512x128xf32, #tpu.memory_space<vmem>>, vector<16xf32>,
      tpu.vector_store %arg15[%swap3A_249, %swap3A_250], %broadcast_in_dim3A_1 {strides = array<i32>} : memref<512x128xf32, #tpu.memory_space<vmem>>, vector<16xf32>,
      %swap3A_252 = arith.index_cast %add3A_236 : i32 to index
      %swap3A_253 = arith.constant 80 : index
      %swap3A_254 = tpu.vector_load %arg15[%swap3A_252, %swap3A_253] {strides = array<i32>} : memref<512x128xf32, #tpu.memory_space<vmem>>, vector<16xf32>,
      tpu.vector_store %arg15[%swap3A_252, %swap3A_253], %broadcast_in_dim3A_1 {strides = array<i32>} : memref<512x128xf32, #tpu.memory_space<vmem>>, vector<16xf32>,
      %swap3A_255 = arith.index_cast %add3A_236 : i32 to index
      %swap3A_256 = arith.constant 96 : index
      %swap3A_257 = tpu.vector_load %arg15[%swap3A_255, %swap3A_256] {strides = array<i32>} : memref<512x128xf32, #tpu.memory_space<vmem>>, vector<16xf32>,
      tpu.vector_store %arg15[%swap3A_255, %swap3A_256], %broadcast_in_dim3A_1 {strides = array<i32>} : memref<512x128xf32, #tpu.memory_space<vmem>>, vector<16xf32>,
      %swap3A_258 = arith.index_cast %add3A_236 : i32 to index
      %swap3A_259 = arith.constant 112 : index
      %swap3A_260 = tpu.vector_load %arg15[%swap3A_258, %swap3A_259] {strides = array<i32>} : memref<512x128xf32, #tpu.memory_space<vmem>>, vector<16xf32>,
      tpu.vector_store %arg15[%swap3A_258, %swap3A_259], %broadcast_in_dim3A_1 {strides = array<i32>} : memref<512x128xf32, #tpu.memory_space<vmem>>, vector<16xf32>,
      %scan3A_261 = arith.constant 2 : i32
      %scan3A_262 = arith.addi %scan3A_203, %scan3A_261 : i32
      %mul3A_263 = arith.constant 1 : i32
      %mul3A_264 = arith.muli %scan3A_262, %mul3A_263 : i32
      %add3A_265 = arith.constant 0 : i32
      %add3A_266 = arith.addi %add3A_265, %mul3A_264 : i32
      %swap3A_267 = arith.index_cast %add3A_266 : i32 to index
      %swap3A_268 = arith.constant 0 : index
      %swap3A_269 = tpu.vector_load %arg15[%swap3A_267, %swap3A_268] {strides = array<i32>} : memref<512x128xf32, #tpu.memory_space<vmem>>, vector<16xf32>,
      tpu.vector_store %arg15[%swap3A_267, %swap3A_268], %broadcast_in_dim3A_1 {strides = array<i32>} : memref<512x128xf32, #tpu.memory_space<vmem>>, vector<16xf32>,
      %swap3A_270 = arith.index_cast %add3A_266 : i32 to index
      %swap3A_271 = arith.constant 16 : index
      %swap3A_272 = tpu.vector_load %arg15[%swap3A_270, %swap3A_271] {strides = array<i32>} : memref<512x128xf32, #tpu.memory_space<vmem>>, vector<16xf32>,
      tpu.vector_store %arg15[%swap3A_270, %swap3A_271], %broadcast_in_dim3A_1 {strides = array<i32>} : memref<512x128xf32, #tpu.memory_space<vmem>>, vector<16xf32>,
      %swap3A_273 = arith.index_cast %add3A_266 : i32 to index
      %swap3A_274 = arith.constant 32 : index
      %swap3A_275 = tpu.vector_load %arg15[%swap3A_273, %swap3A_274] {strides = array<i32>} : memref<512x128xf32, #tpu.memory_space<vmem>>, vector<16xf32>,
      tpu.vector_store %arg15[%swap3A_273, %swap3A_274], %broadcast_in_dim3A_1 {strides = array<i32>} : memref<512x128xf32, #tpu.memory_space<vmem>>, vector<16xf32>,
      %swap3A_276 = arith.index_cast %add3A_266 : i32 to index
      %swap3A_277 = arith.constant 48 : index
      %swap3A_278 = tpu.vector_load %arg15[%swap3A_276, %swap3A_277] {strides = array<i32>} : memref<512x128xf32, #tpu.memory_space<vmem>>, vector<16xf32>,
      tpu.vector_store %arg15[%swap3A_276, %swap3A_277], %broadcast_in_dim3A_1 {strides = array<i32>} : memref<512x128xf32, #tpu.memory_space<vmem>>, vector<16xf32>,
      %swap3A_279 = arith.index_cast %add3A_266 : i32 to index
      %swap3A_280 = arith.constant 64 : index
      %swap3A_281 = tpu.vector_load %arg15[%swap3A_279, %swap3A_280] {strides = array<i32>} : memref<512x128xf32, #tpu.memory_space<vmem>>, vector<16xf32>,
      tpu.vector_store %arg15[%swap3A_279, %swap3A_280], %broadcast_in_dim3A_1 {strides = array<i32>} : memref<512x128xf32, #tpu.memory_space<vmem>>, vector<16xf32>,
      %swap3A_282 = arith.index_cast %add3A_266 : i32 to index
      %swap3A_283 = arith.constant 80 : index
      %swap3A_284 = tpu.vector_load %arg15[%swap3A_282, %swap3A_283] {strides = array<i32>} : memref<512x128xf32, #tpu.memory_space<vmem>>, vector<16xf32>,
      tpu.vector_store %arg15[%swap3A_282, %swap3A_283], %broadcast_in_dim3A_1 {strides = array<i32>} : memref<512x128xf32, #tpu.memory_space<vmem>>, vector<16xf32>,
      %swap3A_285 = arith.index_cast %add3A_266 : i32 to index
      %swap3A_286 = arith.constant 96 : index
      %swap3A_287 = tpu.vector_load %arg15[%swap3A_285, %swap3A_286] {strides = array<i32>} : memref<512x128xf32, #tpu.memory_space<vmem>>, vector<16xf32>,
      tpu.vector_store %arg15[%swap3A_285, %swap3A_286], %broadcast_in_dim3A_1 {strides = array<i32>} : memref<512x128xf32, #tpu.memory_space<vmem>>, vector<16xf32>,
      %swap3A_288 = arith.index_cast %add3A_266 : i32 to index
      %swap3A_289 = arith.constant 112 : index
      %swap3A_290 = tpu.vector_load %arg15[%swap3A_288, %swap3A_289] {strides = array<i32>} : memref<512x128xf32, #tpu.memory_space<vmem>>, vector<16xf32>,
      tpu.vector_store %arg15[%swap3A_288, %swap3A_289], %broadcast_in_dim3A_1 {strides = array<i32>} : memref<512x128xf32, #tpu.memory_space<vmem>>, vector<16xf32>,
      %scan3A_291 = arith.constant 3 : i32
      %scan3A_292 = arith.addi %scan3A_203, %scan3A_291 : i32
      %mul3A_293 = arith.constant 1 : i32
      %mul3A_294 = arith.muli %scan3A_292, %mul3A_293 : i32
      %add3A_295 = arith.constant 0 : i32
      %add3A_296 = arith.addi %add3A_295, %mul3A_294 : i32
      %swap3A_297 = arith.index_cast %add3A_296 : i32 to index
      %swap3A_298 = arith.constant 0 : index
      %swap3A_299 = tpu.vector_load %arg15[%swap3A_297, %swap3A_298] {strides = array<i32>} : memref<512x128xf32, #tpu.memory_space<vmem>>, vector<16xf32>,
      tpu.vector_store %arg15[%swap3A_297, %swap3A_298], %broadcast_in_dim3A_1 {strides = array<i32>} : memref<512x128xf32, #tpu.memory_space<vmem>>, vector<16xf32>,
      %swap3A_300 = arith.index_cast %add3A_296 : i32 to index
      %swap3A_301 = arith.constant 16 : index
      %swap3A_302 = tpu.vector_load %arg15[%swap3A_300, %swap3A_301] {strides = array<i32>} : memref<512x128xf32, #tpu.memory_space<vmem>>, vector<16xf32>,
      tpu.vector_store %arg15[%swap3A_300, %swap3A_301], %broadcast_in_dim3A_1 {strides = array<i32>} : memref<512x128xf32, #tpu.memory_space<vmem>>, vector<16xf32>,
      %swap3A_303 = arith.index_cast %add3A_296 : i32 to index
      %swap3A_304 = arith.constant 32 : index
      %swap3A_305 = tpu.vector_load %arg15[%swap3A_303, %swap3A_304] {strides = array<i32>} : memref<512x128xf32, #tpu.memory_space<vmem>>, vector<16xf32>,
      tpu.vector_store %arg15[%swap3A_303, %swap3A_304], %broadcast_in_dim3A_1 {strides = array<i32>} : memref<512x128xf32, #tpu.memory_space<vmem>>, vector<16xf32>,
      %swap3A_306 = arith.index_cast %add3A_296 : i32 to index
      %swap3A_307 = arith.constant 48 : index
      %swap3A_308 = tpu.vector_load %arg15[%swap3A_306, %swap3A_307] {strides = array<i32>} : memref<512x128xf32, #tpu.memory_space<vmem>>, vector<16xf32>,
      tpu.vector_store %arg15[%swap3A_306, %swap3A_307], %broadcast_in_dim3A_1 {strides = array<i32>} : memref<512x128xf32, #tpu.memory_space<vmem>>, vector<16xf32>,
      %swap3A_309 = arith.index_cast %add3A_296 : i32 to index
      %swap3A_310 = arith.constant 64 : index
      %swap3A_311 = tpu.vector_load %arg15[%swap3A_309, %swap3A_310] {strides = array<i32>} : memref<512x128xf32, #tpu.memory_space<vmem>>, vector<16xf32>,
      tpu.vector_store %arg15[%swap3A_309, %swap3A_310], %broadcast_in_dim3A_1 {strides = array<i32>} : memref<512x128xf32, #tpu.memory_space<vmem>>, vector<16xf32>,
      %swap3A_312 = arith.index_cast %add3A_296 : i32 to index
      %swap3A_313 = arith.constant 80 : index
      %swap3A_314 = tpu.vector_load %arg15[%swap3A_312, %swap3A_313] {strides = array<i32>} : memref<512x128xf32, #tpu.memory_space<vmem>>, vector<16xf32>,
      tpu.vector_store %arg15[%swap3A_312, %swap3A_313], %broadcast_in_dim3A_1 {strides = array<i32>} : memref<512x128xf32, #tpu.memory_space<vmem>>, vector<16xf32>,
      %swap3A_315 = arith.index_cast %add3A_296 : i32 to index
      %swap3A_316 = arith.constant 96 : index
      %swap3A_317 = tpu.vector_load %arg15[%swap3A_315, %swap3A_316] {strides = array<i32>} : memref<512x128xf32, #tpu.memory_space<vmem>>, vector<16xf32>,
      tpu.vector_store %arg15[%swap3A_315, %swap3A_316], %broadcast_in_dim3A_1 {strides = array<i32>} : memref<512x128xf32, #tpu.memory_space<vmem>>, vector<16xf32>,
      %swap3A_318 = arith.index_cast %add3A_296 : i32 to index
      %swap3A_319 = arith.constant 112 : index
      %swap3A_320 = tpu.vector_load %arg15[%swap3A_318, %swap3A_319] {strides = array<i32>} : memref<512x128xf32, #tpu.memory_space<vmem>>, vector<16xf32>,
      tpu.vector_store %arg15[%swap3A_318, %swap3A_319], %broadcast_in_dim3A_1 {strides = array<i32>} : memref<512x128xf32, #tpu.memory_space<vmem>>, vector<16xf32>,
    }
    %scan3A_11 = arith.constant 512 : i32
    %scan3A_12 = arith.constant 0 : i32
    %scan3A_13 = arith.constant 64 : i32
    %scan3A_14 = arith.addi %scan3A_12, %scan3A_13 : i32
    %scan3A_15 = arith.constant 16 : i32
    scf.for %scan3A_203 = %scan3A_12 to %scan3A_14 step %scan3A_15  : i32 {
      %mul3A_204 = arith.constant 1 : i32
      %mul3A_205 = arith.muli %scan3A_203, %mul3A_204 : i32
      %add3A_206 = arith.constant 0 : i32
      %add3A_207 = arith.addi %add3A_206, %mul3A_205 : i32
      %mul3A_208 = arith.constant 16 : i32
      %mul3A_209 = arith.muli %add3A_207, %mul3A_208 : i32
      %swap3A = arith.index_cast %mul3A_209 : i32 to index
      %swap3A_210 = tpu.vector_load %arg16[%swap3A] {strides = array<i32>} : memref<1024xf32, #tpu.memory_space<vmem>>, vector<16xf32>,
      tpu.vector_store %arg16[%swap3A], %broadcast_in_dim3A_1 {strides = array<i32>} : memref<1024xf32, #tpu.memory_space<vmem>>, vector<16xf32>,
      %scan3A_211 = arith.constant 1 : i32
      %scan3A_212 = arith.addi %scan3A_203, %scan3A_211 : i32
      %mul3A_213 = arith.constant 1 : i32
      %mul3A_214 = arith.muli %scan3A_212, %mul3A_213 : i32
      %add3A_215 = arith.constant 0 : i32
      %add3A_216 = arith.addi %add3A_215, %mul3A_214 : i32
      %mul3A_217 = arith.constant 16 : i32
      %mul3A_218 = arith.muli %add3A_216, %mul3A_217 : i32
      %swap3A_219 = arith.index_cast %mul3A_218 : i32 to index
      %swap3A_220 = tpu.vector_load %arg16[%swap3A_219] {strides = array<i32>} : memref<1024xf32, #tpu.memory_space<vmem>>, vector<16xf32>,
      tpu.vector_store %arg16[%swap3A_219], %broadcast_in_dim3A_1 {strides = array<i32>} : memref<1024xf32, #tpu.memory_space<vmem>>, vector<16xf32>,
      %scan3A_221 = arith.constant 2 : i32
      %scan3A_222 = arith.addi %scan3A_203, %scan3A_221 : i32
      %mul3A_223 = arith.constant 1 : i32
      %mul3A_224 = arith.muli %scan3A_222, %mul3A_223 : i32
      %add3A_225 = arith.constant 0 : i32
      %add3A_226 = arith.addi %add3A_225, %mul3A_224 : i32
      %mul3A_227 = arith.constant 16 : i32
      %mul3A_228 = arith.muli %add3A_226, %mul3A_227 : i32
      %swap3A_229 = arith.index_cast %mul3A_228 : i32 to index
      %swap3A_230 = tpu.vector_load %arg16[%swap3A_229] {strides = array<i32>} : memref<1024xf32, #tpu.memory_space<vmem>>, vector<16xf32>,
      tpu.vector_store %arg16[%swap3A_229], %broadcast_in_dim3A_1 {strides = array<i32>} : memref<1024xf32, #tpu.memory_space<vmem>>, vector<16xf32>,
      %scan3A_231 = arith.constant 3 : i32
      %scan3A_232 = arith.addi %scan3A_203, %scan3A_231 : i32
      %mul3A_233 = arith.constant 1 : i32
      %mul3A_234 = arith.muli %scan3A_232, %mul3A_233 : i32
      %add3A_235 = arith.constant 0 : i32
      %add3A_236 = arith.addi %add3A_235, %mul3A_234 : i32
      %mul3A_237 = arith.constant 16 : i32
      %mul3A_238 = arith.muli %add3A_236, %mul3A_237 : i32
      %swap3A_239 = arith.index_cast %mul3A_238 : i32 to index
      %swap3A_240 = tpu.vector_load %arg16[%swap3A_239] {strides = array<i32>} : memref<1024xf32, #tpu.memory_space<vmem>>, vector<16xf32>,
      tpu.vector_store %arg16[%swap3A_239], %broadcast_in_dim3A_1 {strides = array<i32>} : memref<1024xf32, #tpu.memory_space<vmem>>, vector<16xf32>,
      %scan3A_241 = arith.constant 4 : i32
      %scan3A_242 = arith.addi %scan3A_203, %scan3A_241 : i32
      %mul3A_243 = arith.constant 1 : i32
      %mul3A_244 = arith.muli %scan3A_242, %mul3A_243 : i32
      %add3A_245 = arith.constant 0 : i32
      %add3A_246 = arith.addi %add3A_245, %mul3A_244 : i32
      %mul3A_247 = arith.constant 16 : i32
      %mul3A_248 = arith.muli %add3A_246, %mul3A_247 : i32
      %swap3A_249 = arith.index_cast %mul3A_248 : i32 to index
      %swap3A_250 = tpu.vector_load %arg16[%swap3A_249] {strides = array<i32>} : memref<1024xf32, #tpu.memory_space<vmem>>, vector<16xf32>,
      tpu.vector_store %arg16[%swap3A_249], %broadcast_in_dim3A_1 {strides = array<i32>} : memref<1024xf32, #tpu.memory_space<vmem>>, vector<16xf32>,
      %scan3A_251 = arith.constant 5 : i32
      %scan3A_252 = arith.addi %scan3A_203, %scan3A_251 : i32
      %mul3A_253 = arith.constant 1 : i32
      %mul3A_254 = arith.muli %scan3A_252, %mul3A_253 : i32
      %add3A_255 = arith.constant 0 : i32
      %add3A_256 = arith.addi %add3A_255, %mul3A_254 : i32
      %mul3A_257 = arith.constant 16 : i32
      %mul3A_258 = arith.muli %add3A_256, %mul3A_257 : i32
      %swap3A_259 = arith.index_cast %mul3A_258 : i32 to index
      %swap3A_260 = tpu.vector_load %arg16[%swap3A_259] {strides = array<i32>} : memref<1024xf32, #tpu.memory_space<vmem>>, vector<16xf32>,
      tpu.vector_store %arg16[%swap3A_259], %broadcast_in_dim3A_1 {strides = array<i32>} : memref<1024xf32, #tpu.memory_space<vmem>>, vector<16xf32>,
      %scan3A_261 = arith.constant 6 : i32
      %scan3A_262 = arith.addi %scan3A_203, %scan3A_261 : i32
      %mul3A_263 = arith.constant 1 : i32
      %mul3A_264 = arith.muli %scan3A_262, %mul3A_263 : i32
      %add3A_265 = arith.constant 0 : i32
      %add3A_266 = arith.addi %add3A_265, %mul3A_264 : i32
      %mul3A_267 = arith.constant 16 : i32
      %mul3A_268 = arith.muli %add3A_266, %mul3A_267 : i32
      %swap3A_269 = arith.index_cast %mul3A_268 : i32 to index
      %swap3A_270 = tpu.vector_load %arg16[%swap3A_269] {strides = array<i32>} : memref<1024xf32, #tpu.memory_space<vmem>>, vector<16xf32>,
      tpu.vector_store %arg16[%swap3A_269], %broadcast_in_dim3A_1 {strides = array<i32>} : memref<1024xf32, #tpu.memory_space<vmem>>, vector<16xf32>,
      %scan3A_271 = arith.constant 7 : i32
      %scan3A_272 = arith.addi %scan3A_203, %scan3A_271 : i32
      %mul3A_273 = arith.constant 1 : i32
      %mul3A_274 = arith.muli %scan3A_272, %mul3A_273 : i32
      %add3A_275 = arith.constant 0 : i32
      %add3A_276 = arith.addi %add3A_275, %mul3A_274 : i32
      %mul3A_277 = arith.constant 16 : i32
      %mul3A_278 = arith.muli %add3A_276, %mul3A_277 : i32
      %swap3A_279 = arith.index_cast %mul3A_278 : i32 to index
      %swap3A_280 = tpu.vector_load %arg16[%swap3A_279] {strides = array<i32>} : memref<1024xf32, #tpu.memory_space<vmem>>, vector<16xf32>,
      tpu.vector_store %arg16[%swap3A_279], %broadcast_in_dim3A_1 {strides = array<i32>} : memref<1024xf32, #tpu.memory_space<vmem>>, vector<16xf32>,
      %scan3A_281 = arith.constant 8 : i32
      %scan3A_282 = arith.addi %scan3A_203, %scan3A_281 : i32
      %mul3A_283 = arith.constant 1 : i32
      %mul3A_284 = arith.muli %scan3A_282, %mul3A_283 : i32
      %add3A_285 = arith.constant 0 : i32
      %add3A_286 = arith.addi %add3A_285, %mul3A_284 : i32
      %mul3A_287 = arith.constant 16 : i32
      %mul3A_288 = arith.muli %add3A_286, %mul3A_287 : i32
      %swap3A_289 = arith.index_cast %mul3A_288 : i32 to index
      %swap3A_290 = tpu.vector_load %arg16[%swap3A_289] {strides = array<i32>} : memref<1024xf32, #tpu.memory_space<vmem>>, vector<16xf32>,
      tpu.vector_store %arg16[%swap3A_289], %broadcast_in_dim3A_1 {strides = array<i32>} : memref<1024xf32, #tpu.memory_space<vmem>>, vector<16xf32>,
      %scan3A_291 = arith.constant 9 : i32
      %scan3A_292 = arith.addi %scan3A_203, %scan3A_291 : i32
      %mul3A_293 = arith.constant 1 : i32
      %mul3A_294 = arith.muli %scan3A_292, %mul3A_293 : i32
      %add3A_295 = arith.constant 0 : i32
      %add3A_296 = arith.addi %add3A_295, %mul3A_294 : i32
      %mul3A_297 = arith.constant 16 : i32
      %mul3A_298 = arith.muli %add3A_296, %mul3A_297 : i32
      %swap3A_299 = arith.index_cast %mul3A_298 : i32 to index
      %swap3A_300 = tpu.vector_load %arg16[%swap3A_299] {strides = array<i32>} : memref<1024xf32, #tpu.memory_space<vmem>>, vector<16xf32>,
      tpu.vector_store %arg16[%swap3A_299], %broadcast_in_dim3A_1 {strides = array<i32>} : memref<1024xf32, #tpu.memory_space<vmem>>, vector<16xf32>,
      %scan3A_301 = arith.constant 10 : i32
      %scan3A_302 = arith.addi %scan3A_203, %scan3A_301 : i32
      %mul3A_303 = arith.constant 1 : i32
      %mul3A_304 = arith.muli %scan3A_302, %mul3A_303 : i32
      %add3A_305 = arith.constant 0 : i32
      %add3A_306 = arith.addi %add3A_305, %mul3A_304 : i32
      %mul3A_307 = arith.constant 16 : i32
      %mul3A_308 = arith.muli %add3A_306, %mul3A_307 : i32
      %swap3A_309 = arith.index_cast %mul3A_308 : i32 to index
      %swap3A_310 = tpu.vector_load %arg16[%swap3A_309] {strides = array<i32>} : memref<1024xf32, #tpu.memory_space<vmem>>, vector<16xf32>,
      tpu.vector_store %arg16[%swap3A_309], %broadcast_in_dim3A_1 {strides = array<i32>} : memref<1024xf32, #tpu.memory_space<vmem>>, vector<16xf32>,
      %scan3A_311 = arith.constant 11 : i32
      %scan3A_312 = arith.addi %scan3A_203, %scan3A_311 : i32
      %mul3A_313 = arith.constant 1 : i32
      %mul3A_314 = arith.muli %scan3A_312, %mul3A_313 : i32
      %add3A_315 = arith.constant 0 : i32
      %add3A_316 = arith.addi %add3A_315, %mul3A_314 : i32
      %mul3A_317 = arith.constant 16 : i32
      %mul3A_318 = arith.muli %add3A_316, %mul3A_317 : i32
      %swap3A_319 = arith.index_cast %mul3A_318 : i32 to index
      %swap3A_320 = tpu.vector_load %arg16[%swap3A_319] {strides = array<i32>} : memref<1024xf32, #tpu.memory_space<vmem>>, vector<16xf32>,
      tpu.vector_store %arg16[%swap3A_319], %broadcast_in_dim3A_1 {strides = array<i32>} : memref<1024xf32, #tpu.memory_space<vmem>>, vector<16xf32>,
      %scan3A_321 = arith.constant 12 : i32
      %scan3A_322 = arith.addi %scan3A_203, %scan3A_321 : i32
      %mul3A_323 = arith.constant 1 : i32
      %mul3A_324 = arith.muli %scan3A_322, %mul3A_323 : i32
      %add3A_325 = arith.constant 0 : i32
      %add3A_326 = arith.addi %add3A_325, %mul3A_324 : i32
      %mul3A_327 = arith.constant 16 : i32
      %mul3A_328 = arith.muli %add3A_326, %mul3A_327 : i32
      %swap3A_329 = arith.index_cast %mul3A_328 : i32 to index
      %swap3A_330 = tpu.vector_load %arg16[%swap3A_329] {strides = array<i32>} : memref<1024xf32, #tpu.memory_space<vmem>>, vector<16xf32>,
      tpu.vector_store %arg16[%swap3A_329], %broadcast_in_dim3A_1 {strides = array<i32>} : memref<1024xf32, #tpu.memory_space<vmem>>, vector<16xf32>,
      %scan3A_331 = arith.constant 13 : i32
      %scan3A_332 = arith.addi %scan3A_203, %scan3A_331 : i32
      %mul3A_333 = arith.constant 1 : i32
      %mul3A_334 = arith.muli %scan3A_332, %mul3A_333 : i32
      %add3A_335 = arith.constant 0 : i32
      %add3A_336 = arith.addi %add3A_335, %mul3A_334 : i32
      %mul3A_337 = arith.constant 16 : i32
      %mul3A_338 = arith.muli %add3A_336, %mul3A_337 : i32
      %swap3A_339 = arith.index_cast %mul3A_338 : i32 to index
      %swap3A_340 = tpu.vector_load %arg16[%swap3A_339] {strides = array<i32>} : memref<1024xf32, #tpu.memory_space<vmem>>, vector<16xf32>,
      tpu.vector_store %arg16[%swap3A_339], %broadcast_in_dim3A_1 {strides = array<i32>} : memref<1024xf32, #tpu.memory_space<vmem>>, vector<16xf32>,
      %scan3A_341 = arith.constant 14 : i32
      %scan3A_342 = arith.addi %scan3A_203, %scan3A_341 : i32
      %mul3A_343 = arith.constant 1 : i32
      %mul3A_344 = arith.muli %scan3A_342, %mul3A_343 : i32
      %add3A_345 = arith.constant 0 : i32
      %add3A_346 = arith.addi %add3A_345, %mul3A_344 : i32
      %mul3A_347 = arith.constant 16 : i32
      %mul3A_348 = arith.muli %add3A_346, %mul3A_347 : i32
      %swap3A_349 = arith.index_cast %mul3A_348 : i32 to index
      %swap3A_350 = tpu.vector_load %arg16[%swap3A_349] {strides = array<i32>} : memref<1024xf32, #tpu.memory_space<vmem>>, vector<16xf32>,
      tpu.vector_store %arg16[%swap3A_349], %broadcast_in_dim3A_1 {strides = array<i32>} : memref<1024xf32, #tpu.memory_space<vmem>>, vector<16xf32>,
      %scan3A_351 = arith.constant 15 : i32
      %scan3A_352 = arith.addi %scan3A_203, %scan3A_351 : i32
      %mul3A_353 = arith.constant 1 : i32
      %mul3A_354 = arith.muli %scan3A_352, %mul3A_353 : i32
      %add3A_355 = arith.constant 0 : i32
      %add3A_356 = arith.addi %add3A_355, %mul3A_354 : i32
      %mul3A_357 = arith.constant 16 : i32
      %mul3A_358 = arith.muli %add3A_356, %mul3A_357 : i32
      %swap3A_359 = arith.index_cast %mul3A_358 : i32 to index
      %swap3A_360 = tpu.vector_load %arg16[%swap3A_359] {strides = array<i32>} : memref<1024xf32, #tpu.memory_space<vmem>>, vector<16xf32>,
      tpu.vector_store %arg16[%swap3A_359], %broadcast_in_dim3A_1 {strides = array<i32>} : memref<1024xf32, #tpu.memory_space<vmem>>, vector<16xf32>,
    }
    %scan3A_16 = arith.constant 64 : i32
    %dma_start3A = arith.constant 0 : i32
    %dma_start3A_17 = arith.constant 0 : i32
    %dma_start3A_18 = arith.constant 0 : i32
    %dma_start3A_19 = arith.constant 0 : i32
    %dma_start3A_20 = tpu.memref_slice %arg12[%dma_start3A_18, %dma_start3A_19] : memref<256x64xf32, #tpu.memory_space<vmem>> -> memref<128x64xf32, #tpu.memory_space<vmem>>
    %dma_start3A_21 = arith.constant 0 : i32
    %dma_start3A_22 = tpu.memref_slice %arg11[%dma_start3A, %dma_start3A_17, %dma_start3A_21] : memref<32x2x128xi32, #tpu.memory_space<vmem>> -> memref<1x1x128xi32, #tpu.memory_space<vmem>>
    %dma_start3A_23 = tpu.memref_squeeze %dma_start3A_22 : memref<1x1x128xi32, #tpu.memory_space<vmem>> -> memref<128xi32, #tpu.memory_space<vmem>>
    %dma_start3A_24 = arith.constant 0 : i32
    %dma_start3A_25 = arith.constant 0 : i32
    %dma_start3A_26 = tpu.memref_slice %arg2[%dma_start3A_24, %dma_start3A_25] : memref<1024x64xf32, #tpu.memory_space<hbm>> -> memref<1024x64xf32, #tpu.memory_space<hbm>>
    tpu.enqueue_indirect_dma source(%dma_start3A_26 : memref<1024x64xf32, #tpu.memory_space<hbm>>) target(%dma_start3A_20 : memref<128x64xf32, #tpu.memory_space<vmem>>) offsets(%dma_start3A_23 : memref<128xi32, #tpu.memory_space<vmem>>) semaphore(%arg17 : memref<!tpu.dma_semaphore, #tpu.memory_space<semaphore_mem>>)
    %dma_start3A_27 = arith.constant 0 : i32
    %dma_start3A_28 = arith.constant 1 : i32
    %dma_start3A_29 = arith.constant 0 : i32
    %dma_start3A_30 = arith.constant 0 : i32
    %dma_start3A_31 = tpu.memref_slice %arg13[%dma_start3A_29, %dma_start3A_30] : memref<256x64xf32, #tpu.memory_space<vmem>> -> memref<128x64xf32, #tpu.memory_space<vmem>>
    %dma_start3A_32 = arith.constant 0 : i32
    %dma_start3A_33 = tpu.memref_slice %arg11[%dma_start3A_27, %dma_start3A_28, %dma_start3A_32] : memref<32x2x128xi32, #tpu.memory_space<vmem>> -> memref<1x1x128xi32, #tpu.memory_space<vmem>>
    %dma_start3A_34 = tpu.memref_squeeze %dma_start3A_33 : memref<1x1x128xi32, #tpu.memory_space<vmem>> -> memref<128xi32, #tpu.memory_space<vmem>>
    %dma_start3A_35 = arith.constant 0 : i32
    %dma_start3A_36 = arith.constant 0 : i32
    %dma_start3A_37 = tpu.memref_slice %arg3[%dma_start3A_35, %dma_start3A_36] : memref<1024x64xf32, #tpu.memory_space<hbm>> -> memref<1024x64xf32, #tpu.memory_space<hbm>>
    tpu.enqueue_indirect_dma source(%dma_start3A_37 : memref<1024x64xf32, #tpu.memory_space<hbm>>) target(%dma_start3A_31 : memref<128x64xf32, #tpu.memory_space<vmem>>) offsets(%dma_start3A_34 : memref<128xi32, #tpu.memory_space<vmem>>) semaphore(%arg17 : memref<!tpu.dma_semaphore, #tpu.memory_space<semaphore_mem>>)
    %mul3A_38 = arith.constant 512 : i32
    %mul3A_39 = arith.muli %add3A, %mul3A_38 : i32
    %add3A_40 = arith.constant 0 : i32
    %add3A_41 = arith.addi %mul3A_39, %add3A_40 : i32
    %dma_start3A_42 = arith.constant 0 : i32
    %dma_start3A_43 = arith.constant 0 : i32
    %dma_start3A_44 = arith.constant 0 : i32
    %dma_start3A_45 = tpu.memref_slice %arg14[%dma_start3A_42, %dma_start3A_43, %dma_start3A_44] : memref<8x16x128xf32, #tpu.memory_space<vmem>> -> memref<1x16x128xf32, #tpu.memory_space<vmem>>
    %dma_start3A_46 = tpu.memref_squeeze %dma_start3A_45 : memref<1x16x128xf32, #tpu.memory_space<vmem>> -> memref<16x128xf32, #tpu.memory_space<vmem>>
    %dma_start3A_47 = arith.constant 0 : i32
    %dma_start3A_48 = tpu.memref_slice %arg4[%add3A_41, %dma_start3A_47] : memref<16384x128xf32, #tpu.memory_space<hbm>> -> memref<16x128xf32, #tpu.memory_space<hbm>>
    %dma_start3A_49 = arith.constant 0 : i32
    %dma_start3A_50 = arith.constant 0 : i32
    %dma_start3A_51 = tpu.memref_slice %arg14[%dma_start3A_42, %dma_start3A_49, %dma_start3A_50] : memref<8x16x128xf32, #tpu.memory_space<vmem>> -> memref<1x16x128xf32, #tpu.memory_space<vmem>>
    %dma_start3A_52 = tpu.memref_squeeze %dma_start3A_51 : memref<1x16x128xf32, #tpu.memory_space<vmem>> -> memref<16x128xf32, #tpu.memory_space<vmem>>
    %dma_start3A_53 = arith.constant 0 : i32
    %dma_start3A_54 = tpu.memref_slice %arg4[%add3A_41, %dma_start3A_53] : memref<16384x128xf32, #tpu.memory_space<hbm>> -> memref<16x128xf32, #tpu.memory_space<hbm>>
    tpu.enqueue_dma source(%dma_start3A_54 : memref<16x128xf32, #tpu.memory_space<hbm>>) target(%dma_start3A_52 : memref<16x128xf32, #tpu.memory_space<vmem>>) target_semaphore(%arg17 : memref<!tpu.dma_semaphore, #tpu.memory_space<semaphore_mem>>)
    %mul3A_55 = arith.constant 512 : i32
    %mul3A_56 = arith.muli %add3A, %mul3A_55 : i32
    %add3A_57 = arith.constant 0 : i32
    %add3A_58 = arith.addi %mul3A_56, %add3A_57 : i32
    %dma_start3A_59 = arith.constant 1 : i32
    %dma_start3A_60 = arith.constant 0 : i32
    %dma_start3A_61 = arith.constant 0 : i32
    %dma_start3A_62 = tpu.memref_slice %arg14[%dma_start3A_59, %dma_start3A_60, %dma_start3A_61] : memref<8x16x128xf32, #tpu.memory_space<vmem>> -> memref<1x16x128xf32, #tpu.memory_space<vmem>>
    %dma_start3A_63 = tpu.memref_squeeze %dma_start3A_62 : memref<1x16x128xf32, #tpu.memory_space<vmem>> -> memref<16x128xf32, #tpu.memory_space<vmem>>
    %dma_start3A_64 = arith.constant 0 : i32
    %dma_start3A_65 = tpu.memref_slice %arg5[%add3A_58, %dma_start3A_64] : memref<16384x128xf32, #tpu.memory_space<hbm>> -> memref<16x128xf32, #tpu.memory_space<hbm>>
    %dma_start3A_66 = arith.constant 0 : i32
    %dma_start3A_67 = arith.constant 0 : i32
    %dma_start3A_68 = tpu.memref_slice %arg14[%dma_start3A_59, %dma_start3A_66, %dma_start3A_67] : memref<8x16x128xf32, #tpu.memory_space<vmem>> -> memref<1x16x128xf32, #tpu.memory_space<vmem>>
    %dma_start3A_69 = tpu.memref_squeeze %dma_start3A_68 : memref<1x16x128xf32, #tpu.memory_space<vmem>> -> memref<16x128xf32, #tpu.memory_space<vmem>>
    %dma_start3A_70 = arith.constant 0 : i32
    %dma_start3A_71 = tpu.memref_slice %arg5[%add3A_58, %dma_start3A_70] : memref<16384x128xf32, #tpu.memory_space<hbm>> -> memref<16x128xf32, #tpu.memory_space<hbm>>
    tpu.enqueue_dma source(%dma_start3A_71 : memref<16x128xf32, #tpu.memory_space<hbm>>) target(%dma_start3A_69 : memref<16x128xf32, #tpu.memory_space<vmem>>) target_semaphore(%arg17 : memref<!tpu.dma_semaphore, #tpu.memory_space<semaphore_mem>>)
    %mul3A_72 = arith.constant 512 : i32
    %mul3A_73 = arith.muli %add3A, %mul3A_72 : i32
    %add3A_74 = arith.constant 0 : i32
    %add3A_75 = arith.addi %mul3A_73, %add3A_74 : i32
    %dma_start3A_76 = arith.constant 2 : i32
    %dma_start3A_77 = arith.constant 0 : i32
    %dma_start3A_78 = arith.constant 0 : i32
    %dma_start3A_79 = tpu.memref_slice %arg14[%dma_start3A_76, %dma_start3A_77, %dma_start3A_78] : memref<8x16x128xf32, #tpu.memory_space<vmem>> -> memref<1x16x128xf32, #tpu.memory_space<vmem>>
    %dma_start3A_80 = tpu.memref_squeeze %dma_start3A_79 : memref<1x16x128xf32, #tpu.memory_space<vmem>> -> memref<16x128xf32, #tpu.memory_space<vmem>>
    %dma_start3A_81 = arith.constant 0 : i32
    %dma_start3A_82 = tpu.memref_slice %arg6[%add3A_75, %dma_start3A_81] : memref<16384x128xf32, #tpu.memory_space<hbm>> -> memref<16x128xf32, #tpu.memory_space<hbm>>
    %dma_start3A_83 = arith.constant 0 : i32
    %dma_start3A_84 = arith.constant 0 : i32
    %dma_start3A_85 = tpu.memref_slice %arg14[%dma_start3A_76, %dma_start3A_83, %dma_start3A_84] : memref<8x16x128xf32, #tpu.memory_space<vmem>> -> memref<1x16x128xf32, #tpu.memory_space<vmem>>
    %dma_start3A_86 = tpu.memref_squeeze %dma_start3A_85 : memref<1x16x128xf32, #tpu.memory_space<vmem>> -> memref<16x128xf32, #tpu.memory_space<vmem>>
    %dma_start3A_87 = arith.constant 0 : i32
    %dma_start3A_88 = tpu.memref_slice %arg6[%add3A_75, %dma_start3A_87] : memref<16384x128xf32, #tpu.memory_space<hbm>> -> memref<16x128xf32, #tpu.memory_space<hbm>>
    tpu.enqueue_dma source(%dma_start3A_88 : memref<16x128xf32, #tpu.memory_space<hbm>>) target(%dma_start3A_86 : memref<16x128xf32, #tpu.memory_space<vmem>>) target_semaphore(%arg17 : memref<!tpu.dma_semaphore, #tpu.memory_space<semaphore_mem>>)
    %mul3A_89 = arith.constant 512 : i32
    %mul3A_90 = arith.muli %add3A, %mul3A_89 : i32
    %add3A_91 = arith.constant 0 : i32
    %add3A_92 = arith.addi %mul3A_90, %add3A_91 : i32
    %dma_start3A_93 = arith.constant 3 : i32
    %dma_start3A_94 = arith.constant 0 : i32
    %dma_start3A_95 = arith.constant 0 : i32
    %dma_start3A_96 = tpu.memref_slice %arg14[%dma_start3A_93, %dma_start3A_94, %dma_start3A_95] : memref<8x16x128xf32, #tpu.memory_space<vmem>> -> memref<1x16x128xf32, #tpu.memory_space<vmem>>
    %dma_start3A_97 = tpu.memref_squeeze %dma_start3A_96 : memref<1x16x128xf32, #tpu.memory_space<vmem>> -> memref<16x128xf32, #tpu.memory_space<vmem>>
    %dma_start3A_98 = arith.constant 0 : i32
    %dma_start3A_99 = tpu.memref_slice %arg7[%add3A_92, %dma_start3A_98] : memref<16384x128xf32, #tpu.memory_space<hbm>> -> memref<16x128xf32, #tpu.memory_space<hbm>>
    %dma_start3A_100 = arith.constant 0 : i32
    %dma_start3A_101 = arith.constant 0 : i32
    %dma_start3A_102 = tpu.memref_slice %arg14[%dma_start3A_93, %dma_start3A_100, %dma_start3A_101] : memref<8x16x128xf32, #tpu.memory_space<vmem>> -> memref<1x16x128xf32, #tpu.memory_space<vmem>>
    %dma_start3A_103 = tpu.memref_squeeze %dma_start3A_102 : memref<1x16x128xf32, #tpu.memory_space<vmem>> -> memref<16x128xf32, #tpu.memory_space<vmem>>
    %dma_start3A_104 = arith.constant 0 : i32
    %dma_start3A_105 = tpu.memref_slice %arg7[%add3A_92, %dma_start3A_104] : memref<16384x128xf32, #tpu.memory_space<hbm>> -> memref<16x128xf32, #tpu.memory_space<hbm>>
    tpu.enqueue_dma source(%dma_start3A_105 : memref<16x128xf32, #tpu.memory_space<hbm>>) target(%dma_start3A_103 : memref<16x128xf32, #tpu.memory_space<vmem>>) target_semaphore(%arg17 : memref<!tpu.dma_semaphore, #tpu.memory_space<semaphore_mem>>)
    %dma_start3A_106 = arith.constant 1 : i32
    %dma_start3A_107 = arith.constant 0 : i32
    %dma_start3A_108 = arith.constant 128 : i32
    %dma_start3A_109 = arith.constant 0 : i32
    %dma_start3A_110 = tpu.memref_slice %arg12[%dma_start3A_108, %dma_start3A_109] : memref<256x64xf32, #tpu.memory_space<vmem>> -> memref<128x64xf32, #tpu.memory_space<vmem>>
    %dma_start3A_111 = arith.constant 0 : i32
    %dma_start3A_112 = tpu.memref_slice %arg11[%dma_start3A_106, %dma_start3A_107, %dma_start3A_111] : memref<32x2x128xi32, #tpu.memory_space<vmem>> -> memref<1x1x128xi32, #tpu.memory_space<vmem>>
    %dma_start3A_113 = tpu.memref_squeeze %dma_start3A_112 : memref<1x1x128xi32, #tpu.memory_space<vmem>> -> memref<128xi32, #tpu.memory_space<vmem>>
    %dma_start3A_114 = arith.constant 0 : i32
    %dma_start3A_115 = arith.constant 0 : i32
    %dma_start3A_116 = tpu.memref_slice %arg2[%dma_start3A_114, %dma_start3A_115] : memref<1024x64xf32, #tpu.memory_space<hbm>> -> memref<1024x64xf32, #tpu.memory_space<hbm>>
    tpu.enqueue_indirect_dma source(%dma_start3A_116 : memref<1024x64xf32, #tpu.memory_space<hbm>>) target(%dma_start3A_110 : memref<128x64xf32, #tpu.memory_space<vmem>>) offsets(%dma_start3A_113 : memref<128xi32, #tpu.memory_space<vmem>>) semaphore(%arg18 : memref<!tpu.dma_semaphore, #tpu.memory_space<semaphore_mem>>)
    %dma_start3A_117 = arith.constant 1 : i32
    %dma_start3A_118 = arith.constant 1 : i32
    %dma_start3A_119 = arith.constant 128 : i32
    %dma_start3A_120 = arith.constant 0 : i32
    %dma_start3A_121 = tpu.memref_slice %arg13[%dma_start3A_119, %dma_start3A_120] : memref<256x64xf32, #tpu.memory_space<vmem>> -> memref<128x64xf32, #tpu.memory_space<vmem>>
    %dma_start3A_122 = arith.constant 0 : i32
    %dma_start3A_123 = tpu.memref_slice %arg11[%dma_start3A_117, %dma_start3A_118, %dma_start3A_122] : memref<32x2x128xi32, #tpu.memory_space<vmem>> -> memref<1x1x128xi32, #tpu.memory_space<vmem>>
    %dma_start3A_124 = tpu.memref_squeeze %dma_start3A_123 : memref<1x1x128xi32, #tpu.memory_space<vmem>> -> memref<128xi32, #tpu.memory_space<vmem>>
    %dma_start3A_125 = arith.constant 0 : i32
    %dma_start3A_126 = arith.constant 0 : i32
    %dma_start3A_127 = tpu.memref_slice %arg3[%dma_start3A_125, %dma_start3A_126] : memref<1024x64xf32, #tpu.memory_space<hbm>> -> memref<1024x64xf32, #tpu.memory_space<hbm>>
    tpu.enqueue_indirect_dma source(%dma_start3A_127 : memref<1024x64xf32, #tpu.memory_space<hbm>>) target(%dma_start3A_121 : memref<128x64xf32, #tpu.memory_space<vmem>>) offsets(%dma_start3A_124 : memref<128xi32, #tpu.memory_space<vmem>>) semaphore(%arg18 : memref<!tpu.dma_semaphore, #tpu.memory_space<semaphore_mem>>)
    %mul3A_128 = arith.constant 512 : i32
    %mul3A_129 = arith.muli %add3A, %mul3A_128 : i32
    %add3A_130 = arith.constant 16 : i32
    %add3A_131 = arith.addi %mul3A_129, %add3A_130 : i32
    %dma_start3A_132 = arith.constant 4 : i32
    %dma_start3A_133 = arith.constant 0 : i32
    %dma_start3A_134 = arith.constant 0 : i32
    %dma_start3A_135 = tpu.memref_slice %arg14[%dma_start3A_132, %dma_start3A_133, %dma_start3A_134] : memref<8x16x128xf32, #tpu.memory_space<vmem>> -> memref<1x16x128xf32, #tpu.memory_space<vmem>>
    %dma_start3A_136 = tpu.memref_squeeze %dma_start3A_135 : memref<1x16x128xf32, #tpu.memory_space<vmem>> -> memref<16x128xf32, #tpu.memory_space<vmem>>
    %dma_start3A_137 = arith.constant 0 : i32
    %dma_start3A_138 = tpu.memref_slice %arg4[%add3A_131, %dma_start3A_137] : memref<16384x128xf32, #tpu.memory_space<hbm>> -> memref<16x128xf32, #tpu.memory_space<hbm>>
    %dma_start3A_139 = arith.constant 0 : i32
    %dma_start3A_140 = arith.constant 0 : i32
    %dma_start3A_141 = tpu.memref_slice %arg14[%dma_start3A_132, %dma_start3A_139, %dma_start3A_140] : memref<8x16x128xf32, #tpu.memory_space<vmem>> -> memref<1x16x128xf32, #tpu.memory_space<vmem>>
    %dma_start3A_142 = tpu.memref_squeeze %dma_start3A_141 : memref<1x16x128xf32, #tpu.memory_space<vmem>> -> memref<16x128xf32, #tpu.memory_space<vmem>>
    %dma_start3A_143 = arith.constant 0 : i32
    %dma_start3A_144 = tpu.memref_slice %arg4[%add3A_131, %dma_start3A_143] : memref<16384x128xf32, #tpu.memory_space<hbm>> -> memref<16x128xf32, #tpu.memory_space<hbm>>
    tpu.enqueue_dma source(%dma_start3A_144 : memref<16x128xf32, #tpu.memory_space<hbm>>) target(%dma_start3A_142 : memref<16x128xf32, #tpu.memory_space<vmem>>) target_semaphore(%arg18 : memref<!tpu.dma_semaphore, #tpu.memory_space<semaphore_mem>>)
    %mul3A_145 = arith.constant 512 : i32
    %mul3A_146 = arith.muli %add3A, %mul3A_145 : i32
    %add3A_147 = arith.constant 16 : i32
    %add3A_148 = arith.addi %mul3A_146, %add3A_147 : i32
    %dma_start3A_149 = arith.constant 5 : i32
    %dma_start3A_150 = arith.constant 0 : i32
    %dma_start3A_151 = arith.constant 0 : i32
    %dma_start3A_152 = tpu.memref_slice %arg14[%dma_start3A_149, %dma_start3A_150, %dma_start3A_151] : memref<8x16x128xf32, #tpu.memory_space<vmem>> -> memref<1x16x128xf32, #tpu.memory_space<vmem>>
    %dma_start3A_153 = tpu.memref_squeeze %dma_start3A_152 : memref<1x16x128xf32, #tpu.memory_space<vmem>> -> memref<16x128xf32, #tpu.memory_space<vmem>>
    %dma_start3A_154 = arith.constant 0 : i32
    %dma_start3A_155 = tpu.memref_slice %arg5[%add3A_148, %dma_start3A_154] : memref<16384x128xf32, #tpu.memory_space<hbm>> -> memref<16x128xf32, #tpu.memory_space<hbm>>
    %dma_start3A_156 = arith.constant 0 : i32
    %dma_start3A_157 = arith.constant 0 : i32
    %dma_start3A_158 = tpu.memref_slice %arg14[%dma_start3A_149, %dma_start3A_156, %dma_start3A_157] : memref<8x16x128xf32, #tpu.memory_space<vmem>> -> memref<1x16x128xf32, #tpu.memory_space<vmem>>
    %dma_start3A_159 = tpu.memref_squeeze %dma_start3A_158 : memref<1x16x128xf32, #tpu.memory_space<vmem>> -> memref<16x128xf32, #tpu.memory_space<vmem>>
    %dma_start3A_160 = arith.constant 0 : i32
    %dma_start3A_161 = tpu.memref_slice %arg5[%add3A_148, %dma_start3A_160] : memref<16384x128xf32, #tpu.memory_space<hbm>> -> memref<16x128xf32, #tpu.memory_space<hbm>>
    tpu.enqueue_dma source(%dma_start3A_161 : memref<16x128xf32, #tpu.memory_space<hbm>>) target(%dma_start3A_159 : memref<16x128xf32, #tpu.memory_space<vmem>>) target_semaphore(%arg18 : memref<!tpu.dma_semaphore, #tpu.memory_space<semaphore_mem>>)
    %mul3A_162 = arith.constant 512 : i32
    %mul3A_163 = arith.muli %add3A, %mul3A_162 : i32
    %add3A_164 = arith.constant 16 : i32
    %add3A_165 = arith.addi %mul3A_163, %add3A_164 : i32
    %dma_start3A_166 = arith.constant 6 : i32
    %dma_start3A_167 = arith.constant 0 : i32
    %dma_start3A_168 = arith.constant 0 : i32
    %dma_start3A_169 = tpu.memref_slice %arg14[%dma_start3A_166, %dma_start3A_167, %dma_start3A_168] : memref<8x16x128xf32, #tpu.memory_space<vmem>> -> memref<1x16x128xf32, #tpu.memory_space<vmem>>
    %dma_start3A_170 = tpu.memref_squeeze %dma_start3A_169 : memref<1x16x128xf32, #tpu.memory_space<vmem>> -> memref<16x128xf32, #tpu.memory_space<vmem>>
    %dma_start3A_171 = arith.constant 0 : i32
    %dma_start3A_172 = tpu.memref_slice %arg6[%add3A_165, %dma_start3A_171] : memref<16384x128xf32, #tpu.memory_space<hbm>> -> memref<16x128xf32, #tpu.memory_space<hbm>>
    %dma_start3A_173 = arith.constant 0 : i32
    %dma_start3A_174 = arith.constant 0 : i32
    %dma_start3A_175 = tpu.memref_slice %arg14[%dma_start3A_166, %dma_start3A_173, %dma_start3A_174] : memref<8x16x128xf32, #tpu.memory_space<vmem>> -> memref<1x16x128xf32, #tpu.memory_space<vmem>>
    %dma_start3A_176 = tpu.memref_squeeze %dma_start3A_175 : memref<1x16x128xf32, #tpu.memory_space<vmem>> -> memref<16x128xf32, #tpu.memory_space<vmem>>
    %dma_start3A_177 = arith.constant 0 : i32
    %dma_start3A_178 = tpu.memref_slice %arg6[%add3A_165, %dma_start3A_177] : memref<16384x128xf32, #tpu.memory_space<hbm>> -> memref<16x128xf32, #tpu.memory_space<hbm>>
    tpu.enqueue_dma source(%dma_start3A_178 : memref<16x128xf32, #tpu.memory_space<hbm>>) target(%dma_start3A_176 : memref<16x128xf32, #tpu.memory_space<vmem>>) target_semaphore(%arg18 : memref<!tpu.dma_semaphore, #tpu.memory_space<semaphore_mem>>)
    %mul3A_179 = arith.constant 512 : i32
    %mul3A_180 = arith.muli %add3A, %mul3A_179 : i32
    %add3A_181 = arith.constant 16 : i32
    %add3A_182 = arith.addi %mul3A_180, %add3A_181 : i32
    %dma_start3A_183 = arith.constant 7 : i32
    %dma_start3A_184 = arith.constant 0 : i32
    %dma_start3A_185 = arith.constant 0 : i32
    %dma_start3A_186 = tpu.memref_slice %arg14[%dma_start3A_183, %dma_start3A_184, %dma_start3A_185] : memref<8x16x128xf32, #tpu.memory_space<vmem>> -> memref<1x16x128xf32, #tpu.memory_space<vmem>>
    %dma_start3A_187 = tpu.memref_squeeze %dma_start3A_186 : memref<1x16x128xf32, #tpu.memory_space<vmem>> -> memref<16x128xf32, #tpu.memory_space<vmem>>
    %dma_start3A_188 = arith.constant 0 : i32
    %dma_start3A_189 = tpu.memref_slice %arg7[%add3A_182, %dma_start3A_188] : memref<16384x128xf32, #tpu.memory_space<hbm>> -> memref<16x128xf32, #tpu.memory_space<hbm>>
    %dma_start3A_190 = arith.constant 0 : i32
    %dma_start3A_191 = arith.constant 0 : i32
    %dma_start3A_192 = tpu.memref_slice %arg14[%dma_start3A_183, %dma_start3A_190, %dma_start3A_191] : memref<8x16x128xf32, #tpu.memory_space<vmem>> -> memref<1x16x128xf32, #tpu.memory_space<vmem>>
    %dma_start3A_193 = tpu.memref_squeeze %dma_start3A_192 : memref<1x16x128xf32, #tpu.memory_space<vmem>> -> memref<16x128xf32, #tpu.memory_space<vmem>>
    %dma_start3A_194 = arith.constant 0 : i32
    %dma_start3A_195 = tpu.memref_slice %arg7[%add3A_182, %dma_start3A_194] : memref<16384x128xf32, #tpu.memory_space<hbm>> -> memref<16x128xf32, #tpu.memory_space<hbm>>
    tpu.enqueue_dma source(%dma_start3A_195 : memref<16x128xf32, #tpu.memory_space<hbm>>) target(%dma_start3A_193 : memref<16x128xf32, #tpu.memory_space<vmem>>) target_semaphore(%arg18 : memref<!tpu.dma_semaphore, #tpu.memory_space<semaphore_mem>>)
    %scan3A_196 = arith.constant 0 : i32
    %scan3A_197 = arith.constant 32 : i32
    %scan3A_198 = arith.addi %scan3A_196, %scan3A_197 : i32
    %scan3A_199 = arith.constant 1 : i32
    scf.for %scan3A_203 = %scan3A_196 to %scan3A_198 step %scan3A_199  : i32 {
      %mul3A_204 = arith.constant 1 : i32
      %mul3A_205 = arith.muli %scan3A_203, %mul3A_204 : i32
      %add3A_206 = arith.constant 0 : i32
      %add3A_207 = arith.addi %add3A_206, %mul3A_205 : i32
      %and3A = arith.constant 1 : i32
      %and3A_208 = arith.andi %add3A_207, %and3A : i32
      %mul3A_209 = arith.constant 128 : i32
      %mul3A_210 = arith.muli %and3A_208, %mul3A_209 : i32
      %mul3A_211 = arith.constant 4 : i32
      %mul3A_212 = arith.muli %and3A_208, %mul3A_211 : i32
      %eq3A_213 = arith.constant 0 : i32
      %eq3A_214 = arith.cmpi eq, %and3A_208, %eq3A_213 : i32
      %convert_element_type3A = arith.extui %eq3A_214 : i1 to i32
      %cond3A = arith.constant 0 : i32
      %cond3A_215 = arith.cmpi ne, %convert_element_type3A, %cond3A : i32
      scf.if %cond3A_215 {
        %dma_wait3A = arith.constant 0 : i32
        %dma_wait3A_236 = arith.constant 0 : i32
        %dma_wait3A_237 = arith.constant 0 : i32
        %dma_wait3A_238 = tpu.memref_slice %arg12[%dma_wait3A_236, %dma_wait3A_237] : memref<256x64xf32, #tpu.memory_space<vmem>> -> memref<128x64xf32, #tpu.memory_space<vmem>>
        %dma_wait3A_239 = arith.constant 0 : i32
        %dma_wait3A_240 = tpu.memref_slice %arg11[%add3A_207, %dma_wait3A, %dma_wait3A_239] : memref<32x2x128xi32, #tpu.memory_space<vmem>> -> memref<1x1x128xi32, #tpu.memory_space<vmem>>
        %dma_wait3A_241 = tpu.memref_squeeze %dma_wait3A_240 : memref<1x1x128xi32, #tpu.memory_space<vmem>> -> memref<128xi32, #tpu.memory_space<vmem>>
        %dma_wait3A_242 = arith.constant 0 : i32
        %dma_wait3A_243 = arith.constant 0 : i32
        %dma_wait3A_244 = tpu.memref_slice %arg2[%dma_wait3A_242, %dma_wait3A_243] : memref<1024x64xf32, #tpu.memory_space<hbm>> -> memref<1024x64xf32, #tpu.memory_space<hbm>>
        tpu.wait_indirect_dma semaphore(%arg17 : memref<!tpu.dma_semaphore, #tpu.memory_space<semaphore_mem>>) src(%dma_wait3A_244 : memref<1024x64xf32, #tpu.memory_space<hbm>>) dst(%dma_wait3A_238 : memref<128x64xf32, #tpu.memory_space<vmem>>)
        %dma_wait3A_245 = arith.constant 1 : i32
        %dma_wait3A_246 = arith.constant 0 : i32
        %dma_wait3A_247 = arith.constant 0 : i32
        %dma_wait3A_248 = tpu.memref_slice %arg13[%dma_wait3A_246, %dma_wait3A_247] : memref<256x64xf32, #tpu.memory_space<vmem>> -> memref<128x64xf32, #tpu.memory_space<vmem>>
        %dma_wait3A_249 = arith.constant 0 : i32
        %dma_wait3A_250 = tpu.memref_slice %arg11[%add3A_207, %dma_wait3A_245, %dma_wait3A_249] : memref<32x2x128xi32, #tpu.memory_space<vmem>> -> memref<1x1x128xi32, #tpu.memory_space<vmem>>
        %dma_wait3A_251 = tpu.memref_squeeze %dma_wait3A_250 : memref<1x1x128xi32, #tpu.memory_space<vmem>> -> memref<128xi32, #tpu.memory_space<vmem>>
        %dma_wait3A_252 = arith.constant 0 : i32
        %dma_wait3A_253 = arith.constant 0 : i32
        %dma_wait3A_254 = tpu.memref_slice %arg3[%dma_wait3A_252, %dma_wait3A_253] : memref<1024x64xf32, #tpu.memory_space<hbm>> -> memref<1024x64xf32, #tpu.memory_space<hbm>>
        tpu.wait_indirect_dma semaphore(%arg17 : memref<!tpu.dma_semaphore, #tpu.memory_space<semaphore_mem>>) src(%dma_wait3A_254 : memref<1024x64xf32, #tpu.memory_space<hbm>>) dst(%dma_wait3A_248 : memref<128x64xf32, #tpu.memory_space<vmem>>)
        %dma_wait3A_255 = arith.constant 0 : i32
        %dma_wait3A_256 = arith.constant 0 : i32
        %dma_wait3A_257 = arith.constant 0 : i32
        %dma_wait3A_258 = tpu.memref_slice %arg14[%dma_wait3A_255, %dma_wait3A_256, %dma_wait3A_257] : memref<8x16x128xf32, #tpu.memory_space<vmem>> -> memref<1x16x128xf32, #tpu.memory_space<vmem>>
        %dma_wait3A_259 = tpu.memref_squeeze %dma_wait3A_258 : memref<1x16x128xf32, #tpu.memory_space<vmem>> -> memref<16x128xf32, #tpu.memory_space<vmem>>
        %dma_wait3A_260 = arith.constant 0 : i32
        %dma_wait3A_261 = arith.constant 0 : i32
        %dma_wait3A_262 = tpu.memref_slice %arg4[%dma_wait3A_260, %dma_wait3A_261] : memref<16384x128xf32, #tpu.memory_space<hbm>> -> memref<16x128xf32, #tpu.memory_space<hbm>>
        %dma_wait3A_263 = arith.constant 0 : i32
        %dma_wait3A_264 = arith.constant 0 : i32
        %dma_wait3A_265 = tpu.memref_slice %arg14[%dma_wait3A_255, %dma_wait3A_263, %dma_wait3A_264] : memref<8x16x128xf32, #tpu.memory_space<vmem>> -> memref<1x16x128xf32, #tpu.memory_space<vmem>>
        %dma_wait3A_266 = tpu.memref_squeeze %dma_wait3A_265 : memref<1x16x128xf32, #tpu.memory_space<vmem>> -> memref<16x128xf32, #tpu.memory_space<vmem>>
        %dma_wait3A_267 = arith.constant 0 : i32
        %dma_wait3A_268 = arith.constant 0 : i32
        %dma_wait3A_269 = tpu.memref_slice %arg4[%dma_wait3A_267, %dma_wait3A_268] : memref<16384x128xf32, #tpu.memory_space<hbm>> -> memref<16x128xf32, #tpu.memory_space<hbm>>
        tpu.wait_dma2 semaphore(%arg17 : memref<!tpu.dma_semaphore, #tpu.memory_space<semaphore_mem>>) src(%dma_wait3A_269 : memref<16x128xf32, #tpu.memory_space<hbm>>) dst(%dma_wait3A_266 : memref<16x128xf32, #tpu.memory_space<vmem>>)
        %dma_wait3A_270 = arith.constant 1 : i32
        %dma_wait3A_271 = arith.constant 0 : i32
        %dma_wait3A_272 = arith.constant 0 : i32
        %dma_wait3A_273 = tpu.memref_slice %arg14[%dma_wait3A_270, %dma_wait3A_271, %dma_wait3A_272] : memref<8x16x128xf32, #tpu.memory_space<vmem>> -> memref<1x16x128xf32, #tpu.memory_space<vmem>>
        %dma_wait3A_274 = tpu.memref_squeeze %dma_wait3A_273 : memref<1x16x128xf32, #tpu.memory_space<vmem>> -> memref<16x128xf32, #tpu.memory_space<vmem>>
        %dma_wait3A_275 = arith.constant 0 : i32
        %dma_wait3A_276 = arith.constant 0 : i32
        %dma_wait3A_277 = tpu.memref_slice %arg5[%dma_wait3A_275, %dma_wait3A_276] : memref<16384x128xf32, #tpu.memory_space<hbm>> -> memref<16x128xf32, #tpu.memory_space<hbm>>
        %dma_wait3A_278 = arith.constant 0 : i32
        %dma_wait3A_279 = arith.constant 0 : i32
        %dma_wait3A_280 = tpu.memref_slice %arg14[%dma_wait3A_270, %dma_wait3A_278, %dma_wait3A_279] : memref<8x16x128xf32, #tpu.memory_space<vmem>> -> memref<1x16x128xf32, #tpu.memory_space<vmem>>
        %dma_wait3A_281 = tpu.memref_squeeze %dma_wait3A_280 : memref<1x16x128xf32, #tpu.memory_space<vmem>> -> memref<16x128xf32, #tpu.memory_space<vmem>>
        %dma_wait3A_282 = arith.constant 0 : i32
        %dma_wait3A_283 = arith.constant 0 : i32
        %dma_wait3A_284 = tpu.memref_slice %arg5[%dma_wait3A_282, %dma_wait3A_283] : memref<16384x128xf32, #tpu.memory_space<hbm>> -> memref<16x128xf32, #tpu.memory_space<hbm>>
        tpu.wait_dma2 semaphore(%arg17 : memref<!tpu.dma_semaphore, #tpu.memory_space<semaphore_mem>>) src(%dma_wait3A_284 : memref<16x128xf32, #tpu.memory_space<hbm>>) dst(%dma_wait3A_281 : memref<16x128xf32, #tpu.memory_space<vmem>>)
        %dma_wait3A_285 = arith.constant 2 : i32
        %dma_wait3A_286 = arith.constant 0 : i32
        %dma_wait3A_287 = arith.constant 0 : i32
        %dma_wait3A_288 = tpu.memref_slice %arg14[%dma_wait3A_285, %dma_wait3A_286, %dma_wait3A_287] : memref<8x16x128xf32, #tpu.memory_space<vmem>> -> memref<1x16x128xf32, #tpu.memory_space<vmem>>
        %dma_wait3A_289 = tpu.memref_squeeze %dma_wait3A_288 : memref<1x16x128xf32, #tpu.memory_space<vmem>> -> memref<16x128xf32, #tpu.memory_space<vmem>>
        %dma_wait3A_290 = arith.constant 0 : i32
        %dma_wait3A_291 = arith.constant 0 : i32
        %dma_wait3A_292 = tpu.memref_slice %arg6[%dma_wait3A_290, %dma_wait3A_291] : memref<16384x128xf32, #tpu.memory_space<hbm>> -> memref<16x128xf32, #tpu.memory_space<hbm>>
        %dma_wait3A_293 = arith.constant 0 : i32
        %dma_wait3A_294 = arith.constant 0 : i32
        %dma_wait3A_295 = tpu.memref_slice %arg14[%dma_wait3A_285, %dma_wait3A_293, %dma_wait3A_294] : memref<8x16x128xf32, #tpu.memory_space<vmem>> -> memref<1x16x128xf32, #tpu.memory_space<vmem>>
        %dma_wait3A_296 = tpu.memref_squeeze %dma_wait3A_295 : memref<1x16x128xf32, #tpu.memory_space<vmem>> -> memref<16x128xf32, #tpu.memory_space<vmem>>
        %dma_wait3A_297 = arith.constant 0 : i32
        %dma_wait3A_298 = arith.constant 0 : i32
        %dma_wait3A_299 = tpu.memref_slice %arg6[%dma_wait3A_297, %dma_wait3A_298] : memref<16384x128xf32, #tpu.memory_space<hbm>> -> memref<16x128xf32, #tpu.memory_space<hbm>>
        tpu.wait_dma2 semaphore(%arg17 : memref<!tpu.dma_semaphore, #tpu.memory_space<semaphore_mem>>) src(%dma_wait3A_299 : memref<16x128xf32, #tpu.memory_space<hbm>>) dst(%dma_wait3A_296 : memref<16x128xf32, #tpu.memory_space<vmem>>)
        %dma_wait3A_300 = arith.constant 3 : i32
        %dma_wait3A_301 = arith.constant 0 : i32
        %dma_wait3A_302 = arith.constant 0 : i32
        %dma_wait3A_303 = tpu.memref_slice %arg14[%dma_wait3A_300, %dma_wait3A_301, %dma_wait3A_302] : memref<8x16x128xf32, #tpu.memory_space<vmem>> -> memref<1x16x128xf32, #tpu.memory_space<vmem>>
        %dma_wait3A_304 = tpu.memref_squeeze %dma_wait3A_303 : memref<1x16x128xf32, #tpu.memory_space<vmem>> -> memref<16x128xf32, #tpu.memory_space<vmem>>
        %dma_wait3A_305 = arith.constant 0 : i32
        %dma_wait3A_306 = arith.constant 0 : i32
        %dma_wait3A_307 = tpu.memref_slice %arg7[%dma_wait3A_305, %dma_wait3A_306] : memref<16384x128xf32, #tpu.memory_space<hbm>> -> memref<16x128xf32, #tpu.memory_space<hbm>>
        %dma_wait3A_308 = arith.constant 0 : i32
        %dma_wait3A_309 = arith.constant 0 : i32
        %dma_wait3A_310 = tpu.memref_slice %arg14[%dma_wait3A_300, %dma_wait3A_308, %dma_wait3A_309] : memref<8x16x128xf32, #tpu.memory_space<vmem>> -> memref<1x16x128xf32, #tpu.memory_space<vmem>>
        %dma_wait3A_311 = tpu.memref_squeeze %dma_wait3A_310 : memref<1x16x128xf32, #tpu.memory_space<vmem>> -> memref<16x128xf32, #tpu.memory_space<vmem>>
        %dma_wait3A_312 = arith.constant 0 : i32
        %dma_wait3A_313 = arith.constant 0 : i32
        %dma_wait3A_314 = tpu.memref_slice %arg7[%dma_wait3A_312, %dma_wait3A_313] : memref<16384x128xf32, #tpu.memory_space<hbm>> -> memref<16x128xf32, #tpu.memory_space<hbm>>
        tpu.wait_dma2 semaphore(%arg17 : memref<!tpu.dma_semaphore, #tpu.memory_space<semaphore_mem>>) src(%dma_wait3A_314 : memref<16x128xf32, #tpu.memory_space<hbm>>) dst(%dma_wait3A_311 : memref<16x128xf32, #tpu.memory_space<vmem>>)
      } else {
      }
      %eq3A_216 = arith.constant 1 : i32
      %eq3A_217 = arith.cmpi eq, %and3A_208, %eq3A_216 : i32
      %convert_element_type3A_218 = arith.extui %eq3A_217 : i1 to i32
      %cond3A_219 = arith.constant 0 : i32
      %cond3A_220 = arith.cmpi ne, %convert_element_type3A_218, %cond3A_219 : i32
      scf.if %cond3A_220 {
        %dma_wait3A = arith.constant 0 : i32
        %dma_wait3A_236 = arith.constant 128 : i32
        %dma_wait3A_237 = arith.constant 0 : i32
        %dma_wait3A_238 = tpu.memref_slice %arg12[%dma_wait3A_236, %dma_wait3A_237] : memref<256x64xf32, #tpu.memory_space<vmem>> -> memref<128x64xf32, #tpu.memory_space<vmem>>
        %dma_wait3A_239 = arith.constant 0 : i32
        %dma_wait3A_240 = tpu.memref_slice %arg11[%add3A_207, %dma_wait3A, %dma_wait3A_239] : memref<32x2x128xi32, #tpu.memory_space<vmem>> -> memref<1x1x128xi32, #tpu.memory_space<vmem>>
        %dma_wait3A_241 = tpu.memref_squeeze %dma_wait3A_240 : memref<1x1x128xi32, #tpu.memory_space<vmem>> -> memref<128xi32, #tpu.memory_space<vmem>>
        %dma_wait3A_242 = arith.constant 0 : i32
        %dma_wait3A_243 = arith.constant 0 : i32
        %dma_wait3A_244 = tpu.memref_slice %arg2[%dma_wait3A_242, %dma_wait3A_243] : memref<1024x64xf32, #tpu.memory_space<hbm>> -> memref<1024x64xf32, #tpu.memory_space<hbm>>
        tpu.wait_indirect_dma semaphore(%arg18 : memref<!tpu.dma_semaphore, #tpu.memory_space<semaphore_mem>>) src(%dma_wait3A_244 : memref<1024x64xf32, #tpu.memory_space<hbm>>) dst(%dma_wait3A_238 : memref<128x64xf32, #tpu.memory_space<vmem>>)
        %dma_wait3A_245 = arith.constant 1 : i32
        %dma_wait3A_246 = arith.constant 128 : i32
        %dma_wait3A_247 = arith.constant 0 : i32
        %dma_wait3A_248 = tpu.memref_slice %arg13[%dma_wait3A_246, %dma_wait3A_247] : memref<256x64xf32, #tpu.memory_space<vmem>> -> memref<128x64xf32, #tpu.memory_space<vmem>>
        %dma_wait3A_249 = arith.constant 0 : i32
        %dma_wait3A_250 = tpu.memref_slice %arg11[%add3A_207, %dma_wait3A_245, %dma_wait3A_249] : memref<32x2x128xi32, #tpu.memory_space<vmem>> -> memref<1x1x128xi32, #tpu.memory_space<vmem>>
        %dma_wait3A_251 = tpu.memref_squeeze %dma_wait3A_250 : memref<1x1x128xi32, #tpu.memory_space<vmem>> -> memref<128xi32, #tpu.memory_space<vmem>>
        %dma_wait3A_252 = arith.constant 0 : i32
        %dma_wait3A_253 = arith.constant 0 : i32
        %dma_wait3A_254 = tpu.memref_slice %arg3[%dma_wait3A_252, %dma_wait3A_253] : memref<1024x64xf32, #tpu.memory_space<hbm>> -> memref<1024x64xf32, #tpu.memory_space<hbm>>
        tpu.wait_indirect_dma semaphore(%arg18 : memref<!tpu.dma_semaphore, #tpu.memory_space<semaphore_mem>>) src(%dma_wait3A_254 : memref<1024x64xf32, #tpu.memory_space<hbm>>) dst(%dma_wait3A_248 : memref<128x64xf32, #tpu.memory_space<vmem>>)
        %dma_wait3A_255 = arith.constant 4 : i32
        %dma_wait3A_256 = arith.constant 0 : i32
        %dma_wait3A_257 = arith.constant 0 : i32
        %dma_wait3A_258 = tpu.memref_slice %arg14[%dma_wait3A_255, %dma_wait3A_256, %dma_wait3A_257] : memref<8x16x128xf32, #tpu.memory_space<vmem>> -> memref<1x16x128xf32, #tpu.memory_space<vmem>>
        %dma_wait3A_259 = tpu.memref_squeeze %dma_wait3A_258 : memref<1x16x128xf32, #tpu.memory_space<vmem>> -> memref<16x128xf32, #tpu.memory_space<vmem>>
        %dma_wait3A_260 = arith.constant 0 : i32
        %dma_wait3A_261 = arith.constant 0 : i32
        %dma_wait3A_262 = tpu.memref_slice %arg4[%dma_wait3A_260, %dma_wait3A_261] : memref<16384x128xf32, #tpu.memory_space<hbm>> -> memref<16x128xf32, #tpu.memory_space<hbm>>
        %dma_wait3A_263 = arith.constant 0 : i32
        %dma_wait3A_264 = arith.constant 0 : i32
        %dma_wait3A_265 = tpu.memref_slice %arg14[%dma_wait3A_255, %dma_wait3A_263, %dma_wait3A_264] : memref<8x16x128xf32, #tpu.memory_space<vmem>> -> memref<1x16x128xf32, #tpu.memory_space<vmem>>
        %dma_wait3A_266 = tpu.memref_squeeze %dma_wait3A_265 : memref<1x16x128xf32, #tpu.memory_space<vmem>> -> memref<16x128xf32, #tpu.memory_space<vmem>>
        %dma_wait3A_267 = arith.constant 0 : i32
        %dma_wait3A_268 = arith.constant 0 : i32
        %dma_wait3A_269 = tpu.memref_slice %arg4[%dma_wait3A_267, %dma_wait3A_268] : memref<16384x128xf32, #tpu.memory_space<hbm>> -> memref<16x128xf32, #tpu.memory_space<hbm>>
        tpu.wait_dma2 semaphore(%arg18 : memref<!tpu.dma_semaphore, #tpu.memory_space<semaphore_mem>>) src(%dma_wait3A_269 : memref<16x128xf32, #tpu.memory_space<hbm>>) dst(%dma_wait3A_266 : memref<16x128xf32, #tpu.memory_space<vmem>>)
        %dma_wait3A_270 = arith.constant 5 : i32
        %dma_wait3A_271 = arith.constant 0 : i32
        %dma_wait3A_272 = arith.constant 0 : i32
        %dma_wait3A_273 = tpu.memref_slice %arg14[%dma_wait3A_270, %dma_wait3A_271, %dma_wait3A_272] : memref<8x16x128xf32, #tpu.memory_space<vmem>> -> memref<1x16x128xf32, #tpu.memory_space<vmem>>
        %dma_wait3A_274 = tpu.memref_squeeze %dma_wait3A_273 : memref<1x16x128xf32, #tpu.memory_space<vmem>> -> memref<16x128xf32, #tpu.memory_space<vmem>>
        %dma_wait3A_275 = arith.constant 0 : i32
        %dma_wait3A_276 = arith.constant 0 : i32
        %dma_wait3A_277 = tpu.memref_slice %arg5[%dma_wait3A_275, %dma_wait3A_276] : memref<16384x128xf32, #tpu.memory_space<hbm>> -> memref<16x128xf32, #tpu.memory_space<hbm>>
        %dma_wait3A_278 = arith.constant 0 : i32
        %dma_wait3A_279 = arith.constant 0 : i32
        %dma_wait3A_280 = tpu.memref_slice %arg14[%dma_wait3A_270, %dma_wait3A_278, %dma_wait3A_279] : memref<8x16x128xf32, #tpu.memory_space<vmem>> -> memref<1x16x128xf32, #tpu.memory_space<vmem>>
        %dma_wait3A_281 = tpu.memref_squeeze %dma_wait3A_280 : memref<1x16x128xf32, #tpu.memory_space<vmem>> -> memref<16x128xf32, #tpu.memory_space<vmem>>
        %dma_wait3A_282 = arith.constant 0 : i32
        %dma_wait3A_283 = arith.constant 0 : i32
        %dma_wait3A_284 = tpu.memref_slice %arg5[%dma_wait3A_282, %dma_wait3A_283] : memref<16384x128xf32, #tpu.memory_space<hbm>> -> memref<16x128xf32, #tpu.memory_space<hbm>>
        tpu.wait_dma2 semaphore(%arg18 : memref<!tpu.dma_semaphore, #tpu.memory_space<semaphore_mem>>) src(%dma_wait3A_284 : memref<16x128xf32, #tpu.memory_space<hbm>>) dst(%dma_wait3A_281 : memref<16x128xf32, #tpu.memory_space<vmem>>)
        %dma_wait3A_285 = arith.constant 6 : i32
        %dma_wait3A_286 = arith.constant 0 : i32
        %dma_wait3A_287 = arith.constant 0 : i32
        %dma_wait3A_288 = tpu.memref_slice %arg14[%dma_wait3A_285, %dma_wait3A_286, %dma_wait3A_287] : memref<8x16x128xf32, #tpu.memory_space<vmem>> -> memref<1x16x128xf32, #tpu.memory_space<vmem>>
        %dma_wait3A_289 = tpu.memref_squeeze %dma_wait3A_288 : memref<1x16x128xf32, #tpu.memory_space<vmem>> -> memref<16x128xf32, #tpu.memory_space<vmem>>
        %dma_wait3A_290 = arith.constant 0 : i32
        %dma_wait3A_291 = arith.constant 0 : i32
        %dma_wait3A_292 = tpu.memref_slice %arg6[%dma_wait3A_290, %dma_wait3A_291] : memref<16384x128xf32, #tpu.memory_space<hbm>> -> memref<16x128xf32, #tpu.memory_space<hbm>>
        %dma_wait3A_293 = arith.constant 0 : i32
        %dma_wait3A_294 = arith.constant 0 : i32
        %dma_wait3A_295 = tpu.memref_slice %arg14[%dma_wait3A_285, %dma_wait3A_293, %dma_wait3A_294] : memref<8x16x128xf32, #tpu.memory_space<vmem>> -> memref<1x16x128xf32, #tpu.memory_space<vmem>>
        %dma_wait3A_296 = tpu.memref_squeeze %dma_wait3A_295 : memref<1x16x128xf32, #tpu.memory_space<vmem>> -> memref<16x128xf32, #tpu.memory_space<vmem>>
        %dma_wait3A_297 = arith.constant 0 : i32
        %dma_wait3A_298 = arith.constant 0 : i32
        %dma_wait3A_299 = tpu.memref_slice %arg6[%dma_wait3A_297, %dma_wait3A_298] : memref<16384x128xf32, #tpu.memory_space<hbm>> -> memref<16x128xf32, #tpu.memory_space<hbm>>
        tpu.wait_dma2 semaphore(%arg18 : memref<!tpu.dma_semaphore, #tpu.memory_space<semaphore_mem>>) src(%dma_wait3A_299 : memref<16x128xf32, #tpu.memory_space<hbm>>) dst(%dma_wait3A_296 : memref<16x128xf32, #tpu.memory_space<vmem>>)
        %dma_wait3A_300 = arith.constant 7 : i32
        %dma_wait3A_301 = arith.constant 0 : i32
        %dma_wait3A_302 = arith.constant 0 : i32
        %dma_wait3A_303 = tpu.memref_slice %arg14[%dma_wait3A_300, %dma_wait3A_301, %dma_wait3A_302] : memref<8x16x128xf32, #tpu.memory_space<vmem>> -> memref<1x16x128xf32, #tpu.memory_space<vmem>>
        %dma_wait3A_304 = tpu.memref_squeeze %dma_wait3A_303 : memref<1x16x128xf32, #tpu.memory_space<vmem>> -> memref<16x128xf32, #tpu.memory_space<vmem>>
        %dma_wait3A_305 = arith.constant 0 : i32
        %dma_wait3A_306 = arith.constant 0 : i32
        %dma_wait3A_307 = tpu.memref_slice %arg7[%dma_wait3A_305, %dma_wait3A_306] : memref<16384x128xf32, #tpu.memory_space<hbm>> -> memref<16x128xf32, #tpu.memory_space<hbm>>
        %dma_wait3A_308 = arith.constant 0 : i32
        %dma_wait3A_309 = arith.constant 0 : i32
        %dma_wait3A_310 = tpu.memref_slice %arg14[%dma_wait3A_300, %dma_wait3A_308, %dma_wait3A_309] : memref<8x16x128xf32, #tpu.memory_space<vmem>> -> memref<1x16x128xf32, #tpu.memory_space<vmem>>
        %dma_wait3A_311 = tpu.memref_squeeze %dma_wait3A_310 : memref<1x16x128xf32, #tpu.memory_space<vmem>> -> memref<16x128xf32, #tpu.memory_space<vmem>>
        %dma_wait3A_312 = arith.constant 0 : i32
        %dma_wait3A_313 = arith.constant 0 : i32
        %dma_wait3A_314 = tpu.memref_slice %arg7[%dma_wait3A_312, %dma_wait3A_313] : memref<16384x128xf32, #tpu.memory_space<hbm>> -> memref<16x128xf32, #tpu.memory_space<hbm>>
        tpu.wait_dma2 semaphore(%arg18 : memref<!tpu.dma_semaphore, #tpu.memory_space<semaphore_mem>>) src(%dma_wait3A_314 : memref<16x128xf32, #tpu.memory_space<hbm>>) dst(%dma_wait3A_311 : memref<16x128xf32, #tpu.memory_space<vmem>>)
      } else {
      }
      %lt3A = arith.constant 30 : i32
      %lt3A_221 = arith.cmpi slt, %add3A_207, %lt3A : i32
      %eq3A_222 = arith.constant 0 : i32
      %eq3A_223 = arith.cmpi eq, %and3A_208, %eq3A_222 : i32
      %and3A_224 = arith.andi %lt3A_221, %eq3A_223 : i1
      %convert_element_type3A_225 = arith.extui %and3A_224 : i1 to i32
      %cond3A_226 = arith.constant 0 : i32
      %cond3A_227 = arith.cmpi ne, %convert_element_type3A_225, %cond3A_226 : i32
      scf.if %cond3A_227 {
        %add3A_236 = arith.constant 2 : i32
        %add3A_237 = arith.addi %add3A_207, %add3A_236 : i32
        %dma_start3A_238 = arith.constant 0 : i32
        %dma_start3A_239 = arith.constant 0 : i32
        %dma_start3A_240 = arith.constant 0 : i32
        %dma_start3A_241 = tpu.memref_slice %arg12[%dma_start3A_239, %dma_start3A_240] : memref<256x64xf32, #tpu.memory_space<vmem>> -> memref<128x64xf32, #tpu.memory_space<vmem>>
        %dma_start3A_242 = arith.constant 0 : i32
        %dma_start3A_243 = tpu.memref_slice %arg11[%add3A_237, %dma_start3A_238, %dma_start3A_242] : memref<32x2x128xi32, #tpu.memory_space<vmem>> -> memref<1x1x128xi32, #tpu.memory_space<vmem>>
        %dma_start3A_244 = tpu.memref_squeeze %dma_start3A_243 : memref<1x1x128xi32, #tpu.memory_space<vmem>> -> memref<128xi32, #tpu.memory_space<vmem>>
        %dma_start3A_245 = arith.constant 0 : i32
        %dma_start3A_246 = arith.constant 0 : i32
        %dma_start3A_247 = tpu.memref_slice %arg2[%dma_start3A_245, %dma_start3A_246] : memref<1024x64xf32, #tpu.memory_space<hbm>> -> memref<1024x64xf32, #tpu.memory_space<hbm>>
        tpu.enqueue_indirect_dma source(%dma_start3A_247 : memref<1024x64xf32, #tpu.memory_space<hbm>>) target(%dma_start3A_241 : memref<128x64xf32, #tpu.memory_space<vmem>>) offsets(%dma_start3A_244 : memref<128xi32, #tpu.memory_space<vmem>>) semaphore(%arg17 : memref<!tpu.dma_semaphore, #tpu.memory_space<semaphore_mem>>)
        %dma_start3A_248 = arith.constant 1 : i32
        %dma_start3A_249 = arith.constant 0 : i32
        %dma_start3A_250 = arith.constant 0 : i32
        %dma_start3A_251 = tpu.memref_slice %arg13[%dma_start3A_249, %dma_start3A_250] : memref<256x64xf32, #tpu.memory_space<vmem>> -> memref<128x64xf32, #tpu.memory_space<vmem>>
        %dma_start3A_252 = arith.constant 0 : i32
        %dma_start3A_253 = tpu.memref_slice %arg11[%add3A_237, %dma_start3A_248, %dma_start3A_252] : memref<32x2x128xi32, #tpu.memory_space<vmem>> -> memref<1x1x128xi32, #tpu.memory_space<vmem>>
        %dma_start3A_254 = tpu.memref_squeeze %dma_start3A_253 : memref<1x1x128xi32, #tpu.memory_space<vmem>> -> memref<128xi32, #tpu.memory_space<vmem>>
        %dma_start3A_255 = arith.constant 0 : i32
        %dma_start3A_256 = arith.constant 0 : i32
        %dma_start3A_257 = tpu.memref_slice %arg3[%dma_start3A_255, %dma_start3A_256] : memref<1024x64xf32, #tpu.memory_space<hbm>> -> memref<1024x64xf32, #tpu.memory_space<hbm>>
        tpu.enqueue_indirect_dma source(%dma_start3A_257 : memref<1024x64xf32, #tpu.memory_space<hbm>>) target(%dma_start3A_251 : memref<128x64xf32, #tpu.memory_space<vmem>>) offsets(%dma_start3A_254 : memref<128xi32, #tpu.memory_space<vmem>>) semaphore(%arg17 : memref<!tpu.dma_semaphore, #tpu.memory_space<semaphore_mem>>)
        %mul3A_258 = arith.constant 512 : i32
        %mul3A_259 = arith.muli %add3A, %mul3A_258 : i32
        %mul3A_260 = arith.constant 16 : i32
        %mul3A_261 = arith.muli %add3A_237, %mul3A_260 : i32
        %add3A_262 = arith.addi %mul3A_259, %mul3A_261 : i32
        %dma_start3A_263 = arith.constant 0 : i32
        %dma_start3A_264 = arith.constant 0 : i32
        %dma_start3A_265 = arith.constant 0 : i32
        %dma_start3A_266 = tpu.memref_slice %arg14[%dma_start3A_263, %dma_start3A_264, %dma_start3A_265] : memref<8x16x128xf32, #tpu.memory_space<vmem>> -> memref<1x16x128xf32, #tpu.memory_space<vmem>>
        %dma_start3A_267 = tpu.memref_squeeze %dma_start3A_266 : memref<1x16x128xf32, #tpu.memory_space<vmem>> -> memref<16x128xf32, #tpu.memory_space<vmem>>
        %dma_start3A_268 = arith.constant 0 : i32
        %dma_start3A_269 = tpu.memref_slice %arg4[%add3A_262, %dma_start3A_268] : memref<16384x128xf32, #tpu.memory_space<hbm>> -> memref<16x128xf32, #tpu.memory_space<hbm>>
        %dma_start3A_270 = arith.constant 0 : i32
        %dma_start3A_271 = arith.constant 0 : i32
        %dma_start3A_272 = tpu.memref_slice %arg14[%dma_start3A_263, %dma_start3A_270, %dma_start3A_271] : memref<8x16x128xf32, #tpu.memory_space<vmem>> -> memref<1x16x128xf32, #tpu.memory_space<vmem>>
        %dma_start3A_273 = tpu.memref_squeeze %dma_start3A_272 : memref<1x16x128xf32, #tpu.memory_space<vmem>> -> memref<16x128xf32, #tpu.memory_space<vmem>>
        %dma_start3A_274 = arith.constant 0 : i32
        %dma_start3A_275 = tpu.memref_slice %arg4[%add3A_262, %dma_start3A_274] : memref<16384x128xf32, #tpu.memory_space<hbm>> -> memref<16x128xf32, #tpu.memory_space<hbm>>
        tpu.enqueue_dma source(%dma_start3A_275 : memref<16x128xf32, #tpu.memory_space<hbm>>) target(%dma_start3A_273 : memref<16x128xf32, #tpu.memory_space<vmem>>) target_semaphore(%arg17 : memref<!tpu.dma_semaphore, #tpu.memory_space<semaphore_mem>>)
        %mul3A_276 = arith.constant 512 : i32
        %mul3A_277 = arith.muli %add3A, %mul3A_276 : i32
        %mul3A_278 = arith.constant 16 : i32
        %mul3A_279 = arith.muli %add3A_237, %mul3A_278 : i32
        %add3A_280 = arith.addi %mul3A_277, %mul3A_279 : i32
        %dma_start3A_281 = arith.constant 1 : i32
        %dma_start3A_282 = arith.constant 0 : i32
        %dma_start3A_283 = arith.constant 0 : i32
        %dma_start3A_284 = tpu.memref_slice %arg14[%dma_start3A_281, %dma_start3A_282, %dma_start3A_283] : memref<8x16x128xf32, #tpu.memory_space<vmem>> -> memref<1x16x128xf32, #tpu.memory_space<vmem>>
        %dma_start3A_285 = tpu.memref_squeeze %dma_start3A_284 : memref<1x16x128xf32, #tpu.memory_space<vmem>> -> memref<16x128xf32, #tpu.memory_space<vmem>>
        %dma_start3A_286 = arith.constant 0 : i32
        %dma_start3A_287 = tpu.memref_slice %arg5[%add3A_280, %dma_start3A_286] : memref<16384x128xf32, #tpu.memory_space<hbm>> -> memref<16x128xf32, #tpu.memory_space<hbm>>
        %dma_start3A_288 = arith.constant 0 : i32
        %dma_start3A_289 = arith.constant 0 : i32
        %dma_start3A_290 = tpu.memref_slice %arg14[%dma_start3A_281, %dma_start3A_288, %dma_start3A_289] : memref<8x16x128xf32, #tpu.memory_space<vmem>> -> memref<1x16x128xf32, #tpu.memory_space<vmem>>
        %dma_start3A_291 = tpu.memref_squeeze %dma_start3A_290 : memref<1x16x128xf32, #tpu.memory_space<vmem>> -> memref<16x128xf32, #tpu.memory_space<vmem>>
        %dma_start3A_292 = arith.constant 0 : i32
        %dma_start3A_293 = tpu.memref_slice %arg5[%add3A_280, %dma_start3A_292] : memref<16384x128xf32, #tpu.memory_space<hbm>> -> memref<16x128xf32, #tpu.memory_space<hbm>>
        tpu.enqueue_dma source(%dma_start3A_293 : memref<16x128xf32, #tpu.memory_space<hbm>>) target(%dma_start3A_291 : memref<16x128xf32, #tpu.memory_space<vmem>>) target_semaphore(%arg17 : memref<!tpu.dma_semaphore, #tpu.memory_space<semaphore_mem>>)
        %mul3A_294 = arith.constant 512 : i32
        %mul3A_295 = arith.muli %add3A, %mul3A_294 : i32
        %mul3A_296 = arith.constant 16 : i32
        %mul3A_297 = arith.muli %add3A_237, %mul3A_296 : i32
        %add3A_298 = arith.addi %mul3A_295, %mul3A_297 : i32
        %dma_start3A_299 = arith.constant 2 : i32
        %dma_start3A_300 = arith.constant 0 : i32
        %dma_start3A_301 = arith.constant 0 : i32
        %dma_start3A_302 = tpu.memref_slice %arg14[%dma_start3A_299, %dma_start3A_300, %dma_start3A_301] : memref<8x16x128xf32, #tpu.memory_space<vmem>> -> memref<1x16x128xf32, #tpu.memory_space<vmem>>
        %dma_start3A_303 = tpu.memref_squeeze %dma_start3A_302 : memref<1x16x128xf32, #tpu.memory_space<vmem>> -> memref<16x128xf32, #tpu.memory_space<vmem>>
        %dma_start3A_304 = arith.constant 0 : i32
        %dma_start3A_305 = tpu.memref_slice %arg6[%add3A_298, %dma_start3A_304] : memref<16384x128xf32, #tpu.memory_space<hbm>> -> memref<16x128xf32, #tpu.memory_space<hbm>>
        %dma_start3A_306 = arith.constant 0 : i32
        %dma_start3A_307 = arith.constant 0 : i32
        %dma_start3A_308 = tpu.memref_slice %arg14[%dma_start3A_299, %dma_start3A_306, %dma_start3A_307] : memref<8x16x128xf32, #tpu.memory_space<vmem>> -> memref<1x16x128xf32, #tpu.memory_space<vmem>>
        %dma_start3A_309 = tpu.memref_squeeze %dma_start3A_308 : memref<1x16x128xf32, #tpu.memory_space<vmem>> -> memref<16x128xf32, #tpu.memory_space<vmem>>
        %dma_start3A_310 = arith.constant 0 : i32
        %dma_start3A_311 = tpu.memref_slice %arg6[%add3A_298, %dma_start3A_310] : memref<16384x128xf32, #tpu.memory_space<hbm>> -> memref<16x128xf32, #tpu.memory_space<hbm>>
        tpu.enqueue_dma source(%dma_start3A_311 : memref<16x128xf32, #tpu.memory_space<hbm>>) target(%dma_start3A_309 : memref<16x128xf32, #tpu.memory_space<vmem>>) target_semaphore(%arg17 : memref<!tpu.dma_semaphore, #tpu.memory_space<semaphore_mem>>)
        %mul3A_312 = arith.constant 512 : i32
        %mul3A_313 = arith.muli %add3A, %mul3A_312 : i32
        %mul3A_314 = arith.constant 16 : i32
        %mul3A_315 = arith.muli %add3A_237, %mul3A_314 : i32
        %add3A_316 = arith.addi %mul3A_313, %mul3A_315 : i32
        %dma_start3A_317 = arith.constant 3 : i32
        %dma_start3A_318 = arith.constant 0 : i32
        %dma_start3A_319 = arith.constant 0 : i32
        %dma_start3A_320 = tpu.memref_slice %arg14[%dma_start3A_317, %dma_start3A_318, %dma_start3A_319] : memref<8x16x128xf32, #tpu.memory_space<vmem>> -> memref<1x16x128xf32, #tpu.memory_space<vmem>>
        %dma_start3A_321 = tpu.memref_squeeze %dma_start3A_320 : memref<1x16x128xf32, #tpu.memory_space<vmem>> -> memref<16x128xf32, #tpu.memory_space<vmem>>
        %dma_start3A_322 = arith.constant 0 : i32
        %dma_start3A_323 = tpu.memref_slice %arg7[%add3A_316, %dma_start3A_322] : memref<16384x128xf32, #tpu.memory_space<hbm>> -> memref<16x128xf32, #tpu.memory_space<hbm>>
        %dma_start3A_324 = arith.constant 0 : i32
        %dma_start3A_325 = arith.constant 0 : i32
        %dma_start3A_326 = tpu.memref_slice %arg14[%dma_start3A_317, %dma_start3A_324, %dma_start3A_325] : memref<8x16x128xf32, #tpu.memory_space<vmem>> -> memref<1x16x128xf32, #tpu.memory_space<vmem>>
        %dma_start3A_327 = tpu.memref_squeeze %dma_start3A_326 : memref<1x16x128xf32, #tpu.memory_space<vmem>> -> memref<16x128xf32, #tpu.memory_space<vmem>>
        %dma_start3A_328 = arith.constant 0 : i32
        %dma_start3A_329 = tpu.memref_slice %arg7[%add3A_316, %dma_start3A_328] : memref<16384x128xf32, #tpu.memory_space<hbm>> -> memref<16x128xf32, #tpu.memory_space<hbm>>
        tpu.enqueue_dma source(%dma_start3A_329 : memref<16x128xf32, #tpu.memory_space<hbm>>) target(%dma_start3A_327 : memref<16x128xf32, #tpu.memory_space<vmem>>) target_semaphore(%arg17 : memref<!tpu.dma_semaphore, #tpu.memory_space<semaphore_mem>>)
      } else {
      }
      %lt3A_228 = arith.constant 30 : i32
      %lt3A_229 = arith.cmpi slt, %add3A_207, %lt3A_228 : i32
      %eq3A_230 = arith.constant 1 : i32
      %eq3A_231 = arith.cmpi eq, %and3A_208, %eq3A_230 : i32
      %and3A_232 = arith.andi %lt3A_229, %eq3A_231 : i1
      %convert_element_type3A_233 = arith.extui %and3A_232 : i1 to i32
      %cond3A_234 = arith.constant 0 : i32
      %cond3A_235 = arith.cmpi ne, %convert_element_type3A_233, %cond3A_234 : i32
      scf.if %cond3A_235 {
        %add3A_236 = arith.constant 2 : i32
        %add3A_237 = arith.addi %add3A_207, %add3A_236 : i32
        %dma_start3A_238 = arith.constant 0 : i32
        %dma_start3A_239 = arith.constant 128 : i32
        %dma_start3A_240 = arith.constant 0 : i32
        %dma_start3A_241 = tpu.memref_slice %arg12[%dma_start3A_239, %dma_start3A_240] : memref<256x64xf32, #tpu.memory_space<vmem>> -> memref<128x64xf32, #tpu.memory_space<vmem>>
        %dma_start3A_242 = arith.constant 0 : i32
        %dma_start3A_243 = tpu.memref_slice %arg11[%add3A_237, %dma_start3A_238, %dma_start3A_242] : memref<32x2x128xi32, #tpu.memory_space<vmem>> -> memref<1x1x128xi32, #tpu.memory_space<vmem>>
        %dma_start3A_244 = tpu.memref_squeeze %dma_start3A_243 : memref<1x1x128xi32, #tpu.memory_space<vmem>> -> memref<128xi32, #tpu.memory_space<vmem>>
        %dma_start3A_245 = arith.constant 0 : i32
        %dma_start3A_246 = arith.constant 0 : i32
        %dma_start3A_247 = tpu.memref_slice %arg2[%dma_start3A_245, %dma_start3A_246] : memref<1024x64xf32, #tpu.memory_space<hbm>> -> memref<1024x64xf32, #tpu.memory_space<hbm>>
        tpu.enqueue_indirect_dma source(%dma_start3A_247 : memref<1024x64xf32, #tpu.memory_space<hbm>>) target(%dma_start3A_241 : memref<128x64xf32, #tpu.memory_space<vmem>>) offsets(%dma_start3A_244 : memref<128xi32, #tpu.memory_space<vmem>>) semaphore(%arg18 : memref<!tpu.dma_semaphore, #tpu.memory_space<semaphore_mem>>)
        %dma_start3A_248 = arith.constant 1 : i32
        %dma_start3A_249 = arith.constant 128 : i32
        %dma_start3A_250 = arith.constant 0 : i32
        %dma_start3A_251 = tpu.memref_slice %arg13[%dma_start3A_249, %dma_start3A_250] : memref<256x64xf32, #tpu.memory_space<vmem>> -> memref<128x64xf32, #tpu.memory_space<vmem>>
        %dma_start3A_252 = arith.constant 0 : i32
        %dma_start3A_253 = tpu.memref_slice %arg11[%add3A_237, %dma_start3A_248, %dma_start3A_252] : memref<32x2x128xi32, #tpu.memory_space<vmem>> -> memref<1x1x128xi32, #tpu.memory_space<vmem>>
        %dma_start3A_254 = tpu.memref_squeeze %dma_start3A_253 : memref<1x1x128xi32, #tpu.memory_space<vmem>> -> memref<128xi32, #tpu.memory_space<vmem>>
        %dma_start3A_255 = arith.constant 0 : i32
        %dma_start3A_256 = arith.constant 0 : i32
        %dma_start3A_257 = tpu.memref_slice %arg3[%dma_start3A_255, %dma_start3A_256] : memref<1024x64xf32, #tpu.memory_space<hbm>> -> memref<1024x64xf32, #tpu.memory_space<hbm>>
        tpu.enqueue_indirect_dma source(%dma_start3A_257 : memref<1024x64xf32, #tpu.memory_space<hbm>>) target(%dma_start3A_251 : memref<128x64xf32, #tpu.memory_space<vmem>>) offsets(%dma_start3A_254 : memref<128xi32, #tpu.memory_space<vmem>>) semaphore(%arg18 : memref<!tpu.dma_semaphore, #tpu.memory_space<semaphore_mem>>)
        %mul3A_258 = arith.constant 512 : i32
        %mul3A_259 = arith.muli %add3A, %mul3A_258 : i32
        %mul3A_260 = arith.constant 16 : i32
        %mul3A_261 = arith.muli %add3A_237, %mul3A_260 : i32
        %add3A_262 = arith.addi %mul3A_259, %mul3A_261 : i32
        %dma_start3A_263 = arith.constant 4 : i32
        %dma_start3A_264 = arith.constant 0 : i32
        %dma_start3A_265 = arith.constant 0 : i32
        %dma_start3A_266 = tpu.memref_slice %arg14[%dma_start3A_263, %dma_start3A_264, %dma_start3A_265] : memref<8x16x128xf32, #tpu.memory_space<vmem>> -> memref<1x16x128xf32, #tpu.memory_space<vmem>>
        %dma_start3A_267 = tpu.memref_squeeze %dma_start3A_266 : memref<1x16x128xf32, #tpu.memory_space<vmem>> -> memref<16x128xf32, #tpu.memory_space<vmem>>
        %dma_start3A_268 = arith.constant 0 : i32
        %dma_start3A_269 = tpu.memref_slice %arg4[%add3A_262, %dma_start3A_268] : memref<16384x128xf32, #tpu.memory_space<hbm>> -> memref<16x128xf32, #tpu.memory_space<hbm>>
        %dma_start3A_270 = arith.constant 0 : i32
        %dma_start3A_271 = arith.constant 0 : i32
        %dma_start3A_272 = tpu.memref_slice %arg14[%dma_start3A_263, %dma_start3A_270, %dma_start3A_271] : memref<8x16x128xf32, #tpu.memory_space<vmem>> -> memref<1x16x128xf32, #tpu.memory_space<vmem>>
        %dma_start3A_273 = tpu.memref_squeeze %dma_start3A_272 : memref<1x16x128xf32, #tpu.memory_space<vmem>> -> memref<16x128xf32, #tpu.memory_space<vmem>>
        %dma_start3A_274 = arith.constant 0 : i32
        %dma_start3A_275 = tpu.memref_slice %arg4[%add3A_262, %dma_start3A_274] : memref<16384x128xf32, #tpu.memory_space<hbm>> -> memref<16x128xf32, #tpu.memory_space<hbm>>
        tpu.enqueue_dma source(%dma_start3A_275 : memref<16x128xf32, #tpu.memory_space<hbm>>) target(%dma_start3A_273 : memref<16x128xf32, #tpu.memory_space<vmem>>) target_semaphore(%arg18 : memref<!tpu.dma_semaphore, #tpu.memory_space<semaphore_mem>>)
        %mul3A_276 = arith.constant 512 : i32
        %mul3A_277 = arith.muli %add3A, %mul3A_276 : i32
        %mul3A_278 = arith.constant 16 : i32
        %mul3A_279 = arith.muli %add3A_237, %mul3A_278 : i32
        %add3A_280 = arith.addi %mul3A_277, %mul3A_279 : i32
        %dma_start3A_281 = arith.constant 5 : i32
        %dma_start3A_282 = arith.constant 0 : i32
        %dma_start3A_283 = arith.constant 0 : i32
        %dma_start3A_284 = tpu.memref_slice %arg14[%dma_start3A_281, %dma_start3A_282, %dma_start3A_283] : memref<8x16x128xf32, #tpu.memory_space<vmem>> -> memref<1x16x128xf32, #tpu.memory_space<vmem>>
        %dma_start3A_285 = tpu.memref_squeeze %dma_start3A_284 : memref<1x16x128xf32, #tpu.memory_space<vmem>> -> memref<16x128xf32, #tpu.memory_space<vmem>>
        %dma_start3A_286 = arith.constant 0 : i32
        %dma_start3A_287 = tpu.memref_slice %arg5[%add3A_280, %dma_start3A_286] : memref<16384x128xf32, #tpu.memory_space<hbm>> -> memref<16x128xf32, #tpu.memory_space<hbm>>
        %dma_start3A_288 = arith.constant 0 : i32
        %dma_start3A_289 = arith.constant 0 : i32
        %dma_start3A_290 = tpu.memref_slice %arg14[%dma_start3A_281, %dma_start3A_288, %dma_start3A_289] : memref<8x16x128xf32, #tpu.memory_space<vmem>> -> memref<1x16x128xf32, #tpu.memory_space<vmem>>
        %dma_start3A_291 = tpu.memref_squeeze %dma_start3A_290 : memref<1x16x128xf32, #tpu.memory_space<vmem>> -> memref<16x128xf32, #tpu.memory_space<vmem>>
        %dma_start3A_292 = arith.constant 0 : i32
        %dma_start3A_293 = tpu.memref_slice %arg5[%add3A_280, %dma_start3A_292] : memref<16384x128xf32, #tpu.memory_space<hbm>> -> memref<16x128xf32, #tpu.memory_space<hbm>>
        tpu.enqueue_dma source(%dma_start3A_293 : memref<16x128xf32, #tpu.memory_space<hbm>>) target(%dma_start3A_291 : memref<16x128xf32, #tpu.memory_space<vmem>>) target_semaphore(%arg18 : memref<!tpu.dma_semaphore, #tpu.memory_space<semaphore_mem>>)
        %mul3A_294 = arith.constant 512 : i32
        %mul3A_295 = arith.muli %add3A, %mul3A_294 : i32
        %mul3A_296 = arith.constant 16 : i32
        %mul3A_297 = arith.muli %add3A_237, %mul3A_296 : i32
        %add3A_298 = arith.addi %mul3A_295, %mul3A_297 : i32
        %dma_start3A_299 = arith.constant 6 : i32
        %dma_start3A_300 = arith.constant 0 : i32
        %dma_start3A_301 = arith.constant 0 : i32
        %dma_start3A_302 = tpu.memref_slice %arg14[%dma_start3A_299, %dma_start3A_300, %dma_start3A_301] : memref<8x16x128xf32, #tpu.memory_space<vmem>> -> memref<1x16x128xf32, #tpu.memory_space<vmem>>
        %dma_start3A_303 = tpu.memref_squeeze %dma_start3A_302 : memref<1x16x128xf32, #tpu.memory_space<vmem>> -> memref<16x128xf32, #tpu.memory_space<vmem>>
        %dma_start3A_304 = arith.constant 0 : i32
        %dma_start3A_305 = tpu.memref_slice %arg6[%add3A_298, %dma_start3A_304] : memref<16384x128xf32, #tpu.memory_space<hbm>> -> memref<16x128xf32, #tpu.memory_space<hbm>>
        %dma_start3A_306 = arith.constant 0 : i32
        %dma_start3A_307 = arith.constant 0 : i32
        %dma_start3A_308 = tpu.memref_slice %arg14[%dma_start3A_299, %dma_start3A_306, %dma_start3A_307] : memref<8x16x128xf32, #tpu.memory_space<vmem>> -> memref<1x16x128xf32, #tpu.memory_space<vmem>>
        %dma_start3A_309 = tpu.memref_squeeze %dma_start3A_308 : memref<1x16x128xf32, #tpu.memory_space<vmem>> -> memref<16x128xf32, #tpu.memory_space<vmem>>
        %dma_start3A_310 = arith.constant 0 : i32
        %dma_start3A_311 = tpu.memref_slice %arg6[%add3A_298, %dma_start3A_310] : memref<16384x128xf32, #tpu.memory_space<hbm>> -> memref<16x128xf32, #tpu.memory_space<hbm>>
        tpu.enqueue_dma source(%dma_start3A_311 : memref<16x128xf32, #tpu.memory_space<hbm>>) target(%dma_start3A_309 : memref<16x128xf32, #tpu.memory_space<vmem>>) target_semaphore(%arg18 : memref<!tpu.dma_semaphore, #tpu.memory_space<semaphore_mem>>)
        %mul3A_312 = arith.constant 512 : i32
        %mul3A_313 = arith.muli %add3A, %mul3A_312 : i32
        %mul3A_314 = arith.constant 16 : i32
        %mul3A_315 = arith.muli %add3A_237, %mul3A_314 : i32
        %add3A_316 = arith.addi %mul3A_313, %mul3A_315 : i32
        %dma_start3A_317 = arith.constant 7 : i32
        %dma_start3A_318 = arith.constant 0 : i32
        %dma_start3A_319 = arith.constant 0 : i32
        %dma_start3A_320 = tpu.memref_slice %arg14[%dma_start3A_317, %dma_start3A_318, %dma_start3A_319] : memref<8x16x128xf32, #tpu.memory_space<vmem>> -> memref<1x16x128xf32, #tpu.memory_space<vmem>>
        %dma_start3A_321 = tpu.memref_squeeze %dma_start3A_320 : memref<1x16x128xf32, #tpu.memory_space<vmem>> -> memref<16x128xf32, #tpu.memory_space<vmem>>
        %dma_start3A_322 = arith.constant 0 : i32
        %dma_start3A_323 = tpu.memref_slice %arg7[%add3A_316, %dma_start3A_322] : memref<16384x128xf32, #tpu.memory_space<hbm>> -> memref<16x128xf32, #tpu.memory_space<hbm>>
        %dma_start3A_324 = arith.constant 0 : i32
        %dma_start3A_325 = arith.constant 0 : i32
        %dma_start3A_326 = tpu.memref_slice %arg14[%dma_start3A_317, %dma_start3A_324, %dma_start3A_325] : memref<8x16x128xf32, #tpu.memory_space<vmem>> -> memref<1x16x128xf32, #tpu.memory_space<vmem>>
        %dma_start3A_327 = tpu.memref_squeeze %dma_start3A_326 : memref<1x16x128xf32, #tpu.memory_space<vmem>> -> memref<16x128xf32, #tpu.memory_space<vmem>>
        %dma_start3A_328 = arith.constant 0 : i32
        %dma_start3A_329 = tpu.memref_slice %arg7[%add3A_316, %dma_start3A_328] : memref<16384x128xf32, #tpu.memory_space<hbm>> -> memref<16x128xf32, #tpu.memory_space<hbm>>
        tpu.enqueue_dma source(%dma_start3A_329 : memref<16x128xf32, #tpu.memory_space<hbm>>) target(%dma_start3A_327 : memref<16x128xf32, #tpu.memory_space<vmem>>) target_semaphore(%arg18 : memref<!tpu.dma_semaphore, #tpu.memory_space<semaphore_mem>>)
      } else {
      }
    }
    %scan3A_200 = arith.constant 32 : i32
    %mul3A_201 = arith.constant 512 : i32
    %mul3A_202 = arith.muli %add3A, %mul3A_201 : i32
    "tpu.region"() ({
      %run_scoped3A = tpu.sem_alloc : memref<!tpu.dma_semaphore, #tpu.memory_space<semaphore_mem>>
      %dma_start3A_203 = arith.constant 0 : i32
      %dma_start3A_204 = tpu.memref_slice %arg9[%mul3A_202, %dma_start3A_203] : memref<16384x128xf32, #tpu.memory_space<hbm>> -> memref<512x128xf32, #tpu.memory_space<hbm>>
      %dma_start3A_205 = arith.constant 0 : i32
      %dma_start3A_206 = tpu.memref_slice %arg9[%mul3A_202, %dma_start3A_205] : memref<16384x128xf32, #tpu.memory_space<hbm>> -> memref<512x128xf32, #tpu.memory_space<hbm>>
      tpu.enqueue_dma source(%arg15 : memref<512x128xf32, #tpu.memory_space<vmem>>) target(%dma_start3A_206 : memref<512x128xf32, #tpu.memory_space<hbm>>) target_semaphore(%run_scoped3A : memref<!tpu.dma_semaphore, #tpu.memory_space<semaphore_mem>>)
      %dma_wait3A = arith.constant 0 : i32
      %dma_wait3A_207 = tpu.memref_slice %arg9[%mul3A_202, %dma_wait3A] : memref<16384x128xf32, #tpu.memory_space<hbm>> -> memref<512x128xf32, #tpu.memory_space<hbm>>
      %dma_wait3A_208 = arith.constant 0 : i32
      %dma_wait3A_209 = tpu.memref_slice %arg9[%mul3A_202, %dma_wait3A_208] : memref<16384x128xf32, #tpu.memory_space<hbm>> -> memref<512x128xf32, #tpu.memory_space<hbm>>
      tpu.wait_dma2 semaphore(%run_scoped3A : memref<!tpu.dma_semaphore, #tpu.memory_space<semaphore_mem>>) src(%arg15 : memref<512x128xf32, #tpu.memory_space<vmem>>) dst(%dma_wait3A_209 : memref<512x128xf32, #tpu.memory_space<hbm>>)
      tpu.yield
    }) : () -> ()
    "tpu.region"() ({
      %run_scoped3A = tpu.sem_alloc : memref<!tpu.dma_semaphore, #tpu.memory_space<semaphore_mem>>
      %dma_start3A_203 = arith.constant 0 : i32
      %dma_start3A_204 = tpu.memref_slice %arg10[%add3A, %dma_start3A_203] : memref<32x1024xf32, #tpu.memory_space<hbm>> -> memref<1x1024xf32, #tpu.memory_space<hbm>>
      %dma_start3A_205 = tpu.memref_squeeze %dma_start3A_204 : memref<1x1024xf32, #tpu.memory_space<hbm>> -> memref<1024xf32, #tpu.memory_space<hbm>>
      %dma_start3A_206 = arith.constant 0 : i32
      %dma_start3A_207 = tpu.memref_slice %arg10[%add3A, %dma_start3A_206] : memref<32x1024xf32, #tpu.memory_space<hbm>> -> memref<1x1024xf32, #tpu.memory_space<hbm>>
      %dma_start3A_208 = tpu.memref_squeeze %dma_start3A_207 : memref<1x1024xf32, #tpu.memory_space<hbm>> -> memref<1024xf32, #tpu.memory_space<hbm>>
      tpu.enqueue_dma source(%arg16 : memref<1024xf32, #tpu.memory_space<vmem>>) target(%dma_start3A_208 : memref<1024xf32, #tpu.memory_space<hbm>>) target_semaphore(%run_scoped3A : memref<!tpu.dma_semaphore, #tpu.memory_space<semaphore_mem>>)
      %dma_wait3A = arith.constant 0 : i32
      %dma_wait3A_209 = tpu.memref_slice %arg10[%add3A, %dma_wait3A] : memref<32x1024xf32, #tpu.memory_space<hbm>> -> memref<1x1024xf32, #tpu.memory_space<hbm>>
      %dma_wait3A_210 = tpu.memref_squeeze %dma_wait3A_209 : memref<1x1024xf32, #tpu.memory_space<hbm>> -> memref<1024xf32, #tpu.memory_space<hbm>>
      %dma_wait3A_211 = arith.constant 0 : i32
      %dma_wait3A_212 = tpu.memref_slice %arg10[%add3A, %dma_wait3A_211] : memref<32x1024xf32, #tpu.memory_space<hbm>> -> memref<1x1024xf32, #tpu.memory_space<hbm>>
      %dma_wait3A_213 = tpu.memref_squeeze %dma_wait3A_212 : memref<1x1024xf32, #tpu.memory_space<hbm>> -> memref<1024xf32, #tpu.memory_space<hbm>>
      tpu.wait_dma2 semaphore(%run_scoped3A : memref<!tpu.dma_semaphore, #tpu.memory_space<semaphore_mem>>) src(%arg16 : memref<1024xf32, #tpu.memory_space<vmem>>) dst(%dma_wait3A_213 : memref<1024xf32, #tpu.memory_space<hbm>>)
      tpu.yield
    }) : () -> ()
    return
  }
}

module attributes {stable_mosaic.version = 14 : i64} {
  func.func @_prep_body(%arg0: memref<1024x128xf32, #tpu.memory_space<vmem>>, %arg1: memref<272x64xf32, #tpu.memory_space<vmem>>, %arg2: memref<1x64xf32, #tpu.memory_space<vmem>>, %arg3: memref<1024x64xf32, #tpu.memory_space<vmem>>, %arg4: memref<1024x64xf32, #tpu.memory_space<vmem>>) attributes {dimension_semantics = [], scalar_prefetch = 0 : i64, scratch_operands = 0 : i64, tpu.core_type = #tpu.core_type<tc>} {
    %get3A = arith.constant 0 : index
    %get3A_0 = arith.constant 0 : index
    %get3A_1 = vector.load %arg0[%get3A, %get3A_0] : memref<1024x128xf32, #tpu.memory_space<vmem>>, vector<1024x128xf32>
    %get3A_2 = arith.constant 0 : index
    %get3A_3 = arith.constant 0 : index
    %get3A_4 = vector.load %arg1[%get3A_2, %get3A_3] : memref<272x64xf32, #tpu.memory_space<vmem>>, vector<128x64xf32>
    %dot_general3A = arith.constant dense<0.000000e+00> : vector<1024x64xf32>
    %dot_general3A_5 = tpu.matmul %get3A_1, %get3A_4, %dot_general3A {dimension_numbers = #tpu.dot_dimension_numbers<[1], [0], [0], [1], [0, 0, 1, 1], [], []>, transpose_lhs_hint = false} : vector<1024x128xf32>, vector<128x64xf32>, vector<1024x64xf32> -> vector<1024x64xf32>
    %get3A_6 = arith.constant 0 : index
    %get3A_7 = arith.constant 0 : index
    %get3A_8 = vector.load %arg2[%get3A_6, %get3A_7] : memref<1x64xf32, #tpu.memory_space<vmem>>, vector<1x64xf32>
    %add3A = vector.broadcast %get3A_8 : vector<1x64xf32> to vector<1024x64xf32>
    %add3A_9 = arith.addf %dot_general3A_5, %add3A : vector<1024x64xf32>
    %swap3A = arith.constant 0 : index
    %swap3A_10 = arith.constant 0 : index
    %swap3A_11 = vector.load %arg3[%swap3A, %swap3A_10] : memref<1024x64xf32, #tpu.memory_space<vmem>>, vector<1024x64xf32>
    tpu.vector_store %arg3[%swap3A, %swap3A_10], %add3A_9 {strides = array<i32>} : memref<1024x64xf32, #tpu.memory_space<vmem>>, vector<1024x64xf32>,
    %get3A_12 = arith.constant 128 : index
    %get3A_13 = arith.constant 0 : index
    %get3A_14 = vector.load %arg1[%get3A_12, %get3A_13] : memref<272x64xf32, #tpu.memory_space<vmem>>, vector<128x64xf32>
    %dot_general3A_15 = arith.constant dense<0.000000e+00> : vector<1024x64xf32>
    %dot_general3A_16 = tpu.matmul %get3A_1, %get3A_14, %dot_general3A_15 {dimension_numbers = #tpu.dot_dimension_numbers<[1], [0], [0], [1], [0, 0, 1, 1], [], []>, transpose_lhs_hint = false} : vector<1024x128xf32>, vector<128x64xf32>, vector<1024x64xf32> -> vector<1024x64xf32>
    %swap3A_17 = arith.constant 0 : index
    %swap3A_18 = arith.constant 0 : index
    %swap3A_19 = vector.load %arg4[%swap3A_17, %swap3A_18] : memref<1024x64xf32, #tpu.memory_space<vmem>>, vector<1024x64xf32>
    tpu.vector_store %arg4[%swap3A_17, %swap3A_18], %dot_general3A_16 {strides = array<i32>} : memref<1024x64xf32, #tpu.memory_space<vmem>>, vector<1024x64xf32>,
    return
  }
}

module attributes {stable_mosaic.version = 14 : i64} {
  func.func @_bbmat_body(%arg0: i32, %arg1: memref<1024x128xf32, #tpu.memory_space<vmem>>, %arg2: memref<16x64xf32, #tpu.memory_space<vmem>>, %arg3: memref<1024x128xf32, #tpu.memory_space<vmem>>, %arg4: memref<1024x128xf32, #tpu.memory_space<vmem>>, %arg5: memref<1024x128xf32, #tpu.memory_space<vmem>>, %arg6: memref<1024x128xf32, #tpu.memory_space<vmem>>) attributes {dimension_semantics = [#tpu.dimension_semantics<arbitrary>], iteration_bounds = array<i64: 16>, scalar_prefetch = 0 : i64, scratch_operands = 0 : i64, tpu.core_type = #tpu.core_type<tc>, window_params = [{transform_indices = @transform_0, window_bounds = array<i64: 1024, 128>}, {pipeline_mode = #tpu.pipeline_mode<synchronous>, transform_indices = @transform_1, window_bounds = array<i64: 16, 64>}, {transform_indices = @transform_2, window_bounds = array<i64: 1024, 128>}, {transform_indices = @transform_3, window_bounds = array<i64: 1024, 128>}, {transform_indices = @transform_4, window_bounds = array<i64: 1024, 128>}, {transform_indices = @transform_5, window_bounds = array<i64: 1024, 128>}]} {
    %get3A = arith.constant 0 : index
    %get3A_0 = arith.constant 0 : index
    %get3A_1 = vector.load %arg2[%get3A, %get3A_0] : memref<16x64xf32, #tpu.memory_space<vmem>>, vector<16x64xf32>
    %broadcast_in_dim3A = arith.constant 0.000000e+00 : f32
    %broadcast_in_dim3A_2 = vector.broadcast %broadcast_in_dim3A : f32 to vector<16x64xf32>
    %concatenate3A = tpu.concatenate %get3A_1, %broadcast_in_dim3A_2 in 1 : vector<16x64xf32>, vector<16x64xf32> -> vector<16x128xf32>
    %concatenate3A_3 = tpu.concatenate %broadcast_in_dim3A_2, %get3A_1 in 1 : vector<16x64xf32>, vector<16x64xf32> -> vector<16x128xf32>
    %concatenate3A_4 = tpu.concatenate %concatenate3A, %concatenate3A_3 in 0 : vector<16x128xf32>, vector<16x128xf32> -> vector<32x128xf32>
    %get3A_5 = arith.constant 0 : index
    %get3A_6 = arith.constant 0 : index
    %get3A_7 = vector.load %arg1[%get3A_5, %get3A_6] : memref<1024x128xf32, #tpu.memory_space<vmem>>, vector<1024x128xf32>
    %slice3A = vector.extract_strided_slice %get3A_7 {offsets = [0, 0], sizes = [1024, 32], strides = [1, 1]} : vector<1024x128xf32> to vector<1024x32xf32>
    %dot_general3A = arith.constant dense<0.000000e+00> : vector<1024x128xf32>
    %dot_general3A_8 = tpu.matmul %slice3A, %concatenate3A_4, %dot_general3A {dimension_numbers = #tpu.dot_dimension_numbers<[1], [0], [0], [1], [0, 0, 1, 1], [], []>, transpose_lhs_hint = false} : vector<1024x32xf32>, vector<32x128xf32>, vector<1024x128xf32> -> vector<1024x128xf32>
    %swap3A = arith.constant 0 : index
    %swap3A_9 = arith.constant 0 : index
    %swap3A_10 = vector.load %arg3[%swap3A, %swap3A_9] : memref<1024x128xf32, #tpu.memory_space<vmem>>, vector<1024x128xf32>
    tpu.vector_store %arg3[%swap3A, %swap3A_9], %dot_general3A_8 {strides = array<i32>} : memref<1024x128xf32, #tpu.memory_space<vmem>>, vector<1024x128xf32>,
    %slice3A_11 = vector.extract_strided_slice %get3A_7 {offsets = [0, 32], sizes = [1024, 32], strides = [1, 1]} : vector<1024x128xf32> to vector<1024x32xf32>
    %dot_general3A_12 = arith.constant dense<0.000000e+00> : vector<1024x128xf32>
    %dot_general3A_13 = tpu.matmul %slice3A_11, %concatenate3A_4, %dot_general3A_12 {dimension_numbers = #tpu.dot_dimension_numbers<[1], [0], [0], [1], [0, 0, 1, 1], [], []>, transpose_lhs_hint = false} : vector<1024x32xf32>, vector<32x128xf32>, vector<1024x128xf32> -> vector<1024x128xf32>
    %swap3A_14 = arith.constant 0 : index
    %swap3A_15 = arith.constant 0 : index
    %swap3A_16 = vector.load %arg4[%swap3A_14, %swap3A_15] : memref<1024x128xf32, #tpu.memory_space<vmem>>, vector<1024x128xf32>
    tpu.vector_store %arg4[%swap3A_14, %swap3A_15], %dot_general3A_13 {strides = array<i32>} : memref<1024x128xf32, #tpu.memory_space<vmem>>, vector<1024x128xf32>,
    %slice3A_17 = vector.extract_strided_slice %get3A_7 {offsets = [0, 64], sizes = [1024, 32], strides = [1, 1]} : vector<1024x128xf32> to vector<1024x32xf32>
    %dot_general3A_18 = arith.constant dense<0.000000e+00> : vector<1024x128xf32>
    %dot_general3A_19 = tpu.matmul %slice3A_17, %concatenate3A_4, %dot_general3A_18 {dimension_numbers = #tpu.dot_dimension_numbers<[1], [0], [0], [1], [0, 0, 1, 1], [], []>, transpose_lhs_hint = false} : vector<1024x32xf32>, vector<32x128xf32>, vector<1024x128xf32> -> vector<1024x128xf32>
    %swap3A_20 = arith.constant 0 : index
    %swap3A_21 = arith.constant 0 : index
    %swap3A_22 = vector.load %arg5[%swap3A_20, %swap3A_21] : memref<1024x128xf32, #tpu.memory_space<vmem>>, vector<1024x128xf32>
    tpu.vector_store %arg5[%swap3A_20, %swap3A_21], %dot_general3A_19 {strides = array<i32>} : memref<1024x128xf32, #tpu.memory_space<vmem>>, vector<1024x128xf32>,
    %slice3A_23 = vector.extract_strided_slice %get3A_7 {offsets = [0, 96], sizes = [1024, 32], strides = [1, 1]} : vector<1024x128xf32> to vector<1024x32xf32>
    %dot_general3A_24 = arith.constant dense<0.000000e+00> : vector<1024x128xf32>
    %dot_general3A_25 = tpu.matmul %slice3A_23, %concatenate3A_4, %dot_general3A_24 {dimension_numbers = #tpu.dot_dimension_numbers<[1], [0], [0], [1], [0, 0, 1, 1], [], []>, transpose_lhs_hint = false} : vector<1024x32xf32>, vector<32x128xf32>, vector<1024x128xf32> -> vector<1024x128xf32>
    %swap3A_26 = arith.constant 0 : index
    %swap3A_27 = arith.constant 0 : index
    %swap3A_28 = vector.load %arg6[%swap3A_26, %swap3A_27] : memref<1024x128xf32, #tpu.memory_space<vmem>>, vector<1024x128xf32>
    tpu.vector_store %arg6[%swap3A_26, %swap3A_27], %dot_general3A_25 {strides = array<i32>} : memref<1024x128xf32, #tpu.memory_space<vmem>>, vector<1024x128xf32>,
    return
  }
  func.func @transform_0(%arg0: i32) -> (i32, i32) {
    %c0_i32 = arith.constant 0 : i32
    %c0_i32_0 = arith.constant 0 : i32
    return %arg0, %c0_i32 : i32, i32
  }
  func.func @transform_1(%arg0: i32) -> (i32, i32) {
    %c0_i32 = arith.constant 0 : i32
    %c0_i32_0 = arith.constant 0 : i32
    %c0_i32_1 = arith.constant 0 : i32
    return %c0_i32, %c0_i32_0 : i32, i32
  }
  func.func @transform_2(%arg0: i32) -> (i32, i32) {
    %c0_i32 = arith.constant 0 : i32
    %c0_i32_0 = arith.constant 0 : i32
    return %arg0, %c0_i32 : i32, i32
  }
  func.func @transform_3(%arg0: i32) -> (i32, i32) {
    %c0_i32 = arith.constant 0 : i32
    %c0_i32_0 = arith.constant 0 : i32
    return %arg0, %c0_i32 : i32, i32
  }
  func.func @transform_4(%arg0: i32) -> (i32, i32) {
    %c0_i32 = arith.constant 0 : i32
    %c0_i32_0 = arith.constant 0 : i32
    return %arg0, %c0_i32 : i32, i32
  }
  func.func @transform_5(%arg0: i32) -> (i32, i32) {
    %c0_i32 = arith.constant 0 : i32
    %c0_i32_0 = arith.constant 0 : i32
    return %arg0, %c0_i32 : i32, i32
  }
}

module attributes {stable_mosaic.version = 14 : i64} {
  func.func @_bbcopy_body(%arg0: i32, %arg1: memref<8192x128xf32, #tpu.memory_space<vmem>>, %arg2: memref<8x128xf32, #tpu.memory_space<vmem>>, %arg3: memref<8192x128xf32, #tpu.memory_space<vmem>>, %arg4: memref<8x128xf32, #tpu.memory_space<vmem>>) attributes {dimension_semantics = [#tpu.dimension_semantics<arbitrary>], iteration_bounds = array<i64: 16>, scalar_prefetch = 0 : i64, scratch_operands = 0 : i64, tpu.core_type = #tpu.core_type<tc>, window_params = [{transform_indices = @transform_0, window_bounds = array<i64: 8192, 128>}, {pipeline_mode = #tpu.pipeline_mode<synchronous>, transform_indices = @transform_1, window_bounds = array<i64: 8, 128>}, {transform_indices = @transform_2, window_bounds = array<i64: 8192, 128>}, {pipeline_mode = #tpu.pipeline_mode<synchronous>, transform_indices = @transform_3, window_bounds = array<i64: 8, 128>}]} {
    %get3A = arith.constant 0 : index
    %get3A_0 = arith.constant 0 : index
    %get3A_1 = vector.load %arg1[%get3A, %get3A_0] : memref<8192x128xf32, #tpu.memory_space<vmem>>, vector<8192x128xf32>
    %swap3A = arith.constant 0 : index
    %swap3A_2 = arith.constant 0 : index
    %swap3A_3 = vector.load %arg3[%swap3A, %swap3A_2] : memref<8192x128xf32, #tpu.memory_space<vmem>>, vector<8192x128xf32>
    tpu.vector_store %arg3[%swap3A, %swap3A_2], %get3A_1 {strides = array<i32>} : memref<8192x128xf32, #tpu.memory_space<vmem>>, vector<8192x128xf32>,
    %broadcast_in_dim3A = arith.constant 0.000000e+00 : f32
    %broadcast_in_dim3A_4 = vector.broadcast %broadcast_in_dim3A : f32 to vector<8x128xf32>
    %swap3A_5 = arith.constant 0 : index
    %swap3A_6 = arith.constant 0 : index
    %swap3A_7 = vector.load %arg4[%swap3A_5, %swap3A_6] : memref<8x128xf32, #tpu.memory_space<vmem>>, vector<8x128xf32>
    tpu.vector_store %arg4[%swap3A_5, %swap3A_6], %broadcast_in_dim3A_4 {strides = array<i32>} : memref<8x128xf32, #tpu.memory_space<vmem>>, vector<8x128xf32>,
    return
  }
  func.func @transform_0(%arg0: i32) -> (i32, i32) {
    %c0_i32 = arith.constant 0 : i32
    %c0_i32_0 = arith.constant 0 : i32
    return %arg0, %c0_i32 : i32, i32
  }
  func.func @transform_1(%arg0: i32) -> (i32, i32) {
    %c0_i32 = arith.constant 0 : i32
    %c0_i32_0 = arith.constant 0 : i32
    %c0_i32_1 = arith.constant 0 : i32
    return %c0_i32, %c0_i32_0 : i32, i32
  }
  func.func @transform_2(%arg0: i32) -> (i32, i32) {
    %c0_i32 = arith.constant 0 : i32
    %c0_i32_0 = arith.constant 0 : i32
    return %arg0, %c0_i32 : i32, i32
  }
  func.func @transform_3(%arg0: i32) -> (i32, i32) {
    %c0_i32 = arith.constant 0 : i32
    %c0_i32_0 = arith.constant 0 : i32
    %c0_i32_1 = arith.constant 0 : i32
    return %c0_i32, %c0_i32_0 : i32, i32
  }
}

module attributes {stable_mosaic.version = 14 : i64} {
  func.func @_post_body(%arg0: memref<1024x128xf32, #tpu.memory_space<vmem>>, %arg1: memref<16384x128xf32, #tpu.memory_space<vmem>>, %arg2: memref<32x1024xf32, #tpu.memory_space<vmem>>, %arg3: memref<64x128xf32, #tpu.memory_space<vmem>>, %arg4: memref<1x128xf32, #tpu.memory_space<vmem>>, %arg5: memref<8x128xf32, #tpu.memory_space<vmem>>, %arg6: memref<1024x128xf32, #tpu.memory_space<vmem>>) attributes {dimension_semantics = [], scalar_prefetch = 0 : i64, scratch_operands = 0 : i64, tpu.core_type = #tpu.core_type<tc>} {
    %get3A = arith.constant 0 : index
    %get3A_0 = arith.constant 0 : index
    %get3A_1 = vector.load %arg1[%get3A, %get3A_0] : memref<16384x128xf32, #tpu.memory_space<vmem>>, vector<16384x128xf32>
    %reshape3A = vector.shape_cast %get3A_1 : vector<16384x128xf32> to vector<32x512x128xf32>
    %reduce_sum3A = arith.constant dense<0.000000e+00> : vector<512x128xf32>
    %reduce_sum3A_2 = vector.multi_reduction <add>, %reshape3A, %reduce_sum3A [0] : vector<32x512x128xf32> to vector<512x128xf32>
    %slice3A = vector.extract_strided_slice %reduce_sum3A_2 {offsets = [0, 0], sizes = [512, 64], strides = [1, 1]} : vector<512x128xf32> to vector<512x64xf32>
    %get3A_3 = arith.constant 0 : index
    %get3A_4 = arith.constant 0 : index
    %get3A_5 = vector.load %arg3[%get3A_3, %get3A_4] : memref<64x128xf32, #tpu.memory_space<vmem>>, vector<64x128xf32>
    %dot_general3A = arith.constant dense<0.000000e+00> : vector<512x128xf32>
    %dot_general3A_6 = tpu.matmul %slice3A, %get3A_5, %dot_general3A {dimension_numbers = #tpu.dot_dimension_numbers<[1], [0], [0], [1], [0, 0, 1, 1], [], []>, transpose_lhs_hint = false} : vector<512x64xf32>, vector<64x128xf32>, vector<512x128xf32> -> vector<512x128xf32>
    %slice3A_7 = vector.extract_strided_slice %reduce_sum3A_2 {offsets = [0, 64], sizes = [512, 64], strides = [1, 1]} : vector<512x128xf32> to vector<512x64xf32>
    %get3A_8 = arith.constant 0 : index
    %get3A_9 = arith.constant 0 : index
    %get3A_10 = vector.load %arg3[%get3A_8, %get3A_9] : memref<64x128xf32, #tpu.memory_space<vmem>>, vector<64x128xf32>
    %dot_general3A_11 = arith.constant dense<0.000000e+00> : vector<512x128xf32>
    %dot_general3A_12 = tpu.matmul %slice3A_7, %get3A_10, %dot_general3A_11 {dimension_numbers = #tpu.dot_dimension_numbers<[1], [0], [0], [1], [0, 0, 1, 1], [], []>, transpose_lhs_hint = false} : vector<512x64xf32>, vector<64x128xf32>, vector<512x128xf32> -> vector<512x128xf32>
    %broadcast_in_dim3A = vector.shape_cast %dot_general3A_6 : vector<512x128xf32> to vector<512x1x128xf32>
    %broadcast_in_dim3A_13 = vector.shape_cast %dot_general3A_12 : vector<512x128xf32> to vector<512x1x128xf32>
    %concatenate3A = tpu.concatenate %broadcast_in_dim3A, %broadcast_in_dim3A_13 in 1 : vector<512x1x128xf32>, vector<512x1x128xf32> -> vector<512x2x128xf32>
    %reshape3A_14 = vector.shape_cast %concatenate3A : vector<512x2x128xf32> to vector<1024x128xf32>
    %get3A_15 = arith.constant 0 : index
    %get3A_16 = arith.constant 0 : index
    %get3A_17 = vector.load %arg2[%get3A_15, %get3A_16] : memref<32x1024xf32, #tpu.memory_space<vmem>>, vector<32x1024xf32>
    %reduce_sum3A_18 = arith.constant dense<0.000000e+00> : vector<1024xf32>
    %reduce_sum3A_19 = vector.multi_reduction <add>, %get3A_17, %reduce_sum3A_18 [0] : vector<32x1024xf32> to vector<1024xf32>
    %broadcast_in_dim3A_20 = vector.shape_cast %reduce_sum3A_19 : vector<1024xf32> to vector<1024x1xf32>
    %get3A_21 = arith.constant 0 : index
    %get3A_22 = arith.constant 0 : index
    %get3A_23 = vector.load %arg0[%get3A_21, %get3A_22] : memref<1024x128xf32, #tpu.memory_space<vmem>>, vector<1024x128xf32>
    %add3A = arith.addf %get3A_23, %reshape3A_14 : vector<1024x128xf32>
    %get3A_24 = arith.constant 0 : index
    %get3A_25 = arith.constant 0 : index
    %get3A_26 = vector.load %arg4[%get3A_24, %get3A_25] : memref<1x128xf32, #tpu.memory_space<vmem>>, vector<1x128xf32>
    %mul3A = vector.broadcast %broadcast_in_dim3A_20 : vector<1024x1xf32> to vector<1024x128xf32>
    %mul3A_27 = vector.broadcast %get3A_26 : vector<1x128xf32> to vector<1024x128xf32>
    %mul3A_28 = arith.mulf %mul3A, %mul3A_27 : vector<1024x128xf32>
    %add3A_29 = arith.addf %add3A, %mul3A_28 : vector<1024x128xf32>
    %add3A_30 = arith.constant 1.000000e+00 : f32
    %add3A_31 = vector.broadcast %add3A_30 : f32 to vector<1024x1xf32>
    %add3A_32 = arith.addf %add3A_31, %broadcast_in_dim3A_20 : vector<1024x1xf32>
    %div3A = vector.broadcast %add3A_32 : vector<1024x1xf32> to vector<1024x128xf32>
    %div3A_33 = arith.divf %add3A_29, %div3A : vector<1024x128xf32>
    %swap3A = arith.constant 0 : index
    %swap3A_34 = arith.constant 0 : index
    %swap3A_35 = vector.load %arg6[%swap3A, %swap3A_34] : memref<1024x128xf32, #tpu.memory_space<vmem>>, vector<1024x128xf32>
    tpu.vector_store %arg6[%swap3A, %swap3A_34], %div3A_33 {strides = array<i32>} : memref<1024x128xf32, #tpu.memory_space<vmem>>, vector<1024x128xf32>,
    return
  }
}

</mosaic_0001>

<sc_bundles>
// kernel: kernel.11.cloned.1.call-start
scs
__scs_entry_jumppad:
0x0: {  	(pc) =	sbr.rel $0x88, $3  }
0x1: {  	(tag) =	ssettag $0x0;
	lr =	simm.s32 $0x1  }
0x2: {  	[smem:$0x3F9A] =	sst lr;
	_ =	strace $0xD0000000  }
0x3: {  	_ = 	snop  }
0x4: {  	_ = 	snop  }
0x5: {  	_ = 	snop  }
0x6: {  	_ = 	snop  }
0x7: {  	_ = 	snop  }
__scs_overlays_trampoline_lowered:
0x8: {  	[smem:$0x3FA9] =	sst s0  }
0x9: {  	[smem:$0x3FAA] =	sst s1  }
0xa: {  	[smem:$0x3FAB] =	sst s2  }
0xb: {  	[smem:$0x3FAC] =	sst s3  }
0xc: {  	[smem:$0x3FAD] =	sst s4  }
0xd: {  	[smem:$0x3FAE] =	sst s5  }
0xe: {  	[smem:$0x3FAF] =	sst s6  }
0xf: {  	[smem:$0x3FB0] =	sst s7  }
0x10: {  	[smem:$0x3FB1] =	sst s8  }
0x11: {  	[smem:$0x3FB2] =	sst s9;
	s0 =	simm.s32 @!p0 $0x0  }
0x12: {  	s1 =	sld [smem:$0x3F98];
	s0 =	simm.s32 @p0 $0x1  }
0x13: {  	[smem:$0x3FB3] =	sst s0;
	s0 =	simm.s32 @!p1 $0x0  }
0x14: {  	s2 =	sld [smem:$0x3F97];
	s0 =	simm.s32 @p1 $0x1  }
0x15: {  	[smem:$0x3FB4] =	sst s0;
	s0 =	simm.s32 @!p2 $0x0  }
0x16: {  	s3 =	sld [smem:$0x3FDB];
	s0 =	simm.s32 @p2 $0x1  }
0x17: {  	s4 =	simm.s32 $0x1BF5;
	[smem:$0x3FB6] =	sst s0  }
0x18: {  	s0 =	sld [smem:$0x3F99];
	_ =	swait.ge [sflag:s4], $0x0  }
0x19: {  	s7 =	sld [smem:$0x3F9A]  }
0x1a: {  	s8 =	sadd.s32 $0xFFFFE003, lr  }
0x1b: {  	s9 =	sadd.s32 $0xFFFFFEF7, lr;
	s5 =	simm.s32 $0xFFFFFFFF;
	p2 =	slt.u32 s8, $0xFFFFF086  }
0x1c: {  	p1 =	slt.u32 s9, $0xF7A;
	s5 =	simm.s32 @!p2 $0x0  }
0x1d: {  	s5 =	simm.s32 @p1 $0x1;
	p0 =	seq.s32 s7, s2  }
0x1e: {  	s7 =	smul.u32 @!p0 $0xF7A, s2;
	p2 =	seq.s32 @!p0 s5, $0x0  }
0x1f: {  	s9 =	smul.u32 $0xF7A, s1;
	s8 =	simm.s32 @!p0 $0x1BF5;
	p2 =	por !p2, p0  }
0x20: {  	[sflag:s8] =	ssyncset.s32 @!p0 $0xFFFFF086;
	s6 =	sadd.s32 @!p0 s3, s7;
	s7 =	simm.s32 @!p0 $0x108  }
0x21: {  	s3 =	sadd.s32 s3, s9;
	s6 =	sadd.s32 @!p0 $0x88, s6;
	s7 =	simm.s32 @p2 $0x1082  }
0x22: {  	[simem:s7], [sflag:s8] =	dma.local @!p0 [hbm:s6], $0xF7A  }
0x23: {  	s9 =	sor.u32 $0xD0000000, s2;
	s6 =	simm.s32 $0x108;
	_ =	swait.ge @!p0 [sflag:s8], $0x0  }
0x24: {  	s3 =	sadd.s32 $0x88, s3;
	s6 =	simm.s32 @!p1 $0x1082;
	[sflag:s4] =	ssyncset.s32 $0xFFFFF086  }
0x25: {  	[simem:s6], [sflag:s4] =	dma.local [hbm:s3], $0xF7A  }
0x26: {  	[smem:$0x3F9A] =	sst s1;
	(tag) =	ssettag s2;
	_ =	strace s9  }
0x27: {  	s1 =	sld [smem:$0x3FAA]  }
0x28: {  	s2 =	sld [smem:$0x3FAB]  }
0x29: {  	s4 =	sld [smem:$0x3FAD]  }
0x2a: {  	p0 =	seq.s32 s5, $0x0;
	s5 =	sld [smem:$0x3FAE]  }
0x2b: {  	s6 =	sld [smem:$0x3FAF]  }
0x2c: {  	s7 =	sld [smem:$0x3FB0]  }
0x2d: {  	s3 =	simm.s32 $0x108;
	s8 =	sld [smem:$0x3FB1]  }
0x2e: {  	s3 =	simm.s32 @!p0 $0x1082;
	s9 =	sld [smem:$0x3FB2]  }
0x2f: {  	lr =	sadd.s32 s0, s3;
	s0 =	sld [smem:$0x3FA9]  }
0x30: {  	s3 =	sld [smem:$0x3FAC]  }
0x31: {  	[smem:$0x3FB5] =	sst s10  }
0x32: {  	s10 =	sld [smem:$0x3FB3];
	_ =	sdelay $0x3  }
0x33: {  	p0 =	seq.s32 s10, $0x1;
	s10 =	sld [smem:$0x3FB5];
	_ =	sdelay $0x3  }
0x34: {  	[smem:$0x3FB5] =	sst s10  }
0x35: {  	s10 =	sld [smem:$0x3FB4];
	_ =	sdelay $0x3  }
0x36: {  	p1 =	seq.s32 s10, $0x1;
	s10 =	sld [smem:$0x3FB5];
	_ =	sdelay $0x3  }
0x37: {  	[smem:$0x3FB5] =	sst s10  }
0x38: {  	s10 =	sld [smem:$0x3FB6]  }
0x39: {  	_ = 	snop;
	(pc) =	sbr.ind lr, $3  }
0x3a: {  	_ = 	snop  }
0x3b: {  	_ = 	snop  }
0x3c: {  	p2 =	seq.s32 s10, $0x1;
	s10 =	sld [smem:$0x3FB5]  }
0x3d: {  	_ =	shalt  }
0x3e: {  	_ =	shalt  }
0x3f: {  	_ =	shalt  }
0x40: {  	_ =	shalt  }
0x41: {  	_ =	shalt  }
0x42: {  	_ =	shalt  }
0x43: {  	_ =	shalt  }
0x44: {  	_ =	shalt  }
0x45: {  	_ =	shalt  }
0x46: {  	_ =	shalt  }
0x47: {  	_ =	shalt  }
0x48: {  	_ =	shalt  }
0x49: {  	_ =	shalt  }
0x4a: {  	_ =	shalt  }
0x4b: {  	_ =	shalt  }
0x4c: {  	_ =	shalt  }
0x4d: {  	_ =	shalt  }
0x4e: {  	_ =	shalt  }
0x4f: {  	_ =	shalt  }
0x50: {  	_ =	shalt  }
0x51: {  	_ =	shalt  }
0x52: {  	_ =	shalt  }
0x53: {  	_ =	shalt  }
0x54: {  	_ =	shalt  }
0x55: {  	_ =	shalt  }
0x56: {  	_ =	shalt  }
0x57: {  	_ =	shalt  }
0x58: {  	_ =	shalt  }
0x59: {  	_ =	shalt  }
0x5a: {  	_ =	shalt  }
0x5b: {  	_ =	shalt  }
0x5c: {  	_ =	shalt  }
0x5d: {  	_ =	shalt  }
0x5e: {  	_ =	shalt  }
0x5f: {  	_ =	shalt  }
0x60: {  	_ =	shalt  }
0x61: {  	_ =	shalt  }
0x62: {  	_ =	shalt  }
0x63: {  	_ =	shalt  }
0x64: {  	_ =	shalt  }
0x65: {  	_ =	shalt  }
0x66: {  	_ =	shalt  }
0x67: {  	_ =	shalt  }
0x68: {  	_ =	shalt  }
0x69: {  	_ =	shalt  }
0x6a: {  	_ =	shalt  }
0x6b: {  	_ =	shalt  }
0x6c: {  	_ =	shalt  }
0x6d: {  	_ =	shalt  }
0x6e: {  	_ =	shalt  }
0x6f: {  	_ =	shalt  }
0x70: {  	_ =	shalt  }
0x71: {  	_ =	shalt  }
0x72: {  	_ =	shalt  }
0x73: {  	_ =	shalt  }
0x74: {  	_ =	shalt  }
0x75: {  	_ =	shalt  }
0x76: {  	_ =	shalt  }
0x77: {  	_ =	shalt  }
0x78: {  	_ =	shalt  }
0x79: {  	_ =	shalt  }
0x7a: {  	_ =	shalt  }
0x7b: {  	_ =	shalt  }
0x7c: {  	_ =	shalt  }
0x7d: {  	_ =	shalt  }
0x7e: {  	_ =	shalt  }
0x7f: {  	_ =	shalt  }
0x80: {  	_ =	shalt  }
0x81: {  	_ =	shalt  }
0x82: {  	_ =	shalt  }
0x83: {  	_ =	shalt  }
0x84: {  	_ =	shalt  }
0x85: {  	_ =	shalt  }
0x86: {  	_ =	shalt  }
0x87: {  	_ =	shalt  }
.Lfunc_end0:
.L_simem_size_0:
called_computation.1_lowered:
.L_overlay_start_0:
0x88: {  	s2 =	sld [smem:$0x3FD9]  }
0x89: {  	s3 =	sld [smem:$0x3FFE];
	_ =	sdelay $0x1  }
0x8a: {  	s1 =	srdreg.scid  }
0x8b: {  	s0 =	sand.u32 $0x1, s1  }
0x8c: {  	s14 =	sshll.u32 s0, $0xA;
	s2 =	sadd.s32 s3, s2  }
0x8d: {  	s2 =	sadd.s32 s2, s14  }
0x8e: {  	[smem:$0x3FC1] =	sst s2  }
0x8f: {  	_ = 	snop  }
0x90: {  	s2 =	sld [smem:$0x3FD0];
	_ =	sdelay $0x2  }
0x91: {  	s4 =	simm.s32 $0xA;
	s5 =	simm.s32 $0x10;
	s15 =	sld [smem:$0x3FC7]  }
0x92: {  	[smem:s5], [sflag:s4] =	dma.local [hbm:s2], $0x1  }
0x93: {  	_ =	swait.eq [sflag:s4], $0x1  }
0x94: {  	[sflag:s4] =	ssyncset.done $0x0  }
0x95: {  	s16 =	sld [smem:$0x10];
	[sflag:s4] =	ssyncadd.s32 $0xFFFFFFFF  }
0x96: {  	s17 =	sld [smem:$0x12];
	(tm) =	ssettm $0x1  }
0x97: {  	s18 =	sld [smem:$0x3FFB];
	_ =	sdelay $0x3  }
0x98: {  	_ =	strace s18  }
0x99: {  	s5 =	sld [smem:$0x3FFC];
	_ =	sdelay $0x3  }
0x9a: {  	_ =	strace s5  }
0x9b: {  	s5 =	sld [smem:$0x3FFD];
	_ =	sdelay $0x3  }
0x9c: {  	_ =	strace s5  }
0x9d: {  	_ =	strace $0x8FFFFFFF  }
0x9e: {  	s19 =	sld [smem:$0x3FDB];
	_ =	sdelay $0x1  }
0x9f: {  	s6 =	simm.s32 $_scs_section_size  }
0xa0: {  	s7 =	simm.s32 $_size__tile_overlayer_lowered;
	s8 =	simm.s32 $_tile_overlayer_lowered  }
0xa1: {  	s22 =	simm.s32 $0x1BFF;
	s21 =	sshll.u32 s8, $0x1;
	s5 =	sadd.s32 s6, s19  }
0xa2: {  	s9 =	simm.s32 $0x0;
	s20 =	sshll.u32 s7, $0x1;
	s7 =	sadd.s32 s21, s5  }
0xa3: {  	[timem:s9], [sflag:s22] =	dma.local [hbm:s7], s20  }
0xa4: {  	_ =	swait.ge [sflag:s22], s20  }
0xa5: {  	s6 =	ssub.s32 $0x0, s20;
	[sflag:s22] =	ssyncset.done $0x0  }
0xa6: {  	[sflag:s22] =	ssyncadd.s32 s6;
	_ =	sdelay $0x1  }
0xa7: {  	s23 =	simm.s32 $0x1B8B  }
0xa8: {  	_ =	swait.ge [sflag:s23], $0x1  }
0xa9: {  	[sflag:s23] =	ssyncset.done $0x0  }
0xaa: {  	s25 =	simm.s32 $0x1B8E;
	s24 =	sld [smem:$0x3FFE];
	[sflag:s23] =	ssyncadd.s32 $0xFFFFFFFF  }
0xab: {  	s26 =	simm.s32 $execute0_lowered;
	[smem:$0x3FD2] =	sst s25  }
0xac: {  	s7 =	sshll.u32 s26, $0x1;
	_ =	strace $0x80000049;
	[dreg:$0x1] =	wrdreg $0xFFFFFFFF  }
0xad: {  	s28 =	simm.s32 $_size_execute0_lowered;
	s5 =	sadd.s32 s5, s7;
	[dreg:$0x0] =	wrdreg $0x0  }
0xae: {  	s7 =	sshll.u32 s28, $0x1;
	[dreg:$0x2] =	wrdreg s5  }
0xaf: {  	[dreg:$0x3] =	wrdreg s7  }
0xb0: {  	[dreg:$0x4] =	wrdreg $0xC0  }
0xb1: {  	_ =	task [dreg:s9], $0x5FFFF  }
0xb2: {  	[dreg:$0x1] =	wrdreg $0xFFFFFFFF  }
0xb3: {  	[dreg:$0x0] =	wrdreg $0x60  }
0xb4: {  	[dreg:$0x2] =	wrdreg s16  }
0xb5: {  	[dreg:$0x3] =	wrdreg s17  }
0xb6: {  	[dreg:$0x4] =	wrdreg s24  }
0xb7: {  	[dreg:$0x5] =	wrdreg s15  }
0xb8: {  	[dreg:$0x6] =	wrdreg $0x9  }
0xb9: {  	_ =	task.clear_ibuf [dreg:s9], $0x7FFFF;
	_ =	strace $0x90000049  }
0xba: {  	s29 =	simm.s32 $0x9;
	_ =	strace $0x8000004B  }
0xbb: {  	_ =	swait.ge [sflag:s29], $0x1  }
0xbc: {  	[sflag:s29] =	ssyncadd.s32 $0xFFFFFFFF  }
0xbd: {  	_ =	strace $0x9000004B  }
0xbe: {  	_ =	sfence  }
0xbf: {  	s30 =	sld [smem:$0x0];
	_ =	sdelay $0x2  }
0xc0: {  	s31 =	sshll.u32 s1, $0xD;
	s1 =	sshrl.u32 s1, $0x2  }
0xc1: {  	s3 =	sand.u32 $0x4000, s31;
	s1 =	sadd.s32 s1, s30  }
0xc2: {  	s0 =	sor.u32 s3, s0;
	s1 =	sshll.u32 s1, $0x11  }
0xc3: {  	s0 =	sor.u32 s1, s0  }
0xc4: {  	s0 =	sadd.s32 $0x8F2B, s0  }
0xc5: {  	[sflag:s0] =	ssyncadd.remote.s32 $0x1  }
0xc6: {  	_ =	sfence.sel $0xFFFF  }
0xc7: {  	[dreg:$0x0] =	wrdreg $0xFFFFFFFF;
	(pc) =	sbr.abs _section_cstart, $3  }
0xc8: {  	[dreg:$0x1] =	wrdreg $0xFFFFFFFF  }
0xc9: {  	_ =	task.clear_ibuf [dreg:s9], $0x2FFFF;
	_ =	strace $0x9FFFFFFF  }
0xca: {  	(tm) =	ssettm $0x7FFFFFFF  }
0xcb: {  	_ =	shalt  }
tec
execute0_lowered:
.L_overlay_start_1:
0x0: {  	(tag) =	ssettag $0x1  }
0x1: {  	s1 =	rddreg [dreg:$0x0]  }
0x2: {  	s2 =	rddreg [dreg:$0x1]  }
0x3: {  	s0 =	rddreg [dreg:$0x2]  }
0x4: {  	s3 =	rddreg [dreg:$0x3];
	s4 =	simm.s32 $0x0;
	s5 =	srdreg.scid  }
0x5: {  	s13 =	stileid.u32;
	s30 =	simm.s32 $0x0;
	[smem:$0x7FF] =	sst s4  }
0x6: {  	s14 =	sand.u32 $0x1, s5;
	s21 =	sshll.u32 s13, $0x1;
	s15 =	sadd.s32 $0x82400, s0  }
0x7: {  	s18 =	sadd.s32 $0xC2400, s0;
	s19 =	sadd.s32 $0x2400, s0;
	s20 =	sadd.s32 $0x42400, s0  }
0x8: {  	_ =	strace $0x8000004A;
	s5 =	sor.u32 s14, s21;
	s6 =	ssub.s32 $0x2, s14  }
0x9: {  	s21 =	sshll.u32 s13, $0xE;
	s9 =	sshll.u32 s5, $0xD;
	s7 =	sshll.u32 s5, $0x7  }
0xa: {  	s8 =	sshrl.u32 s6, $0x1;
	s5 =	sshll.u32 s5, $0xA;
	s23 =	sadd.s32 s21, s15  }
0xb: {  	s25 =	sadd.s32 s21, s18;
	s26 =	sadd.s32 s21, s19;
	s28 =	sadd.s32 s21, s20  }
0xc: {  	s21 =	simm.s32 $0x3;
	s16 =	sadd.s32 s9, s0;
	s0 =	sadd.s32 s7, s0  }
0xd: {  	s17 =	ssub.s32 s6, s8;
	s5 =	sadd.s32 s3, s5;
	s6 =	sadd.s32 s15, s9  }
0xe: {  	s7 =	sadd.s32 s18, s9;
	s22 =	sor.u32 $0x100, s9;
	s8 =	sadd.s32 s19, s9  }
0xf: {  	s9 =	sadd.s32 s20, s9;
	s10 =	sadd.s32 s15, s22;
	s11 =	sadd.s32 s18, s22  }
0x10: {  	s12 =	sadd.s32 s19, s22;
	s13 =	sadd.s32 s20, s22;
	s22 =	sshll.u32 s14, $0xD  }
0x11: {  	s14 =	sadd.s32 $0x103400, s16;
	s15 =	sadd.s32 $0x102400, s0;
	s16 =	smax.u32 s17, $0x1  }
0x12: {  	s24 =	sadd.s32 s22, s23;
	s0 =	sadd.s32 s22, s25;
	s29 =	sadd.s32 s22, s26  }
0x13: {  	s31 =	sadd.s32 s22, s28;
	s22 =	simm.s32 $0x80;
	s17 =	sadd.s32 $0x200, s24  }
0x14: {  	v0 =	vimm.f32 $0.0e+00;
	s18 =	sadd.s32 $0x200, s0;
	s19 =	sadd.s32 $0x200, s29;
	s20 =	sadd.s32 $0x200, s31  }
.LBB2_1:
0x15: {  	[tilespmem:s4], [sflag:$0x3] =	stream.linear.gather [hbm4b:s5+s4], $0x2000, $0x38;
	[tilespmem:$0x1E400] =	vst v63  }
0x16: {  	_ =	swait.ge [sflag:s21], $0x2000  }
0x17: {  	[sflag:s21] =	ssyncset.done $0x0  }
0x18: {  	s0 =	simm.s32 $0xE100;
	[sflag:s21] =	ssyncadd.s32 $0xFFFFE000  }
0x19: {  	[tilespmem:s0+$0xFFFFFF00] =	vst v0  }
0x1a: {  	[tilespmem:s0+$0xF0] =	vst v0  }
0x1b: {  	[tilespmem:s0+$0xE0] =	vst v0  }
0x1c: {  	[tilespmem:s0+$0xD0] =	vst v0  }
0x1d: {  	[tilespmem:s0+$0xC0] =	vst v0  }
0x1e: {  	[tilespmem:s0+$0xB0] =	vst v0  }
0x1f: {  	[tilespmem:s0+$0xA0] =	vst v0  }
0x20: {  	[tilespmem:s0+$0x90] =	vst v0  }
0x21: {  	[tilespmem:s0+$0x80] =	vst v0  }
0x22: {  	[tilespmem:s0+$0x70] =	vst v0  }
0x23: {  	[tilespmem:s0+$0x60] =	vst v0  }
0x24: {  	[tilespmem:s0+$0x50] =	vst v0  }
0x25: {  	[tilespmem:s0+$0x40] =	vst v0  }
0x26: {  	[tilespmem:s0+$0x30] =	vst v0  }
0x27: {  	[tilespmem:s0+$0x20] =	vst v0  }
0x28: {  	[tilespmem:s0+$0x10] =	vst v0  }
0x29: {  	[tilespmem:s0+$0x0] =	vst v0  }
0x2a: {  	[tilespmem:s0+$0xFFFFFFF0] =	vst v0  }
0x2b: {  	[tilespmem:s0+$0xFFFFFFE0] =	vst v0  }
0x2c: {  	[tilespmem:s0+$0xFFFFFFD0] =	vst v0  }
0x2d: {  	[tilespmem:s0+$0xFFFFFFC0] =	vst v0  }
0x2e: {  	[tilespmem:s0+$0xFFFFFFB0] =	vst v0  }
0x2f: {  	[tilespmem:s0+$0xFFFFFFA0] =	vst v0  }
0x30: {  	[tilespmem:s0+$0xFFFFFF90] =	vst v0  }
0x31: {  	[tilespmem:s0+$0xFFFFFF80] =	vst v0  }
0x32: {  	[tilespmem:s0+$0xFFFFFF70] =	vst v0  }
0x33: {  	[tilespmem:s0+$0xFFFFFF60] =	vst v0  }
0x34: {  	[tilespmem:s0+$0xFFFFFF50] =	vst v0  }
0x35: {  	[tilespmem:s0+$0xFFFFFF40] =	vst v0  }
0x36: {  	[tilespmem:s0+$0xFFFFFF30] =	vst v0  }
0x37: {  	s3 =	simm.s32 $0x0;
	[tilespmem:s0+$0xFFFFFF20] =	vst v0  }
.LBB2_2:
0x38: {  	s3 =	sadd.s32 $0x4, s3;
	[tilespmem:s0+$0xFFFFFF10] =	vst v0;
	s0 =	sadd.s32 $0x200, s0  }
0x39: {  	[tilespmem:s0+$0xFFFFFF00] =	vst v0;
	p0 =	slt.u32 s3, $0x1FC  }
0x3a: {  	[tilespmem:s0+$0xF0] =	vst v0  }
0x3b: {  	[tilespmem:s0+$0xE0] =	vst v0  }
0x3c: {  	[tilespmem:s0+$0xD0] =	vst v0  }
0x3d: {  	[tilespmem:s0+$0xC0] =	vst v0  }
0x3e: {  	[tilespmem:s0+$0xB0] =	vst v0  }
0x3f: {  	[tilespmem:s0+$0xA0] =	vst v0  }
0x40: {  	[tilespmem:s0+$0x90] =	vst v0  }
0x41: {  	[tilespmem:s0+$0x80] =	vst v0  }
0x42: {  	[tilespmem:s0+$0x70] =	vst v0  }
0x43: {  	[tilespmem:s0+$0x60] =	vst v0  }
0x44: {  	[tilespmem:s0+$0x50] =	vst v0  }
0x45: {  	[tilespmem:s0+$0x40] =	vst v0  }
0x46: {  	[tilespmem:s0+$0x30] =	vst v0  }
0x47: {  	[tilespmem:s0+$0x20] =	vst v0  }
0x48: {  	[tilespmem:s0+$0x10] =	vst v0  }
0x49: {  	[tilespmem:s0+$0x0] =	vst v0  }
0x4a: {  	[tilespmem:s0+$0xFFFFFFF0] =	vst v0  }
0x4b: {  	[tilespmem:s0+$0xFFFFFFE0] =	vst v0  }
0x4c: {  	[tilespmem:s0+$0xFFFFFFD0] =	vst v0  }
0x4d: {  	[tilespmem:s0+$0xFFFFFFC0] =	vst v0  }
0x4e: {  	[tilespmem:s0+$0xFFFFFFB0] =	vst v0  }
0x4f: {  	[tilespmem:s0+$0xFFFFFFA0] =	vst v0  }
0x50: {  	[tilespmem:s0+$0xFFFFFF90] =	vst v0  }
0x51: {  	[tilespmem:s0+$0xFFFFFF80] =	vst v0  }
0x52: {  	[tilespmem:s0+$0xFFFFFF70] =	vst v0  }
.Ltmp0:
0x53: {  	[tilespmem:s0+$0xFFFFFF60] =	vst v0;
	(pc) =	sbr.rel @p0 .LBB2_2-.Ltmp0, $4  }
0x54: {  	[tilespmem:s0+$0xFFFFFF50] =	vst v0  }
0x55: {  	[tilespmem:s0+$0xFFFFFF40] =	vst v0  }
0x56: {  	[tilespmem:s0+$0xFFFFFF30] =	vst v0  }
0x57: {  	[tilespmem:s0+$0xFFFFFF20] =	vst v0  }
0x58: {  	[tilespmem:s0+$0xFFFFFF10] =	vst v0  }
0x59: {  	[tilespmem:$0x1E000] =	vst v0  }
0x5a: {  	[tilespmem:$0x1E010] =	vst v0  }
0x5b: {  	[tilespmem:$0x1E020] =	vst v0  }
0x5c: {  	[tilespmem:$0x1E030] =	vst v0  }
0x5d: {  	[tilespmem:$0x1E040] =	vst v0  }
0x5e: {  	[tilespmem:$0x1E050] =	vst v0  }
0x5f: {  	[tilespmem:$0x1E060] =	vst v0  }
0x60: {  	[tilespmem:$0x1E070] =	vst v0  }
0x61: {  	[tilespmem:$0x1E080] =	vst v0  }
0x62: {  	[tilespmem:$0x1E090] =	vst v0  }
0x63: {  	[tilespmem:$0x1E0A0] =	vst v0  }
0x64: {  	[tilespmem:$0x1E0B0] =	vst v0  }
0x65: {  	[tilespmem:$0x1E0C0] =	vst v0  }
0x66: {  	[tilespmem:$0x1E0D0] =	vst v0  }
0x67: {  	[tilespmem:$0x1E0E0] =	vst v0  }
0x68: {  	[tilespmem:$0x1E0F0] =	vst v0  }
0x69: {  	[tilespmem:$0x1E100] =	vst v0  }
0x6a: {  	[tilespmem:$0x1E110] =	vst v0  }
0x6b: {  	[tilespmem:$0x1E120] =	vst v0  }
0x6c: {  	[tilespmem:$0x1E130] =	vst v0  }
0x6d: {  	[tilespmem:$0x1E140] =	vst v0  }
0x6e: {  	[tilespmem:$0x1E150] =	vst v0  }
0x6f: {  	[tilespmem:$0x1E160] =	vst v0  }
0x70: {  	[tilespmem:$0x1E170] =	vst v0  }
0x71: {  	[tilespmem:$0x1E180] =	vst v0  }
0x72: {  	[tilespmem:$0x1E190] =	vst v0  }
0x73: {  	[tilespmem:$0x1E1A0] =	vst v0  }
0x74: {  	[tilespmem:$0x1E1B0] =	vst v0  }
0x75: {  	[tilespmem:$0x1E1C0] =	vst v0  }
0x76: {  	[tilespmem:$0x1E1D0] =	vst v0  }
0x77: {  	[tilespmem:$0x1E1E0] =	vst v0  }
0x78: {  	[tilespmem:$0x1E1F0] =	vst v0  }
0x79: {  	[tilespmem:$0x1E200] =	vst v0  }
0x7a: {  	[tilespmem:$0x1E210] =	vst v0  }
0x7b: {  	[tilespmem:$0x1E220] =	vst v0  }
0x7c: {  	[tilespmem:$0x1E230] =	vst v0  }
0x7d: {  	[tilespmem:$0x1E240] =	vst v0  }
0x7e: {  	[tilespmem:$0x1E250] =	vst v0  }
0x7f: {  	[tilespmem:$0x1E260] =	vst v0  }
0x80: {  	[tilespmem:$0x1E270] =	vst v0  }
0x81: {  	[tilespmem:$0x1E280] =	vst v0  }
0x82: {  	[tilespmem:$0x1E290] =	vst v0  }
0x83: {  	[tilespmem:$0x1E2A0] =	vst v0  }
0x84: {  	[tilespmem:$0x1E2B0] =	vst v0  }
0x85: {  	[tilespmem:$0x1E2C0] =	vst v0  }
0x86: {  	[tilespmem:$0x1E2D0] =	vst v0  }
0x87: {  	[tilespmem:$0x1E2E0] =	vst v0  }
0x88: {  	[tilespmem:$0x1E2F0] =	vst v0  }
0x89: {  	[tilespmem:$0x1E300] =	vst v0  }
0x8a: {  	[tilespmem:$0x1E310] =	vst v0  }
0x8b: {  	[tilespmem:$0x1E320] =	vst v0  }
0x8c: {  	[tilespmem:$0x1E330] =	vst v0  }
0x8d: {  	[tilespmem:$0x1E340] =	vst v0  }
0x8e: {  	[tilespmem:$0x1E350] =	vst v0  }
0x8f: {  	[tilespmem:$0x1E360] =	vst v0  }
0x90: {  	[tilespmem:$0x1E370] =	vst v0  }
0x91: {  	[tilespmem:$0x1E380] =	vst v0  }
0x92: {  	[tilespmem:$0x1E390] =	vst v0  }
0x93: {  	[tilespmem:$0x1E3A0] =	vst v0  }
0x94: {  	[tilespmem:$0x1E3B0] =	vst v0  }
0x95: {  	[tilespmem:$0x1E3C0] =	vst v0  }
0x96: {  	[tilespmem:$0x1E3D0] =	vst v0  }
0x97: {  	[tilespmem:$0x1E3E0] =	vst v0  }
0x98: {  	s31 =	simm.s32 $0x0;
	s23 =	simm.s32 $0x2000;
	[tilespmem:$0x1E3F0] =	vst v0  }
0x99: {  	[tilespmem:s23], [sflag:$0x1] =	stream.indirect.gather [hbm4b:s1+s22], $0x40, s31, s22, $0xb8;
	[tilespmem:$0x1E400] =	vst v63  }
0x9a: {  	s24 =	simm.s32 $0x6000  }
0x9b: {  	[tilespmem:s24], [sflag:$0x1] =	stream.indirect.gather [hbm4b:s2+s22], $0x40, s22, s22, $0xb8;
	[tilespmem:$0x1E400] =	vst v63  }
0x9c: {  	s25 =	simm.s32 $0xA000  }
0x9d: {  	[tilespmem:s25], [sflag:$0x1] =	stream.linear.gather [hbm4b:s6+s31], $0x800, $0x38;
	[tilespmem:$0x1E400] =	vst v63  }
0x9e: {  	s26 =	simm.s32 $0xA800  }
0x9f: {  	[tilespmem:s26], [sflag:$0x1] =	stream.linear.gather [hbm4b:s7+s31], $0x800, $0x38;
	[tilespmem:$0x1E400] =	vst v63  }
0xa0: {  	s3 =	simm.s32 $0xB000  }
0xa1: {  	[tilespmem:s3], [sflag:$0x1] =	stream.linear.gather [hbm4b:s8+s31], $0x800, $0x38;
	[tilespmem:$0x1E400] =	vst v63  }
0xa2: {  	s23 =	simm.s32 $0xB800  }
0xa3: {  	[tilespmem:s23], [sflag:$0x1] =	stream.linear.gather [hbm4b:s9+s31], $0x800, $0x38;
	[tilespmem:$0x1E400] =	vst v63  }
0xa4: {  	s24 =	simm.s32 $0x100;
	s3 =	simm.s32 $0x4000  }
0xa5: {  	[tilespmem:s3], [sflag:$0x2] =	stream.indirect.gather [hbm4b:s1+s22], $0x40, s24, s22, $0xb8;
	[tilespmem:$0x1E400] =	vst v63  }
0xa6: {  	s25 =	simm.s32 $0x180;
	s26 =	simm.s32 $0x8000  }
0xa7: {  	[tilespmem:s26], [sflag:$0x2] =	stream.indirect.gather [hbm4b:s2+s22], $0x40, s25, s22, $0xb8;
	[tilespmem:$0x1E400] =	vst v63  }
0xa8: {  	s23 =	simm.s32 $0xC000  }
0xa9: {  	[tilespmem:s23], [sflag:$0x2] =	stream.linear.gather [hbm4b:s10+s31], $0x800, $0x38;
	[tilespmem:$0x1E400] =	vst v63  }
0xaa: {  	s0 =	sand.u32 $0x1, s31;
	s24 =	simm.s32 $0xC800  }
0xab: {  	[tilespmem:s24], [sflag:$0x2] =	stream.linear.gather [hbm4b:s11+s31], $0x800, $0x38;
	[tilespmem:$0x1E400] =	vst v63  }
0xac: {  	p0 =	seq.s32 s0, $0x1;
	s25 =	simm.s32 $0xD000  }
0xad: {  	[tilespmem:s25], [sflag:$0x2] =	stream.linear.gather [hbm4b:s12+s31], $0x800, $0x38;
	[tilespmem:$0x1E400] =	vst v63  }
0xae: {  	s3 =	simm.s32 @!p0 $0x1;
	s26 =	simm.s32 $0xD800  }
0xaf: {  	[tilespmem:s26], [sflag:$0x2] =	stream.linear.gather [hbm4b:s13+s31], $0x800, $0x38;
	[tilespmem:$0x1E400] =	vst v63  }
0xb0: {  	_ =	swait.ge @!p0 [sflag:s3], $0x2000  }
0xb1: {  	[sflag:s3] =	ssyncset.done @!p0 $0x0  }
0xb2: {  	[sflag:s3] =	ssyncadd.s32 @!p0 $0xFFFFE000  }
0xb3: {  	_ =	swait.ge @!p0 [sflag:s3], $0x2000  }
0xb4: {  	[sflag:s3] =	ssyncset.done @!p0 $0x0  }
0xb5: {  	[sflag:s3] =	ssyncadd.s32 @!p0 $0xFFFFE000  }
0xb6: {  	_ =	swait.ge @!p0 [sflag:s3], $0x800  }
0xb7: {  	[sflag:s3] =	ssyncset.done @!p0 $0x0  }
0xb8: {  	[sflag:s3] =	ssyncadd.s32 @!p0 $0xFFFFF800  }
0xb9: {  	_ =	swait.ge @!p0 [sflag:s3], $0x800  }
0xba: {  	[sflag:s3] =	ssyncset.done @!p0 $0x0  }
0xbb: {  	[sflag:s3] =	ssyncadd.s32 @!p0 $0xFFFFF800  }
0xbc: {  	_ =	swait.ge @!p0 [sflag:s3], $0x800  }
0xbd: {  	[sflag:s3] =	ssyncset.done @!p0 $0x0  }
0xbe: {  	[sflag:s3] =	ssyncadd.s32 @!p0 $0xFFFFF800  }
0xbf: {  	_ =	swait.ge @!p0 [sflag:s3], $0x800  }
0xc0: {  	p2 =	seq.s32 s0, $0x0;
	[sflag:s3] =	ssyncset.done @!p0 $0x0  }
0xc1: {  	s23 =	simm.s32 @!p2 $0x2;
	[sflag:s3] =	ssyncadd.s32 @!p0 $0xFFFFF800  }
0xc2: {  	_ =	swait.ge @!p2 [sflag:s23], $0x2000  }
0xc3: {  	[sflag:s23] =	ssyncset.done @!p2 $0x0  }
0xc4: {  	[sflag:s23] =	ssyncadd.s32 @!p2 $0xFFFFE000  }
0xc5: {  	_ =	swait.ge @!p2 [sflag:s23], $0x2000  }
0xc6: {  	[sflag:s23] =	ssyncset.done @!p2 $0x0  }
0xc7: {  	[sflag:s23] =	ssyncadd.s32 @!p2 $0xFFFFE000  }
0xc8: {  	_ =	swait.ge @!p2 [sflag:s23], $0x800  }
0xc9: {  	[sflag:s23] =	ssyncset.done @!p2 $0x0  }
0xca: {  	[sflag:s23] =	ssyncadd.s32 @!p2 $0xFFFFF800  }
0xcb: {  	_ =	swait.ge @!p2 [sflag:s23], $0x800  }
0xcc: {  	[sflag:s23] =	ssyncset.done @!p2 $0x0  }
0xcd: {  	[sflag:s23] =	ssyncadd.s32 @!p2 $0xFFFFF800  }
0xce: {  	_ =	swait.ge @!p2 [sflag:s23], $0x800  }
0xcf: {  	p1 =	por $0x0, $0x0;
	[sflag:s23] =	ssyncset.done @!p2 $0x0  }
0xd0: {  	p3 =	sne.s32 @!p1 s0, $0x0;
	[sflag:s23] =	ssyncadd.s32 @!p2 $0xFFFFF800  }
0xd1: {  	p3 =	por p3, p1;
	_ =	swait.ge @!p2 [sflag:s23], $0x800  }
0xd2: {  	s0 =	simm.s32 @!p3 $0x200;
	[sflag:s23] =	ssyncset.done @!p2 $0x0  }
0xd3: {  	s3 =	simm.s32 @!p3 $0x80;
	[sflag:s23] =	ssyncadd.s32 @!p2 $0xFFFFF800;
	s23 =	simm.s32 @!p3 $0x2000  }
0xd4: {  	[tilespmem:s23], [sflag:$0x1] =	stream.indirect.gather @!p3 [hbm4b:s1+s3], $0x40, s0, s3, $0xb8;
	[tilespmem:$0x1E400] =	vst v63  }
0xd5: {  	s0 =	simm.s32 $0x280;
	s23 =	simm.s32 @!p3 $0x6000  }
0xd6: {  	[tilespmem:s23], [sflag:$0x1] =	stream.indirect.gather @!p3 [hbm4b:s2+s3], $0x40, s0, s3, $0xb8;
	[tilespmem:$0x1E400] =	vst v63  }
0xd7: {  	s24 =	simm.s32 @!p3 $0xA000;
	s3 =	sadd.s32 @!p3 $0x0, s17;
	s23 =	simm.s32 @!p3 $0x0  }
0xd8: {  	[tilespmem:s24], [sflag:$0x1] =	stream.linear.gather @!p3 [hbm4b:s3+s23], $0x800, $0x38;
	[tilespmem:$0x1E400] =	vst v63  }
0xd9: {  	p0 =	por !p0, !p0;
	s3 =	sadd.s32 @!p3 $0x0, s18;
	s24 =	simm.s32 @!p3 $0xA800  }
0xda: {  	[tilespmem:s24], [sflag:$0x1] =	stream.linear.gather @!p3 [hbm4b:s3+s23], $0x800, $0x38;
	[tilespmem:$0x1E400] =	vst v63  }
0xdb: {  	p1 =	por p1, p0;
	s3 =	sadd.s32 @!p3 $0x0, s19;
	s24 =	simm.s32 @!p3 $0xB000  }
0xdc: {  	[tilespmem:s24], [sflag:$0x1] =	stream.linear.gather @!p3 [hbm4b:s3+s23], $0x800, $0x38;
	[tilespmem:$0x1E400] =	vst v63  }
0xdd: {  	s26 =	simm.s32 @!p1 $0x0;
	s3 =	sadd.s32 @!p3 $0x0, s20;
	s24 =	simm.s32 @!p3 $0xB800  }
0xde: {  	[tilespmem:s24], [sflag:$0x1] =	stream.linear.gather @!p3 [hbm4b:s3+s23], $0x800, $0x38;
	[tilespmem:$0x1E400] =	vst v63  }
0xdf: {  	s3 =	simm.s32 @!p1 $0x200;
	s23 =	simm.s32 @!p1 $0x80;
	s24 =	simm.s32 @!p1 $0x4000  }
0xe0: {  	[tilespmem:s24], [sflag:$0x2] =	stream.indirect.gather @!p1 [hbm4b:s1+s23], $0x40, s3, s23, $0xb8;
	[tilespmem:$0x1E400] =	vst v63  }
0xe1: {  	s28 =	sadd.s32 @!p1 $0x0, s19;
	s29 =	simm.s32 @!p1 $0xD000;
	s3 =	simm.s32 @!p1 $0x8000  }
0xe2: {  	[tilespmem:s3], [sflag:$0x2] =	stream.indirect.gather @!p1 [hbm4b:s2+s23], $0x40, s0, s23, $0xb8;
	[tilespmem:$0x1E400] =	vst v63  }
0xe3: {  	s24 =	simm.s32 $0x200;
	s0 =	sadd.s32 @!p1 $0x0, s17;
	s3 =	simm.s32 @!p1 $0xC000  }
0xe4: {  	[tilespmem:s3], [sflag:$0x2] =	stream.linear.gather @!p1 [hbm4b:s0+s26], $0x800, $0x38;
	[tilespmem:$0x1E400] =	vst v63  }
0xe5: {  	s23 =	simm.s32 $0x1;
	s0 =	sadd.s32 @!p1 $0x0, s18;
	s3 =	simm.s32 @!p1 $0xC800  }
0xe6: {  	[tilespmem:s3], [sflag:$0x2] =	stream.linear.gather @!p1 [hbm4b:s0+s26], $0x800, $0x38;
	[tilespmem:$0x1E400] =	vst v63  }
0xe7: {  	s25 =	sand.u32 $0x1, s23;
	s0 =	simm.s32 $0x100;
	s3 =	simm.s32 $0x380  }
.LBB2_4:
0xe8: {  	[tilespmem:s29], [sflag:$0x2] =	stream.linear.gather @!p1 [hbm4b:s28+s26], $0x800, $0x38;
	[tilespmem:$0x1E400] =	vst v63  }
0xe9: {  	s28 =	smov.u32 s24  }
0xea: {  	p2 =	seq.s32 s25, $0x1;
	s29 =	sadd.s32 @!p1 s31, s20;
	s31 =	simm.s32 @!p1 $0xD800  }
0xeb: {  	[tilespmem:s31], [sflag:$0x2] =	stream.linear.gather @!p1 [hbm4b:s29+s26], $0x800, $0x38;
	[tilespmem:$0x1E400] =	vst v63  }
0xec: {  	s24 =	sadd.s32 $0x100, s24;
	s26 =	simm.s32 @!p2 $0x1;
	p1 =	por !p2, !p2  }
0xed: {  	p0 =	sne.s32 s24, $0x2000;
	s31 =	smov.u32 s0;
	_ =	swait.ge @!p2 [sflag:s26], $0x2000  }
0xee: {  	s0 =	smov.u32 s28;
	[sflag:s26] =	ssyncset.done @!p2 $0x0  }
0xef: {  	[sflag:s26] =	ssyncadd.s32 @!p2 $0xFFFFE000  }
0xf0: {  	_ =	swait.ge @!p2 [sflag:s26], $0x2000  }
0xf1: {  	[sflag:s26] =	ssyncset.done @!p2 $0x0  }
0xf2: {  	[sflag:s26] =	ssyncadd.s32 @!p2 $0xFFFFE000  }
0xf3: {  	_ =	swait.ge @!p2 [sflag:s26], $0x800  }
0xf4: {  	[sflag:s26] =	ssyncset.done @!p2 $0x0  }
0xf5: {  	[sflag:s26] =	ssyncadd.s32 @!p2 $0xFFFFF800  }
0xf6: {  	_ =	swait.ge @!p2 [sflag:s26], $0x800  }
0xf7: {  	[sflag:s26] =	ssyncset.done @!p2 $0x0  }
0xf8: {  	[sflag:s26] =	ssyncadd.s32 @!p2 $0xFFFFF800  }
0xf9: {  	_ =	swait.ge @!p2 [sflag:s26], $0x800  }
0xfa: {  	[sflag:s26] =	ssyncset.done @!p2 $0x0  }
0xfb: {  	[sflag:s26] =	ssyncadd.s32 @!p2 $0xFFFFF800  }
0xfc: {  	p3 =	seq.s32 s25, $0x0;
	_ =	swait.ge @!p2 [sflag:s26], $0x800  }
0xfd: {  	s28 =	simm.s32 @!p3 $0x2;
	[sflag:s26] =	ssyncset.done @!p2 $0x0  }
0xfe: {  	[sflag:s26] =	ssyncadd.s32 @!p2 $0xFFFFF800  }
0xff: {  	_ =	swait.ge @!p3 [sflag:s28], $0x2000  }
0x100: {  	[sflag:s28] =	ssyncset.done @!p3 $0x0  }
0x101: {  	[sflag:s28] =	ssyncadd.s32 @!p3 $0xFFFFE000  }
0x102: {  	_ =	swait.ge @!p3 [sflag:s28], $0x2000  }
0x103: {  	[sflag:s28] =	ssyncset.done @!p3 $0x0  }
0x104: {  	[sflag:s28] =	ssyncadd.s32 @!p3 $0xFFFFE000  }
0x105: {  	_ =	swait.ge @!p3 [sflag:s28], $0x800  }
0x106: {  	[sflag:s28] =	ssyncset.done @!p3 $0x0  }
0x107: {  	[sflag:s28] =	ssyncadd.s32 @!p3 $0xFFFFF800  }
0x108: {  	_ =	swait.ge @!p3 [sflag:s28], $0x800  }
0x109: {  	[sflag:s28] =	ssyncset.done @!p3 $0x0  }
0x10a: {  	[sflag:s28] =	ssyncadd.s32 @!p3 $0xFFFFF800  }
0x10b: {  	_ =	swait.ge @!p3 [sflag:s28], $0x800  }
0x10c: {  	p2 =	sgt.u32 s23, $0x1D;
	[sflag:s28] =	ssyncset.done @!p3 $0x0  }
0x10d: {  	p4 =	sne.s32 @!p2 s25, $0x0;
	[sflag:s28] =	ssyncadd.s32 @!p3 $0xFFFFF800  }
0x10e: {  	p4 =	por p4, p2;
	_ =	swait.ge @!p3 [sflag:s28], $0x800  }
0x10f: {  	s25 =	sadd.s32 @!p4 $0xFFFFFF80, s3;
	s26 =	simm.s32 @!p4 $0x80;
	[sflag:s28] =	ssyncset.done @!p3 $0x0  }
0x110: {  	[sflag:s28] =	ssyncadd.s32 @!p3 $0xFFFFF800;
	s28 =	simm.s32 @!p4 $0x2000  }
0x111: {  	[tilespmem:s28], [sflag:$0x1] =	stream.indirect.gather @!p4 [hbm4b:s1+s26], $0x40, s25, s26, $0xb8;
	[tilespmem:$0x1E400] =	vst v63  }
0x112: {  	s25 =	simm.s32 @!p4 $0x6000  }
0x113: {  	[tilespmem:s25], [sflag:$0x1] =	stream.indirect.gather @!p4 [hbm4b:s2+s26], $0x40, s3, s26, $0xb8;
	[tilespmem:$0x1E400] =	vst v63  }
0x114: {  	s28 =	simm.s32 @!p4 $0xA000;
	s25 =	sadd.s32 @!p4 s31, s17;
	s26 =	simm.s32 @!p4 $0x0  }
0x115: {  	[tilespmem:s28], [sflag:$0x1] =	stream.linear.gather @!p4 [hbm4b:s25+s26], $0x800, $0x38;
	[tilespmem:$0x1E400] =	vst v63  }
0x116: {  	s25 =	sadd.s32 @!p4 s31, s18;
	s28 =	simm.s32 @!p4 $0xA800  }
0x117: {  	[tilespmem:s28], [sflag:$0x1] =	stream.linear.gather @!p4 [hbm4b:s25+s26], $0x800, $0x38;
	[tilespmem:$0x1E400] =	vst v63  }
0x118: {  	s25 =	sadd.s32 @!p4 s31, s19;
	s28 =	simm.s32 @!p4 $0xB000  }
0x119: {  	[tilespmem:s28], [sflag:$0x1] =	stream.linear.gather @!p4 [hbm4b:s25+s26], $0x800, $0x38;
	[tilespmem:$0x1E400] =	vst v63  }
0x11a: {  	p1 =	por p2, p1;
	s25 =	sadd.s32 @!p4 s31, s20;
	s28 =	simm.s32 @!p4 $0xB800  }
0x11b: {  	[tilespmem:s28], [sflag:$0x1] =	stream.linear.gather @!p4 [hbm4b:s25+s26], $0x800, $0x38;
	[tilespmem:$0x1E400] =	vst v63  }
0x11c: {  	s25 =	sadd.s32 @!p1 $0xFFFFFF80, s3;
	s26 =	simm.s32 @!p1 $0x80;
	s28 =	simm.s32 @!p1 $0x4000  }
0x11d: {  	[tilespmem:s28], [sflag:$0x2] =	stream.indirect.gather @!p1 [hbm4b:s1+s26], $0x40, s25, s26, $0xb8;
	[tilespmem:$0x1E400] =	vst v63  }
0x11e: {  	s23 =	sadd.s32 $0x1, s23;
	s25 =	simm.s32 @!p1 $0x8000;
	s28 =	simm.s32 @!p1 $0xC000  }
0x11f: {  	[tilespmem:s25], [sflag:$0x2] =	stream.indirect.gather @!p1 [hbm4b:s2+s26], $0x40, s3, s26, $0xb8;
	[tilespmem:$0x1E400] =	vst v63  }
.Ltmp1:
0x120: {  	s25 =	sadd.s32 @!p1 s31, s17;
	s26 =	simm.s32 @!p1 $0x0;
	(pc) =	sbr.rel @p0 .LBB2_4-.Ltmp1, $4  }
0x121: {  	[tilespmem:s28], [sflag:$0x2] =	stream.linear.gather @!p1 [hbm4b:s25+s26], $0x800, $0x38;
	[tilespmem:$0x1E400] =	vst v63  }
0x122: {  	s29 =	simm.s32 @!p1 $0xC800;
	s25 =	sand.u32 $0x1, s23;
	s28 =	sadd.s32 @!p1 s31, s18  }
0x123: {  	[tilespmem:s29], [sflag:$0x2] =	stream.linear.gather @!p1 [hbm4b:s28+s26], $0x800, $0x38;
	[tilespmem:$0x1E400] =	vst v63  }
0x124: {  	s3 =	sadd.s32 $0x100, s3;
	s28 =	sadd.s32 @!p1 s31, s19;
	s29 =	simm.s32 @!p1 $0xD000  }
0x125: {  	[tilespmem:s29], [sflag:$0x2] =	stream.linear.gather @!p1 [hbm4b:s28+s26], $0x800, $0x38;
	[tilespmem:$0x1E400] =	vst v63  }
0x126: {  	p0 =	seq.s32 s25, $0x1;
	s24 =	sadd.s32 @!p1 s31, s20;
	s28 =	simm.s32 @!p1 $0xD800  }
0x127: {  	[tilespmem:s28], [sflag:$0x2] =	stream.linear.gather @!p1 [hbm4b:s24+s26], $0x800, $0x38;
	[tilespmem:$0x1E400] =	vst v63  }
0x128: {  	s24 =	simm.s32 @!p0 $0x1  }
0x129: {  	_ =	swait.ge @!p0 [sflag:s24], $0x2000  }
0x12a: {  	[sflag:s24] =	ssyncset.done @!p0 $0x0  }
0x12b: {  	[sflag:s24] =	ssyncadd.s32 @!p0 $0xFFFFE000  }
0x12c: {  	_ =	swait.ge @!p0 [sflag:s24], $0x2000  }
0x12d: {  	[sflag:s24] =	ssyncset.done @!p0 $0x0  }
0x12e: {  	[sflag:s24] =	ssyncadd.s32 @!p0 $0xFFFFE000  }
0x12f: {  	_ =	swait.ge @!p0 [sflag:s24], $0x800  }
0x130: {  	[sflag:s24] =	ssyncset.done @!p0 $0x0  }
0x131: {  	[sflag:s24] =	ssyncadd.s32 @!p0 $0xFFFFF800  }
0x132: {  	_ =	swait.ge @!p0 [sflag:s24], $0x800  }
0x133: {  	[sflag:s24] =	ssyncset.done @!p0 $0x0  }
0x134: {  	[sflag:s24] =	ssyncadd.s32 @!p0 $0xFFFFF800  }
0x135: {  	_ =	swait.ge @!p0 [sflag:s24], $0x800  }
0x136: {  	[sflag:s24] =	ssyncset.done @!p0 $0x0  }
0x137: {  	[sflag:s24] =	ssyncadd.s32 @!p0 $0xFFFFF800  }
0x138: {  	_ =	swait.ge @!p0 [sflag:s24], $0x800  }
0x139: {  	p1 =	seq.s32 s25, $0x0;
	[sflag:s24] =	ssyncset.done @!p0 $0x0  }
0x13a: {  	s26 =	simm.s32 @!p1 $0x2;
	[sflag:s24] =	ssyncadd.s32 @!p0 $0xFFFFF800  }
0x13b: {  	_ =	swait.ge @!p1 [sflag:s26], $0x2000  }
0x13c: {  	[sflag:s26] =	ssyncset.done @!p1 $0x0  }
0x13d: {  	[sflag:s26] =	ssyncadd.s32 @!p1 $0xFFFFE000  }
0x13e: {  	_ =	swait.ge @!p1 [sflag:s26], $0x2000  }
0x13f: {  	[sflag:s26] =	ssyncset.done @!p1 $0x0  }
0x140: {  	[sflag:s26] =	ssyncadd.s32 @!p1 $0xFFFFE000  }
0x141: {  	_ =	swait.ge @!p1 [sflag:s26], $0x800  }
0x142: {  	[sflag:s26] =	ssyncset.done @!p1 $0x0  }
0x143: {  	[sflag:s26] =	ssyncadd.s32 @!p1 $0xFFFFF800  }
0x144: {  	_ =	swait.ge @!p1 [sflag:s26], $0x800  }
0x145: {  	[sflag:s26] =	ssyncset.done @!p1 $0x0  }
0x146: {  	[sflag:s26] =	ssyncadd.s32 @!p1 $0xFFFFF800  }
0x147: {  	_ =	swait.ge @!p1 [sflag:s26], $0x800  }
0x148: {  	p2 =	sgt.u32 s23, $0x1D;
	[sflag:s26] =	ssyncset.done @!p1 $0x0  }
0x149: {  	p3 =	sne.s32 @!p2 s25, $0x0;
	[sflag:s26] =	ssyncadd.s32 @!p1 $0xFFFFF800  }
0x14a: {  	p3 =	por p3, p2;
	_ =	swait.ge @!p1 [sflag:s26], $0x800  }
0x14b: {  	s23 =	sadd.s32 @!p3 $0xFFFFFF80, s3;
	[sflag:s26] =	ssyncset.done @!p1 $0x0  }
0x14c: {  	s25 =	simm.s32 @!p3 $0x2000;
	s24 =	simm.s32 @!p3 $0x80;
	[sflag:s26] =	ssyncadd.s32 @!p1 $0xFFFFF800  }
0x14d: {  	[tilespmem:s25], [sflag:$0x1] =	stream.indirect.gather @!p3 [hbm4b:s1+s24], $0x40, s23, s24, $0xb8;
	[tilespmem:$0x1E400] =	vst v63  }
0x14e: {  	s23 =	simm.s32 @!p3 $0x6000  }
0x14f: {  	[tilespmem:s23], [sflag:$0x1] =	stream.indirect.gather @!p3 [hbm4b:s2+s24], $0x40, s3, s24, $0xb8;
	[tilespmem:$0x1E400] =	vst v63  }
0x150: {  	s25 =	simm.s32 @!p3 $0xA000;
	s23 =	sadd.s32 @!p3 s0, s17;
	s24 =	simm.s32 @!p3 $0x0  }
0x151: {  	[tilespmem:s25], [sflag:$0x1] =	stream.linear.gather @!p3 [hbm4b:s23+s24], $0x800, $0x38;
	[tilespmem:$0x1E400] =	vst v63  }
0x152: {  	s23 =	sadd.s32 @!p3 s0, s18;
	s25 =	simm.s32 @!p3 $0xA800  }
0x153: {  	[tilespmem:s25], [sflag:$0x1] =	stream.linear.gather @!p3 [hbm4b:s23+s24], $0x800, $0x38;
	[tilespmem:$0x1E400] =	vst v63  }
0x154: {  	p0 =	por !p0, !p0;
	s23 =	sadd.s32 @!p3 s0, s19;
	s25 =	simm.s32 @!p3 $0xB000  }
0x155: {  	[tilespmem:s25], [sflag:$0x1] =	stream.linear.gather @!p3 [hbm4b:s23+s24], $0x800, $0x38;
	[tilespmem:$0x1E400] =	vst v63  }
0x156: {  	p0 =	por p2, p0;
	s23 =	sadd.s32 @!p3 s0, s20;
	s25 =	simm.s32 @!p3 $0xB800  }
0x157: {  	[tilespmem:s25], [sflag:$0x1] =	stream.linear.gather @!p3 [hbm4b:s23+s24], $0x800, $0x38;
	[tilespmem:$0x1E400] =	vst v63  }
0x158: {  	s23 =	sadd.s32 @!p0 $0xFFFFFF80, s3;
	s24 =	simm.s32 @!p0 $0x80;
	s25 =	simm.s32 @!p0 $0x4000  }
0x159: {  	[tilespmem:s25], [sflag:$0x2] =	stream.indirect.gather @!p0 [hbm4b:s1+s24], $0x40, s23, s24, $0xb8;
	[tilespmem:$0x1E400] =	vst v63  }
0x15a: {  	s23 =	simm.s32 @!p0 $0x8000  }
0x15b: {  	[tilespmem:s23], [sflag:$0x2] =	stream.indirect.gather @!p0 [hbm4b:s2+s24], $0x40, s3, s24, $0xb8;
	[tilespmem:$0x1E400] =	vst v63  }
0x15c: {  	s3 =	sadd.s32 @!p0 s0, s17;
	s23 =	simm.s32 @!p0 $0x0;
	s24 =	simm.s32 @!p0 $0xC000  }
0x15d: {  	[tilespmem:s24], [sflag:$0x2] =	stream.linear.gather @!p0 [hbm4b:s3+s23], $0x800, $0x38;
	[tilespmem:$0x1E400] =	vst v63  }
0x15e: {  	s3 =	sadd.s32 @!p0 s0, s18;
	s24 =	simm.s32 @!p0 $0xC800  }
0x15f: {  	[tilespmem:s24], [sflag:$0x2] =	stream.linear.gather @!p0 [hbm4b:s3+s23], $0x800, $0x38;
	[tilespmem:$0x1E400] =	vst v63  }
0x160: {  	s3 =	sadd.s32 @!p0 s0, s19;
	s24 =	simm.s32 @!p0 $0xD000  }
0x161: {  	[tilespmem:s24], [sflag:$0x2] =	stream.linear.gather @!p0 [hbm4b:s3+s23], $0x800, $0x38;
	[tilespmem:$0x1E400] =	vst v63  }
0x162: {  	s0 =	sadd.s32 @!p0 s0, s20;
	s3 =	simm.s32 @!p0 $0xD800  }
0x163: {  	[tilespmem:s3], [sflag:$0x2] =	stream.linear.gather @!p0 [hbm4b:s0+s23], $0x800, $0x38;
	[tilespmem:$0x1E400] =	vst v63  }
0x164: {  	s29 =	simm.s32 $0xE000  }
0x165: {  	[hbm4b:s14+s4] =	stream.linear.scatter [tilespmem:s29], [sflag:$0x3], $0x10000, $0x38;
	[tilespmem:$0x1E400] =	vst v63  }
0x166: {  	s30 =	sadd.s32 $0x1, s30;
	_ =	swait.ge [sflag:s21], $0x10000  }
0x167: {  	p0 =	sne.s32 s30, s16;
	[sflag:s21] =	ssyncset.done $0x0  }
.Ltmp2:
0x168: {  	s31 =	simm.s32 $0x1E000;
	[sflag:s21] =	ssyncadd.s32 $0xFFFF0000;
	(pc) =	sbr.rel @p0 .LBB2_1-.Ltmp2, $4  }
0x169: {  	[hbm4b:s15+s4] =	stream.linear.scatter [tilespmem:s31], [sflag:$0x3], $0x400, $0x38;
	[tilespmem:$0x1E400] =	vst v63  }
0x16a: {  	_ =	swait.ge [sflag:s21], $0x400  }
0x16b: {  	[sflag:s21] =	ssyncset.done $0x0  }
0x16c: {  	[sflag:s21] =	ssyncadd.s32 $0xFFFFFC00  }
0x16d: {  	_ =	sfence.sel $0x180000  }
0x16e: {  	[bflag:$0x0] =	sbarrier.arrive $0xFFFF  }
0x16f: {  	_ =	strace $0x9000004A  }
0x170: {  	s0 =	stileid.u32;
	[bflag:$0x2] =	sbarrier.arrive $0xFFFF  }
0x171: {  	p0 =	sne.s32 s0, $0x0;
	s0 =	rddreg [dreg:$0x4]  }
0x172: {  	s0 =	sadd.s32 @!p0 $0x100000, s0  }
0x173: {  	[sflag:s0] =	ssyncadd.tile.s32 @!p0 $0x1;
	_ =	shalt  }
.Lfunc_end2:
_tile_overlayer_lowered:
.L_overlay_start_2:
0x174: {  	(tag) =	ssettag $0x2  }
0x175: {  	s0 =	rddreg [dreg:$0x0];
	s2 =	stileid.u32  }
0x176: {  	s1 =	rddreg [dreg:$0x1];
	p0 =	sne.s32 s2, $0x0  }
0x177: {  	s3 =	rddreg [dreg:$0x2];
	[bflag:$0x3] =	sbarrier.arrive $0xFFFF;
	s2 =	simm.s32 @!p0 $0x1C03  }
0x178: {  	[timem:s3], [sflag:s2] =	dma.local @!p0 [hbm:s0], s1  }
0x179: {  	s0 =	simm.s32 @!p0 $0x3  }
0x17a: {  	_ =	swait.ge @!p0 [sflag:s0], s1  }
0x17b: {  	s1 =	ssub.s32 @!p0 $0x0, s1;
	[sflag:s0] =	ssyncset.done @!p0 $0x0  }
0x17c: {  	[sflag:s0] =	ssyncadd.s32 @!p0 s1  }
0x17d: {  	[bflag:$0x3] =	sbarrier.arrive $0xFFFF  }
0x17e: {  	_ =	shalt  }

// kernel: kernel.8.cloned.1.call-start
scs
__scs_entry_jumppad:
0x0: {  	(pc) =	sbr.rel $0x88, $3  }
0x1: {  	(tag) =	ssettag $0x0;
	lr =	simm.s32 $0x1  }
0x2: {  	[smem:$0x3F9A] =	sst lr;
	_ =	strace $0xD0000000  }
0x3: {  	_ = 	snop  }
0x4: {  	_ = 	snop  }
0x5: {  	_ = 	snop  }
0x6: {  	_ = 	snop  }
0x7: {  	_ = 	snop  }
__scs_overlays_trampoline_lowered:
0x8: {  	[smem:$0x3FA9] =	sst s0  }
0x9: {  	[smem:$0x3FAA] =	sst s1  }
0xa: {  	[smem:$0x3FAB] =	sst s2  }
0xb: {  	[smem:$0x3FAC] =	sst s3  }
0xc: {  	[smem:$0x3FAD] =	sst s4  }
0xd: {  	[smem:$0x3FAE] =	sst s5  }
0xe: {  	[smem:$0x3FAF] =	sst s6  }
0xf: {  	[smem:$0x3FB0] =	sst s7  }
0x10: {  	[smem:$0x3FB1] =	sst s8  }
0x11: {  	[smem:$0x3FB2] =	sst s9;
	s0 =	simm.s32 @!p0 $0x0  }
0x12: {  	s1 =	sld [smem:$0x3F98];
	s0 =	simm.s32 @p0 $0x1  }
0x13: {  	[smem:$0x3FB3] =	sst s0;
	s0 =	simm.s32 @!p1 $0x0  }
0x14: {  	s2 =	sld [smem:$0x3F97];
	s0 =	simm.s32 @p1 $0x1  }
0x15: {  	[smem:$0x3FB4] =	sst s0;
	s0 =	simm.s32 @!p2 $0x0  }
0x16: {  	s3 =	sld [smem:$0x3FDB];
	s0 =	simm.s32 @p2 $0x1  }
0x17: {  	s4 =	simm.s32 $0x1BF5;
	[smem:$0x3FB6] =	sst s0  }
0x18: {  	s0 =	sld [smem:$0x3F99];
	_ =	swait.ge [sflag:s4], $0x0  }
0x19: {  	s7 =	sld [smem:$0x3F9A]  }
0x1a: {  	s8 =	sadd.s32 $0xFFFFE003, lr  }
0x1b: {  	s9 =	sadd.s32 $0xFFFFFEF7, lr;
	s5 =	simm.s32 $0xFFFFFFFF;
	p2 =	slt.u32 s8, $0xFFFFF086  }
0x1c: {  	p1 =	slt.u32 s9, $0xF7A;
	s5 =	simm.s32 @!p2 $0x0  }
0x1d: {  	s5 =	simm.s32 @p1 $0x1;
	p0 =	seq.s32 s7, s2  }
0x1e: {  	s7 =	smul.u32 @!p0 $0xF7A, s2;
	p2 =	seq.s32 @!p0 s5, $0x0  }
0x1f: {  	s9 =	smul.u32 $0xF7A, s1;
	s8 =	simm.s32 @!p0 $0x1BF5;
	p2 =	por !p2, p0  }
0x20: {  	[sflag:s8] =	ssyncset.s32 @!p0 $0xFFFFF086;
	s6 =	sadd.s32 @!p0 s3, s7;
	s7 =	simm.s32 @!p0 $0x108  }
0x21: {  	s3 =	sadd.s32 s3, s9;
	s6 =	sadd.s32 @!p0 $0x88, s6;
	s7 =	simm.s32 @p2 $0x1082  }
0x22: {  	[simem:s7], [sflag:s8] =	dma.local @!p0 [hbm:s6], $0xF7A  }
0x23: {  	s9 =	sor.u32 $0xD0000000, s2;
	s6 =	simm.s32 $0x108;
	_ =	swait.ge @!p0 [sflag:s8], $0x0  }
0x24: {  	s3 =	sadd.s32 $0x88, s3;
	s6 =	simm.s32 @!p1 $0x1082;
	[sflag:s4] =	ssyncset.s32 $0xFFFFF086  }
0x25: {  	[simem:s6], [sflag:s4] =	dma.local [hbm:s3], $0xF7A  }
0x26: {  	[smem:$0x3F9A] =	sst s1;
	(tag) =	ssettag s2;
	_ =	strace s9  }
0x27: {  	s1 =	sld [smem:$0x3FAA]  }
0x28: {  	s2 =	sld [smem:$0x3FAB]  }
0x29: {  	s4 =	sld [smem:$0x3FAD]  }
0x2a: {  	p0 =	seq.s32 s5, $0x0;
	s5 =	sld [smem:$0x3FAE]  }
0x2b: {  	s6 =	sld [smem:$0x3FAF]  }
0x2c: {  	s7 =	sld [smem:$0x3FB0]  }
0x2d: {  	s3 =	simm.s32 $0x108;
	s8 =	sld [smem:$0x3FB1]  }
0x2e: {  	s3 =	simm.s32 @!p0 $0x1082;
	s9 =	sld [smem:$0x3FB2]  }
0x2f: {  	lr =	sadd.s32 s0, s3;
	s0 =	sld [smem:$0x3FA9]  }
0x30: {  	s3 =	sld [smem:$0x3FAC]  }
0x31: {  	[smem:$0x3FB5] =	sst s10  }
0x32: {  	s10 =	sld [smem:$0x3FB3];
	_ =	sdelay $0x3  }
0x33: {  	p0 =	seq.s32 s10, $0x1;
	s10 =	sld [smem:$0x3FB5];
	_ =	sdelay $0x3  }
0x34: {  	[smem:$0x3FB5] =	sst s10  }
0x35: {  	s10 =	sld [smem:$0x3FB4];
	_ =	sdelay $0x3  }
0x36: {  	p1 =	seq.s32 s10, $0x1;
	s10 =	sld [smem:$0x3FB5];
	_ =	sdelay $0x3  }
0x37: {  	[smem:$0x3FB5] =	sst s10  }
0x38: {  	s10 =	sld [smem:$0x3FB6]  }
0x39: {  	_ = 	snop;
	(pc) =	sbr.ind lr, $3  }
0x3a: {  	_ = 	snop  }
0x3b: {  	_ = 	snop  }
0x3c: {  	p2 =	seq.s32 s10, $0x1;
	s10 =	sld [smem:$0x3FB5]  }
0x3d: {  	_ =	shalt  }
0x3e: {  	_ =	shalt  }
0x3f: {  	_ =	shalt  }
0x40: {  	_ =	shalt  }
0x41: {  	_ =	shalt  }
0x42: {  	_ =	shalt  }
0x43: {  	_ =	shalt  }
0x44: {  	_ =	shalt  }
0x45: {  	_ =	shalt  }
0x46: {  	_ =	shalt  }
0x47: {  	_ =	shalt  }
0x48: {  	_ =	shalt  }
0x49: {  	_ =	shalt  }
0x4a: {  	_ =	shalt  }
0x4b: {  	_ =	shalt  }
0x4c: {  	_ =	shalt  }
0x4d: {  	_ =	shalt  }
0x4e: {  	_ =	shalt  }
0x4f: {  	_ =	shalt  }
0x50: {  	_ =	shalt  }
0x51: {  	_ =	shalt  }
0x52: {  	_ =	shalt  }
0x53: {  	_ =	shalt  }
0x54: {  	_ =	shalt  }
0x55: {  	_ =	shalt  }
0x56: {  	_ =	shalt  }
0x57: {  	_ =	shalt  }
0x58: {  	_ =	shalt  }
0x59: {  	_ =	shalt  }
0x5a: {  	_ =	shalt  }
0x5b: {  	_ =	shalt  }
0x5c: {  	_ =	shalt  }
0x5d: {  	_ =	shalt  }
0x5e: {  	_ =	shalt  }
0x5f: {  	_ =	shalt  }
0x60: {  	_ =	shalt  }
0x61: {  	_ =	shalt  }
0x62: {  	_ =	shalt  }
0x63: {  	_ =	shalt  }
0x64: {  	_ =	shalt  }
0x65: {  	_ =	shalt  }
0x66: {  	_ =	shalt  }
0x67: {  	_ =	shalt  }
0x68: {  	_ =	shalt  }
0x69: {  	_ =	shalt  }
0x6a: {  	_ =	shalt  }
0x6b: {  	_ =	shalt  }
0x6c: {  	_ =	shalt  }
0x6d: {  	_ =	shalt  }
0x6e: {  	_ =	shalt  }
0x6f: {  	_ =	shalt  }
0x70: {  	_ =	shalt  }
0x71: {  	_ =	shalt  }
0x72: {  	_ =	shalt  }
0x73: {  	_ =	shalt  }
0x74: {  	_ =	shalt  }
0x75: {  	_ =	shalt  }
0x76: {  	_ =	shalt  }
0x77: {  	_ =	shalt  }
0x78: {  	_ =	shalt  }
0x79: {  	_ =	shalt  }
0x7a: {  	_ =	shalt  }
0x7b: {  	_ =	shalt  }
0x7c: {  	_ =	shalt  }
0x7d: {  	_ =	shalt  }
0x7e: {  	_ =	shalt  }
0x7f: {  	_ =	shalt  }
0x80: {  	_ =	shalt  }
0x81: {  	_ =	shalt  }
0x82: {  	_ =	shalt  }
0x83: {  	_ =	shalt  }
0x84: {  	_ =	shalt  }
0x85: {  	_ =	shalt  }
0x86: {  	_ =	shalt  }
0x87: {  	_ =	shalt  }
.Lfunc_end0:
.L_simem_size_0:
called_computation_lowered:
.L_overlay_start_0:
0x88: {  	s2 =	sld [smem:$0x3FD9]  }
0x89: {  	s3 =	sld [smem:$0x3FFE];
	_ =	sdelay $0x1  }
0x8a: {  	s1 =	srdreg.scid  }
0x8b: {  	s0 =	sand.u32 $0x1, s1  }
0x8c: {  	s15 =	sshll.u32 s0, $0xA;
	s2 =	sadd.s32 s3, s2  }
0x8d: {  	s2 =	sadd.s32 s2, s15  }
0x8e: {  	[smem:$0x3FC1] =	sst s2  }
0x8f: {  	_ = 	snop  }
0x90: {  	s2 =	sld [smem:$0x3FD0];
	_ =	sdelay $0x1  }
0x91: {  	s16 =	sld [smem:$0x3FC8]  }
0x92: {  	s5 =	simm.s32 $0xA;
	s6 =	simm.s32 $0x10;
	s4 =	sld [smem:$0x3FC7]  }
0x93: {  	[smem:s6], [sflag:s5] =	dma.local [hbm:s2], $0x1  }
0x94: {  	_ =	swait.eq [sflag:s5], $0x1  }
0x95: {  	[sflag:s5] =	ssyncset.done $0x0  }
0x96: {  	[sflag:s5] =	ssyncadd.s32 $0xFFFFFFFF  }
0x97: {  	s17 =	sld [smem:$0x11];
	(tm) =	ssettm $0x1  }
0x98: {  	s18 =	sld [smem:$0x3FFB];
	_ =	sdelay $0x3  }
0x99: {  	_ =	strace s18  }
0x9a: {  	s5 =	sld [smem:$0x3FFC];
	_ =	sdelay $0x3  }
0x9b: {  	_ =	strace s5  }
0x9c: {  	s5 =	sld [smem:$0x3FFD];
	_ =	sdelay $0x3  }
0x9d: {  	_ =	strace s5  }
0x9e: {  	_ =	strace $0x8FFFFFFF  }
0x9f: {  	s19 =	sld [smem:$0x3FDB];
	_ =	sdelay $0x1  }
0xa0: {  	s20 =	simm.s32 $_scs_section_size  }
0xa1: {  	s7 =	simm.s32 $_size__tile_overlayer_lowered;
	s8 =	simm.s32 $_tile_overlayer_lowered  }
0xa2: {  	s23 =	simm.s32 $0x1BFF;
	s22 =	sshll.u32 s8, $0x1;
	s5 =	sadd.s32 s20, s19  }
0xa3: {  	s9 =	simm.s32 $0x0;
	s21 =	sshll.u32 s7, $0x1;
	s7 =	sadd.s32 s22, s5  }
0xa4: {  	[timem:s9], [sflag:s23] =	dma.local [hbm:s7], s21  }
0xa5: {  	_ =	swait.ge [sflag:s23], s21  }
0xa6: {  	s6 =	ssub.s32 $0x0, s21;
	[sflag:s23] =	ssyncset.done $0x0  }
0xa7: {  	[sflag:s23] =	ssyncadd.s32 s6;
	_ =	sdelay $0x1  }
0xa8: {  	s24 =	simm.s32 $0x1B8B  }
0xa9: {  	_ =	swait.ge [sflag:s24], $0x1  }
0xaa: {  	[sflag:s24] =	ssyncset.done $0x0  }
0xab: {  	s25 =	simm.s32 $0x1B8E;
	[sflag:s24] =	ssyncadd.s32 $0xFFFFFFFF  }
0xac: {  	s26 =	simm.s32 $execute0_lowered;
	[smem:$0x3FD2] =	sst s25  }
0xad: {  	s6 =	sshll.u32 s26, $0x1;
	_ =	strace $0x80000046;
	[dreg:$0x1] =	wrdreg $0xFFFFFFFF  }
0xae: {  	s28 =	simm.s32 $_size_execute0_lowered;
	s5 =	sadd.s32 s5, s6;
	[dreg:$0x0] =	wrdreg $0x0  }
0xaf: {  	s6 =	sshll.u32 s28, $0x1;
	[dreg:$0x2] =	wrdreg s5  }
0xb0: {  	[dreg:$0x3] =	wrdreg s6  }
0xb1: {  	[dreg:$0x4] =	wrdreg $0xC0  }
0xb2: {  	_ =	task [dreg:s9], $0x5FFFF  }
0xb3: {  	[dreg:$0x1] =	wrdreg $0xFFFFFFFF  }
0xb4: {  	[dreg:$0x0] =	wrdreg $0x60  }
0xb5: {  	[dreg:$0x2] =	wrdreg s4  }
0xb6: {  	[dreg:$0x3] =	wrdreg s16  }
0xb7: {  	[dreg:$0x4] =	wrdreg s17  }
0xb8: {  	[dreg:$0x5] =	wrdreg $0x9  }
0xb9: {  	_ =	task.clear_ibuf [dreg:s9], $0x6FFFF;
	_ =	strace $0x90000046  }
0xba: {  	s29 =	simm.s32 $0x9;
	_ =	strace $0x80000048  }
0xbb: {  	_ =	swait.ge [sflag:s29], $0x1  }
0xbc: {  	[sflag:s29] =	ssyncadd.s32 $0xFFFFFFFF  }
0xbd: {  	_ =	strace $0x90000048  }
0xbe: {  	_ =	sfence  }
0xbf: {  	s30 =	sld [smem:$0x0];
	_ =	sdelay $0x2  }
0xc0: {  	s31 =	sshll.u32 s1, $0xD;
	s1 =	sshrl.u32 s1, $0x2  }
0xc1: {  	s3 =	sand.u32 $0x4000, s31;
	s1 =	sadd.s32 s1, s30  }
0xc2: {  	s0 =	sor.u32 s3, s0;
	s1 =	sshll.u32 s1, $0x11  }
0xc3: {  	s0 =	sor.u32 s1, s0  }
0xc4: {  	s0 =	sadd.s32 $0x8F2B, s0  }
0xc5: {  	[sflag:s0] =	ssyncadd.remote.s32 $0x1  }
0xc6: {  	_ =	sfence.sel $0xFFFF  }
0xc7: {  	[dreg:$0x0] =	wrdreg $0xFFFFFFFF;
	(pc) =	sbr.abs _section_cstart, $3  }
0xc8: {  	[dreg:$0x1] =	wrdreg $0xFFFFFFFF  }
0xc9: {  	_ =	task.clear_ibuf [dreg:s9], $0x2FFFF;
	_ =	strace $0x9FFFFFFF  }
0xca: {  	(tm) =	ssettm $0x7FFFFFFF  }
0xcb: {  	_ =	shalt  }
tec
execute0_lowered:
.L_overlay_start_1:
0x0: {  	(tag) =	ssettag $0x1  }
0x1: {  	s0 =	rddreg [dreg:$0x0]  }
0x2: {  	s2 =	rddreg [dreg:$0x1]  }
0x3: {  	s1 =	rddreg [dreg:$0x2];
	s3 =	srdreg.scid  }
0x4: {  	s4 =	stileid.u32;
	s5 =	simm.s32 $0x0;
	s8 =	simm.s32 $0x80  }
0x5: {  	s10 =	simm.s32 $0x3000;
	s15 =	simm.s32 $0xB000;
	s7 =	simm.s32 $0x2D80  }
0x6: {  	s9 =	simm.s32 $0x10800;
	s11 =	simm.s32 $0x2E00;
	s12 =	simm.s32 $0x11000  }
0x7: {  	s13 =	simm.s32 $0x2E80;
	s14 =	simm.s32 $0x11800;
	s16 =	simm.s32 $0x2F00  }
0x8: {  	s17 =	simm.s32 $0x12000;
	s18 =	simm.s32 $0x2F80;
	s19 =	simm.s32 $0x12800  }
0x9: {  	s20 =	simm.s32 $0x1;
	s21 =	simm.s32 $0x13000;
	s22 =	simm.s32 $0x2  }
0xa: {  	s23 =	simm.s32 $0x13800;
	s3 =	sand.u32 $0x1, s3;
	s4 =	sshll.u32 s4, $0x1  }
.Ltmp0:
0xb: {  	s28 =	ssub.s32 $0x2, s3;
	s3 =	sor.u32 s3, s4;
	(pc) =	sbr.rel .LBB2_1-.Ltmp0, $4  }
0xc: {  	[smem:$0x7FF] =	sst s5;
	s29 =	sshrl.u32 s28, $0x1;
	s6 =	sshll.u32 s3, $0xA  }
0xd: {  	_ =	strace $0x80000047;
	s4 =	ssub.s32 s28, s29;
	s0 =	sadd.s32 s0, s6  }
0xe: {  	v0 =	vlaneseq.u32;
	s30 =	sshll.u32 s3, $0xD;
	[dreg:$0x4] =	wrdreg s0;
	s31 =	smax.u32 s4, $0x1  }
0xf: {  	v0 =	vmul.u32 $0x800, v0;
	s3 =	simm.s32 $0x0;
	s5 =	sadd.s32 s1, s30;
	[dreg:$0x5] =	wrdreg s31  }
.LBB2_18:
0x10: {  	s0 =	simm.s32 $0x3  }
0x11: {  	_ =	swait.ge [sflag:s0], $0x800  }
0x12: {  	[sflag:s0] =	ssyncset.done $0x0  }
0x13: {  	s1 =	simm.s32 $0x4;
	[sflag:s0] =	ssyncadd.s32 $0xFFFFF800  }
0x14: {  	_ =	swait.ge [sflag:s1], $0x800  }
0x15: {  	s3 =	rddreg [dreg:$0x6]  }
0x16: {  	s31 =	rddreg [dreg:$0x5];
	s3 =	sadd.s32 $0x1, s3  }
0x17: {  	p0 =	sne.s32 s3, s31  }
.Ltmp1:
0x18: {  	_ = 	snop;
	(pc) =	sbr.rel @!p0 .LBB2_19-.Ltmp1, $3  }
0x19: {  	_ =	sdelay $0x1  }
0x1a: {  	[sflag:s1] =	ssyncset.done $0x0  }
0x1b: {  	[sflag:s1] =	ssyncadd.s32 $0xFFFFF800  }
.LBB2_1:
0x1c: {  	[dreg:$0x6] =	wrdreg s3  }
0x1d: {  	s0 =	simm.s32 $0x0;
	s1 =	rddreg [dreg:$0x4];
	s31 =	simm.s32 $0x5  }
0x1e: {  	[tilespmem:s0], [sflag:$0x5] =	stream.linear.gather [hbm4b:s1+s0], $0x2000, $0x38;
	[tilespmem:$0x14000] =	vst v63  }
0x1f: {  	_ =	swait.ge [sflag:s31], $0x2000  }
0x20: {  	[sflag:s31] =	ssyncset.done $0x0  }
0x21: {  	s0 =	simm.s32 $0x0;
	[sflag:s31] =	ssyncadd.s32 $0xFFFFE000  }
0x22: {  	v1 =	vld [tilespmem:s0+$0x80]  }
0x23: {  	v2 =	vld [tilespmem:s0+$0x0];
	_ =	sdelay $0x3  }
0x24: {  	v3 =	vshrl.u32 v1, $0x1  }
0x25: {  	v2 =	vshll.u32 v2, $0xA;
	v1 =	vshrl.u32 v1, $0x4;
	v3 =	vand.u32 $0x7FFFFFC0, v3  }
0x26: {  	v1 =	vand.u32 $0x7, v1;
	v2 =	vadd.s32 v2, v3  }
0x27: {  	v1 =	vor.u32 v1, v2  }
0x28: {  	[tilespmem:s0+$0x2000] =	vst v1;
	v2 =	vadd.s32 $0x238, v1  }
0x29: {  	v3 =	vor.u32 $0x8, v1;
	[tilespmem:s0+$0x2780] =	vst v2  }
0x2a: {  	v10 =	vor.u32 $0x20, v1;
	[tilespmem:s0+$0x2080] =	vst v3  }
0x2b: {  	v11 =	vor.u32 $0x28, v1;
	v9 =	vor.u32 $0x30, v1;
	v6 =	vor.u32 $0x38, v1;
	[tilespmem:s0+$0x2200] =	vst v10  }
0x2c: {  	v5 =	vadd.s32 $0x200, v1;
	v8 =	vadd.s32 $0x208, v1;
	v2 =	vor.u32 $0x10, v1;
	[tilespmem:s0+$0x2280] =	vst v11  }
0x2d: {  	v7 =	vadd.s32 $0x210, v1;
	v4 =	vadd.s32 $0x218, v1;
	v3 =	vor.u32 $0x18, v1;
	[tilespmem:s0+$0x2100] =	vst v2  }
0x2e: {  	s3 =	simm.s32 $0x80;
	s1 =	simm.s32 $0x10;
	[tilespmem:s0+$0x2180] =	vst v3;
	v3 =	vadd.s32 $0x220, v1;
	v2 =	vadd.s32 $0x228, v1;
	v1 =	vadd.s32 $0x230, v1  }
.LBB2_2:
0x2f: {  	p0 =	sne.s32 s3, $0x1C0;
	v10 =	vld [tilespmem:s1+$0x80];
	[tilespmem:s0+$0x2300] =	vst v9  }
0x30: {  	v9 =	vld [tilespmem:s1+$0x0];
	[tilespmem:s0+$0x2380] =	vst v6  }
0x31: {  	[tilespmem:s0+$0x2400] =	vst v5  }
0x32: {  	[tilespmem:s0+$0x2480] =	vst v8  }
0x33: {  	[tilespmem:s0+$0x2500] =	vst v7  }
0x34: {  	v5 =	vshrl.u32 v10, $0x1;
	[tilespmem:s0+$0x2580] =	vst v4  }
0x35: {  	v6 =	vshrl.u32 v10, $0x4;
	v4 =	vshll.u32 v9, $0xA;
	v5 =	vand.u32 $0x7FFFFFC0, v5;
	[tilespmem:s0+$0x2600] =	vst v3  }
0x36: {  	v3 =	vadd.s32 v4, v5;
	v4 =	vand.u32 $0x7, v6;
	[tilespmem:s0+$0x2680] =	vst v2  }
0x37: {  	v10 =	vor.u32 v4, v3;
	[tilespmem:s0+$0x2700] =	vst v1;
	s0 =	smov.u32 s1  }
0x38: {  	[tilespmem:s0+$0x2000] =	vst v10;
	v1 =	vor.u32 $0x8, v10;
	v2 =	vor.u32 $0x10, v10;
	v3 =	vadd.s32 $0x238, v10  }
0x39: {  	v11 =	vor.u32 $0x18, v10;
	v12 =	vor.u32 $0x20, v10;
	v13 =	vor.u32 $0x28, v10;
	[tilespmem:s0+$0x2780] =	vst v3  }
.Ltmp2:
0x3a: {  	v9 =	vor.u32 $0x30, v10;
	v6 =	vor.u32 $0x38, v10;
	v5 =	vadd.s32 $0x200, v10;
	[tilespmem:s0+$0x2080] =	vst v1;
	(pc) =	sbr.rel @p0 .LBB2_2-.Ltmp2, $4  }
0x3b: {  	v8 =	vadd.s32 $0x208, v10;
	v7 =	vadd.s32 $0x210, v10;
	v4 =	vadd.s32 $0x218, v10;
	[tilespmem:s0+$0x2100] =	vst v2  }
0x3c: {  	v3 =	vadd.s32 $0x220, v10;
	v1 =	vadd.s32 $0x230, v10;
	v2 =	vadd.s32 $0x228, v10;
	[tilespmem:s0+$0x2180] =	vst v11  }
0x3d: {  	[tilespmem:s0+$0x2200] =	vst v12  }
0x3e: {  	s1 =	sshra.s32 s3, $0x2;
	s3 =	sadd.s32 $0x40, s3;
	[tilespmem:s0+$0x2280] =	vst v13  }
0x3f: {  	v10 =	vld [tilespmem:s1+$0x80];
	[tilespmem:s0+$0x2300] =	vst v9  }
0x40: {  	v9 =	vld [tilespmem:s1+$0x0];
	[tilespmem:s0+$0x2380] =	vst v6  }
0x41: {  	[tilespmem:s0+$0x2400] =	vst v5  }
0x42: {  	[tilespmem:s0+$0x2480] =	vst v8  }
0x43: {  	[tilespmem:s0+$0x2500] =	vst v7  }
0x44: {  	[tilespmem:s0+$0x2580] =	vst v4;
	v5 =	vshrl.u32 v10, $0x1  }
0x45: {  	[tilespmem:s0+$0x2600] =	vst v3;
	v6 =	vshrl.u32 v10, $0x4;
	v4 =	vshll.u32 v9, $0xA;
	v5 =	vand.u32 $0x7FFFFFC0, v5  }
0x46: {  	[tilespmem:s0+$0x2680] =	vst v2;
	v3 =	vadd.s32 v4, v5;
	v4 =	vand.u32 $0x7, v6  }
0x47: {  	[tilespmem:s0+$0x2700] =	vst v1;
	v2 =	vor.u32 v4, v3  }
0x48: {  	[tilespmem:s1+$0x2000] =	vst v2;
	v1 =	vadd.s32 $0x238, v2  }
0x49: {  	v3 =	vor.u32 $0x8, v2;
	[tilespmem:s1+$0x2780] =	vst v1  }
0x4a: {  	v1 =	vor.u32 $0x10, v2;
	[tilespmem:s1+$0x2080] =	vst v3  }
0x4b: {  	v3 =	vor.u32 $0x18, v2;
	[tilespmem:s1+$0x2100] =	vst v1  }
0x4c: {  	v1 =	vor.u32 $0x20, v2;
	[tilespmem:s1+$0x2180] =	vst v3  }
0x4d: {  	v3 =	vor.u32 $0x28, v2;
	[tilespmem:s1+$0x2200] =	vst v1  }
0x4e: {  	v1 =	vor.u32 $0x30, v2;
	[tilespmem:s1+$0x2280] =	vst v3  }
0x4f: {  	v3 =	vor.u32 $0x38, v2;
	[tilespmem:s1+$0x2300] =	vst v1  }
0x50: {  	v1 =	vadd.s32 $0x200, v2;
	[tilespmem:s1+$0x2380] =	vst v3  }
0x51: {  	v3 =	vadd.s32 $0x208, v2;
	[tilespmem:s1+$0x2400] =	vst v1  }
0x52: {  	v1 =	vadd.s32 $0x210, v2;
	[tilespmem:s1+$0x2480] =	vst v3  }
0x53: {  	v3 =	vadd.s32 $0x218, v2;
	[tilespmem:s1+$0x2500] =	vst v1  }
0x54: {  	v1 =	vadd.s32 $0x220, v2;
	[tilespmem:s1+$0x2580] =	vst v3  }
0x55: {  	v3 =	vadd.s32 $0x228, v2;
	[tilespmem:s1+$0x2600] =	vst v1  }
0x56: {  	v1 =	vadd.s32 $0x230, v2;
	[tilespmem:s1+$0x2680] =	vst v3  }
0x57: {  	[tilespmem:s1+$0x2700] =	vst v1;
	s1 =	simm.s32 $0x2000  }
0x58: {  	[tilespmem:s10], [sflag:$0x1] =	stream.indirect.gather [hbm4b:s2+s8], $0x10, s1, s8, $0xb8;
	[tilespmem:$0x14000] =	vst v63  }
0x59: {  	s3 =	simm.s32 $0x2080;
	s4 =	simm.s32 $0x3800  }
0x5a: {  	[tilespmem:s4], [sflag:$0x1] =	stream.indirect.gather [hbm4b:s2+s8], $0x10, s3, s8, $0xb8;
	[tilespmem:$0x14000] =	vst v63  }
0x5b: {  	s6 =	simm.s32 $0x2100;
	s24 =	simm.s32 $0x4000  }
0x5c: {  	[tilespmem:s24], [sflag:$0x1] =	stream.indirect.gather [hbm4b:s2+s8], $0x10, s6, s8, $0xb8;
	[tilespmem:$0x14000] =	vst v63  }
0x5d: {  	s25 =	simm.s32 $0x2180;
	s26 =	simm.s32 $0x4800  }
0x5e: {  	[tilespmem:s26], [sflag:$0x1] =	stream.indirect.gather [hbm4b:s2+s8], $0x10, s25, s8, $0xb8;
	[tilespmem:$0x14000] =	vst v63  }
0x5f: {  	s28 =	simm.s32 $0x2200;
	s29 =	simm.s32 $0x5000  }
0x60: {  	[tilespmem:s29], [sflag:$0x1] =	stream.indirect.gather [hbm4b:s2+s8], $0x10, s28, s8, $0xb8;
	[tilespmem:$0x14000] =	vst v63  }
0x61: {  	s30 =	simm.s32 $0x2280;
	s31 =	simm.s32 $0x5800  }
0x62: {  	[tilespmem:s31], [sflag:$0x1] =	stream.indirect.gather [hbm4b:s2+s8], $0x10, s30, s8, $0xb8;
	[tilespmem:$0x14000] =	vst v63  }
0x63: {  	s3 =	simm.s32 $0x2300;
	s4 =	simm.s32 $0x6000  }
0x64: {  	[tilespmem:s4], [sflag:$0x1] =	stream.indirect.gather [hbm4b:s2+s8], $0x10, s3, s8, $0xb8;
	[tilespmem:$0x14000] =	vst v63  }
0x65: {  	s6 =	simm.s32 $0x2380;
	s24 =	simm.s32 $0x6800  }
0x66: {  	[tilespmem:s24], [sflag:$0x1] =	stream.indirect.gather [hbm4b:s2+s8], $0x10, s6, s8, $0xb8;
	[tilespmem:$0x14000] =	vst v63  }
0x67: {  	s25 =	simm.s32 $0x2400;
	s26 =	simm.s32 $0x7000  }
0x68: {  	[tilespmem:s26], [sflag:$0x1] =	stream.indirect.gather [hbm4b:s2+s8], $0x10, s25, s8, $0xb8;
	[tilespmem:$0x14000] =	vst v63  }
0x69: {  	s28 =	simm.s32 $0x2480;
	s29 =	simm.s32 $0x7800  }
0x6a: {  	[tilespmem:s29], [sflag:$0x1] =	stream.indirect.gather [hbm4b:s2+s8], $0x10, s28, s8, $0xb8;
	[tilespmem:$0x14000] =	vst v63  }
0x6b: {  	s30 =	simm.s32 $0x2500;
	s31 =	simm.s32 $0x8000  }
0x6c: {  	[tilespmem:s31], [sflag:$0x1] =	stream.indirect.gather [hbm4b:s2+s8], $0x10, s30, s8, $0xb8;
	[tilespmem:$0x14000] =	vst v63  }
0x6d: {  	s3 =	simm.s32 $0x2580;
	s4 =	simm.s32 $0x8800  }
0x6e: {  	[tilespmem:s4], [sflag:$0x1] =	stream.indirect.gather [hbm4b:s2+s8], $0x10, s3, s8, $0xb8;
	[tilespmem:$0x14000] =	vst v63  }
0x6f: {  	s6 =	simm.s32 $0x2600;
	s24 =	simm.s32 $0x9000  }
0x70: {  	[tilespmem:s24], [sflag:$0x1] =	stream.indirect.gather [hbm4b:s2+s8], $0x10, s6, s8, $0xb8;
	[tilespmem:$0x14000] =	vst v63  }
0x71: {  	s25 =	simm.s32 $0x2680;
	s26 =	simm.s32 $0x9800  }
0x72: {  	[tilespmem:s26], [sflag:$0x1] =	stream.indirect.gather [hbm4b:s2+s8], $0x10, s25, s8, $0xb8;
	[tilespmem:$0x14000] =	vst v63  }
0x73: {  	s28 =	simm.s32 $0x2700;
	s29 =	simm.s32 $0xA000  }
0x74: {  	[tilespmem:s29], [sflag:$0x1] =	stream.indirect.gather [hbm4b:s2+s8], $0x10, s28, s8, $0xb8;
	[tilespmem:$0x14000] =	vst v63  }
0x75: {  	s0 =	simm.s32 $0x0;
	s30 =	simm.s32 $0x2780;
	s31 =	simm.s32 $0xA800  }
0x76: {  	[tilespmem:s31], [sflag:$0x1] =	stream.indirect.gather [hbm4b:s2+s8], $0x10, s30, s8, $0xb8;
	[tilespmem:$0x14000] =	vst v63  }
0x77: {  	v1 =	vld [tilespmem:s0+$0x180]  }
0x78: {  	v2 =	vld [tilespmem:s0+$0x100];
	_ =	sdelay $0x3  }
0x79: {  	v3 =	vshrl.u32 v1, $0x1  }
0x7a: {  	v2 =	vshll.u32 v2, $0xA;
	v1 =	vshrl.u32 v1, $0x4;
	v3 =	vand.u32 $0x7FFFFFC0, v3  }
0x7b: {  	v1 =	vand.u32 $0x7, v1;
	v2 =	vadd.s32 v2, v3  }
0x7c: {  	v1 =	vor.u32 v1, v2  }
0x7d: {  	[tilespmem:s0+$0x2800] =	vst v1;
	v2 =	vadd.s32 $0x238, v1  }
0x7e: {  	v3 =	vor.u32 $0x8, v1;
	[tilespmem:s0+$0x2F80] =	vst v2  }
0x7f: {  	v10 =	vor.u32 $0x20, v1;
	[tilespmem:s0+$0x2880] =	vst v3  }
0x80: {  	v11 =	vor.u32 $0x28, v1;
	v9 =	vor.u32 $0x30, v1;
	v6 =	vor.u32 $0x38, v1;
	[tilespmem:s0+$0x2A00] =	vst v10  }
0x81: {  	v5 =	vadd.s32 $0x200, v1;
	v8 =	vadd.s32 $0x208, v1;
	v2 =	vor.u32 $0x10, v1;
	[tilespmem:s0+$0x2A80] =	vst v11  }
0x82: {  	v7 =	vadd.s32 $0x210, v1;
	v4 =	vadd.s32 $0x218, v1;
	v3 =	vor.u32 $0x18, v1;
	[tilespmem:s0+$0x2900] =	vst v2  }
0x83: {  	s1 =	simm.s32 $0x10;
	s3 =	simm.s32 $0x80;
	[tilespmem:s0+$0x2980] =	vst v3;
	v3 =	vadd.s32 $0x220, v1;
	v2 =	vadd.s32 $0x228, v1;
	v1 =	vadd.s32 $0x230, v1  }
.LBB2_4:
0x84: {  	p0 =	sne.s32 s3, $0x1C0;
	v10 =	vld [tilespmem:s1+$0x180];
	[tilespmem:s0+$0x2B00] =	vst v9  }
0x85: {  	v9 =	vld [tilespmem:s1+$0x100];
	[tilespmem:s0+$0x2B80] =	vst v6  }
0x86: {  	[tilespmem:s0+$0x2C00] =	vst v5  }
0x87: {  	[tilespmem:s0+$0x2C80] =	vst v8  }
0x88: {  	[tilespmem:s0+$0x2D00] =	vst v7  }
0x89: {  	v5 =	vshrl.u32 v10, $0x1;
	[tilespmem:s0+$0x2D80] =	vst v4  }
0x8a: {  	v6 =	vshrl.u32 v10, $0x4;
	v4 =	vshll.u32 v9, $0xA;
	v5 =	vand.u32 $0x7FFFFFC0, v5;
	[tilespmem:s0+$0x2E00] =	vst v3  }
0x8b: {  	v3 =	vadd.s32 v4, v5;
	v4 =	vand.u32 $0x7, v6;
	[tilespmem:s0+$0x2E80] =	vst v2  }
0x8c: {  	v10 =	vor.u32 v4, v3;
	[tilespmem:s0+$0x2F00] =	vst v1;
	s0 =	smov.u32 s1  }
0x8d: {  	[tilespmem:s0+$0x2800] =	vst v10;
	v1 =	vor.u32 $0x8, v10;
	v2 =	vor.u32 $0x10, v10;
	v3 =	vadd.s32 $0x238, v10  }
0x8e: {  	v11 =	vor.u32 $0x18, v10;
	v12 =	vor.u32 $0x20, v10;
	v13 =	vor.u32 $0x28, v10;
	[tilespmem:s0+$0x2F80] =	vst v3  }
.Ltmp3:
0x8f: {  	v9 =	vor.u32 $0x30, v10;
	v6 =	vor.u32 $0x38, v10;
	v5 =	vadd.s32 $0x200, v10;
	[tilespmem:s0+$0x2880] =	vst v1;
	(pc) =	sbr.rel @p0 .LBB2_4-.Ltmp3, $4  }
0x90: {  	v8 =	vadd.s32 $0x208, v10;
	v7 =	vadd.s32 $0x210, v10;
	v4 =	vadd.s32 $0x218, v10;
	[tilespmem:s0+$0x2900] =	vst v2  }
0x91: {  	v3 =	vadd.s32 $0x220, v10;
	v1 =	vadd.s32 $0x230, v10;
	v2 =	vadd.s32 $0x228, v10;
	[tilespmem:s0+$0x2980] =	vst v11  }
0x92: {  	[tilespmem:s0+$0x2A00] =	vst v12  }
0x93: {  	s1 =	sshra.s32 s3, $0x2;
	s3 =	sadd.s32 $0x40, s3;
	[tilespmem:s0+$0x2A80] =	vst v13  }
0x94: {  	v10 =	vld [tilespmem:s1+$0x180];
	[tilespmem:s0+$0x2B00] =	vst v9  }
0x95: {  	v9 =	vld [tilespmem:s1+$0x100];
	[tilespmem:s0+$0x2B80] =	vst v6  }
0x96: {  	[tilespmem:s0+$0x2C00] =	vst v5  }
0x97: {  	[tilespmem:s0+$0x2C80] =	vst v8  }
0x98: {  	[tilespmem:s0+$0x2D00] =	vst v7  }
0x99: {  	[tilespmem:s0+$0x2D80] =	vst v4;
	v60 =	vshrl.u32 v10, $0x1  }
0x9a: {  	[tilespmem:s0+$0x2E00] =	vst v3;
	v62 =	vshrl.u32 v10, $0x4;
	v61 =	vshll.u32 v9, $0xA;
	v5 =	vand.u32 $0x7FFFFFC0, v60  }
0x9b: {  	[tilespmem:s0+$0x2E80] =	vst v2;
	v63 =	vand.u32 $0x7, v62;
	v3 =	vadd.s32 v61, v5  }
0x9c: {  	[tilespmem:s0+$0x2F00] =	vst v1;
	v2 =	vor.u32 v63, v3  }
0x9d: {  	[tilespmem:s1+$0x2800] =	vst v2;
	v1 =	vadd.s32 $0x238, v2  }
0x9e: {  	v3 =	vor.u32 $0x8, v2;
	[tilespmem:s1+$0x2F80] =	vst v1  }
0x9f: {  	v1 =	vor.u32 $0x10, v2;
	[tilespmem:s1+$0x2880] =	vst v3  }
0xa0: {  	v3 =	vor.u32 $0x18, v2;
	[tilespmem:s1+$0x2900] =	vst v1  }
0xa1: {  	v1 =	vor.u32 $0x20, v2;
	[tilespmem:s1+$0x2980] =	vst v3  }
0xa2: {  	v3 =	vor.u32 $0x28, v2;
	[tilespmem:s1+$0x2A00] =	vst v1  }
0xa3: {  	v1 =	vor.u32 $0x30, v2;
	[tilespmem:s1+$0x2A80] =	vst v3  }
0xa4: {  	v3 =	vor.u32 $0x38, v2;
	[tilespmem:s1+$0x2B00] =	vst v1  }
0xa5: {  	v1 =	vadd.s32 $0x200, v2;
	[tilespmem:s1+$0x2B80] =	vst v3  }
0xa6: {  	v3 =	vadd.s32 $0x208, v2;
	[tilespmem:s1+$0x2C00] =	vst v1  }
0xa7: {  	v1 =	vadd.s32 $0x210, v2;
	[tilespmem:s1+$0x2C80] =	vst v3  }
0xa8: {  	v3 =	vadd.s32 $0x218, v2;
	[tilespmem:s1+$0x2D00] =	vst v1  }
0xa9: {  	v1 =	vadd.s32 $0x220, v2;
	[tilespmem:s1+$0x2D80] =	vst v3  }
0xaa: {  	v3 =	vadd.s32 $0x228, v2;
	[tilespmem:s1+$0x2E00] =	vst v1  }
0xab: {  	v1 =	vadd.s32 $0x230, v2;
	[tilespmem:s1+$0x2E80] =	vst v3  }
0xac: {  	s25 =	simm.s32 $0x2800;
	[tilespmem:s1+$0x2F00] =	vst v1;
	s1 =	simm.s32 $0x80  }
0xad: {  	[tilespmem:s15], [sflag:$0x2] =	stream.indirect.gather [hbm4b:s2+s1], $0x10, s25, s1, $0xb8;
	[tilespmem:$0x14000] =	vst v63  }
0xae: {  	s26 =	simm.s32 $0x2880;
	s3 =	simm.s32 $0xB800  }
0xaf: {  	[tilespmem:s3], [sflag:$0x2] =	stream.indirect.gather [hbm4b:s2+s1], $0x10, s26, s1, $0xb8;
	[tilespmem:$0x14000] =	vst v63  }
0xb0: {  	s30 =	simm.s32 $0x2900;
	s31 =	simm.s32 $0xC000  }
0xb1: {  	[tilespmem:s31], [sflag:$0x2] =	stream.indirect.gather [hbm4b:s2+s1], $0x10, s30, s1, $0xb8;
	[tilespmem:$0x14000] =	vst v63  }
0xb2: {  	s4 =	simm.s32 $0xC800;
	s3 =	simm.s32 $0x2980  }
0xb3: {  	[tilespmem:s4], [sflag:$0x2] =	stream.indirect.gather [hbm4b:s2+s1], $0x10, s3, s1, $0xb8;
	[tilespmem:$0x14000] =	vst v63  }
0xb4: {  	s6 =	simm.s32 $0x2A00;
	s24 =	simm.s32 $0xD000  }
0xb5: {  	[tilespmem:s24], [sflag:$0x2] =	stream.indirect.gather [hbm4b:s2+s1], $0x10, s6, s1, $0xb8;
	[tilespmem:$0x14000] =	vst v63  }
0xb6: {  	s25 =	simm.s32 $0x2A80;
	s26 =	simm.s32 $0xD800  }
0xb7: {  	[tilespmem:s26], [sflag:$0x2] =	stream.indirect.gather [hbm4b:s2+s1], $0x10, s25, s1, $0xb8;
	[tilespmem:$0x14000] =	vst v63  }
0xb8: {  	s30 =	simm.s32 $0x2B00;
	s31 =	simm.s32 $0xE000  }
0xb9: {  	[tilespmem:s31], [sflag:$0x2] =	stream.indirect.gather [hbm4b:s2+s1], $0x10, s30, s1, $0xb8;
	[tilespmem:$0x14000] =	vst v63  }
0xba: {  	s3 =	simm.s32 $0x2B80;
	s4 =	simm.s32 $0xE800  }
0xbb: {  	[tilespmem:s4], [sflag:$0x2] =	stream.indirect.gather [hbm4b:s2+s1], $0x10, s3, s1, $0xb8;
	[tilespmem:$0x14000] =	vst v63  }
0xbc: {  	s6 =	simm.s32 $0x2C00;
	s24 =	simm.s32 $0xF000  }
0xbd: {  	[tilespmem:s24], [sflag:$0x2] =	stream.indirect.gather [hbm4b:s2+s1], $0x10, s6, s1, $0xb8;
	[tilespmem:$0x14000] =	vst v63  }
0xbe: {  	s25 =	simm.s32 $0x2C80;
	s26 =	simm.s32 $0xF800  }
0xbf: {  	[tilespmem:s26], [sflag:$0x2] =	stream.indirect.gather [hbm4b:s2+s1], $0x10, s25, s1, $0xb8;
	[tilespmem:$0x14000] =	vst v63  }
0xc0: {  	s30 =	simm.s32 $0x2D00;
	s31 =	simm.s32 $0x10000  }
0xc1: {  	[tilespmem:s31], [sflag:$0x2] =	stream.indirect.gather [hbm4b:s2+s1], $0x10, s30, s1, $0xb8;
	[tilespmem:$0x14000] =	vst v63  }
0xc2: {  	_ = 	snop  }
0xc3: {  	[tilespmem:s9], [sflag:$0x2] =	stream.indirect.gather [hbm4b:s2+s1], $0x10, s7, s1, $0xb8;
	[tilespmem:$0x14000] =	vst v63  }
0xc4: {  	_ = 	snop  }
0xc5: {  	[tilespmem:s12], [sflag:$0x2] =	stream.indirect.gather [hbm4b:s2+s1], $0x10, s11, s1, $0xb8;
	[tilespmem:$0x14000] =	vst v63  }
0xc6: {  	_ = 	snop  }
0xc7: {  	[tilespmem:s14], [sflag:$0x2] =	stream.indirect.gather [hbm4b:s2+s1], $0x10, s13, s1, $0xb8;
	[tilespmem:$0x14000] =	vst v63  }
0xc8: {  	s28 =	simm.s32 $0x180  }
0xc9: {  	[tilespmem:s17], [sflag:$0x2] =	stream.indirect.gather [hbm4b:s2+s1], $0x10, s16, s1, $0xb8;
	[tilespmem:$0x14000] =	vst v63  }
0xca: {  	s29 =	simm.s32 $0x380;
	s25 =	simm.s32 $0x0;
	s26 =	simm.s32 $0x280  }
0xcb: {  	[tilespmem:s19], [sflag:$0x2] =	stream.indirect.gather [hbm4b:s2+s1], $0x10, s18, s1, $0xb8;
	[tilespmem:$0x14000] =	vst v63  }
.LBB2_6:
0xcc: {  	_ =	swait.ge [sflag:s20], $0x800  }
0xcd: {  	[sflag:s20] =	ssyncset.done $0x0  }
0xce: {  	[sflag:s20] =	ssyncadd.s32 $0xFFFFF800  }
0xcf: {  	_ =	swait.ge [sflag:s20], $0x800  }
0xd0: {  	[sflag:s20] =	ssyncset.done $0x0  }
0xd1: {  	[sflag:s20] =	ssyncadd.s32 $0xFFFFF800  }
0xd2: {  	_ =	swait.ge [sflag:s20], $0x800  }
0xd3: {  	[sflag:s20] =	ssyncset.done $0x0  }
0xd4: {  	[sflag:s20] =	ssyncadd.s32 $0xFFFFF800  }
0xd5: {  	_ =	swait.ge [sflag:s20], $0x800  }
0xd6: {  	[sflag:s20] =	ssyncset.done $0x0  }
0xd7: {  	[sflag:s20] =	ssyncadd.s32 $0xFFFFF800  }
0xd8: {  	_ =	swait.ge [sflag:s20], $0x800  }
0xd9: {  	[sflag:s20] =	ssyncset.done $0x0  }
0xda: {  	[sflag:s20] =	ssyncadd.s32 $0xFFFFF800  }
0xdb: {  	_ =	swait.ge [sflag:s20], $0x800  }
0xdc: {  	[sflag:s20] =	ssyncset.done $0x0  }
0xdd: {  	[sflag:s20] =	ssyncadd.s32 $0xFFFFF800  }
0xde: {  	_ =	swait.ge [sflag:s20], $0x800  }
0xdf: {  	[sflag:s20] =	ssyncset.done $0x0  }
0xe0: {  	[sflag:s20] =	ssyncadd.s32 $0xFFFFF800  }
0xe1: {  	_ =	swait.ge [sflag:s20], $0x800  }
0xe2: {  	[sflag:s20] =	ssyncset.done $0x0  }
0xe3: {  	[sflag:s20] =	ssyncadd.s32 $0xFFFFF800  }
0xe4: {  	_ =	swait.ge [sflag:s20], $0x800  }
0xe5: {  	[sflag:s20] =	ssyncset.done $0x0  }
0xe6: {  	[sflag:s20] =	ssyncadd.s32 $0xFFFFF800  }
0xe7: {  	_ =	swait.ge [sflag:s20], $0x800  }
0xe8: {  	[sflag:s20] =	ssyncset.done $0x0  }
0xe9: {  	[sflag:s20] =	ssyncadd.s32 $0xFFFFF800  }
0xea: {  	_ =	swait.ge [sflag:s20], $0x800  }
0xeb: {  	[sflag:s20] =	ssyncset.done $0x0  }
0xec: {  	[sflag:s20] =	ssyncadd.s32 $0xFFFFF800  }
0xed: {  	_ =	swait.ge [sflag:s20], $0x800  }
0xee: {  	[sflag:s20] =	ssyncset.done $0x0  }
0xef: {  	[sflag:s20] =	ssyncadd.s32 $0xFFFFF800  }
0xf0: {  	_ =	swait.ge [sflag:s20], $0x800  }
0xf1: {  	[sflag:s20] =	ssyncset.done $0x0  }
0xf2: {  	[sflag:s20] =	ssyncadd.s32 $0xFFFFF800  }
0xf3: {  	_ =	swait.ge [sflag:s20], $0x800  }
0xf4: {  	[sflag:s20] =	ssyncset.done $0x0  }
0xf5: {  	[sflag:s20] =	ssyncadd.s32 $0xFFFFF800  }
0xf6: {  	_ =	swait.ge [sflag:s20], $0x800  }
0xf7: {  	[sflag:s20] =	ssyncset.done $0x0  }
0xf8: {  	[sflag:s20] =	ssyncadd.s32 $0xFFFFF800  }
0xf9: {  	_ =	swait.ge [sflag:s20], $0x800  }
0xfa: {  	p0 =	seq.s32 s25, $0x0;
	[sflag:s20] =	ssyncset.done $0x0  }
0xfb: {  	s0 =	simm.s32 @!p0 $0x3;
	[sflag:s20] =	ssyncadd.s32 $0xFFFFF800  }
0xfc: {  	_ =	swait.ge @!p0 [sflag:s0], $0x800  }
0xfd: {  	[sflag:s0] =	ssyncset.done @!p0 $0x0  }
0xfe: {  	[sflag:s0] =	ssyncadd.s32 @!p0 $0xFFFFF800  }
0xff: {  	v1 =	vld [tilespmem:s1+$0x0];
	_ =	sdelay $0x4  }
0x100: {  	s3 =	simm.s32 $0x0;
	v1 =	vand.u32 $0xF, v1  }
0x101: {  	v2 =	vor.u32 s3, v1  }
0x102: {  	v2 =	vbroadcast v2, $0x0;
	_ =	sdelay $0x1  }
0x103: {  	v2 =	vor.u32 v0, v2  }
0x104: {  	v3 =	vbroadcast v1, $0x1  }
0x105: {  	s4 =	simm.s32 $0x10  }
0x106: {  	v3 =	vadd.s32 s4, v3  }
0x107: {  	v3 =	vbroadcast v3, $0x0  }
0x108: {  	v2 =	vld.idx.msk [tilespmem:v2+s10+$0x0], $0xffff  }
0x109: {  	v3 =	vor.u32 v0, v3  }
0x10a: {  	v4 =	vbroadcast v1, $0x2  }
0x10b: {  	s6 =	simm.s32 $0x20  }
0x10c: {  	s31 =	simm.s32 $0x13080;
	v4 =	vadd.s32 s6, v4  }
0x10d: {  	v4 =	vbroadcast v4, $0x0;
	[tilespmem:s31+$0xFFFFFF80] =	vst v2  }
0x10e: {  	v2 =	vld.idx.msk [tilespmem:v3+s10+$0x0], $0xffff  }
0x10f: {  	v3 =	vor.u32 v0, v4  }
0x110: {  	v52 =	vbroadcast v1, $0x3  }
0x111: {  	s24 =	simm.s32 $0x30  }
0x112: {  	v4 =	vadd.s32 s24, v52  }
0x113: {  	v4 =	vbroadcast v4, $0x0;
	[tilespmem:s31+$0xFFFFFF90] =	vst v2  }
0x114: {  	v2 =	vld.idx.msk [tilespmem:v3+s10+$0x0], $0xffff  }
0x115: {  	v3 =	vor.u32 v0, v4  }
0x116: {  	v53 =	vbroadcast v1, $0x4  }
0x117: {  	s3 =	simm.s32 $0x40  }
0x118: {  	v4 =	vadd.s32 s3, v53  }
0x119: {  	v4 =	vbroadcast v4, $0x0;
	[tilespmem:s31+$0xFFFFFFA0] =	vst v2  }
0x11a: {  	v2 =	vld.idx.msk [tilespmem:v3+s10+$0x0], $0xffff  }
0x11b: {  	v3 =	vor.u32 v0, v4  }
0x11c: {  	v54 =	vbroadcast v1, $0x5  }
0x11d: {  	s4 =	simm.s32 $0x50  }
0x11e: {  	v4 =	vadd.s32 s4, v54  }
0x11f: {  	v4 =	vbroadcast v4, $0x0;
	[tilespmem:s31+$0xFFFFFFB0] =	vst v2  }
0x120: {  	v2 =	vld.idx.msk [tilespmem:v3+s10+$0x0], $0xffff  }
0x121: {  	v3 =	vor.u32 v0, v4  }
0x122: {  	v55 =	vbroadcast v1, $0x6  }
0x123: {  	s6 =	simm.s32 $0x60  }
0x124: {  	v4 =	vadd.s32 s6, v55  }
0x125: {  	v4 =	vbroadcast v4, $0x0;
	[tilespmem:s31+$0xFFFFFFC0] =	vst v2  }
0x126: {  	v2 =	vld.idx.msk [tilespmem:v3+s10+$0x0], $0xffff  }
0x127: {  	v3 =	vor.u32 v0, v4  }
0x128: {  	v56 =	vbroadcast v1, $0x7  }
0x129: {  	s24 =	simm.s32 $0x70  }
0x12a: {  	v4 =	vadd.s32 s24, v56  }
0x12b: {  	v4 =	vbroadcast v4, $0x0;
	[tilespmem:s31+$0xFFFFFFD0] =	vst v2  }
0x12c: {  	v2 =	vld.idx.msk [tilespmem:v3+s10+$0x0], $0xffff  }
0x12d: {  	v3 =	vor.u32 v0, v4  }
0x12e: {  	v57 =	vbroadcast v1, $0x8  }
0x12f: {  	s3 =	simm.s32 $0x80  }
0x130: {  	v4 =	vadd.s32 s3, v57  }
0x131: {  	v4 =	vbroadcast v4, $0x0;
	[tilespmem:s31+$0xFFFFFFE0] =	vst v2  }
0x132: {  	v2 =	vld.idx.msk [tilespmem:v3+s10+$0x0], $0xffff  }
0x133: {  	v3 =	vor.u32 v0, v4  }
0x134: {  	v58 =	vbroadcast v1, $0x9  }
0x135: {  	s4 =	simm.s32 $0x90  }
0x136: {  	v4 =	vadd.s32 s4, v58  }
0x137: {  	v4 =	vbroadcast v4, $0x0;
	[tilespmem:s31+$0xFFFFFFF0] =	vst v2  }
0x138: {  	v2 =	vld.idx.msk [tilespmem:v3+s10+$0x0], $0xffff  }
0x139: {  	v3 =	vor.u32 v0, v4  }
0x13a: {  	v59 =	vbroadcast v1, $0xA  }
0x13b: {  	s6 =	simm.s32 $0xA0  }
0x13c: {  	v4 =	vadd.s32 s6, v59  }
0x13d: {  	v4 =	vbroadcast v4, $0x0;
	[tilespmem:s31+$0x0] =	vst v2  }
0x13e: {  	v2 =	vld.idx.msk [tilespmem:v3+s10+$0x0], $0xffff  }
0x13f: {  	v3 =	vor.u32 v0, v4  }
0x140: {  	v60 =	vbroadcast v1, $0xB  }
0x141: {  	s24 =	simm.s32 $0xB0  }
0x142: {  	v4 =	vadd.s32 s24, v60  }
0x143: {  	v4 =	vbroadcast v4, $0x0;
	[tilespmem:s31+$0x10] =	vst v2  }
0x144: {  	v2 =	vld.idx.msk [tilespmem:v3+s10+$0x0], $0xffff  }
0x145: {  	v3 =	vor.u32 v0, v4  }
0x146: {  	v61 =	vbroadcast v1, $0xC  }
0x147: {  	s3 =	simm.s32 $0xC0  }
0x148: {  	v4 =	vadd.s32 s3, v61  }
0x149: {  	v4 =	vbroadcast v4, $0x0;
	[tilespmem:s31+$0x20] =	vst v2  }
0x14a: {  	v2 =	vld.idx.msk [tilespmem:v3+s10+$0x0], $0xffff  }
0x14b: {  	v3 =	vor.u32 v0, v4  }
0x14c: {  	v62 =	vbroadcast v1, $0xD  }
0x14d: {  	s4 =	simm.s32 $0xD0  }
0x14e: {  	v4 =	vadd.s32 s4, v62  }
0x14f: {  	v4 =	vbroadcast v4, $0x0;
	[tilespmem:s31+$0x30] =	vst v2  }
0x150: {  	v2 =	vld.idx.msk [tilespmem:v3+s10+$0x0], $0xffff  }
0x151: {  	v3 =	vor.u32 v0, v4  }
0x152: {  	v63 =	vbroadcast v1, $0xE  }
0x153: {  	s6 =	simm.s32 $0xE0  }
0x154: {  	v4 =	vadd.s32 s6, v63  }
0x155: {  	v4 =	vbroadcast v4, $0x0;
	[tilespmem:s31+$0x40] =	vst v2  }
0x156: {  	v2 =	vld.idx.msk [tilespmem:v3+s10+$0x0], $0xffff  }
0x157: {  	v3 =	vor.u32 v0, v4  }
0x158: {  	v1 =	vbroadcast v1, $0xF  }
0x159: {  	s24 =	simm.s32 $0xF0  }
0x15a: {  	v1 =	vadd.s32 s24, v1  }
0x15b: {  	v1 =	vbroadcast v1, $0x0;
	[tilespmem:s31+$0x50] =	vst v2  }
0x15c: {  	v2 =	vld.idx.msk [tilespmem:v3+s10+$0x0], $0xffff  }
0x15d: {  	v1 =	vor.u32 v0, v1;
	_ =	sdelay $0x3  }
0x15e: {  	[tilespmem:s31+$0x60] =	vst v2  }
0x15f: {  	s30 =	sshll.u32 s25, $0x1;
	s0 =	simm.s32 $0x1F;
	s24 =	smov.u32 s1;
	v1 =	vld.idx.msk [tilespmem:v1+s10+$0x0], $0xffff  }
.LBB2_7:
0x160: {  	_ =	sdelay $0x3  }
0x161: {  	p1 =	sne.s32 s0, $0x7F;
	s24 =	sadd.s32 $0x10, s24;
	[tilespmem:s31+$0x70] =	vst v1;
	s31 =	sadd.s32 $0x100, s31  }
0x162: {  	s3 =	smov.u32 s0;
	s0 =	sadd.s32 $0x10, s0;
	v1 =	vld [tilespmem:s24+$0x0];
	_ =	sdelay $0x3  }
0x163: {  	s3 =	sshll.u32 s3, $0x4  }
0x164: {  	s4 =	sadd.s32 $0xFFFFFF10, s3;
	v1 =	vand.u32 $0xF, v1  }
0x165: {  	v2 =	vor.u32 s4, v1;
	v3 =	vbroadcast v1, $0x1;
	v4 =	vbroadcast v1, $0x2  }
0x166: {  	s6 =	sadd.s32 $0xFFFFFF30, s3;
	s4 =	sadd.s32 $0xFFFFFF20, s3;
	v5 =	vbroadcast v1, $0x3;
	v2 =	vbroadcast v2, $0x0  }
0x167: {  	v6 =	vbroadcast v1, $0x4;
	v3 =	vadd.s32 s4, v3;
	v4 =	vadd.s32 s6, v4  }
0x168: {  	s4 =	sadd.s32 $0xFFFFFF40, s3;
	s6 =	sadd.s32 $0xFFFFFF50, s3;
	v2 =	vor.u32 v0, v2;
	v3 =	vbroadcast v3, $0x0;
	v4 =	vbroadcast v4, $0x0  }
0x169: {  	v7 =	vbroadcast v1, $0x5;
	v5 =	vadd.s32 s4, v5;
	v6 =	vadd.s32 s6, v6  }
0x16a: {  	s4 =	sadd.s32 $0xFFFFFF60, s3;
	v5 =	vbroadcast v5, $0x0;
	v6 =	vbroadcast v6, $0x0  }
0x16b: {  	v8 =	vbroadcast v1, $0x6;
	v9 =	vbroadcast v1, $0x7;
	v7 =	vadd.s32 s4, v7  }
0x16c: {  	v10 =	vbroadcast v1, $0x8;
	s6 =	sadd.s32 $0xFFFFFF80, s3;
	s4 =	sadd.s32 $0xFFFFFF70, s3;
	v7 =	vbroadcast v7, $0x0  }
0x16d: {  	v11 =	vbroadcast v1, $0x9;
	v9 =	vadd.s32 s6, v9;
	v8 =	vadd.s32 s4, v8;
	s4 =	sadd.s32 $0xFFFFFF90, s3;
	v2 =	vld.idx.msk [tilespmem:v2+s10+$0x0], $0xffff  }
0x16e: {  	v9 =	vbroadcast v9, $0x0;
	v8 =	vbroadcast v8, $0x0;
	v10 =	vadd.s32 s4, v10;
	s4 =	sadd.s32 $0xFFFFFFA0, s3  }
0x16f: {  	v3 =	vor.u32 v0, v3;
	v10 =	vbroadcast v10, $0x0;
	v11 =	vadd.s32 s4, v11  }
0x170: {  	v12 =	vbroadcast v1, $0xA;
	v11 =	vbroadcast v11, $0x0  }
0x171: {  	v13 =	vbroadcast v1, $0xB;
	v14 =	vbroadcast v1, $0xC;
	s4 =	sadd.s32 $0xFFFFFFB0, s3  }
0x172: {  	v15 =	vbroadcast v1, $0xD;
	v16 =	vbroadcast v1, $0xE;
	s6 =	sadd.s32 $0xFFFFFFD0, s3;
	v12 =	vadd.s32 s4, v12;
	s4 =	sadd.s32 $0xFFFFFFC0, s3  }
0x173: {  	[tilespmem:s31+$0xFFFFFF80] =	vst v2;
	v2 =	vbroadcast v12, $0x0;
	v12 =	vadd.s32 s4, v13;
	v13 =	vadd.s32 s6, v14;
	s4 =	sadd.s32 $0xFFFFFFE0, s3  }
0x174: {  	v3 =	vld.idx.msk [tilespmem:v3+s10+$0x0], $0xffff;
	v12 =	vbroadcast v12, $0x0;
	v13 =	vbroadcast v13, $0x0;
	v14 =	vadd.s32 s4, v15;
	s4 =	sadd.s32 $0xFFFFFFF0, s3  }
0x175: {  	v1 =	vbroadcast v1, $0xF;
	v14 =	vbroadcast v14, $0x0;
	v15 =	vadd.s32 s4, v16  }
0x176: {  	v4 =	vor.u32 v0, v4;
	v15 =	vbroadcast v15, $0x0  }
0x177: {  	v1 =	vadd.s32 s3, v1  }
0x178: {  	v1 =	vbroadcast v1, $0x0;
	_ =	sdelay $0x1  }
0x179: {  	[tilespmem:s31+$0xFFFFFF90] =	vst v3  }
0x17a: {  	v3 =	vld.idx.msk [tilespmem:v4+s10+$0x0], $0xffff;
	_ =	sdelay $0x1  }
0x17b: {  	v4 =	vor.u32 v0, v5;
	_ =	sdelay $0x3  }
0x17c: {  	[tilespmem:s31+$0xFFFFFFA0] =	vst v3  }
0x17d: {  	v3 =	vld.idx.msk [tilespmem:v4+s10+$0x0], $0xffff;
	_ =	sdelay $0x1  }
0x17e: {  	v4 =	vor.u32 v0, v6;
	_ =	sdelay $0x3  }
0x17f: {  	[tilespmem:s31+$0xFFFFFFB0] =	vst v3  }
0x180: {  	v3 =	vld.idx.msk [tilespmem:v4+s10+$0x0], $0xffff;
	_ =	sdelay $0x1  }
0x181: {  	v4 =	vor.u32 v0, v7;
	_ =	sdelay $0x3  }
0x182: {  	[tilespmem:s31+$0xFFFFFFC0] =	vst v3  }
0x183: {  	v3 =	vld.idx.msk [tilespmem:v4+s10+$0x0], $0xffff;
	_ =	sdelay $0x1  }
0x184: {  	v4 =	vor.u32 v0, v8;
	_ =	sdelay $0x3  }
0x185: {  	[tilespmem:s31+$0xFFFFFFD0] =	vst v3  }
0x186: {  	v3 =	vld.idx.msk [tilespmem:v4+s10+$0x0], $0xffff;
	_ =	sdelay $0x1  }
0x187: {  	v4 =	vor.u32 v0, v9;
	_ =	sdelay $0x3  }
0x188: {  	[tilespmem:s31+$0xFFFFFFE0] =	vst v3  }
0x189: {  	v3 =	vld.idx.msk [tilespmem:v4+s10+$0x0], $0xffff;
	_ =	sdelay $0x1  }
0x18a: {  	v4 =	vor.u32 v0, v10;
	_ =	sdelay $0x3  }
0x18b: {  	[tilespmem:s31+$0xFFFFFFF0] =	vst v3  }
0x18c: {  	v3 =	vld.idx.msk [tilespmem:v4+s10+$0x0], $0xffff;
	_ =	sdelay $0x1  }
0x18d: {  	v4 =	vor.u32 v0, v11;
	_ =	sdelay $0x3  }
0x18e: {  	[tilespmem:s31+$0x0] =	vst v3  }
0x18f: {  	v3 =	vld.idx.msk [tilespmem:v4+s10+$0x0], $0xffff;
	_ =	sdelay $0x1  }
0x190: {  	v2 =	vor.u32 v0, v2;
	_ =	sdelay $0x3  }
0x191: {  	[tilespmem:s31+$0x10] =	vst v3  }
0x192: {  	v2 =	vld.idx.msk [tilespmem:v2+s10+$0x0], $0xffff;
	_ =	sdelay $0x1  }
0x193: {  	v3 =	vor.u32 v0, v12;
	_ =	sdelay $0x3  }
0x194: {  	[tilespmem:s31+$0x20] =	vst v2  }
0x195: {  	v2 =	vld.idx.msk [tilespmem:v3+s10+$0x0], $0xffff;
	_ =	sdelay $0x1  }
0x196: {  	v3 =	vor.u32 v0, v13;
	_ =	sdelay $0x3  }
0x197: {  	[tilespmem:s31+$0x30] =	vst v2  }
0x198: {  	v2 =	vld.idx.msk [tilespmem:v3+s10+$0x0], $0xffff;
	_ =	sdelay $0x1  }
0x199: {  	v3 =	vor.u32 v0, v14;
	_ =	sdelay $0x3  }
0x19a: {  	[tilespmem:s31+$0x40] =	vst v2  }
0x19b: {  	v2 =	vld.idx.msk [tilespmem:v3+s10+$0x0], $0xffff;
	_ =	sdelay $0x1  }
0x19c: {  	v3 =	vor.u32 v0, v15;
	_ =	sdelay $0x3  }
0x19d: {  	[tilespmem:s31+$0x50] =	vst v2  }
0x19e: {  	v2 =	vld.idx.msk [tilespmem:v3+s10+$0x0], $0xffff;
	_ =	sdelay $0x1  }
0x19f: {  	v1 =	vor.u32 v0, v1  }
.Ltmp4:
0x1a0: {  	(pc) =	sbr.rel @p1 .LBB2_7-.Ltmp4, $3  }
0x1a1: {  	_ =	sdelay $0x1  }
0x1a2: {  	[tilespmem:s31+$0x60] =	vst v2  }
0x1a3: {  	v1 =	vld.idx.msk [tilespmem:v1+s10+$0x0], $0xffff  }
0x1a4: {  	p1 =	seq.s32 s25, $0xF  }
.Ltmp5:
0x1a5: {  	_ = 	snop;
	(pc) =	sbr.rel @p1 .LBB2_12-.Ltmp5, $4  }
0x1a6: {  	_ = 	snop  }
0x1a7: {  	s0 =	sshll.u32 s25, $0x9  }
0x1a8: {  	s3 =	simm.s32 $0x0;
	s0 =	sadd.s32 s0, s5;
	[tilespmem:s31+$0x70] =	vst v1  }
0x1a9: {  	[hbm4b:s0+s3] =	stream.linear.scatter [tilespmem:s21], [sflag:$0x3], $0x800, $0x38;
	[tilespmem:$0x14000] =	vst v63  }
0x1aa: {  	s0 =	sadd.s32 $0x0, s26  }
0x1ab: {  	v1 =	vld [tilespmem:s0+$0x0]  }
0x1ac: {  	v2 =	vld [tilespmem:s0+$0xFFFFFF80];
	_ =	sdelay $0x3  }
0x1ad: {  	v3 =	vshrl.u32 v1, $0x1  }
0x1ae: {  	v2 =	vshll.u32 v2, $0xA;
	v1 =	vshrl.u32 v1, $0x4;
	v3 =	vand.u32 $0x7FFFFFC0, v3  }
0x1af: {  	v1 =	vand.u32 $0x7, v1;
	v2 =	vadd.s32 v2, v3  }
0x1b0: {  	s0 =	simm.s32 $0x0;
	v1 =	vor.u32 v1, v2  }
0x1b1: {  	[tilespmem:s0+$0x2000] =	vst v1;
	v2 =	vadd.s32 $0x238, v1  }
0x1b2: {  	v3 =	vadd.s32 $0x230, v1;
	[tilespmem:s0+$0x2780] =	vst v2  }
0x1b3: {  	v2 =	vadd.s32 $0x228, v1;
	[tilespmem:s0+$0x2700] =	vst v3  }
0x1b4: {  	v3 =	vadd.s32 $0x220, v1;
	[tilespmem:s0+$0x2680] =	vst v2  }
0x1b5: {  	v2 =	vadd.s32 $0x218, v1;
	[tilespmem:s0+$0x2600] =	vst v3  }
0x1b6: {  	v3 =	vadd.s32 $0x210, v1;
	[tilespmem:s0+$0x2580] =	vst v2  }
0x1b7: {  	v2 =	vadd.s32 $0x208, v1;
	[tilespmem:s0+$0x2500] =	vst v3  }
0x1b8: {  	v3 =	vadd.s32 $0x200, v1;
	[tilespmem:s0+$0x2480] =	vst v2  }
0x1b9: {  	v2 =	vor.u32 $0x38, v1;
	[tilespmem:s0+$0x2400] =	vst v3  }
0x1ba: {  	v3 =	vor.u32 $0x30, v1;
	[tilespmem:s0+$0x2380] =	vst v2  }
0x1bb: {  	v2 =	vor.u32 $0x28, v1;
	[tilespmem:s0+$0x2300] =	vst v3  }
0x1bc: {  	v3 =	vor.u32 $0x20, v1;
	[tilespmem:s0+$0x2280] =	vst v2  }
0x1bd: {  	v2 =	vor.u32 $0x18, v1;
	[tilespmem:s0+$0x2200] =	vst v3  }
0x1be: {  	v3 =	vor.u32 $0x10, v1;
	[tilespmem:s0+$0x2180] =	vst v2  }
0x1bf: {  	s24 =	simm.s32 $0x10;
	s3 =	simm.s32 $0x80;
	v1 =	vor.u32 $0x8, v1;
	[tilespmem:s0+$0x2100] =	vst v3  }
.LBB2_10:
0x1c0: {  	p2 =	sne.s32 s3, $0x1C0;
	s4 =	sadd.s32 s24, s26;
	[tilespmem:s0+$0x2080] =	vst v1;
	s0 =	smov.u32 s24  }
0x1c1: {  	v1 =	vld [tilespmem:s4+$0x0]  }
0x1c2: {  	v2 =	vld [tilespmem:s4+$0xFFFFFF80];
	_ =	sdelay $0x3  }
0x1c3: {  	v3 =	vshrl.u32 v1, $0x1  }
0x1c4: {  	v1 =	vshrl.u32 v1, $0x4;
	v2 =	vshll.u32 v2, $0xA;
	v3 =	vand.u32 $0x7FFFFFC0, v3  }
0x1c5: {  	v1 =	vand.u32 $0x7, v1;
	v2 =	vadd.s32 v2, v3  }
0x1c6: {  	v2 =	vor.u32 v1, v2  }
0x1c7: {  	[tilespmem:s0+$0x2000] =	vst v2;
	v1 =	vadd.s32 $0x228, v2;
	v3 =	vadd.s32 $0x230, v2;
	v4 =	vadd.s32 $0x238, v2  }
0x1c8: {  	v5 =	vadd.s32 $0x210, v2;
	v6 =	vadd.s32 $0x218, v2;
	v7 =	vadd.s32 $0x220, v2;
	[tilespmem:s0+$0x2780] =	vst v4  }
0x1c9: {  	v8 =	vadd.s32 $0x200, v2;
	v9 =	vadd.s32 $0x208, v2;
	v4 =	vor.u32 $0x38, v2;
	[tilespmem:s0+$0x2700] =	vst v3  }
0x1ca: {  	v10 =	vor.u32 $0x28, v2;
	v11 =	vor.u32 $0x30, v2;
	v3 =	vor.u32 $0x20, v2;
	[tilespmem:s0+$0x2680] =	vst v1  }
0x1cb: {  	v12 =	vor.u32 $0x10, v2;
	v1 =	vor.u32 $0x8, v2;
	v2 =	vor.u32 $0x18, v2;
	[tilespmem:s0+$0x2600] =	vst v7  }
0x1cc: {  	[tilespmem:s0+$0x2580] =	vst v6  }
0x1cd: {  	[tilespmem:s0+$0x2500] =	vst v5  }
0x1ce: {  	[tilespmem:s0+$0x2480] =	vst v9  }
0x1cf: {  	[tilespmem:s0+$0x2400] =	vst v8  }
0x1d0: {  	[tilespmem:s0+$0x2380] =	vst v4  }
.Ltmp6:
0x1d1: {  	[tilespmem:s0+$0x2300] =	vst v11;
	(pc) =	sbr.rel @p2 .LBB2_10-.Ltmp6, $4  }
0x1d2: {  	[tilespmem:s0+$0x2280] =	vst v10  }
0x1d3: {  	[tilespmem:s0+$0x2200] =	vst v3  }
0x1d4: {  	[tilespmem:s0+$0x2180] =	vst v2  }
0x1d5: {  	s24 =	sshra.s32 s3, $0x2;
	s3 =	sadd.s32 $0x40, s3;
	[tilespmem:s0+$0x2100] =	vst v12  }
0x1d6: {  	[tilespmem:s0+$0x2080] =	vst v1;
	s6 =	sadd.s32 s24, s26  }
0x1d7: {  	v1 =	vld [tilespmem:s6+$0x0]  }
0x1d8: {  	v2 =	vld [tilespmem:s6+$0xFFFFFF80];
	_ =	sdelay $0x3  }
0x1d9: {  	v3 =	vshrl.u32 v1, $0x1  }
0x1da: {  	v2 =	vshll.u32 v2, $0xA;
	v1 =	vshrl.u32 v1, $0x4;
	v3 =	vand.u32 $0x7FFFFFC0, v3  }
0x1db: {  	v1 =	vand.u32 $0x7, v1;
	v2 =	vadd.s32 v2, v3  }
0x1dc: {  	v1 =	vor.u32 v1, v2  }
0x1dd: {  	[tilespmem:s24+$0x2000] =	vst v1;
	v2 =	vadd.s32 $0x238, v1  }
0x1de: {  	v3 =	vadd.s32 $0x230, v1;
	[tilespmem:s24+$0x2780] =	vst v2  }
0x1df: {  	v2 =	vadd.s32 $0x228, v1;
	[tilespmem:s24+$0x2700] =	vst v3  }
0x1e0: {  	v3 =	vadd.s32 $0x220, v1;
	[tilespmem:s24+$0x2680] =	vst v2  }
0x1e1: {  	v2 =	vadd.s32 $0x218, v1;
	[tilespmem:s24+$0x2600] =	vst v3  }
0x1e2: {  	v3 =	vadd.s32 $0x210, v1;
	[tilespmem:s24+$0x2580] =	vst v2  }
0x1e3: {  	v2 =	vadd.s32 $0x208, v1;
	[tilespmem:s24+$0x2500] =	vst v3  }
0x1e4: {  	v3 =	vadd.s32 $0x200, v1;
	[tilespmem:s24+$0x2480] =	vst v2  }
0x1e5: {  	v2 =	vor.u32 $0x38, v1;
	[tilespmem:s24+$0x2400] =	vst v3  }
0x1e6: {  	v3 =	vor.u32 $0x30, v1;
	[tilespmem:s24+$0x2380] =	vst v2  }
0x1e7: {  	v2 =	vor.u32 $0x28, v1;
	[tilespmem:s24+$0x2300] =	vst v3  }
0x1e8: {  	v3 =	vor.u32 $0x20, v1;
	[tilespmem:s24+$0x2280] =	vst v2  }
0x1e9: {  	v2 =	vor.u32 $0x18, v1;
	[tilespmem:s24+$0x2200] =	vst v3  }
0x1ea: {  	v3 =	vor.u32 $0x10, v1;
	[tilespmem:s24+$0x2180] =	vst v2  }
0x1eb: {  	v1 =	vor.u32 $0x8, v1;
	[tilespmem:s24+$0x2100] =	vst v3  }
0x1ec: {  	[tilespmem:s24+$0x2080] =	vst v1;
	s24 =	simm.s32 $0x2000  }
0x1ed: {  	[tilespmem:s10], [sflag:$0x1] =	stream.indirect.gather [hbm4b:s2+s8], $0x10, s24, s8, $0xb8;
	[tilespmem:$0x14000] =	vst v63  }
0x1ee: {  	s31 =	simm.s32 $0x2080;
	s3 =	simm.s32 $0x3800  }
0x1ef: {  	[tilespmem:s3], [sflag:$0x1] =	stream.indirect.gather [hbm4b:s2+s8], $0x10, s31, s8, $0xb8;
	[tilespmem:$0x14000] =	vst v63  }
0x1f0: {  	s4 =	simm.s32 $0x2100;
	s6 =	simm.s32 $0x4000  }
0x1f1: {  	[tilespmem:s6], [sflag:$0x1] =	stream.indirect.gather [hbm4b:s2+s8], $0x10, s4, s8, $0xb8;
	[tilespmem:$0x14000] =	vst v63  }
0x1f2: {  	s24 =	simm.s32 $0x2180;
	s31 =	simm.s32 $0x4800  }
0x1f3: {  	[tilespmem:s31], [sflag:$0x1] =	stream.indirect.gather [hbm4b:s2+s8], $0x10, s24, s8, $0xb8;
	[tilespmem:$0x14000] =	vst v63  }
0x1f4: {  	s4 =	simm.s32 $0x2200;
	s6 =	simm.s32 $0x5000  }
0x1f5: {  	[tilespmem:s6], [sflag:$0x1] =	stream.indirect.gather [hbm4b:s2+s8], $0x10, s4, s8, $0xb8;
	[tilespmem:$0x14000] =	vst v63  }
0x1f6: {  	s24 =	simm.s32 $0x2280;
	s31 =	simm.s32 $0x5800  }
0x1f7: {  	[tilespmem:s31], [sflag:$0x1] =	stream.indirect.gather [hbm4b:s2+s8], $0x10, s24, s8, $0xb8;
	[tilespmem:$0x14000] =	vst v63  }
0x1f8: {  	s4 =	simm.s32 $0x2300;
	s6 =	simm.s32 $0x6000  }
0x1f9: {  	[tilespmem:s6], [sflag:$0x1] =	stream.indirect.gather [hbm4b:s2+s8], $0x10, s4, s8, $0xb8;
	[tilespmem:$0x14000] =	vst v63  }
0x1fa: {  	s24 =	simm.s32 $0x2380;
	s31 =	simm.s32 $0x6800  }
0x1fb: {  	[tilespmem:s31], [sflag:$0x1] =	stream.indirect.gather [hbm4b:s2+s8], $0x10, s24, s8, $0xb8;
	[tilespmem:$0x14000] =	vst v63  }
0x1fc: {  	s4 =	simm.s32 $0x2400;
	s6 =	simm.s32 $0x7000  }
0x1fd: {  	[tilespmem:s6], [sflag:$0x1] =	stream.indirect.gather [hbm4b:s2+s8], $0x10, s4, s8, $0xb8;
	[tilespmem:$0x14000] =	vst v63  }
0x1fe: {  	s24 =	simm.s32 $0x2480;
	s31 =	simm.s32 $0x7800  }
0x1ff: {  	[tilespmem:s31], [sflag:$0x1] =	stream.indirect.gather [hbm4b:s2+s8], $0x10, s24, s8, $0xb8;
	[tilespmem:$0x14000] =	vst v63  }
0x200: {  	s4 =	simm.s32 $0x2500;
	s6 =	simm.s32 $0x8000  }
0x201: {  	[tilespmem:s6], [sflag:$0x1] =	stream.indirect.gather [hbm4b:s2+s8], $0x10, s4, s8, $0xb8;
	[tilespmem:$0x14000] =	vst v63  }
0x202: {  	s24 =	simm.s32 $0x2580;
	s31 =	simm.s32 $0x8800  }
0x203: {  	[tilespmem:s31], [sflag:$0x1] =	stream.indirect.gather [hbm4b:s2+s8], $0x10, s24, s8, $0xb8;
	[tilespmem:$0x14000] =	vst v63  }
0x204: {  	s4 =	simm.s32 $0x2600;
	s6 =	simm.s32 $0x9000  }
0x205: {  	[tilespmem:s6], [sflag:$0x1] =	stream.indirect.gather [hbm4b:s2+s8], $0x10, s4, s8, $0xb8;
	[tilespmem:$0x14000] =	vst v63  }
0x206: {  	s24 =	simm.s32 $0x2680;
	s31 =	simm.s32 $0x9800  }
0x207: {  	[tilespmem:s31], [sflag:$0x1] =	stream.indirect.gather [hbm4b:s2+s8], $0x10, s24, s8, $0xb8;
	[tilespmem:$0x14000] =	vst v63  }
0x208: {  	s4 =	simm.s32 $0x2700;
	s6 =	simm.s32 $0xA000  }
0x209: {  	[tilespmem:s6], [sflag:$0x1] =	stream.indirect.gather [hbm4b:s2+s8], $0x10, s4, s8, $0xb8;
	[tilespmem:$0x14000] =	vst v63  }
0x20a: {  	s24 =	simm.s32 $0x2780;
	s31 =	simm.s32 $0xA800  }
0x20b: {  	[tilespmem:s31], [sflag:$0x1] =	stream.indirect.gather [hbm4b:s2+s8], $0x10, s24, s8, $0xb8;
	[tilespmem:$0x14000] =	vst v63  }
.LBB2_12:
0x20c: {  	_ =	swait.ge [sflag:s22], $0x800  }
0x20d: {  	[sflag:s22] =	ssyncset.done $0x0  }
0x20e: {  	[sflag:s22] =	ssyncadd.s32 $0xFFFFF800  }
0x20f: {  	_ =	swait.ge [sflag:s22], $0x800  }
0x210: {  	[sflag:s22] =	ssyncset.done $0x0  }
0x211: {  	[sflag:s22] =	ssyncadd.s32 $0xFFFFF800  }
0x212: {  	_ =	swait.ge [sflag:s22], $0x800  }
0x213: {  	[sflag:s22] =	ssyncset.done $0x0  }
0x214: {  	[sflag:s22] =	ssyncadd.s32 $0xFFFFF800  }
0x215: {  	_ =	swait.ge [sflag:s22], $0x800  }
0x216: {  	[sflag:s22] =	ssyncset.done $0x0  }
0x217: {  	[sflag:s22] =	ssyncadd.s32 $0xFFFFF800  }
0x218: {  	_ =	swait.ge [sflag:s22], $0x800  }
0x219: {  	[sflag:s22] =	ssyncset.done $0x0  }
0x21a: {  	[sflag:s22] =	ssyncadd.s32 $0xFFFFF800  }
0x21b: {  	_ =	swait.ge [sflag:s22], $0x800  }
0x21c: {  	[sflag:s22] =	ssyncset.done $0x0  }
0x21d: {  	[sflag:s22] =	ssyncadd.s32 $0xFFFFF800  }
0x21e: {  	_ =	swait.ge [sflag:s22], $0x800  }
0x21f: {  	[sflag:s22] =	ssyncset.done $0x0  }
0x220: {  	[sflag:s22] =	ssyncadd.s32 $0xFFFFF800  }
0x221: {  	_ =	swait.ge [sflag:s22], $0x800  }
0x222: {  	[sflag:s22] =	ssyncset.done $0x0  }
0x223: {  	[sflag:s22] =	ssyncadd.s32 $0xFFFFF800  }
0x224: {  	_ =	swait.ge [sflag:s22], $0x800  }
0x225: {  	[sflag:s22] =	ssyncset.done $0x0  }
0x226: {  	[sflag:s22] =	ssyncadd.s32 $0xFFFFF800  }
0x227: {  	_ =	swait.ge [sflag:s22], $0x800  }
0x228: {  	[sflag:s22] =	ssyncset.done $0x0  }
0x229: {  	[sflag:s22] =	ssyncadd.s32 $0xFFFFF800  }
0x22a: {  	_ =	swait.ge [sflag:s22], $0x800  }
0x22b: {  	[sflag:s22] =	ssyncset.done $0x0  }
0x22c: {  	[sflag:s22] =	ssyncadd.s32 $0xFFFFF800  }
0x22d: {  	_ =	swait.ge [sflag:s22], $0x800  }
0x22e: {  	[sflag:s22] =	ssyncset.done $0x0  }
0x22f: {  	[sflag:s22] =	ssyncadd.s32 $0xFFFFF800  }
0x230: {  	_ =	swait.ge [sflag:s22], $0x800  }
0x231: {  	[sflag:s22] =	ssyncset.done $0x0  }
0x232: {  	[sflag:s22] =	ssyncadd.s32 $0xFFFFF800  }
0x233: {  	_ =	swait.ge [sflag:s22], $0x800  }
0x234: {  	[sflag:s22] =	ssyncset.done $0x0  }
0x235: {  	[sflag:s22] =	ssyncadd.s32 $0xFFFFF800  }
0x236: {  	_ =	swait.ge [sflag:s22], $0x800  }
0x237: {  	[sflag:s22] =	ssyncset.done $0x0  }
0x238: {  	[sflag:s22] =	ssyncadd.s32 $0xFFFFF800  }
0x239: {  	_ =	swait.ge [sflag:s22], $0x800  }
0x23a: {  	[sflag:s22] =	ssyncset.done $0x0  }
0x23b: {  	s0 =	simm.s32 @!p0 $0x4;
	[sflag:s22] =	ssyncadd.s32 $0xFFFFF800  }
0x23c: {  	_ =	swait.ge @!p0 [sflag:s0], $0x800  }
0x23d: {  	[sflag:s0] =	ssyncset.done @!p0 $0x0  }
0x23e: {  	[sflag:s0] =	ssyncadd.s32 @!p0 $0xFFFFF800  }
0x23f: {  	v1 =	vld [tilespmem:s28+$0x0];
	_ =	sdelay $0x4  }
0x240: {  	s24 =	simm.s32 $0x0;
	v1 =	vand.u32 $0xF, v1  }
0x241: {  	v2 =	vor.u32 s24, v1  }
0x242: {  	v2 =	vbroadcast v2, $0x0;
	_ =	sdelay $0x1  }
0x243: {  	v2 =	vor.u32 v0, v2  }
0x244: {  	v3 =	vbroadcast v1, $0x1  }
0x245: {  	s3 =	simm.s32 $0x10  }
0x246: {  	v3 =	vadd.s32 s3, v3  }
0x247: {  	v3 =	vbroadcast v3, $0x0  }
0x248: {  	v2 =	vld.idx.msk [tilespmem:v2+s15+$0x0], $0xffff  }
0x249: {  	v3 =	vor.u32 v0, v3  }
0x24a: {  	v4 =	vbroadcast v1, $0x2  }
0x24b: {  	s4 =	simm.s32 $0x20  }
0x24c: {  	s31 =	simm.s32 $0x13880;
	v4 =	vadd.s32 s4, v4  }
0x24d: {  	v4 =	vbroadcast v4, $0x0;
	[tilespmem:s31+$0xFFFFFF80] =	vst v2  }
0x24e: {  	v2 =	vld.idx.msk [tilespmem:v3+s15+$0x0], $0xffff  }
0x24f: {  	v3 =	vor.u32 v0, v4  }
0x250: {  	v52 =	vbroadcast v1, $0x3  }
0x251: {  	s6 =	simm.s32 $0x30  }
0x252: {  	v4 =	vadd.s32 s6, v52  }
0x253: {  	v4 =	vbroadcast v4, $0x0;
	[tilespmem:s31+$0xFFFFFF90] =	vst v2  }
0x254: {  	v2 =	vld.idx.msk [tilespmem:v3+s15+$0x0], $0xffff  }
0x255: {  	v3 =	vor.u32 v0, v4  }
0x256: {  	v53 =	vbroadcast v1, $0x4  }
0x257: {  	s24 =	simm.s32 $0x40  }
0x258: {  	v4 =	vadd.s32 s24, v53  }
0x259: {  	v4 =	vbroadcast v4, $0x0;
	[tilespmem:s31+$0xFFFFFFA0] =	vst v2  }
0x25a: {  	v2 =	vld.idx.msk [tilespmem:v3+s15+$0x0], $0xffff  }
0x25b: {  	v3 =	vor.u32 v0, v4  }
0x25c: {  	v54 =	vbroadcast v1, $0x5  }
0x25d: {  	s3 =	simm.s32 $0x50  }
0x25e: {  	v4 =	vadd.s32 s3, v54  }
0x25f: {  	v4 =	vbroadcast v4, $0x0;
	[tilespmem:s31+$0xFFFFFFB0] =	vst v2  }
0x260: {  	v2 =	vld.idx.msk [tilespmem:v3+s15+$0x0], $0xffff  }
0x261: {  	v3 =	vor.u32 v0, v4  }
0x262: {  	v55 =	vbroadcast v1, $0x6  }
0x263: {  	s4 =	simm.s32 $0x60  }
0x264: {  	v4 =	vadd.s32 s4, v55  }
0x265: {  	v4 =	vbroadcast v4, $0x0;
	[tilespmem:s31+$0xFFFFFFC0] =	vst v2  }
0x266: {  	v2 =	vld.idx.msk [tilespmem:v3+s15+$0x0], $0xffff  }
0x267: {  	v3 =	vor.u32 v0, v4  }
0x268: {  	v56 =	vbroadcast v1, $0x7  }
0x269: {  	s6 =	simm.s32 $0x70  }
0x26a: {  	v4 =	vadd.s32 s6, v56  }
0x26b: {  	v4 =	vbroadcast v4, $0x0;
	[tilespmem:s31+$0xFFFFFFD0] =	vst v2  }
0x26c: {  	v2 =	vld.idx.msk [tilespmem:v3+s15+$0x0], $0xffff  }
0x26d: {  	v3 =	vor.u32 v0, v4  }
0x26e: {  	v57 =	vbroadcast v1, $0x8  }
0x26f: {  	s24 =	simm.s32 $0x80  }
0x270: {  	v4 =	vadd.s32 s24, v57  }
0x271: {  	v4 =	vbroadcast v4, $0x0;
	[tilespmem:s31+$0xFFFFFFE0] =	vst v2  }
0x272: {  	v2 =	vld.idx.msk [tilespmem:v3+s15+$0x0], $0xffff  }
0x273: {  	v3 =	vor.u32 v0, v4  }
0x274: {  	v58 =	vbroadcast v1, $0x9  }
0x275: {  	s3 =	simm.s32 $0x90  }
0x276: {  	v4 =	vadd.s32 s3, v58  }
0x277: {  	v4 =	vbroadcast v4, $0x0;
	[tilespmem:s31+$0xFFFFFFF0] =	vst v2  }
0x278: {  	v2 =	vld.idx.msk [tilespmem:v3+s15+$0x0], $0xffff  }
0x279: {  	v3 =	vor.u32 v0, v4  }
0x27a: {  	v59 =	vbroadcast v1, $0xA  }
0x27b: {  	s4 =	simm.s32 $0xA0  }
0x27c: {  	v4 =	vadd.s32 s4, v59  }
0x27d: {  	v4 =	vbroadcast v4, $0x0;
	[tilespmem:s31+$0x0] =	vst v2  }
0x27e: {  	v2 =	vld.idx.msk [tilespmem:v3+s15+$0x0], $0xffff  }
0x27f: {  	v3 =	vor.u32 v0, v4  }
0x280: {  	v60 =	vbroadcast v1, $0xB  }
0x281: {  	s6 =	simm.s32 $0xB0  }
0x282: {  	v4 =	vadd.s32 s6, v60  }
0x283: {  	v4 =	vbroadcast v4, $0x0;
	[tilespmem:s31+$0x10] =	vst v2  }
0x284: {  	v2 =	vld.idx.msk [tilespmem:v3+s15+$0x0], $0xffff  }
0x285: {  	v3 =	vor.u32 v0, v4  }
0x286: {  	v61 =	vbroadcast v1, $0xC  }
0x287: {  	s24 =	simm.s32 $0xC0  }
0x288: {  	v4 =	vadd.s32 s24, v61  }
0x289: {  	v4 =	vbroadcast v4, $0x0;
	[tilespmem:s31+$0x20] =	vst v2  }
0x28a: {  	v2 =	vld.idx.msk [tilespmem:v3+s15+$0x0], $0xffff  }
0x28b: {  	v3 =	vor.u32 v0, v4  }
0x28c: {  	v62 =	vbroadcast v1, $0xD  }
0x28d: {  	s3 =	simm.s32 $0xD0  }
0x28e: {  	v4 =	vadd.s32 s3, v62  }
0x28f: {  	v4 =	vbroadcast v4, $0x0;
	[tilespmem:s31+$0x30] =	vst v2  }
0x290: {  	v2 =	vld.idx.msk [tilespmem:v3+s15+$0x0], $0xffff  }
0x291: {  	v3 =	vor.u32 v0, v4  }
0x292: {  	v63 =	vbroadcast v1, $0xE  }
0x293: {  	s4 =	simm.s32 $0xE0  }
0x294: {  	v4 =	vadd.s32 s4, v63  }
0x295: {  	v4 =	vbroadcast v4, $0x0;
	[tilespmem:s31+$0x40] =	vst v2  }
0x296: {  	v2 =	vld.idx.msk [tilespmem:v3+s15+$0x0], $0xffff  }
0x297: {  	v3 =	vor.u32 v0, v4  }
0x298: {  	v1 =	vbroadcast v1, $0xF  }
0x299: {  	s6 =	simm.s32 $0xF0  }
0x29a: {  	v1 =	vadd.s32 s6, v1  }
0x29b: {  	v1 =	vbroadcast v1, $0x0;
	[tilespmem:s31+$0x50] =	vst v2  }
0x29c: {  	v2 =	vld.idx.msk [tilespmem:v3+s15+$0x0], $0xffff  }
0x29d: {  	v1 =	vor.u32 v0, v1;
	_ =	sdelay $0x3  }
0x29e: {  	s24 =	sshll.u32 s30, $0x8;
	[tilespmem:s31+$0x60] =	vst v2  }
0x29f: {  	s0 =	simm.s32 $0x1F;
	s30 =	sor.u32 $0x100, s24;
	s24 =	smov.u32 s28;
	v1 =	vld.idx.msk [tilespmem:v1+s15+$0x0], $0xffff  }
.LBB2_13:
0x2a0: {  	_ =	sdelay $0x3  }
0x2a1: {  	p0 =	sne.s32 s0, $0x7F;
	s24 =	sadd.s32 $0x10, s24;
	[tilespmem:s31+$0x70] =	vst v1;
	s31 =	sadd.s32 $0x100, s31  }
0x2a2: {  	s3 =	smov.u32 s0;
	s0 =	sadd.s32 $0x10, s0;
	v1 =	vld [tilespmem:s24+$0x0];
	_ =	sdelay $0x3  }
0x2a3: {  	s3 =	sshll.u32 s3, $0x4  }
0x2a4: {  	s4 =	sadd.s32 $0xFFFFFF10, s3;
	v1 =	vand.u32 $0xF, v1  }
0x2a5: {  	v2 =	vor.u32 s4, v1;
	v3 =	vbroadcast v1, $0x1;
	v4 =	vbroadcast v1, $0x2  }
0x2a6: {  	s6 =	sadd.s32 $0xFFFFFF30, s3;
	s4 =	sadd.s32 $0xFFFFFF20, s3;
	v5 =	vbroadcast v1, $0x3;
	v2 =	vbroadcast v2, $0x0  }
0x2a7: {  	v6 =	vbroadcast v1, $0x4;
	v3 =	vadd.s32 s4, v3;
	v4 =	vadd.s32 s6, v4  }
0x2a8: {  	s4 =	sadd.s32 $0xFFFFFF40, s3;
	s6 =	sadd.s32 $0xFFFFFF50, s3;
	v2 =	vor.u32 v0, v2;
	v3 =	vbroadcast v3, $0x0;
	v4 =	vbroadcast v4, $0x0  }
0x2a9: {  	v7 =	vbroadcast v1, $0x5;
	v5 =	vadd.s32 s4, v5;
	v6 =	vadd.s32 s6, v6  }
0x2aa: {  	s4 =	sadd.s32 $0xFFFFFF60, s3;
	v5 =	vbroadcast v5, $0x0;
	v6 =	vbroadcast v6, $0x0  }
0x2ab: {  	v8 =	vbroadcast v1, $0x6;
	v9 =	vbroadcast v1, $0x7;
	v7 =	vadd.s32 s4, v7  }
0x2ac: {  	v10 =	vbroadcast v1, $0x8;
	s6 =	sadd.s32 $0xFFFFFF80, s3;
	s4 =	sadd.s32 $0xFFFFFF70, s3;
	v7 =	vbroadcast v7, $0x0  }
0x2ad: {  	v11 =	vbroadcast v1, $0x9;
	v9 =	vadd.s32 s6, v9;
	v8 =	vadd.s32 s4, v8;
	s4 =	sadd.s32 $0xFFFFFF90, s3;
	v2 =	vld.idx.msk [tilespmem:v2+s15+$0x0], $0xffff  }
0x2ae: {  	v9 =	vbroadcast v9, $0x0;
	v8 =	vbroadcast v8, $0x0;
	v10 =	vadd.s32 s4, v10;
	s4 =	sadd.s32 $0xFFFFFFA0, s3  }
0x2af: {  	v3 =	vor.u32 v0, v3;
	v10 =	vbroadcast v10, $0x0;
	v11 =	vadd.s32 s4, v11  }
0x2b0: {  	v12 =	vbroadcast v1, $0xA;
	v11 =	vbroadcast v11, $0x0  }
0x2b1: {  	v13 =	vbroadcast v1, $0xB;
	v14 =	vbroadcast v1, $0xC;
	s4 =	sadd.s32 $0xFFFFFFB0, s3  }
0x2b2: {  	v15 =	vbroadcast v1, $0xD;
	v16 =	vbroadcast v1, $0xE;
	s6 =	sadd.s32 $0xFFFFFFD0, s3;
	v12 =	vadd.s32 s4, v12;
	s4 =	sadd.s32 $0xFFFFFFC0, s3  }
0x2b3: {  	[tilespmem:s31+$0xFFFFFF80] =	vst v2;
	v2 =	vbroadcast v12, $0x0;
	v12 =	vadd.s32 s4, v13;
	v13 =	vadd.s32 s6, v14;
	s4 =	sadd.s32 $0xFFFFFFE0, s3  }
0x2b4: {  	v3 =	vld.idx.msk [tilespmem:v3+s15+$0x0], $0xffff;
	v12 =	vbroadcast v12, $0x0;
	v13 =	vbroadcast v13, $0x0;
	v14 =	vadd.s32 s4, v15;
	s4 =	sadd.s32 $0xFFFFFFF0, s3  }
0x2b5: {  	v1 =	vbroadcast v1, $0xF;
	v14 =	vbroadcast v14, $0x0;
	v15 =	vadd.s32 s4, v16  }
0x2b6: {  	v4 =	vor.u32 v0, v4;
	v15 =	vbroadcast v15, $0x0  }
0x2b7: {  	v1 =	vadd.s32 s3, v1  }
0x2b8: {  	v1 =	vbroadcast v1, $0x0;
	_ =	sdelay $0x1  }
0x2b9: {  	[tilespmem:s31+$0xFFFFFF90] =	vst v3  }
0x2ba: {  	v3 =	vld.idx.msk [tilespmem:v4+s15+$0x0], $0xffff;
	_ =	sdelay $0x1  }
0x2bb: {  	v4 =	vor.u32 v0, v5;
	_ =	sdelay $0x3  }
0x2bc: {  	[tilespmem:s31+$0xFFFFFFA0] =	vst v3  }
0x2bd: {  	v3 =	vld.idx.msk [tilespmem:v4+s15+$0x0], $0xffff;
	_ =	sdelay $0x1  }
0x2be: {  	v4 =	vor.u32 v0, v6;
	_ =	sdelay $0x3  }
0x2bf: {  	[tilespmem:s31+$0xFFFFFFB0] =	vst v3  }
0x2c0: {  	v3 =	vld.idx.msk [tilespmem:v4+s15+$0x0], $0xffff;
	_ =	sdelay $0x1  }
0x2c1: {  	v4 =	vor.u32 v0, v7;
	_ =	sdelay $0x3  }
0x2c2: {  	[tilespmem:s31+$0xFFFFFFC0] =	vst v3  }
0x2c3: {  	v3 =	vld.idx.msk [tilespmem:v4+s15+$0x0], $0xffff;
	_ =	sdelay $0x1  }
0x2c4: {  	v4 =	vor.u32 v0, v8;
	_ =	sdelay $0x3  }
0x2c5: {  	[tilespmem:s31+$0xFFFFFFD0] =	vst v3  }
0x2c6: {  	v3 =	vld.idx.msk [tilespmem:v4+s15+$0x0], $0xffff;
	_ =	sdelay $0x1  }
0x2c7: {  	v4 =	vor.u32 v0, v9;
	_ =	sdelay $0x3  }
0x2c8: {  	[tilespmem:s31+$0xFFFFFFE0] =	vst v3  }
0x2c9: {  	v3 =	vld.idx.msk [tilespmem:v4+s15+$0x0], $0xffff;
	_ =	sdelay $0x1  }
0x2ca: {  	v4 =	vor.u32 v0, v10;
	_ =	sdelay $0x3  }
0x2cb: {  	[tilespmem:s31+$0xFFFFFFF0] =	vst v3  }
0x2cc: {  	v3 =	vld.idx.msk [tilespmem:v4+s15+$0x0], $0xffff;
	_ =	sdelay $0x1  }
0x2cd: {  	v4 =	vor.u32 v0, v11;
	_ =	sdelay $0x3  }
0x2ce: {  	[tilespmem:s31+$0x0] =	vst v3  }
0x2cf: {  	v3 =	vld.idx.msk [tilespmem:v4+s15+$0x0], $0xffff;
	_ =	sdelay $0x1  }
0x2d0: {  	v2 =	vor.u32 v0, v2;
	_ =	sdelay $0x3  }
0x2d1: {  	[tilespmem:s31+$0x10] =	vst v3  }
0x2d2: {  	v2 =	vld.idx.msk [tilespmem:v2+s15+$0x0], $0xffff;
	_ =	sdelay $0x1  }
0x2d3: {  	v3 =	vor.u32 v0, v12;
	_ =	sdelay $0x3  }
0x2d4: {  	[tilespmem:s31+$0x20] =	vst v2  }
0x2d5: {  	v2 =	vld.idx.msk [tilespmem:v3+s15+$0x0], $0xffff;
	_ =	sdelay $0x1  }
0x2d6: {  	v3 =	vor.u32 v0, v13;
	_ =	sdelay $0x3  }
0x2d7: {  	[tilespmem:s31+$0x30] =	vst v2  }
0x2d8: {  	v2 =	vld.idx.msk [tilespmem:v3+s15+$0x0], $0xffff;
	_ =	sdelay $0x1  }
0x2d9: {  	v3 =	vor.u32 v0, v14;
	_ =	sdelay $0x3  }
0x2da: {  	[tilespmem:s31+$0x40] =	vst v2  }
0x2db: {  	v2 =	vld.idx.msk [tilespmem:v3+s15+$0x0], $0xffff;
	_ =	sdelay $0x1  }
0x2dc: {  	v3 =	vor.u32 v0, v15;
	_ =	sdelay $0x3  }
0x2dd: {  	[tilespmem:s31+$0x50] =	vst v2  }
0x2de: {  	v2 =	vld.idx.msk [tilespmem:v3+s15+$0x0], $0xffff;
	_ =	sdelay $0x1  }
0x2df: {  	v1 =	vor.u32 v0, v1  }
.Ltmp7:
0x2e0: {  	(pc) =	sbr.rel @p0 .LBB2_13-.Ltmp7, $3  }
0x2e1: {  	_ =	sdelay $0x1  }
0x2e2: {  	[tilespmem:s31+$0x60] =	vst v2  }
0x2e3: {  	v1 =	vld.idx.msk [tilespmem:v1+s15+$0x0], $0xffff  }
0x2e4: {  	_ = 	snop  }
.Ltmp8:
0x2e5: {  	_ = 	snop;
	(pc) =	sbr.rel @p1 .LBB2_18-.Ltmp8, $3  }
0x2e6: {  	_ =	sdelay $0x1  }
0x2e7: {  	s0 =	sadd.s32 s30, s5;
	s3 =	simm.s32 $0x0;
	[tilespmem:s31+$0x70] =	vst v1  }
0x2e8: {  	[hbm4b:s0+s3] =	stream.linear.scatter [tilespmem:s23], [sflag:$0x4], $0x800, $0x38;
	[tilespmem:$0x14000] =	vst v63  }
0x2e9: {  	s0 =	sadd.s32 $0x0, s29  }
0x2ea: {  	v1 =	vld [tilespmem:s0+$0x0]  }
0x2eb: {  	v2 =	vld [tilespmem:s0+$0xFFFFFF80];
	_ =	sdelay $0x3  }
0x2ec: {  	v3 =	vshrl.u32 v1, $0x1  }
0x2ed: {  	v2 =	vshll.u32 v2, $0xA;
	v1 =	vshrl.u32 v1, $0x4;
	v3 =	vand.u32 $0x7FFFFFC0, v3  }
0x2ee: {  	v1 =	vand.u32 $0x7, v1;
	v2 =	vadd.s32 v2, v3  }
0x2ef: {  	s0 =	simm.s32 $0x0;
	v1 =	vor.u32 v1, v2  }
0x2f0: {  	[tilespmem:s0+$0x2800] =	vst v1;
	v2 =	vadd.s32 $0x238, v1  }
0x2f1: {  	v3 =	vadd.s32 $0x230, v1;
	[tilespmem:s0+$0x2F80] =	vst v2  }
0x2f2: {  	v2 =	vadd.s32 $0x228, v1;
	[tilespmem:s0+$0x2F00] =	vst v3  }
0x2f3: {  	v3 =	vadd.s32 $0x220, v1;
	[tilespmem:s0+$0x2E80] =	vst v2  }
0x2f4: {  	v2 =	vadd.s32 $0x218, v1;
	[tilespmem:s0+$0x2E00] =	vst v3  }
0x2f5: {  	v3 =	vadd.s32 $0x210, v1;
	[tilespmem:s0+$0x2D80] =	vst v2  }
0x2f6: {  	v2 =	vadd.s32 $0x208, v1;
	[tilespmem:s0+$0x2D00] =	vst v3  }
0x2f7: {  	v3 =	vadd.s32 $0x200, v1;
	[tilespmem:s0+$0x2C80] =	vst v2  }
0x2f8: {  	v2 =	vor.u32 $0x38, v1;
	[tilespmem:s0+$0x2C00] =	vst v3  }
0x2f9: {  	v3 =	vor.u32 $0x30, v1;
	[tilespmem:s0+$0x2B80] =	vst v2  }
0x2fa: {  	v2 =	vor.u32 $0x28, v1;
	[tilespmem:s0+$0x2B00] =	vst v3  }
0x2fb: {  	v3 =	vor.u32 $0x20, v1;
	[tilespmem:s0+$0x2A80] =	vst v2  }
0x2fc: {  	v2 =	vor.u32 $0x18, v1;
	[tilespmem:s0+$0x2A00] =	vst v3  }
0x2fd: {  	v3 =	vor.u32 $0x10, v1;
	[tilespmem:s0+$0x2980] =	vst v2  }
0x2fe: {  	s24 =	simm.s32 $0x10;
	s3 =	simm.s32 $0x80;
	v1 =	vor.u32 $0x8, v1;
	[tilespmem:s0+$0x2900] =	vst v3  }
.LBB2_16:
0x2ff: {  	p0 =	sne.s32 s3, $0x1C0;
	s4 =	sadd.s32 s24, s29;
	[tilespmem:s0+$0x2880] =	vst v1;
	s0 =	smov.u32 s24  }
0x300: {  	v1 =	vld [tilespmem:s4+$0x0]  }
0x301: {  	v2 =	vld [tilespmem:s4+$0xFFFFFF80];
	_ =	sdelay $0x3  }
0x302: {  	v3 =	vshrl.u32 v1, $0x1  }
0x303: {  	v1 =	vshrl.u32 v1, $0x4;
	v2 =	vshll.u32 v2, $0xA;
	v3 =	vand.u32 $0x7FFFFFC0, v3  }
0x304: {  	v1 =	vand.u32 $0x7, v1;
	v2 =	vadd.s32 v2, v3  }
0x305: {  	v2 =	vor.u32 v1, v2  }
0x306: {  	[tilespmem:s0+$0x2800] =	vst v2;
	v1 =	vadd.s32 $0x228, v2;
	v3 =	vadd.s32 $0x230, v2;
	v4 =	vadd.s32 $0x238, v2  }
0x307: {  	v5 =	vadd.s32 $0x210, v2;
	v6 =	vadd.s32 $0x218, v2;
	v7 =	vadd.s32 $0x220, v2;
	[tilespmem:s0+$0x2F80] =	vst v4  }
0x308: {  	v8 =	vadd.s32 $0x200, v2;
	v9 =	vadd.s32 $0x208, v2;
	v4 =	vor.u32 $0x38, v2;
	[tilespmem:s0+$0x2F00] =	vst v3  }
0x309: {  	v10 =	vor.u32 $0x28, v2;
	v11 =	vor.u32 $0x30, v2;
	v3 =	vor.u32 $0x20, v2;
	[tilespmem:s0+$0x2E80] =	vst v1  }
0x30a: {  	v12 =	vor.u32 $0x10, v2;
	v1 =	vor.u32 $0x8, v2;
	v2 =	vor.u32 $0x18, v2;
	[tilespmem:s0+$0x2E00] =	vst v7  }
0x30b: {  	[tilespmem:s0+$0x2D80] =	vst v6  }
0x30c: {  	[tilespmem:s0+$0x2D00] =	vst v5  }
0x30d: {  	[tilespmem:s0+$0x2C80] =	vst v9  }
0x30e: {  	[tilespmem:s0+$0x2C00] =	vst v8  }
0x30f: {  	[tilespmem:s0+$0x2B80] =	vst v4  }
.Ltmp9:
0x310: {  	[tilespmem:s0+$0x2B00] =	vst v11;
	(pc) =	sbr.rel @p0 .LBB2_16-.Ltmp9, $4  }
0x311: {  	[tilespmem:s0+$0x2A80] =	vst v10  }
0x312: {  	[tilespmem:s0+$0x2A00] =	vst v3  }
0x313: {  	[tilespmem:s0+$0x2980] =	vst v2  }
0x314: {  	s24 =	sshra.s32 s3, $0x2;
	s3 =	sadd.s32 $0x40, s3;
	[tilespmem:s0+$0x2900] =	vst v12  }
0x315: {  	[tilespmem:s0+$0x2880] =	vst v1;
	s6 =	sadd.s32 s24, s29  }
0x316: {  	v1 =	vld [tilespmem:s6+$0x0]  }
0x317: {  	v2 =	vld [tilespmem:s6+$0xFFFFFF80];
	_ =	sdelay $0x3  }
0x318: {  	v3 =	vshrl.u32 v1, $0x1  }
0x319: {  	v2 =	vshll.u32 v2, $0xA;
	v1 =	vshrl.u32 v1, $0x4;
	v3 =	vand.u32 $0x7FFFFFC0, v3  }
0x31a: {  	v1 =	vand.u32 $0x7, v1;
	v2 =	vadd.s32 v2, v3  }
0x31b: {  	v1 =	vor.u32 v1, v2  }
0x31c: {  	[tilespmem:s24+$0x2800] =	vst v1;
	v2 =	vadd.s32 $0x238, v1  }
0x31d: {  	v3 =	vadd.s32 $0x230, v1;
	[tilespmem:s24+$0x2F80] =	vst v2  }
0x31e: {  	v2 =	vadd.s32 $0x228, v1;
	[tilespmem:s24+$0x2F00] =	vst v3  }
0x31f: {  	v3 =	vadd.s32 $0x220, v1;
	[tilespmem:s24+$0x2E80] =	vst v2  }
0x320: {  	v2 =	vadd.s32 $0x218, v1;
	[tilespmem:s24+$0x2E00] =	vst v3  }
0x321: {  	v3 =	vadd.s32 $0x210, v1;
	[tilespmem:s24+$0x2D80] =	vst v2  }
0x322: {  	v2 =	vadd.s32 $0x208, v1;
	[tilespmem:s24+$0x2D00] =	vst v3  }
0x323: {  	v3 =	vadd.s32 $0x200, v1;
	[tilespmem:s24+$0x2C80] =	vst v2  }
0x324: {  	v2 =	vor.u32 $0x38, v1;
	[tilespmem:s24+$0x2C00] =	vst v3  }
0x325: {  	v3 =	vor.u32 $0x30, v1;
	[tilespmem:s24+$0x2B80] =	vst v2  }
0x326: {  	v2 =	vor.u32 $0x28, v1;
	[tilespmem:s24+$0x2B00] =	vst v3  }
0x327: {  	v3 =	vor.u32 $0x20, v1;
	[tilespmem:s24+$0x2A80] =	vst v2  }
0x328: {  	v2 =	vor.u32 $0x18, v1;
	[tilespmem:s24+$0x2A00] =	vst v3  }
0x329: {  	v3 =	vor.u32 $0x10, v1;
	[tilespmem:s24+$0x2980] =	vst v2  }
0x32a: {  	v1 =	vor.u32 $0x8, v1;
	[tilespmem:s24+$0x2900] =	vst v3  }
0x32b: {  	s30 =	simm.s32 $0x2800;
	[tilespmem:s24+$0x2880] =	vst v1  }
0x32c: {  	[tilespmem:s15], [sflag:$0x2] =	stream.indirect.gather [hbm4b:s2+s8], $0x10, s30, s8, $0xb8;
	[tilespmem:$0x14000] =	vst v63  }
0x32d: {  	s31 =	simm.s32 $0x2880;
	s3 =	simm.s32 $0xB800  }
0x32e: {  	[tilespmem:s3], [sflag:$0x2] =	stream.indirect.gather [hbm4b:s2+s8], $0x10, s31, s8, $0xb8;
	[tilespmem:$0x14000] =	vst v63  }
0x32f: {  	s4 =	simm.s32 $0xC000;
	s3 =	simm.s32 $0x2900  }
0x330: {  	[tilespmem:s4], [sflag:$0x2] =	stream.indirect.gather [hbm4b:s2+s8], $0x10, s3, s8, $0xb8;
	[tilespmem:$0x14000] =	vst v63  }
0x331: {  	s6 =	simm.s32 $0x2980;
	s24 =	simm.s32 $0xC800  }
0x332: {  	[tilespmem:s24], [sflag:$0x2] =	stream.indirect.gather [hbm4b:s2+s8], $0x10, s6, s8, $0xb8;
	[tilespmem:$0x14000] =	vst v63  }
0x333: {  	s30 =	simm.s32 $0x2A00;
	s31 =	simm.s32 $0xD000  }
0x334: {  	[tilespmem:s31], [sflag:$0x2] =	stream.indirect.gather [hbm4b:s2+s8], $0x10, s30, s8, $0xb8;
	[tilespmem:$0x14000] =	vst v63  }
0x335: {  	s3 =	simm.s32 $0x2A80;
	s4 =	simm.s32 $0xD800  }
0x336: {  	[tilespmem:s4], [sflag:$0x2] =	stream.indirect.gather [hbm4b:s2+s8], $0x10, s3, s8, $0xb8;
	[tilespmem:$0x14000] =	vst v63  }
0x337: {  	s6 =	simm.s32 $0x2B00;
	s24 =	simm.s32 $0xE000  }
0x338: {  	[tilespmem:s24], [sflag:$0x2] =	stream.indirect.gather [hbm4b:s2+s8], $0x10, s6, s8, $0xb8;
	[tilespmem:$0x14000] =	vst v63  }
0x339: {  	s30 =	simm.s32 $0x2B80;
	s31 =	simm.s32 $0xE800  }
0x33a: {  	[tilespmem:s31], [sflag:$0x2] =	stream.indirect.gather [hbm4b:s2+s8], $0x10, s30, s8, $0xb8;
	[tilespmem:$0x14000] =	vst v63  }
0x33b: {  	s3 =	simm.s32 $0x2C00;
	s4 =	simm.s32 $0xF000  }
0x33c: {  	[tilespmem:s4], [sflag:$0x2] =	stream.indirect.gather [hbm4b:s2+s8], $0x10, s3, s8, $0xb8;
	[tilespmem:$0x14000] =	vst v63  }
0x33d: {  	s6 =	simm.s32 $0x2C80;
	s24 =	simm.s32 $0xF800  }
0x33e: {  	[tilespmem:s24], [sflag:$0x2] =	stream.indirect.gather [hbm4b:s2+s8], $0x10, s6, s8, $0xb8;
	[tilespmem:$0x14000] =	vst v63  }
0x33f: {  	s30 =	simm.s32 $0x2D00;
	s31 =	simm.s32 $0x10000  }
0x340: {  	[tilespmem:s31], [sflag:$0x2] =	stream.indirect.gather [hbm4b:s2+s8], $0x10, s30, s8, $0xb8;
	[tilespmem:$0x14000] =	vst v63  }
0x341: {  	_ = 	snop  }
0x342: {  	[tilespmem:s9], [sflag:$0x2] =	stream.indirect.gather [hbm4b:s2+s8], $0x10, s7, s8, $0xb8;
	[tilespmem:$0x14000] =	vst v63  }
0x343: {  	_ = 	snop  }
0x344: {  	[tilespmem:s12], [sflag:$0x2] =	stream.indirect.gather [hbm4b:s2+s8], $0x10, s11, s8, $0xb8;
	[tilespmem:$0x14000] =	vst v63  }
0x345: {  	_ = 	snop  }
0x346: {  	[tilespmem:s14], [sflag:$0x2] =	stream.indirect.gather [hbm4b:s2+s8], $0x10, s13, s8, $0xb8;
	[tilespmem:$0x14000] =	vst v63  }
.Ltmp10:
0x347: {  	_ = 	snop;
	(pc) =	sbr.rel .LBB2_6-.Ltmp10, $4  }
0x348: {  	s25 =	sadd.s32 $0x1, s25;
	s1 =	sadd.s32 $0x200, s1  }
0x349: {  	[tilespmem:s17], [sflag:$0x2] =	stream.indirect.gather [hbm4b:s2+s8], $0x10, s16, s8, $0xb8;
	[tilespmem:$0x14000] =	vst v63  }
0x34a: {  	s26 =	sadd.s32 $0x200, s26;
	s28 =	sadd.s32 $0x200, s28;
	s29 =	sadd.s32 $0x200, s29  }
0x34b: {  	[tilespmem:s19], [sflag:$0x2] =	stream.indirect.gather [hbm4b:s2+s8], $0x10, s18, s8, $0xb8;
	[tilespmem:$0x14000] =	vst v63  }
.LBB2_19:
0x34c: {  	_ =	sfence.sel $0x180000  }
0x34d: {  	[bflag:$0x0] =	sbarrier.arrive $0xFFFF  }
0x34e: {  	_ =	strace $0x90000047  }
0x34f: {  	s0 =	stileid.u32;
	[bflag:$0x2] =	sbarrier.arrive $0xFFFF  }
0x350: {  	p0 =	sne.s32 s0, $0x0;
	s0 =	rddreg [dreg:$0x3]  }
0x351: {  	s0 =	sadd.s32 @!p0 $0x100000, s0  }
0x352: {  	[sflag:s0] =	ssyncadd.tile.s32 @!p0 $0x1;
	_ =	shalt  }
.Lfunc_end2:
_tile_overlayer_lowered:
.L_overlay_start_2:
0x353: {  	(tag) =	ssettag $0x2  }
0x354: {  	s0 =	rddreg [dreg:$0x0];
	s2 =	stileid.u32  }
0x355: {  	s1 =	rddreg [dreg:$0x1];
	p0 =	sne.s32 s2, $0x0  }
0x356: {  	s3 =	rddreg [dreg:$0x2];
	[bflag:$0x3] =	sbarrier.arrive $0xFFFF;
	s2 =	simm.s32 @!p0 $0x1C05  }
0x357: {  	[timem:s3], [sflag:s2] =	dma.local @!p0 [hbm:s0], s1  }
0x358: {  	s0 =	simm.s32 @!p0 $0x5  }
0x359: {  	_ =	swait.ge @!p0 [sflag:s0], s1  }
0x35a: {  	s1 =	ssub.s32 @!p0 $0x0, s1;
	[sflag:s0] =	ssyncset.done @!p0 $0x0  }
0x35b: {  	[sflag:s0] =	ssyncadd.s32 @!p0 s1  }
0x35c: {  	[bflag:$0x3] =	sbarrier.arrive $0xFFFF  }
0x35d: {  	_ =	shalt  }

</sc_bundles>
